<compile_context>
chip_gen: v7x
topology: tpu7x:2x2x1
jax: 0.10.2.dev20260603
libtpu: 0.0.44.dev20260713+nightly
codegen_flags: <defaults>
</compile_context>

<pallas_src>
import dataclasses
import functools

import jax
import jax.numpy as jnp
from jax import lax
from jax.experimental import pallas as pl
from jax.experimental.pallas import tpu as pltpu
from jax.experimental.pallas import tpu_sc as plsc

_N = 10000
_E = 320000
_D = 128
_NC = 2
_NS = 16
_NW = _NC * _NS
_EPW = _E // _NW
_B = 80
_C = _EPW // _B
_RQ = 624
_RL = _N - (_NS - 1) * _RQ


_mesh = plsc.VectorSubcoreMesh(core_axis_name="c", subcore_axis_name="s")



_cp = pltpu.CompilerParams()
if "needs_layout_passes" in pltpu.CompilerParams.__dataclass_fields__:
    _cp = dataclasses.replace(_cp, needs_layout_passes=False)


_NBUF = 2


@functools.partial(
    pl.kernel,
    out_type=jax.ShapeDtypeStruct((_NW, 2, _N), jnp.float32),
    mesh=_mesh,
    compiler_params=_cp,
    scratch_types=[
        pltpu.VMEM((_EPW,), jnp.int32),
        pltpu.VMEM((_EPW,), jnp.float32),
        pltpu.VMEM((_N,), jnp.float32),
        pltpu.VMEM((_N,), jnp.float32),
    ],
)
def _sc_degrees(sd_hbm, w_hbm, out_hbm, sd_v, w_v, dego_v, degi_v):
    cid = lax.axis_index("c")
    sid = lax.axis_index("s")
    wid = sid * _NC + cid

    pltpu.sync_copy(sd_hbm.at[wid], sd_v)
    pltpu.sync_copy(w_hbm.at[wid], w_v)

    zero16 = jnp.zeros((16,), jnp.float32)

    @pl.loop(0, _N // 16)
    def _(i):
        dego_v[pl.ds(i * 16, 16)] = zero16
        degi_v[pl.ds(i * 16, 16)] = zero16

    @pl.loop(0, _EPW // 16)
    def _(i):
        p = sd_v[pl.ds(i * 16, 16)]
        s = p & jnp.int32(0xFFFF)
        d = lax.shift_right_logical(p, jnp.int32(16))
        wv = w_v[pl.ds(i * 16, 16)]
        plsc.addupdate_scatter(dego_v, [s], wv)
        plsc.addupdate_scatter(degi_v, [d], wv)

    pltpu.sync_copy(dego_v, out_hbm.at[wid, 0])
    pltpu.sync_copy(degi_v, out_hbm.at[wid, 1])


@functools.partial(
    pl.kernel,
    out_type=jax.ShapeDtypeStruct((_NC, _N, _D), jnp.float32),
    mesh=_mesh,
    compiler_params=_cp,
    scratch_types=[
        pltpu.VMEM((_EPW,), jnp.int32),
        pltpu.VMEM((_EPW,), jnp.float32),
        pltpu.VMEM((_NBUF, _B), jnp.int32),
        pltpu.VMEM((_NBUF, _B), jnp.int32),
        pltpu.VMEM((_NBUF, _B, _D), jnp.float32),
        pltpu.VMEM_SHARED((_N, _D), jnp.float32),
    ]
    + [pltpu.SemaphoreType.DMA] * (2 * _NBUF),
)
def _sc_edge_pass(g_hbm, sd_hbm, w_hbm, zero_hbm, out_hbm,
                  sd_v, w_v, srcr_v, dstr_v, rows_v, acc_s, *sems):
    cid = lax.axis_index("c")
    sid = lax.axis_index("s")
    wid = sid * _NC + cid
    gsem = sems[:_NBUF]
    ssem = sems[_NBUF:]

    row0 = sid * _RQ

    @pl.when(sid < _NS - 1)
    def _():
        pltpu.sync_copy(zero_hbm.at[pl.ds(row0, _RQ)],
                        acc_s.at[pl.ds(row0, _RQ)])

    @pl.when(sid == _NS - 1)
    def _():
        pltpu.sync_copy(zero_hbm.at[pl.ds(row0, _RL)],
                        acc_s.at[pl.ds(row0, _RL)])

    pltpu.sync_copy(sd_hbm.at[wid], sd_v)
    pltpu.sync_copy(w_hbm.at[wid], w_v)

    plsc.subcore_barrier()

    def unpack_src(j, b):
        for u in range(_B // 16):
            p = sd_v[pl.ds(j * _B + u * 16, 16)]
            srcr_v[b, pl.ds(u * 16, 16)] = p & jnp.int32(0xFFFF)

    def unpack_dst(j, b):
        for u in range(_B // 16):
            p = sd_v[pl.ds(j * _B + u * 16, 16)]
            dstr_v[b, pl.ds(u * 16, 16)] = lax.shift_right_logical(
                p, jnp.int32(16))

    def start_gather(j, b):
        pltpu.async_copy(g_hbm.at[srcr_v.at[b]], rows_v.at[b], gsem[b])

    def wait_gather(j, b):
        pltpu.make_async_copy(g_hbm.at[srcr_v.at[b]], rows_v.at[b],
                              gsem[b]).wait()

    def start_scatter(j, b):
        pltpu.async_copy(rows_v.at[b], acc_s.at[dstr_v.at[b]], ssem[b],
                         add=True)

    def wait_scatter(j, b):
        pltpu.make_async_copy(rows_v.at[b], acc_s.at[dstr_v.at[b]],
                              ssem[b]).wait()

    def mul(j, b):
        @pl.loop(0, _B)
        def _(i):
            wsp = plsc.load_gather(
                w_v, [jnp.full((16,), j * _B + i, jnp.int32)])
            for c in range(_D // 16):
                sl = pl.ds(c * 16, 16)
                rows_v[b, i, sl] = rows_v[b, i, sl] * wsp

    unpack_src(0, 0)
    start_gather(0, 0)

    @pl.loop(0, _C - 1, step=_NBUF)
    def _(j0):
        for b in range(_NBUF):
            j = j0 + b
            nb = 1 - b
            unpack_src(j + 1, nb)
            if b == 0:
                @pl.when(j0 > 0)
                def _():
                    wait_scatter(j - 1, nb)
            else:
                wait_scatter(j - 1, nb)
            start_gather(j + 1, nb)
            wait_gather(j, b)
            mul(j, b)
            unpack_dst(j, b)
            start_scatter(j, b)

    _jl = _C - 1
    _bl = _jl % _NBUF
    wait_gather(_jl, _bl)
    mul(_jl, _bl)
    unpack_dst(_jl, _bl)
    wait_scatter(_jl - 1, 1 - _bl)
    pltpu.sync_copy(rows_v.at[_bl], acc_s.at[dstr_v.at[_bl]], add=True)

    plsc.subcore_barrier()

    @pl.when(sid < _NS - 1)
    def _():
        pltpu.sync_copy(acc_s.at[pl.ds(row0, _RQ)],
                        out_hbm.at[cid, pl.ds(row0, _RQ)])

    @pl.when(sid == _NS - 1)
    def _():
        pltpu.sync_copy(acc_s.at[pl.ds(row0, _RL)],
                        out_hbm.at[cid, pl.ds(row0, _RL)])


def _mm_first_block(h_ref, w_ref, o_ref):
    o_ref[...] = jnp.dot(h_ref[...], w_ref[...],
                         preferred_element_type=jnp.float32)


def _mm_mid_block(p_ref, g_ref, a_ref, b_ref, bias_ref, w_ref, o_ref):
    t = b_ref[...] * (p_ref[0] + p_ref[1] + g_ref[...]) + bias_ref[...]
    o_ref[...] = a_ref[...] * jnp.dot(t, w_ref[...],
                                      preferred_element_type=jnp.float32)


def _final_block(p_ref, g_ref, b_ref, bias_ref, o_ref):
    o_ref[...] = (b_ref[...] * (p_ref[0] + p_ref[1] + g_ref[...])
                  + bias_ref[...])


_f32 = jnp.float32
_out_nd = jax.ShapeDtypeStruct((_N, _D), _f32)


def kernel(inputs, edge_index, edge_weight, Ws, bs):
    src = edge_index[0]
    dst = edge_index[1]
    w = jnp.where(src == dst, jnp.zeros_like(edge_weight), edge_weight)
    bias = bs[:, None, :]

    sd3 = (src | (dst << 16)).reshape(_NW, _EPW)
    w3 = w.reshape(_NW, _EPW)
    zeros = jnp.zeros((_N, _D), _f32)

    deg = _sc_degrees(sd3, w3).sum(axis=0)
    a = lax.rsqrt(deg[0] + 1.0)[:, None]
    b = lax.rsqrt(deg[1] + 1.0)[:, None]

    g = a * pl.pallas_call(_mm_first_block, out_shape=_out_nd)(inputs, Ws[0])
    for l in range(3):
        parts = _sc_edge_pass(g, sd3, w3, zeros)
        if l < 2:
            g = pl.pallas_call(_mm_mid_block, out_shape=_out_nd)(
                parts, g, a, b, bias[l], Ws[l + 1])
        else:
            h = pl.pallas_call(_final_block, out_shape=_out_nd)(
                parts, g, b, bias[l])
    return h

# --- scband reference (transcript-rebuilt; emitter-appended) ---
"""Pipeline reference for scband-graph-conv-net-71846212927897 (READ-ONLY COPY).

The authoritative reference and input builder live on the scoring server;
editing this copy changes nothing except your own understanding.
"""

import jax, jax.numpy as jnp
import numpy as np

N = 10000
E = 320000
D = 128
L = 3


def setup_inputs(seed: int = 0) -> dict:
    key = jax.random.key(seed)
    k1, k2, k3, k4, k5 = jax.random.split(key, 5)
    inputs = jax.random.normal(k1, (N, D), dtype=jnp.float32)
    edge_index = jax.random.randint(k2, (2, E), 0, N, dtype=jnp.int32)
    edge_weight = jax.random.uniform(k3, (E,), dtype=jnp.float32)
    # GraphConv parameters: one weight matrix and bias per layer (h_dim -> h_dim)
    Ws = jax.random.normal(k4, (L, D, D), dtype=jnp.float32) * (1.0 / np.sqrt(D))
    bs = jax.random.normal(k5, (L, D), dtype=jnp.float32) * 0.01
    return {"inputs": inputs, "edge_index": edge_index, "edge_weight": edge_weight, "Ws": Ws, "bs": bs}


def reference(inputs, edge_index, edge_weight, Ws, bs):
    src = edge_index[0]
    dst = edge_index[1]
    # dgl.remove_self_loop: zero out self-loop edge weights (equivalent to removal
    # since all reductions are weighted sums)
    w = jnp.where(src == dst, jnp.zeros_like(edge_weight), edge_weight)
    # dgl.add_self_loop with default fill_data=1.0 for edata 'w'
    loop = jnp.arange(N, dtype=src.dtype)
    src_all = jnp.concatenate([src, loop])
    dst_all = jnp.concatenate([dst, loop])
    w_all = jnp.concatenate([w, jnp.ones((N,), dtype=w.dtype)])
    # EdgeWeightNorm(norm='both'): c_uv = w_uv / sqrt(out_deg_w(u) * in_deg_w(v))
    deg_out = jax.ops.segment_sum(w_all, src_all, num_segments=N)
    deg_in = jax.ops.segment_sum(w_all, dst_all, num_segments=N)
    norm_w = w_all / jnp.sqrt(deg_out[src_all] * deg_in[dst_all])
    # Stacked GraphConv layers, norm='none', weight=True, bias=True, no activation
    h = inputs
    for l in range(L):
        hw = h @ Ws[l]
        msg = hw[src_all] * norm_w[:, None]
        h = jax.ops.segment_sum(msg, dst_all, num_segments=N) + bs[l]
    return h

if __name__ == "__main__":
    import jax
    _d = setup_inputs()
    print(jax.jit(kernel)(*tuple(_d.values())))

</pallas_src>

<mosaic_0001>
#map = affine_map<(d0, d1) -> (0, 0)>
#map1 = affine_map<(d0, d1) -> (0, 0, 0)>
module attributes {stable_mosaic.version = 14 : i64} {
  func.func @_sc_edge_pass(%arg0: i32, %arg1: i32, %arg2: memref<10000x128xf32, #tpu.memory_space<hbm>>, %arg3: memref<32x10000xi32, #tpu.memory_space<hbm>>, %arg4: memref<32x10000xf32, #tpu.memory_space<hbm>>, %arg5: memref<10000x128xf32, #tpu.memory_space<hbm>>, %arg6: memref<2x10000x128xf32, #tpu.memory_space<hbm>>, %arg7: memref<10000xi32, #tpu.memory_space<vmem>>, %arg8: memref<10000xf32, #tpu.memory_space<vmem>>, %arg9: memref<2x80xi32, #tpu.memory_space<vmem>>, %arg10: memref<2x80xi32, #tpu.memory_space<vmem>>, %arg11: memref<2x80x128xf32, #tpu.memory_space<vmem>>, %arg12: memref<10000x128xf32, #tpu.memory_space<vmem_shared>>, %arg13: memref<!tpu.dma_semaphore, #tpu.memory_space<semaphore_mem>>, %arg14: memref<!tpu.dma_semaphore, #tpu.memory_space<semaphore_mem>>, %arg15: memref<!tpu.dma_semaphore, #tpu.memory_space<semaphore_mem>>, %arg16: memref<!tpu.dma_semaphore, #tpu.memory_space<semaphore_mem>>) attributes {dimension_semantics = [#tpu.dimension_semantics<core_parallel>, #tpu.dimension_semantics<subcore_parallel>], iteration_bounds = array<i64: 2, 16>, scalar_prefetch = 0 : i64, scratch_operands = 10 : i64, tpu.core_type = #tpu.core_type<sc_vector_subcore>, window_params = [{transform_indices = #map}, {transform_indices = #map}, {transform_indices = #map}, {transform_indices = #map}, {transform_indices = #map1}]} {
    %mul3A = arith.constant 2 : i32
    %mul3A_0 = arith.muli %arg1, %mul3A : i32
    %add3A = arith.addi %mul3A_0, %arg0 : i32
    %mul3A_1 = arith.constant 624 : i32
    %mul3A_2 = arith.muli %arg1, %mul3A_1 : i32
    %lt3A = arith.constant 15 : i32
    %lt3A_3 = arith.cmpi slt, %arg1, %lt3A : i32
    %convert_element_type3A = arith.extui %lt3A_3 : i1 to i32
    %cond3A = arith.constant 0 : i32
    %cond3A_4 = arith.cmpi ne, %convert_element_type3A, %cond3A : i32
    scf.if %cond3A_4 {
      "tpu.region"() ({
        %run_scoped3A_150 = tpu.sem_alloc : memref<!tpu.dma_semaphore, #tpu.memory_space<semaphore_mem>>
        %dma_start3A_151 = arith.constant 0 : i32
        %dma_start3A_152 = tpu.memref_slice %arg12[%mul3A_2, %dma_start3A_151] : memref<10000x128xf32, #tpu.memory_space<vmem_shared>> -> memref<624x128xf32, #tpu.memory_space<vmem_shared>>
        %dma_start3A_153 = arith.constant 0 : i32
        %dma_start3A_154 = tpu.memref_slice %arg5[%mul3A_2, %dma_start3A_153] : memref<10000x128xf32, #tpu.memory_space<hbm>> -> memref<624x128xf32, #tpu.memory_space<hbm>>
        tpu.enqueue_dma source(%dma_start3A_154 : memref<624x128xf32, #tpu.memory_space<hbm>>) target(%dma_start3A_152 : memref<624x128xf32, #tpu.memory_space<vmem_shared>>) target_semaphore(%run_scoped3A_150 : memref<!tpu.dma_semaphore, #tpu.memory_space<semaphore_mem>>)
        %dma_wait3A_155 = arith.constant 0 : i32
        %dma_wait3A_156 = tpu.memref_slice %arg12[%mul3A_2, %dma_wait3A_155] : memref<10000x128xf32, #tpu.memory_space<vmem_shared>> -> memref<624x128xf32, #tpu.memory_space<vmem_shared>>
        %dma_wait3A_157 = arith.constant 0 : i32
        %dma_wait3A_158 = tpu.memref_slice %arg5[%mul3A_2, %dma_wait3A_157] : memref<10000x128xf32, #tpu.memory_space<hbm>> -> memref<624x128xf32, #tpu.memory_space<hbm>>
        tpu.wait_dma2 semaphore(%run_scoped3A_150 : memref<!tpu.dma_semaphore, #tpu.memory_space<semaphore_mem>>) src(%dma_wait3A_158 : memref<624x128xf32, #tpu.memory_space<hbm>>) dst(%dma_wait3A_156 : memref<624x128xf32, #tpu.memory_space<vmem_shared>>)
        tpu.yield
      }) : () -> ()
    } else {
    }
    %eq3A = arith.constant 15 : i32
    %eq3A_5 = arith.cmpi eq, %arg1, %eq3A : i32
    %convert_element_type3A_6 = arith.extui %eq3A_5 : i1 to i32
    %cond3A_7 = arith.constant 0 : i32
    %cond3A_8 = arith.cmpi ne, %convert_element_type3A_6, %cond3A_7 : i32
    scf.if %cond3A_8 {
      "tpu.region"() ({
        %run_scoped3A_150 = tpu.sem_alloc : memref<!tpu.dma_semaphore, #tpu.memory_space<semaphore_mem>>
        %dma_start3A_151 = arith.constant 0 : i32
        %dma_start3A_152 = tpu.memref_slice %arg12[%mul3A_2, %dma_start3A_151] : memref<10000x128xf32, #tpu.memory_space<vmem_shared>> -> memref<640x128xf32, #tpu.memory_space<vmem_shared>>
        %dma_start3A_153 = arith.constant 0 : i32
        %dma_start3A_154 = tpu.memref_slice %arg5[%mul3A_2, %dma_start3A_153] : memref<10000x128xf32, #tpu.memory_space<hbm>> -> memref<640x128xf32, #tpu.memory_space<hbm>>
        tpu.enqueue_dma source(%dma_start3A_154 : memref<640x128xf32, #tpu.memory_space<hbm>>) target(%dma_start3A_152 : memref<640x128xf32, #tpu.memory_space<vmem_shared>>) target_semaphore(%run_scoped3A_150 : memref<!tpu.dma_semaphore, #tpu.memory_space<semaphore_mem>>)
        %dma_wait3A_155 = arith.constant 0 : i32
        %dma_wait3A_156 = tpu.memref_slice %arg12[%mul3A_2, %dma_wait3A_155] : memref<10000x128xf32, #tpu.memory_space<vmem_shared>> -> memref<640x128xf32, #tpu.memory_space<vmem_shared>>
        %dma_wait3A_157 = arith.constant 0 : i32
        %dma_wait3A_158 = tpu.memref_slice %arg5[%mul3A_2, %dma_wait3A_157] : memref<10000x128xf32, #tpu.memory_space<hbm>> -> memref<640x128xf32, #tpu.memory_space<hbm>>
        tpu.wait_dma2 semaphore(%run_scoped3A_150 : memref<!tpu.dma_semaphore, #tpu.memory_space<semaphore_mem>>) src(%dma_wait3A_158 : memref<640x128xf32, #tpu.memory_space<hbm>>) dst(%dma_wait3A_156 : memref<640x128xf32, #tpu.memory_space<vmem_shared>>)
        tpu.yield
      }) : () -> ()
    } else {
    }
    "tpu.region"() ({
      %run_scoped3A_150 = tpu.sem_alloc : memref<!tpu.dma_semaphore, #tpu.memory_space<semaphore_mem>>
      %dma_start3A_151 = arith.constant 0 : i32
      %dma_start3A_152 = tpu.memref_slice %arg3[%add3A, %dma_start3A_151] : memref<32x10000xi32, #tpu.memory_space<hbm>> -> memref<1x10000xi32, #tpu.memory_space<hbm>>
      %dma_start3A_153 = tpu.memref_squeeze %dma_start3A_152 : memref<1x10000xi32, #tpu.memory_space<hbm>> -> memref<10000xi32, #tpu.memory_space<hbm>>
      %dma_start3A_154 = arith.constant 0 : i32
      %dma_start3A_155 = tpu.memref_slice %arg3[%add3A, %dma_start3A_154] : memref<32x10000xi32, #tpu.memory_space<hbm>> -> memref<1x10000xi32, #tpu.memory_space<hbm>>
      %dma_start3A_156 = tpu.memref_squeeze %dma_start3A_155 : memref<1x10000xi32, #tpu.memory_space<hbm>> -> memref<10000xi32, #tpu.memory_space<hbm>>
      tpu.enqueue_dma source(%dma_start3A_156 : memref<10000xi32, #tpu.memory_space<hbm>>) target(%arg7 : memref<10000xi32, #tpu.memory_space<vmem>>) target_semaphore(%run_scoped3A_150 : memref<!tpu.dma_semaphore, #tpu.memory_space<semaphore_mem>>)
      %dma_wait3A_157 = arith.constant 0 : i32
      %dma_wait3A_158 = tpu.memref_slice %arg3[%add3A, %dma_wait3A_157] : memref<32x10000xi32, #tpu.memory_space<hbm>> -> memref<1x10000xi32, #tpu.memory_space<hbm>>
      %dma_wait3A_159 = tpu.memref_squeeze %dma_wait3A_158 : memref<1x10000xi32, #tpu.memory_space<hbm>> -> memref<10000xi32, #tpu.memory_space<hbm>>
      %dma_wait3A_160 = arith.constant 0 : i32
      %dma_wait3A_161 = tpu.memref_slice %arg3[%add3A, %dma_wait3A_160] : memref<32x10000xi32, #tpu.memory_space<hbm>> -> memref<1x10000xi32, #tpu.memory_space<hbm>>
      %dma_wait3A_162 = tpu.memref_squeeze %dma_wait3A_161 : memref<1x10000xi32, #tpu.memory_space<hbm>> -> memref<10000xi32, #tpu.memory_space<hbm>>
      tpu.wait_dma2 semaphore(%run_scoped3A_150 : memref<!tpu.dma_semaphore, #tpu.memory_space<semaphore_mem>>) src(%dma_wait3A_162 : memref<10000xi32, #tpu.memory_space<hbm>>) dst(%arg7 : memref<10000xi32, #tpu.memory_space<vmem>>)
      tpu.yield
    }) : () -> ()
    "tpu.region"() ({
      %run_scoped3A_150 = tpu.sem_alloc : memref<!tpu.dma_semaphore, #tpu.memory_space<semaphore_mem>>
      %dma_start3A_151 = arith.constant 0 : i32
      %dma_start3A_152 = tpu.memref_slice %arg4[%add3A, %dma_start3A_151] : memref<32x10000xf32, #tpu.memory_space<hbm>> -> memref<1x10000xf32, #tpu.memory_space<hbm>>
      %dma_start3A_153 = tpu.memref_squeeze %dma_start3A_152 : memref<1x10000xf32, #tpu.memory_space<hbm>> -> memref<10000xf32, #tpu.memory_space<hbm>>
      %dma_start3A_154 = arith.constant 0 : i32
      %dma_start3A_155 = tpu.memref_slice %arg4[%add3A, %dma_start3A_154] : memref<32x10000xf32, #tpu.memory_space<hbm>> -> memref<1x10000xf32, #tpu.memory_space<hbm>>
      %dma_start3A_156 = tpu.memref_squeeze %dma_start3A_155 : memref<1x10000xf32, #tpu.memory_space<hbm>> -> memref<10000xf32, #tpu.memory_space<hbm>>
      tpu.enqueue_dma source(%dma_start3A_156 : memref<10000xf32, #tpu.memory_space<hbm>>) target(%arg8 : memref<10000xf32, #tpu.memory_space<vmem>>) target_semaphore(%run_scoped3A_150 : memref<!tpu.dma_semaphore, #tpu.memory_space<semaphore_mem>>)
      %dma_wait3A_157 = arith.constant 0 : i32
      %dma_wait3A_158 = tpu.memref_slice %arg4[%add3A, %dma_wait3A_157] : memref<32x10000xf32, #tpu.memory_space<hbm>> -> memref<1x10000xf32, #tpu.memory_space<hbm>>
      %dma_wait3A_159 = tpu.memref_squeeze %dma_wait3A_158 : memref<1x10000xf32, #tpu.memory_space<hbm>> -> memref<10000xf32, #tpu.memory_space<hbm>>
      %dma_wait3A_160 = arith.constant 0 : i32
      %dma_wait3A_161 = tpu.memref_slice %arg4[%add3A, %dma_wait3A_160] : memref<32x10000xf32, #tpu.memory_space<hbm>> -> memref<1x10000xf32, #tpu.memory_space<hbm>>
      %dma_wait3A_162 = tpu.memref_squeeze %dma_wait3A_161 : memref<1x10000xf32, #tpu.memory_space<hbm>> -> memref<10000xf32, #tpu.memory_space<hbm>>
      tpu.wait_dma2 semaphore(%run_scoped3A_150 : memref<!tpu.dma_semaphore, #tpu.memory_space<semaphore_mem>>) src(%dma_wait3A_162 : memref<10000xf32, #tpu.memory_space<hbm>>) dst(%arg8 : memref<10000xf32, #tpu.memory_space<vmem>>)
      tpu.yield
    }) : () -> ()
    %barrier3A = arith.constant 0 : index
    tpu.barrier barrier_id(%barrier3A)
    %get3A = arith.constant 0 : index
    %get3A_9 = tpu.vector_load %arg7[%get3A] {strides = array<i32>} : memref<10000xi32, #tpu.memory_space<vmem>>, vector<16xi32>,
    %and3A = arith.constant 65535 : i32
    %and3A_10 = vector.broadcast %and3A : i32 to vector<16xi32>
    %and3A_11 = arith.andi %get3A_9, %and3A_10 : vector<16xi32>
    %swap3A = arith.constant 0 : i32
    %swap3A_12 = arith.index_cast %swap3A : i32 to index
    %swap3A_13 = arith.constant 0 : index
    %swap3A_14 = tpu.vector_load %arg9[%swap3A_12, %swap3A_13] {strides = array<i32>} : memref<2x80xi32, #tpu.memory_space<vmem>>, vector<16xi32>,
    tpu.vector_store %arg9[%swap3A_12, %swap3A_13], %and3A_11 {strides = array<i32>} : memref<2x80xi32, #tpu.memory_space<vmem>>, vector<16xi32>,
    %get3A_15 = arith.constant 16 : index
    %get3A_16 = tpu.vector_load %arg7[%get3A_15] {strides = array<i32>} : memref<10000xi32, #tpu.memory_space<vmem>>, vector<16xi32>,
    %and3A_17 = arith.constant 65535 : i32
    %and3A_18 = vector.broadcast %and3A_17 : i32 to vector<16xi32>
    %and3A_19 = arith.andi %get3A_16, %and3A_18 : vector<16xi32>
    %swap3A_20 = arith.constant 0 : i32
    %swap3A_21 = arith.index_cast %swap3A_20 : i32 to index
    %swap3A_22 = arith.constant 16 : index
    %swap3A_23 = tpu.vector_load %arg9[%swap3A_21, %swap3A_22] {strides = array<i32>} : memref<2x80xi32, #tpu.memory_space<vmem>>, vector<16xi32>,
    tpu.vector_store %arg9[%swap3A_21, %swap3A_22], %and3A_19 {strides = array<i32>} : memref<2x80xi32, #tpu.memory_space<vmem>>, vector<16xi32>,
    %get3A_24 = arith.constant 32 : index
    %get3A_25 = tpu.vector_load %arg7[%get3A_24] {strides = array<i32>} : memref<10000xi32, #tpu.memory_space<vmem>>, vector<16xi32>,
    %and3A_26 = arith.constant 65535 : i32
    %and3A_27 = vector.broadcast %and3A_26 : i32 to vector<16xi32>
    %and3A_28 = arith.andi %get3A_25, %and3A_27 : vector<16xi32>
    %swap3A_29 = arith.constant 0 : i32
    %swap3A_30 = arith.index_cast %swap3A_29 : i32 to index
    %swap3A_31 = arith.constant 32 : index
    %swap3A_32 = tpu.vector_load %arg9[%swap3A_30, %swap3A_31] {strides = array<i32>} : memref<2x80xi32, #tpu.memory_space<vmem>>, vector<16xi32>,
    tpu.vector_store %arg9[%swap3A_30, %swap3A_31], %and3A_28 {strides = array<i32>} : memref<2x80xi32, #tpu.memory_space<vmem>>, vector<16xi32>,
    %get3A_33 = arith.constant 48 : index
    %get3A_34 = tpu.vector_load %arg7[%get3A_33] {strides = array<i32>} : memref<10000xi32, #tpu.memory_space<vmem>>, vector<16xi32>,
    %and3A_35 = arith.constant 65535 : i32
    %and3A_36 = vector.broadcast %and3A_35 : i32 to vector<16xi32>
    %and3A_37 = arith.andi %get3A_34, %and3A_36 : vector<16xi32>
    %swap3A_38 = arith.constant 0 : i32
    %swap3A_39 = arith.index_cast %swap3A_38 : i32 to index
    %swap3A_40 = arith.constant 48 : index
    %swap3A_41 = tpu.vector_load %arg9[%swap3A_39, %swap3A_40] {strides = array<i32>} : memref<2x80xi32, #tpu.memory_space<vmem>>, vector<16xi32>,
    tpu.vector_store %arg9[%swap3A_39, %swap3A_40], %and3A_37 {strides = array<i32>} : memref<2x80xi32, #tpu.memory_space<vmem>>, vector<16xi32>,
    %get3A_42 = arith.constant 64 : index
    %get3A_43 = tpu.vector_load %arg7[%get3A_42] {strides = array<i32>} : memref<10000xi32, #tpu.memory_space<vmem>>, vector<16xi32>,
    %and3A_44 = arith.constant 65535 : i32
    %and3A_45 = vector.broadcast %and3A_44 : i32 to vector<16xi32>
    %and3A_46 = arith.andi %get3A_43, %and3A_45 : vector<16xi32>
    %swap3A_47 = arith.constant 0 : i32
    %swap3A_48 = arith.index_cast %swap3A_47 : i32 to index
    %swap3A_49 = arith.constant 64 : index
    %swap3A_50 = tpu.vector_load %arg9[%swap3A_48, %swap3A_49] {strides = array<i32>} : memref<2x80xi32, #tpu.memory_space<vmem>>, vector<16xi32>,
    tpu.vector_store %arg9[%swap3A_48, %swap3A_49], %and3A_46 {strides = array<i32>} : memref<2x80xi32, #tpu.memory_space<vmem>>, vector<16xi32>,
    %dma_start3A = arith.constant 0 : i32
    %dma_start3A_51 = arith.constant 0 : i32
    %dma_start3A_52 = arith.constant 0 : i32
    %dma_start3A_53 = arith.constant 0 : i32
    %dma_start3A_54 = tpu.memref_slice %arg11[%dma_start3A_51, %dma_start3A_52, %dma_start3A_53] : memref<2x80x128xf32, #tpu.memory_space<vmem>> -> memref<1x80x128xf32, #tpu.memory_space<vmem>>
    %dma_start3A_55 = tpu.memref_squeeze %dma_start3A_54 : memref<1x80x128xf32, #tpu.memory_space<vmem>> -> memref<80x128xf32, #tpu.memory_space<vmem>>
    %dma_start3A_56 = arith.constant 0 : i32
    %dma_start3A_57 = tpu.memref_slice %arg9[%dma_start3A, %dma_start3A_56] : memref<2x80xi32, #tpu.memory_space<vmem>> -> memref<1x80xi32, #tpu.memory_space<vmem>>
    %dma_start3A_58 = tpu.memref_squeeze %dma_start3A_57 : memref<1x80xi32, #tpu.memory_space<vmem>> -> memref<80xi32, #tpu.memory_space<vmem>>
    %dma_start3A_59 = arith.constant 0 : i32
    %dma_start3A_60 = arith.constant 0 : i32
    %dma_start3A_61 = tpu.memref_slice %arg2[%dma_start3A_59, %dma_start3A_60] : memref<10000x128xf32, #tpu.memory_space<hbm>> -> memref<10000x128xf32, #tpu.memory_space<hbm>>
    tpu.enqueue_indirect_dma source(%dma_start3A_61 : memref<10000x128xf32, #tpu.memory_space<hbm>>) target(%dma_start3A_55 : memref<80x128xf32, #tpu.memory_space<vmem>>) offsets(%dma_start3A_58 : memref<80xi32, #tpu.memory_space<vmem>>) semaphore(%arg13 : memref<!tpu.dma_semaphore, #tpu.memory_space<semaphore_mem>>)
    %scan3A = arith.constant 0 : i32
    %scan3A_62 = arith.constant 62 : i32
    %scan3A_63 = arith.addi %scan3A, %scan3A_62 : i32
    %scan3A_64 = arith.constant 1 : i32
    scf.for %scan3A_150 = %scan3A to %scan3A_63 step %scan3A_64  : i32 {
      %mul3A_151 = arith.constant 2 : i32
      %mul3A_152 = arith.muli %scan3A_150, %mul3A_151 : i32
      %add3A_153 = arith.constant 0 : i32
      %add3A_154 = arith.addi %add3A_153, %mul3A_152 : i32
      %add3A_155 = arith.constant 0 : i32
      %add3A_156 = arith.addi %add3A_154, %add3A_155 : i32
      %add3A_157 = arith.constant 1 : i32
      %add3A_158 = arith.addi %add3A_156, %add3A_157 : i32
      %mul3A_159 = arith.constant 80 : i32
      %mul3A_160 = arith.muli %add3A_158, %mul3A_159 : i32
      %add3A_161 = arith.constant 0 : i32
      %add3A_162 = arith.addi %mul3A_160, %add3A_161 : i32
      %get3A_163 = arith.index_cast %add3A_162 : i32 to index
      %get3A_164 = tpu.vector_load %arg7[%get3A_163] {strides = array<i32>} : memref<10000xi32, #tpu.memory_space<vmem>>, vector<16xi32>,
      %and3A_165 = arith.constant 65535 : i32
      %and3A_166 = vector.broadcast %and3A_165 : i32 to vector<16xi32>
      %and3A_167 = arith.andi %get3A_164, %and3A_166 : vector<16xi32>
      %swap3A_168 = arith.constant 1 : i32
      %swap3A_169 = arith.index_cast %swap3A_168 : i32 to index
      %swap3A_170 = arith.constant 0 : index
      %swap3A_171 = tpu.vector_load %arg9[%swap3A_169, %swap3A_170] {strides = array<i32>} : memref<2x80xi32, #tpu.memory_space<vmem>>, vector<16xi32>,
      tpu.vector_store %arg9[%swap3A_169, %swap3A_170], %and3A_167 {strides = array<i32>} : memref<2x80xi32, #tpu.memory_space<vmem>>, vector<16xi32>,
      %mul3A_172 = arith.constant 80 : i32
      %mul3A_173 = arith.muli %add3A_158, %mul3A_172 : i32
      %add3A_174 = arith.constant 16 : i32
      %add3A_175 = arith.addi %mul3A_173, %add3A_174 : i32
      %get3A_176 = arith.index_cast %add3A_175 : i32 to index
      %get3A_177 = tpu.vector_load %arg7[%get3A_176] {strides = array<i32>} : memref<10000xi32, #tpu.memory_space<vmem>>, vector<16xi32>,
      %and3A_178 = arith.constant 65535 : i32
      %and3A_179 = vector.broadcast %and3A_178 : i32 to vector<16xi32>
      %and3A_180 = arith.andi %get3A_177, %and3A_179 : vector<16xi32>
      %swap3A_181 = arith.constant 1 : i32
      %swap3A_182 = arith.index_cast %swap3A_181 : i32 to index
      %swap3A_183 = arith.constant 16 : index
      %swap3A_184 = tpu.vector_load %arg9[%swap3A_182, %swap3A_183] {strides = array<i32>} : memref<2x80xi32, #tpu.memory_space<vmem>>, vector<16xi32>,
      tpu.vector_store %arg9[%swap3A_182, %swap3A_183], %and3A_180 {strides = array<i32>} : memref<2x80xi32, #tpu.memory_space<vmem>>, vector<16xi32>,
      %mul3A_185 = arith.constant 80 : i32
      %mul3A_186 = arith.muli %add3A_158, %mul3A_185 : i32
      %add3A_187 = arith.constant 32 : i32
      %add3A_188 = arith.addi %mul3A_186, %add3A_187 : i32
      %get3A_189 = arith.index_cast %add3A_188 : i32 to index
      %get3A_190 = tpu.vector_load %arg7[%get3A_189] {strides = array<i32>} : memref<10000xi32, #tpu.memory_space<vmem>>, vector<16xi32>,
      %and3A_191 = arith.constant 65535 : i32
      %and3A_192 = vector.broadcast %and3A_191 : i32 to vector<16xi32>
      %and3A_193 = arith.andi %get3A_190, %and3A_192 : vector<16xi32>
      %swap3A_194 = arith.constant 1 : i32
      %swap3A_195 = arith.index_cast %swap3A_194 : i32 to index
      %swap3A_196 = arith.constant 32 : index
      %swap3A_197 = tpu.vector_load %arg9[%swap3A_195, %swap3A_196] {strides = array<i32>} : memref<2x80xi32, #tpu.memory_space<vmem>>, vector<16xi32>,
      tpu.vector_store %arg9[%swap3A_195, %swap3A_196], %and3A_193 {strides = array<i32>} : memref<2x80xi32, #tpu.memory_space<vmem>>, vector<16xi32>,
      %mul3A_198 = arith.constant 80 : i32
      %mul3A_199 = arith.muli %add3A_158, %mul3A_198 : i32
      %add3A_200 = arith.constant 48 : i32
      %add3A_201 = arith.addi %mul3A_199, %add3A_200 : i32
      %get3A_202 = arith.index_cast %add3A_201 : i32 to index
      %get3A_203 = tpu.vector_load %arg7[%get3A_202] {strides = array<i32>} : memref<10000xi32, #tpu.memory_space<vmem>>, vector<16xi32>,
      %and3A_204 = arith.constant 65535 : i32
      %and3A_205 = vector.broadcast %and3A_204 : i32 to vector<16xi32>
      %and3A_206 = arith.andi %get3A_203, %and3A_205 : vector<16xi32>
      %swap3A_207 = arith.constant 1 : i32
      %swap3A_208 = arith.index_cast %swap3A_207 : i32 to index
      %swap3A_209 = arith.constant 48 : index
      %swap3A_210 = tpu.vector_load %arg9[%swap3A_208, %swap3A_209] {strides = array<i32>} : memref<2x80xi32, #tpu.memory_space<vmem>>, vector<16xi32>,
      tpu.vector_store %arg9[%swap3A_208, %swap3A_209], %and3A_206 {strides = array<i32>} : memref<2x80xi32, #tpu.memory_space<vmem>>, vector<16xi32>,
      %mul3A_211 = arith.constant 80 : i32
      %mul3A_212 = arith.muli %add3A_158, %mul3A_211 : i32
      %add3A_213 = arith.constant 64 : i32
      %add3A_214 = arith.addi %mul3A_212, %add3A_213 : i32
      %get3A_215 = arith.index_cast %add3A_214 : i32 to index
      %get3A_216 = tpu.vector_load %arg7[%get3A_215] {strides = array<i32>} : memref<10000xi32, #tpu.memory_space<vmem>>, vector<16xi32>,
      %and3A_217 = arith.constant 65535 : i32
      %and3A_218 = vector.broadcast %and3A_217 : i32 to vector<16xi32>
      %and3A_219 = arith.andi %get3A_216, %and3A_218 : vector<16xi32>
      %swap3A_220 = arith.constant 1 : i32
      %swap3A_221 = arith.index_cast %swap3A_220 : i32 to index
      %swap3A_222 = arith.constant 64 : index
      %swap3A_223 = tpu.vector_load %arg9[%swap3A_221, %swap3A_222] {strides = array<i32>} : memref<2x80xi32, #tpu.memory_space<vmem>>, vector<16xi32>,
      tpu.vector_store %arg9[%swap3A_221, %swap3A_222], %and3A_219 {strides = array<i32>} : memref<2x80xi32, #tpu.memory_space<vmem>>, vector<16xi32>,
      %gt3A = arith.constant 0 : i32
      %gt3A_224 = arith.cmpi sgt, %add3A_154, %gt3A : i32
      %convert_element_type3A_225 = arith.extui %gt3A_224 : i1 to i32
      %cond3A_226 = arith.constant 0 : i32
      %cond3A_227 = arith.cmpi ne, %convert_element_type3A_225, %cond3A_226 : i32
      scf.if %cond3A_227 {
        %sub3A_526 = arith.constant 1 : i32
        %sub3A_527 = arith.subi %add3A_156, %sub3A_526 : i32
        %dma_wait3A_528 = arith.constant 1 : i32
        %dma_wait3A_529 = arith.constant 1 : i32
        %dma_wait3A_530 = arith.constant 0 : i32
        %dma_wait3A_531 = arith.constant 0 : i32
        %dma_wait3A_532 = tpu.memref_slice %arg11[%dma_wait3A_528, %dma_wait3A_530, %dma_wait3A_531] : memref<2x80x128xf32, #tpu.memory_space<vmem>> -> memref<1x80x128xf32, #tpu.memory_space<vmem>>
        %dma_wait3A_533 = tpu.memref_squeeze %dma_wait3A_532 : memref<1x80x128xf32, #tpu.memory_space<vmem>> -> memref<80x128xf32, #tpu.memory_space<vmem>>
        %dma_wait3A_534 = arith.constant 0 : i32
        %dma_wait3A_535 = tpu.memref_slice %arg10[%dma_wait3A_529, %dma_wait3A_534] : memref<2x80xi32, #tpu.memory_space<vmem>> -> memref<1x80xi32, #tpu.memory_space<vmem>>
        %dma_wait3A_536 = tpu.memref_squeeze %dma_wait3A_535 : memref<1x80xi32, #tpu.memory_space<vmem>> -> memref<80xi32, #tpu.memory_space<vmem>>
        %dma_wait3A_537 = arith.constant 0 : i32
        %dma_wait3A_538 = arith.constant 0 : i32
        %dma_wait3A_539 = tpu.memref_slice %arg12[%dma_wait3A_537, %dma_wait3A_538] : memref<10000x128xf32, #tpu.memory_space<vmem_shared>> -> memref<10000x128xf32, #tpu.memory_space<vmem_shared>>
        tpu.wait_indirect_dma semaphore(%arg16 : memref<!tpu.dma_semaphore, #tpu.memory_space<semaphore_mem>>) src(%dma_wait3A_533 : memref<80x128xf32, #tpu.memory_space<vmem>>) dst(%dma_wait3A_539 : memref<10000x128xf32, #tpu.memory_space<vmem_shared>>)
      } else {
      }
      %add3A_228 = arith.constant 1 : i32
      %add3A_229 = arith.addi %add3A_156, %add3A_228 : i32
      %dma_start3A_230 = arith.constant 1 : i32
      %dma_start3A_231 = arith.constant 1 : i32
      %dma_start3A_232 = arith.constant 0 : i32
      %dma_start3A_233 = arith.constant 0 : i32
      %dma_start3A_234 = tpu.memref_slice %arg11[%dma_start3A_231, %dma_start3A_232, %dma_start3A_233] : memref<2x80x128xf32, #tpu.memory_space<vmem>> -> memref<1x80x128xf32, #tpu.memory_space<vmem>>
      %dma_start3A_235 = tpu.memref_squeeze %dma_start3A_234 : memref<1x80x128xf32, #tpu.memory_space<vmem>> -> memref<80x128xf32, #tpu.memory_space<vmem>>
      %dma_start3A_236 = arith.constant 0 : i32
      %dma_start3A_237 = tpu.memref_slice %arg9[%dma_start3A_230, %dma_start3A_236] : memref<2x80xi32, #tpu.memory_space<vmem>> -> memref<1x80xi32, #tpu.memory_space<vmem>>
      %dma_start3A_238 = tpu.memref_squeeze %dma_start3A_237 : memref<1x80xi32, #tpu.memory_space<vmem>> -> memref<80xi32, #tpu.memory_space<vmem>>
      %dma_start3A_239 = arith.constant 0 : i32
      %dma_start3A_240 = arith.constant 0 : i32
      %dma_start3A_241 = tpu.memref_slice %arg2[%dma_start3A_239, %dma_start3A_240] : memref<10000x128xf32, #tpu.memory_space<hbm>> -> memref<10000x128xf32, #tpu.memory_space<hbm>>
      tpu.enqueue_indirect_dma source(%dma_start3A_241 : memref<10000x128xf32, #tpu.memory_space<hbm>>) target(%dma_start3A_235 : memref<80x128xf32, #tpu.memory_space<vmem>>) offsets(%dma_start3A_238 : memref<80xi32, #tpu.memory_space<vmem>>) semaphore(%arg14 : memref<!tpu.dma_semaphore, #tpu.memory_space<semaphore_mem>>)
      %dma_wait3A_242 = arith.constant 0 : i32
      %dma_wait3A_243 = arith.constant 0 : i32
      %dma_wait3A_244 = arith.constant 0 : i32
      %dma_wait3A_245 = arith.constant 0 : i32
      %dma_wait3A_246 = tpu.memref_slice %arg11[%dma_wait3A_243, %dma_wait3A_244, %dma_wait3A_245] : memref<2x80x128xf32, #tpu.memory_space<vmem>> -> memref<1x80x128xf32, #tpu.memory_space<vmem>>
      %dma_wait3A_247 = tpu.memref_squeeze %dma_wait3A_246 : memref<1x80x128xf32, #tpu.memory_space<vmem>> -> memref<80x128xf32, #tpu.memory_space<vmem>>
      %dma_wait3A_248 = arith.constant 0 : i32
      %dma_wait3A_249 = tpu.memref_slice %arg9[%dma_wait3A_242, %dma_wait3A_248] : memref<2x80xi32, #tpu.memory_space<vmem>> -> memref<1x80xi32, #tpu.memory_space<vmem>>
      %dma_wait3A_250 = tpu.memref_squeeze %dma_wait3A_249 : memref<1x80xi32, #tpu.memory_space<vmem>> -> memref<80xi32, #tpu.memory_space<vmem>>
      %dma_wait3A_251 = arith.constant 0 : i32
      %dma_wait3A_252 = arith.constant 0 : i32
      %dma_wait3A_253 = tpu.memref_slice %arg2[%dma_wait3A_251, %dma_wait3A_252] : memref<10000x128xf32, #tpu.memory_space<hbm>> -> memref<10000x128xf32, #tpu.memory_space<hbm>>
      tpu.wait_indirect_dma semaphore(%arg13 : memref<!tpu.dma_semaphore, #tpu.memory_space<semaphore_mem>>) src(%dma_wait3A_253 : memref<10000x128xf32, #tpu.memory_space<hbm>>) dst(%dma_wait3A_247 : memref<80x128xf32, #tpu.memory_space<vmem>>)
      %scan3A_254 = arith.constant 0 : i32
      %scan3A_255 = arith.constant 80 : i32
      %scan3A_256 = arith.addi %scan3A_254, %scan3A_255 : i32
      %scan3A_257 = arith.constant 1 : i32
      scf.for %scan3A_526 = %scan3A_254 to %scan3A_256 step %scan3A_257  : i32 {
        %mul3A_527 = arith.constant 1 : i32
        %mul3A_528 = arith.muli %scan3A_526, %mul3A_527 : i32
        %add3A_529 = arith.constant 0 : i32
        %add3A_530 = arith.addi %add3A_529, %mul3A_528 : i32
        %mul3A_531 = arith.constant 80 : i32
        %mul3A_532 = arith.muli %add3A_156, %mul3A_531 : i32
        %add3A_533 = arith.addi %mul3A_532, %add3A_530 : i32
        %broadcast_in_dim3A = vector.broadcast %add3A_533 : i32 to vector<16xi32>
        %gather3A = tpu.vector_load_idx %arg8[%broadcast_in_dim3A] : memref<10000xf32, #tpu.memory_space<vmem>>[vector<16xi32>], vector<16xf32>,
        %get3A_534 = arith.constant 0 : i32
        %get3A_535 = arith.index_cast %get3A_534 : i32 to index
        %get3A_536 = arith.index_cast %add3A_530 : i32 to index
        %get3A_537 = arith.constant 0 : index
        %get3A_538 = tpu.vector_load %arg11[%get3A_535, %get3A_536, %get3A_537] {strides = array<i32>} : memref<2x80x128xf32, #tpu.memory_space<vmem>>, vector<16xf32>,
        %mul3A_539 = arith.mulf %get3A_538, %gather3A : vector<16xf32>
        %swap3A_540 = arith.constant 0 : i32
        %swap3A_541 = arith.index_cast %swap3A_540 : i32 to index
        %swap3A_542 = arith.index_cast %add3A_530 : i32 to index
        %swap3A_543 = arith.constant 0 : index
        %swap3A_544 = tpu.vector_load %arg11[%swap3A_541, %swap3A_542, %swap3A_543] {strides = array<i32>} : memref<2x80x128xf32, #tpu.memory_space<vmem>>, vector<16xf32>,
        tpu.vector_store %arg11[%swap3A_541, %swap3A_542, %swap3A_543], %mul3A_539 {strides = array<i32>} : memref<2x80x128xf32, #tpu.memory_space<vmem>>, vector<16xf32>,
        %get3A_545 = arith.constant 0 : i32
        %get3A_546 = arith.index_cast %get3A_545 : i32 to index
        %get3A_547 = arith.index_cast %add3A_530 : i32 to index
        %get3A_548 = arith.constant 16 : index
        %get3A_549 = tpu.vector_load %arg11[%get3A_546, %get3A_547, %get3A_548] {strides = array<i32>} : memref<2x80x128xf32, #tpu.memory_space<vmem>>, vector<16xf32>,
        %mul3A_550 = arith.mulf %get3A_549, %gather3A : vector<16xf32>
        %swap3A_551 = arith.constant 0 : i32
        %swap3A_552 = arith.index_cast %swap3A_551 : i32 to index
        %swap3A_553 = arith.index_cast %add3A_530 : i32 to index
        %swap3A_554 = arith.constant 16 : index
        %swap3A_555 = tpu.vector_load %arg11[%swap3A_552, %swap3A_553, %swap3A_554] {strides = array<i32>} : memref<2x80x128xf32, #tpu.memory_space<vmem>>, vector<16xf32>,
        tpu.vector_store %arg11[%swap3A_552, %swap3A_553, %swap3A_554], %mul3A_550 {strides = array<i32>} : memref<2x80x128xf32, #tpu.memory_space<vmem>>, vector<16xf32>,
        %get3A_556 = arith.constant 0 : i32
        %get3A_557 = arith.index_cast %get3A_556 : i32 to index
        %get3A_558 = arith.index_cast %add3A_530 : i32 to index
        %get3A_559 = arith.constant 32 : index
        %get3A_560 = tpu.vector_load %arg11[%get3A_557, %get3A_558, %get3A_559] {strides = array<i32>} : memref<2x80x128xf32, #tpu.memory_space<vmem>>, vector<16xf32>,
        %mul3A_561 = arith.mulf %get3A_560, %gather3A : vector<16xf32>
        %swap3A_562 = arith.constant 0 : i32
        %swap3A_563 = arith.index_cast %swap3A_562 : i32 to index
        %swap3A_564 = arith.index_cast %add3A_530 : i32 to index
        %swap3A_565 = arith.constant 32 : index
        %swap3A_566 = tpu.vector_load %arg11[%swap3A_563, %swap3A_564, %swap3A_565] {strides = array<i32>} : memref<2x80x128xf32, #tpu.memory_space<vmem>>, vector<16xf32>,
        tpu.vector_store %arg11[%swap3A_563, %swap3A_564, %swap3A_565], %mul3A_561 {strides = array<i32>} : memref<2x80x128xf32, #tpu.memory_space<vmem>>, vector<16xf32>,
        %get3A_567 = arith.constant 0 : i32
        %get3A_568 = arith.index_cast %get3A_567 : i32 to index
        %get3A_569 = arith.index_cast %add3A_530 : i32 to index
        %get3A_570 = arith.constant 48 : index
        %get3A_571 = tpu.vector_load %arg11[%get3A_568, %get3A_569, %get3A_570] {strides = array<i32>} : memref<2x80x128xf32, #tpu.memory_space<vmem>>, vector<16xf32>,
        %mul3A_572 = arith.mulf %get3A_571, %gather3A : vector<16xf32>
        %swap3A_573 = arith.constant 0 : i32
        %swap3A_574 = arith.index_cast %swap3A_573 : i32 to index
        %swap3A_575 = arith.index_cast %add3A_530 : i32 to index
        %swap3A_576 = arith.constant 48 : index
        %swap3A_577 = tpu.vector_load %arg11[%swap3A_574, %swap3A_575, %swap3A_576] {strides = array<i32>} : memref<2x80x128xf32, #tpu.memory_space<vmem>>, vector<16xf32>,
        tpu.vector_store %arg11[%swap3A_574, %swap3A_575, %swap3A_576], %mul3A_572 {strides = array<i32>} : memref<2x80x128xf32, #tpu.memory_space<vmem>>, vector<16xf32>,
        %get3A_578 = arith.constant 0 : i32
        %get3A_579 = arith.index_cast %get3A_578 : i32 to index
        %get3A_580 = arith.index_cast %add3A_530 : i32 to index
        %get3A_581 = arith.constant 64 : index
        %get3A_582 = tpu.vector_load %arg11[%get3A_579, %get3A_580, %get3A_581] {strides = array<i32>} : memref<2x80x128xf32, #tpu.memory_space<vmem>>, vector<16xf32>,
        %mul3A_583 = arith.mulf %get3A_582, %gather3A : vector<16xf32>
        %swap3A_584 = arith.constant 0 : i32
        %swap3A_585 = arith.index_cast %swap3A_584 : i32 to index
        %swap3A_586 = arith.index_cast %add3A_530 : i32 to index
        %swap3A_587 = arith.constant 64 : index
        %swap3A_588 = tpu.vector_load %arg11[%swap3A_585, %swap3A_586, %swap3A_587] {strides = array<i32>} : memref<2x80x128xf32, #tpu.memory_space<vmem>>, vector<16xf32>,
        tpu.vector_store %arg11[%swap3A_585, %swap3A_586, %swap3A_587], %mul3A_583 {strides = array<i32>} : memref<2x80x128xf32, #tpu.memory_space<vmem>>, vector<16xf32>,
        %get3A_589 = arith.constant 0 : i32
        %get3A_590 = arith.index_cast %get3A_589 : i32 to index
        %get3A_591 = arith.index_cast %add3A_530 : i32 to index
        %get3A_592 = arith.constant 80 : index
        %get3A_593 = tpu.vector_load %arg11[%get3A_590, %get3A_591, %get3A_592] {strides = array<i32>} : memref<2x80x128xf32, #tpu.memory_space<vmem>>, vector<16xf32>,
        %mul3A_594 = arith.mulf %get3A_593, %gather3A : vector<16xf32>
        %swap3A_595 = arith.constant 0 : i32
        %swap3A_596 = arith.index_cast %swap3A_595 : i32 to index
        %swap3A_597 = arith.index_cast %add3A_530 : i32 to index
        %swap3A_598 = arith.constant 80 : index
        %swap3A_599 = tpu.vector_load %arg11[%swap3A_596, %swap3A_597, %swap3A_598] {strides = array<i32>} : memref<2x80x128xf32, #tpu.memory_space<vmem>>, vector<16xf32>,
        tpu.vector_store %arg11[%swap3A_596, %swap3A_597, %swap3A_598], %mul3A_594 {strides = array<i32>} : memref<2x80x128xf32, #tpu.memory_space<vmem>>, vector<16xf32>,
        %get3A_600 = arith.constant 0 : i32
        %get3A_601 = arith.index_cast %get3A_600 : i32 to index
        %get3A_602 = arith.index_cast %add3A_530 : i32 to index
        %get3A_603 = arith.constant 96 : index
        %get3A_604 = tpu.vector_load %arg11[%get3A_601, %get3A_602, %get3A_603] {strides = array<i32>} : memref<2x80x128xf32, #tpu.memory_space<vmem>>, vector<16xf32>,
        %mul3A_605 = arith.mulf %get3A_604, %gather3A : vector<16xf32>
        %swap3A_606 = arith.constant 0 : i32
        %swap3A_607 = arith.index_cast %swap3A_606 : i32 to index
        %swap3A_608 = arith.index_cast %add3A_530 : i32 to index
        %swap3A_609 = arith.constant 96 : index
        %swap3A_610 = tpu.vector_load %arg11[%swap3A_607, %swap3A_608, %swap3A_609] {strides = array<i32>} : memref<2x80x128xf32, #tpu.memory_space<vmem>>, vector<16xf32>,
        tpu.vector_store %arg11[%swap3A_607, %swap3A_608, %swap3A_609], %mul3A_605 {strides = array<i32>} : memref<2x80x128xf32, #tpu.memory_space<vmem>>, vector<16xf32>,
        %get3A_611 = arith.constant 0 : i32
        %get3A_612 = arith.index_cast %get3A_611 : i32 to index
        %get3A_613 = arith.index_cast %add3A_530 : i32 to index
        %get3A_614 = arith.constant 112 : index
        %get3A_615 = tpu.vector_load %arg11[%get3A_612, %get3A_613, %get3A_614] {strides = array<i32>} : memref<2x80x128xf32, #tpu.memory_space<vmem>>, vector<16xf32>,
        %mul3A_616 = arith.mulf %get3A_615, %gather3A : vector<16xf32>
        %swap3A_617 = arith.constant 0 : i32
        %swap3A_618 = arith.index_cast %swap3A_617 : i32 to index
        %swap3A_619 = arith.index_cast %add3A_530 : i32 to index
        %swap3A_620 = arith.constant 112 : index
        %swap3A_621 = tpu.vector_load %arg11[%swap3A_618, %swap3A_619, %swap3A_620] {strides = array<i32>} : memref<2x80x128xf32, #tpu.memory_space<vmem>>, vector<16xf32>,
        tpu.vector_store %arg11[%swap3A_618, %swap3A_619, %swap3A_620], %mul3A_616 {strides = array<i32>} : memref<2x80x128xf32, #tpu.memory_space<vmem>>, vector<16xf32>,
      }
      %scan3A_258 = arith.constant 80 : i32
      %mul3A_259 = arith.constant 80 : i32
      %mul3A_260 = arith.muli %add3A_156, %mul3A_259 : i32
      %add3A_261 = arith.constant 0 : i32
      %add3A_262 = arith.addi %mul3A_260, %add3A_261 : i32
      %get3A_263 = arith.index_cast %add3A_262 : i32 to index
      %get3A_264 = tpu.vector_load %arg7[%get3A_263] {strides = array<i32>} : memref<10000xi32, #tpu.memory_space<vmem>>, vector<16xi32>,
      %shift_right_logical3A_265 = arith.constant 16 : i32
      %shift_right_logical3A_266 = vector.broadcast %shift_right_logical3A_265 : i32 to vector<16xi32>
      %shift_right_logical3A_267 = arith.shrui %get3A_264, %shift_right_logical3A_266 : vector<16xi32>
      %swap3A_268 = arith.constant 0 : i32
      %swap3A_269 = arith.index_cast %swap3A_268 : i32 to index
      %swap3A_270 = arith.constant 0 : index
      %swap3A_271 = tpu.vector_load %arg10[%swap3A_269, %swap3A_270] {strides = array<i32>} : memref<2x80xi32, #tpu.memory_space<vmem>>, vector<16xi32>,
      tpu.vector_store %arg10[%swap3A_269, %swap3A_270], %shift_right_logical3A_267 {strides = array<i32>} : memref<2x80xi32, #tpu.memory_space<vmem>>, vector<16xi32>,
      %mul3A_272 = arith.constant 80 : i32
      %mul3A_273 = arith.muli %add3A_156, %mul3A_272 : i32
      %add3A_274 = arith.constant 16 : i32
      %add3A_275 = arith.addi %mul3A_273, %add3A_274 : i32
      %get3A_276 = arith.index_cast %add3A_275 : i32 to index
      %get3A_277 = tpu.vector_load %arg7[%get3A_276] {strides = array<i32>} : memref<10000xi32, #tpu.memory_space<vmem>>, vector<16xi32>,
      %shift_right_logical3A_278 = arith.constant 16 : i32
      %shift_right_logical3A_279 = vector.broadcast %shift_right_logical3A_278 : i32 to vector<16xi32>
      %shift_right_logical3A_280 = arith.shrui %get3A_277, %shift_right_logical3A_279 : vector<16xi32>
      %swap3A_281 = arith.constant 0 : i32
      %swap3A_282 = arith.index_cast %swap3A_281 : i32 to index
      %swap3A_283 = arith.constant 16 : index
      %swap3A_284 = tpu.vector_load %arg10[%swap3A_282, %swap3A_283] {strides = array<i32>} : memref<2x80xi32, #tpu.memory_space<vmem>>, vector<16xi32>,
      tpu.vector_store %arg10[%swap3A_282, %swap3A_283], %shift_right_logical3A_280 {strides = array<i32>} : memref<2x80xi32, #tpu.memory_space<vmem>>, vector<16xi32>,
      %mul3A_285 = arith.constant 80 : i32
      %mul3A_286 = arith.muli %add3A_156, %mul3A_285 : i32
      %add3A_287 = arith.constant 32 : i32
      %add3A_288 = arith.addi %mul3A_286, %add3A_287 : i32
      %get3A_289 = arith.index_cast %add3A_288 : i32 to index
      %get3A_290 = tpu.vector_load %arg7[%get3A_289] {strides = array<i32>} : memref<10000xi32, #tpu.memory_space<vmem>>, vector<16xi32>,
      %shift_right_logical3A_291 = arith.constant 16 : i32
      %shift_right_logical3A_292 = vector.broadcast %shift_right_logical3A_291 : i32 to vector<16xi32>
      %shift_right_logical3A_293 = arith.shrui %get3A_290, %shift_right_logical3A_292 : vector<16xi32>
      %swap3A_294 = arith.constant 0 : i32
      %swap3A_295 = arith.index_cast %swap3A_294 : i32 to index
      %swap3A_296 = arith.constant 32 : index
      %swap3A_297 = tpu.vector_load %arg10[%swap3A_295, %swap3A_296] {strides = array<i32>} : memref<2x80xi32, #tpu.memory_space<vmem>>, vector<16xi32>,
      tpu.vector_store %arg10[%swap3A_295, %swap3A_296], %shift_right_logical3A_293 {strides = array<i32>} : memref<2x80xi32, #tpu.memory_space<vmem>>, vector<16xi32>,
      %mul3A_298 = arith.constant 80 : i32
      %mul3A_299 = arith.muli %add3A_156, %mul3A_298 : i32
      %add3A_300 = arith.constant 48 : i32
      %add3A_301 = arith.addi %mul3A_299, %add3A_300 : i32
      %get3A_302 = arith.index_cast %add3A_301 : i32 to index
      %get3A_303 = tpu.vector_load %arg7[%get3A_302] {strides = array<i32>} : memref<10000xi32, #tpu.memory_space<vmem>>, vector<16xi32>,
      %shift_right_logical3A_304 = arith.constant 16 : i32
      %shift_right_logical3A_305 = vector.broadcast %shift_right_logical3A_304 : i32 to vector<16xi32>
      %shift_right_logical3A_306 = arith.shrui %get3A_303, %shift_right_logical3A_305 : vector<16xi32>
      %swap3A_307 = arith.constant 0 : i32
      %swap3A_308 = arith.index_cast %swap3A_307 : i32 to index
      %swap3A_309 = arith.constant 48 : index
      %swap3A_310 = tpu.vector_load %arg10[%swap3A_308, %swap3A_309] {strides = array<i32>} : memref<2x80xi32, #tpu.memory_space<vmem>>, vector<16xi32>,
      tpu.vector_store %arg10[%swap3A_308, %swap3A_309], %shift_right_logical3A_306 {strides = array<i32>} : memref<2x80xi32, #tpu.memory_space<vmem>>, vector<16xi32>,
      %mul3A_311 = arith.constant 80 : i32
      %mul3A_312 = arith.muli %add3A_156, %mul3A_311 : i32
      %add3A_313 = arith.constant 64 : i32
      %add3A_314 = arith.addi %mul3A_312, %add3A_313 : i32
      %get3A_315 = arith.index_cast %add3A_314 : i32 to index
      %get3A_316 = tpu.vector_load %arg7[%get3A_315] {strides = array<i32>} : memref<10000xi32, #tpu.memory_space<vmem>>, vector<16xi32>,
      %shift_right_logical3A_317 = arith.constant 16 : i32
      %shift_right_logical3A_318 = vector.broadcast %shift_right_logical3A_317 : i32 to vector<16xi32>
      %shift_right_logical3A_319 = arith.shrui %get3A_316, %shift_right_logical3A_318 : vector<16xi32>
      %swap3A_320 = arith.constant 0 : i32
      %swap3A_321 = arith.index_cast %swap3A_320 : i32 to index
      %swap3A_322 = arith.constant 64 : index
      %swap3A_323 = tpu.vector_load %arg10[%swap3A_321, %swap3A_322] {strides = array<i32>} : memref<2x80xi32, #tpu.memory_space<vmem>>, vector<16xi32>,
      tpu.vector_store %arg10[%swap3A_321, %swap3A_322], %shift_right_logical3A_319 {strides = array<i32>} : memref<2x80xi32, #tpu.memory_space<vmem>>, vector<16xi32>,
      %dma_start3A_324 = arith.constant 0 : i32
      %dma_start3A_325 = arith.constant 0 : i32
      %dma_start3A_326 = arith.constant 0 : i32
      %dma_start3A_327 = arith.constant 0 : i32
      %dma_start3A_328 = tpu.memref_slice %arg11[%dma_start3A_324, %dma_start3A_326, %dma_start3A_327] : memref<2x80x128xf32, #tpu.memory_space<vmem>> -> memref<1x80x128xf32, #tpu.memory_space<vmem>>
      %dma_start3A_329 = tpu.memref_squeeze %dma_start3A_328 : memref<1x80x128xf32, #tpu.memory_space<vmem>> -> memref<80x128xf32, #tpu.memory_space<vmem>>
      %dma_start3A_330 = arith.constant 0 : i32
      %dma_start3A_331 = tpu.memref_slice %arg10[%dma_start3A_325, %dma_start3A_330] : memref<2x80xi32, #tpu.memory_space<vmem>> -> memref<1x80xi32, #tpu.memory_space<vmem>>
      %dma_start3A_332 = tpu.memref_squeeze %dma_start3A_331 : memref<1x80xi32, #tpu.memory_space<vmem>> -> memref<80xi32, #tpu.memory_space<vmem>>
      %dma_start3A_333 = arith.constant 0 : i32
      %dma_start3A_334 = arith.constant 0 : i32
      %dma_start3A_335 = tpu.memref_slice %arg12[%dma_start3A_333, %dma_start3A_334] : memref<10000x128xf32, #tpu.memory_space<vmem_shared>> -> memref<10000x128xf32, #tpu.memory_space<vmem_shared>>
      tpu.enqueue_indirect_dma source(%dma_start3A_329 : memref<80x128xf32, #tpu.memory_space<vmem>>) target(%dma_start3A_335 : memref<10000x128xf32, #tpu.memory_space<vmem_shared>>) offsets(%dma_start3A_332 : memref<80xi32, #tpu.memory_space<vmem>>) semaphore(%arg15 : memref<!tpu.dma_semaphore, #tpu.memory_space<semaphore_mem>>) {add = true}
      %add3A_336 = arith.constant 1 : i32
      %add3A_337 = arith.addi %add3A_154, %add3A_336 : i32
      %add3A_338 = arith.constant 1 : i32
      %add3A_339 = arith.addi %add3A_337, %add3A_338 : i32
      %mul3A_340 = arith.constant 80 : i32
      %mul3A_341 = arith.muli %add3A_339, %mul3A_340 : i32
      %add3A_342 = arith.constant 0 : i32
      %add3A_343 = arith.addi %mul3A_341, %add3A_342 : i32
      %get3A_344 = arith.index_cast %add3A_343 : i32 to index
      %get3A_345 = tpu.vector_load %arg7[%get3A_344] {strides = array<i32>} : memref<10000xi32, #tpu.memory_space<vmem>>, vector<16xi32>,
      %and3A_346 = arith.constant 65535 : i32
      %and3A_347 = vector.broadcast %and3A_346 : i32 to vector<16xi32>
      %and3A_348 = arith.andi %get3A_345, %and3A_347 : vector<16xi32>
      %swap3A_349 = arith.constant 0 : i32
      %swap3A_350 = arith.index_cast %swap3A_349 : i32 to index
      %swap3A_351 = arith.constant 0 : index
      %swap3A_352 = tpu.vector_load %arg9[%swap3A_350, %swap3A_351] {strides = array<i32>} : memref<2x80xi32, #tpu.memory_space<vmem>>, vector<16xi32>,
      tpu.vector_store %arg9[%swap3A_350, %swap3A_351], %and3A_348 {strides = array<i32>} : memref<2x80xi32, #tpu.memory_space<vmem>>, vector<16xi32>,
      %mul3A_353 = arith.constant 80 : i32
      %mul3A_354 = arith.muli %add3A_339, %mul3A_353 : i32
      %add3A_355 = arith.constant 16 : i32
      %add3A_356 = arith.addi %mul3A_354, %add3A_355 : i32
      %get3A_357 = arith.index_cast %add3A_356 : i32 to index
      %get3A_358 = tpu.vector_load %arg7[%get3A_357] {strides = array<i32>} : memref<10000xi32, #tpu.memory_space<vmem>>, vector<16xi32>,
      %and3A_359 = arith.constant 65535 : i32
      %and3A_360 = vector.broadcast %and3A_359 : i32 to vector<16xi32>
      %and3A_361 = arith.andi %get3A_358, %and3A_360 : vector<16xi32>
      %swap3A_362 = arith.constant 0 : i32
      %swap3A_363 = arith.index_cast %swap3A_362 : i32 to index
      %swap3A_364 = arith.constant 16 : index
      %swap3A_365 = tpu.vector_load %arg9[%swap3A_363, %swap3A_364] {strides = array<i32>} : memref<2x80xi32, #tpu.memory_space<vmem>>, vector<16xi32>,
      tpu.vector_store %arg9[%swap3A_363, %swap3A_364], %and3A_361 {strides = array<i32>} : memref<2x80xi32, #tpu.memory_space<vmem>>, vector<16xi32>,
      %mul3A_366 = arith.constant 80 : i32
      %mul3A_367 = arith.muli %add3A_339, %mul3A_366 : i32
      %add3A_368 = arith.constant 32 : i32
      %add3A_369 = arith.addi %mul3A_367, %add3A_368 : i32
      %get3A_370 = arith.index_cast %add3A_369 : i32 to index
      %get3A_371 = tpu.vector_load %arg7[%get3A_370] {strides = array<i32>} : memref<10000xi32, #tpu.memory_space<vmem>>, vector<16xi32>,
      %and3A_372 = arith.constant 65535 : i32
      %and3A_373 = vector.broadcast %and3A_372 : i32 to vector<16xi32>
      %and3A_374 = arith.andi %get3A_371, %and3A_373 : vector<16xi32>
      %swap3A_375 = arith.constant 0 : i32
      %swap3A_376 = arith.index_cast %swap3A_375 : i32 to index
      %swap3A_377 = arith.constant 32 : index
      %swap3A_378 = tpu.vector_load %arg9[%swap3A_376, %swap3A_377] {strides = array<i32>} : memref<2x80xi32, #tpu.memory_space<vmem>>, vector<16xi32>,
      tpu.vector_store %arg9[%swap3A_376, %swap3A_377], %and3A_374 {strides = array<i32>} : memref<2x80xi32, #tpu.memory_space<vmem>>, vector<16xi32>,
      %mul3A_379 = arith.constant 80 : i32
      %mul3A_380 = arith.muli %add3A_339, %mul3A_379 : i32
      %add3A_381 = arith.constant 48 : i32
      %add3A_382 = arith.addi %mul3A_380, %add3A_381 : i32
      %get3A_383 = arith.index_cast %add3A_382 : i32 to index
      %get3A_384 = tpu.vector_load %arg7[%get3A_383] {strides = array<i32>} : memref<10000xi32, #tpu.memory_space<vmem>>, vector<16xi32>,
      %and3A_385 = arith.constant 65535 : i32
      %and3A_386 = vector.broadcast %and3A_385 : i32 to vector<16xi32>
      %and3A_387 = arith.andi %get3A_384, %and3A_386 : vector<16xi32>
      %swap3A_388 = arith.constant 0 : i32
      %swap3A_389 = arith.index_cast %swap3A_388 : i32 to index
      %swap3A_390 = arith.constant 48 : index
      %swap3A_391 = tpu.vector_load %arg9[%swap3A_389, %swap3A_390] {strides = array<i32>} : memref<2x80xi32, #tpu.memory_space<vmem>>, vector<16xi32>,
      tpu.vector_store %arg9[%swap3A_389, %swap3A_390], %and3A_387 {strides = array<i32>} : memref<2x80xi32, #tpu.memory_space<vmem>>, vector<16xi32>,
      %mul3A_392 = arith.constant 80 : i32
      %mul3A_393 = arith.muli %add3A_339, %mul3A_392 : i32
      %add3A_394 = arith.constant 64 : i32
      %add3A_395 = arith.addi %mul3A_393, %add3A_394 : i32
      %get3A_396 = arith.index_cast %add3A_395 : i32 to index
      %get3A_397 = tpu.vector_load %arg7[%get3A_396] {strides = array<i32>} : memref<10000xi32, #tpu.memory_space<vmem>>, vector<16xi32>,
      %and3A_398 = arith.constant 65535 : i32
      %and3A_399 = vector.broadcast %and3A_398 : i32 to vector<16xi32>
      %and3A_400 = arith.andi %get3A_397, %and3A_399 : vector<16xi32>
      %swap3A_401 = arith.constant 0 : i32
      %swap3A_402 = arith.index_cast %swap3A_401 : i32 to index
      %swap3A_403 = arith.constant 64 : index
      %swap3A_404 = tpu.vector_load %arg9[%swap3A_402, %swap3A_403] {strides = array<i32>} : memref<2x80xi32, #tpu.memory_space<vmem>>, vector<16xi32>,
      tpu.vector_store %arg9[%swap3A_402, %swap3A_403], %and3A_400 {strides = array<i32>} : memref<2x80xi32, #tpu.memory_space<vmem>>, vector<16xi32>,
      %sub3A = arith.constant 1 : i32
      %sub3A_405 = arith.subi %add3A_337, %sub3A : i32
      %dma_wait3A_406 = arith.constant 0 : i32
      %dma_wait3A_407 = arith.constant 0 : i32
      %dma_wait3A_408 = arith.constant 0 : i32
      %dma_wait3A_409 = arith.constant 0 : i32
      %dma_wait3A_410 = tpu.memref_slice %arg11[%dma_wait3A_406, %dma_wait3A_408, %dma_wait3A_409] : memref<2x80x128xf32, #tpu.memory_space<vmem>> -> memref<1x80x128xf32, #tpu.memory_space<vmem>>
      %dma_wait3A_411 = tpu.memref_squeeze %dma_wait3A_410 : memref<1x80x128xf32, #tpu.memory_space<vmem>> -> memref<80x128xf32, #tpu.memory_space<vmem>>
      %dma_wait3A_412 = arith.constant 0 : i32
      %dma_wait3A_413 = tpu.memref_slice %arg10[%dma_wait3A_407, %dma_wait3A_412] : memref<2x80xi32, #tpu.memory_space<vmem>> -> memref<1x80xi32, #tpu.memory_space<vmem>>
      %dma_wait3A_414 = tpu.memref_squeeze %dma_wait3A_413 : memref<1x80xi32, #tpu.memory_space<vmem>> -> memref<80xi32, #tpu.memory_space<vmem>>
      %dma_wait3A_415 = arith.constant 0 : i32
      %dma_wait3A_416 = arith.constant 0 : i32
      %dma_wait3A_417 = tpu.memref_slice %arg12[%dma_wait3A_415, %dma_wait3A_416] : memref<10000x128xf32, #tpu.memory_space<vmem_shared>> -> memref<10000x128xf32, #tpu.memory_space<vmem_shared>>
      tpu.wait_indirect_dma semaphore(%arg15 : memref<!tpu.dma_semaphore, #tpu.memory_space<semaphore_mem>>) src(%dma_wait3A_411 : memref<80x128xf32, #tpu.memory_space<vmem>>) dst(%dma_wait3A_417 : memref<10000x128xf32, #tpu.memory_space<vmem_shared>>)
      %add3A_418 = arith.constant 1 : i32
      %add3A_419 = arith.addi %add3A_337, %add3A_418 : i32
      %dma_start3A_420 = arith.constant 0 : i32
      %dma_start3A_421 = arith.constant 0 : i32
      %dma_start3A_422 = arith.constant 0 : i32
      %dma_start3A_423 = arith.constant 0 : i32
      %dma_start3A_424 = tpu.memref_slice %arg11[%dma_start3A_421, %dma_start3A_422, %dma_start3A_423] : memref<2x80x128xf32, #tpu.memory_space<vmem>> -> memref<1x80x128xf32, #tpu.memory_space<vmem>>
      %dma_start3A_425 = tpu.memref_squeeze %dma_start3A_424 : memref<1x80x128xf32, #tpu.memory_space<vmem>> -> memref<80x128xf32, #tpu.memory_space<vmem>>
      %dma_start3A_426 = arith.constant 0 : i32
      %dma_start3A_427 = tpu.memref_slice %arg9[%dma_start3A_420, %dma_start3A_426] : memref<2x80xi32, #tpu.memory_space<vmem>> -> memref<1x80xi32, #tpu.memory_space<vmem>>
      %dma_start3A_428 = tpu.memref_squeeze %dma_start3A_427 : memref<1x80xi32, #tpu.memory_space<vmem>> -> memref<80xi32, #tpu.memory_space<vmem>>
      %dma_start3A_429 = arith.constant 0 : i32
      %dma_start3A_430 = arith.constant 0 : i32
      %dma_start3A_431 = tpu.memref_slice %arg2[%dma_start3A_429, %dma_start3A_430] : memref<10000x128xf32, #tpu.memory_space<hbm>> -> memref<10000x128xf32, #tpu.memory_space<hbm>>
      tpu.enqueue_indirect_dma source(%dma_start3A_431 : memref<10000x128xf32, #tpu.memory_space<hbm>>) target(%dma_start3A_425 : memref<80x128xf32, #tpu.memory_space<vmem>>) offsets(%dma_start3A_428 : memref<80xi32, #tpu.memory_space<vmem>>) semaphore(%arg13 : memref<!tpu.dma_semaphore, #tpu.memory_space<semaphore_mem>>)
      %dma_wait3A_432 = arith.constant 1 : i32
      %dma_wait3A_433 = arith.constant 1 : i32
      %dma_wait3A_434 = arith.constant 0 : i32
      %dma_wait3A_435 = arith.constant 0 : i32
      %dma_wait3A_436 = tpu.memref_slice %arg11[%dma_wait3A_433, %dma_wait3A_434, %dma_wait3A_435] : memref<2x80x128xf32, #tpu.memory_space<vmem>> -> memref<1x80x128xf32, #tpu.memory_space<vmem>>
      %dma_wait3A_437 = tpu.memref_squeeze %dma_wait3A_436 : memref<1x80x128xf32, #tpu.memory_space<vmem>> -> memref<80x128xf32, #tpu.memory_space<vmem>>
      %dma_wait3A_438 = arith.constant 0 : i32
      %dma_wait3A_439 = tpu.memref_slice %arg9[%dma_wait3A_432, %dma_wait3A_438] : memref<2x80xi32, #tpu.memory_space<vmem>> -> memref<1x80xi32, #tpu.memory_space<vmem>>
      %dma_wait3A_440 = tpu.memref_squeeze %dma_wait3A_439 : memref<1x80xi32, #tpu.memory_space<vmem>> -> memref<80xi32, #tpu.memory_space<vmem>>
      %dma_wait3A_441 = arith.constant 0 : i32
      %dma_wait3A_442 = arith.constant 0 : i32
      %dma_wait3A_443 = tpu.memref_slice %arg2[%dma_wait3A_441, %dma_wait3A_442] : memref<10000x128xf32, #tpu.memory_space<hbm>> -> memref<10000x128xf32, #tpu.memory_space<hbm>>
      tpu.wait_indirect_dma semaphore(%arg14 : memref<!tpu.dma_semaphore, #tpu.memory_space<semaphore_mem>>) src(%dma_wait3A_443 : memref<10000x128xf32, #tpu.memory_space<hbm>>) dst(%dma_wait3A_437 : memref<80x128xf32, #tpu.memory_space<vmem>>)
      %scan3A_444 = arith.constant 0 : i32
      %scan3A_445 = arith.constant 80 : i32
      %scan3A_446 = arith.addi %scan3A_444, %scan3A_445 : i32
      %scan3A_447 = arith.constant 1 : i32
      scf.for %scan3A_526 = %scan3A_444 to %scan3A_446 step %scan3A_447  : i32 {
        %mul3A_527 = arith.constant 1 : i32
        %mul3A_528 = arith.muli %scan3A_526, %mul3A_527 : i32
        %add3A_529 = arith.constant 0 : i32
        %add3A_530 = arith.addi %add3A_529, %mul3A_528 : i32
        %mul3A_531 = arith.constant 80 : i32
        %mul3A_532 = arith.muli %add3A_337, %mul3A_531 : i32
        %add3A_533 = arith.addi %mul3A_532, %add3A_530 : i32
        %broadcast_in_dim3A = vector.broadcast %add3A_533 : i32 to vector<16xi32>
        %gather3A = tpu.vector_load_idx %arg8[%broadcast_in_dim3A] : memref<10000xf32, #tpu.memory_space<vmem>>[vector<16xi32>], vector<16xf32>,
        %get3A_534 = arith.constant 1 : i32
        %get3A_535 = arith.index_cast %get3A_534 : i32 to index
        %get3A_536 = arith.index_cast %add3A_530 : i32 to index
        %get3A_537 = arith.constant 0 : index
        %get3A_538 = tpu.vector_load %arg11[%get3A_535, %get3A_536, %get3A_537] {strides = array<i32>} : memref<2x80x128xf32, #tpu.memory_space<vmem>>, vector<16xf32>,
        %mul3A_539 = arith.mulf %get3A_538, %gather3A : vector<16xf32>
        %swap3A_540 = arith.constant 1 : i32
        %swap3A_541 = arith.index_cast %swap3A_540 : i32 to index
        %swap3A_542 = arith.index_cast %add3A_530 : i32 to index
        %swap3A_543 = arith.constant 0 : index
        %swap3A_544 = tpu.vector_load %arg11[%swap3A_541, %swap3A_542, %swap3A_543] {strides = array<i32>} : memref<2x80x128xf32, #tpu.memory_space<vmem>>, vector<16xf32>,
        tpu.vector_store %arg11[%swap3A_541, %swap3A_542, %swap3A_543], %mul3A_539 {strides = array<i32>} : memref<2x80x128xf32, #tpu.memory_space<vmem>>, vector<16xf32>,
        %get3A_545 = arith.constant 1 : i32
        %get3A_546 = arith.index_cast %get3A_545 : i32 to index
        %get3A_547 = arith.index_cast %add3A_530 : i32 to index
        %get3A_548 = arith.constant 16 : index
        %get3A_549 = tpu.vector_load %arg11[%get3A_546, %get3A_547, %get3A_548] {strides = array<i32>} : memref<2x80x128xf32, #tpu.memory_space<vmem>>, vector<16xf32>,
        %mul3A_550 = arith.mulf %get3A_549, %gather3A : vector<16xf32>
        %swap3A_551 = arith.constant 1 : i32
        %swap3A_552 = arith.index_cast %swap3A_551 : i32 to index
        %swap3A_553 = arith.index_cast %add3A_530 : i32 to index
        %swap3A_554 = arith.constant 16 : index
        %swap3A_555 = tpu.vector_load %arg11[%swap3A_552, %swap3A_553, %swap3A_554] {strides = array<i32>} : memref<2x80x128xf32, #tpu.memory_space<vmem>>, vector<16xf32>,
        tpu.vector_store %arg11[%swap3A_552, %swap3A_553, %swap3A_554], %mul3A_550 {strides = array<i32>} : memref<2x80x128xf32, #tpu.memory_space<vmem>>, vector<16xf32>,
        %get3A_556 = arith.constant 1 : i32
        %get3A_557 = arith.index_cast %get3A_556 : i32 to index
        %get3A_558 = arith.index_cast %add3A_530 : i32 to index
        %get3A_559 = arith.constant 32 : index
        %get3A_560 = tpu.vector_load %arg11[%get3A_557, %get3A_558, %get3A_559] {strides = array<i32>} : memref<2x80x128xf32, #tpu.memory_space<vmem>>, vector<16xf32>,
        %mul3A_561 = arith.mulf %get3A_560, %gather3A : vector<16xf32>
        %swap3A_562 = arith.constant 1 : i32
        %swap3A_563 = arith.index_cast %swap3A_562 : i32 to index
        %swap3A_564 = arith.index_cast %add3A_530 : i32 to index
        %swap3A_565 = arith.constant 32 : index
        %swap3A_566 = tpu.vector_load %arg11[%swap3A_563, %swap3A_564, %swap3A_565] {strides = array<i32>} : memref<2x80x128xf32, #tpu.memory_space<vmem>>, vector<16xf32>,
        tpu.vector_store %arg11[%swap3A_563, %swap3A_564, %swap3A_565], %mul3A_561 {strides = array<i32>} : memref<2x80x128xf32, #tpu.memory_space<vmem>>, vector<16xf32>,
        %get3A_567 = arith.constant 1 : i32
        %get3A_568 = arith.index_cast %get3A_567 : i32 to index
        %get3A_569 = arith.index_cast %add3A_530 : i32 to index
        %get3A_570 = arith.constant 48 : index
        %get3A_571 = tpu.vector_load %arg11[%get3A_568, %get3A_569, %get3A_570] {strides = array<i32>} : memref<2x80x128xf32, #tpu.memory_space<vmem>>, vector<16xf32>,
        %mul3A_572 = arith.mulf %get3A_571, %gather3A : vector<16xf32>
        %swap3A_573 = arith.constant 1 : i32
        %swap3A_574 = arith.index_cast %swap3A_573 : i32 to index
        %swap3A_575 = arith.index_cast %add3A_530 : i32 to index
        %swap3A_576 = arith.constant 48 : index
        %swap3A_577 = tpu.vector_load %arg11[%swap3A_574, %swap3A_575, %swap3A_576] {strides = array<i32>} : memref<2x80x128xf32, #tpu.memory_space<vmem>>, vector<16xf32>,
        tpu.vector_store %arg11[%swap3A_574, %swap3A_575, %swap3A_576], %mul3A_572 {strides = array<i32>} : memref<2x80x128xf32, #tpu.memory_space<vmem>>, vector<16xf32>,
        %get3A_578 = arith.constant 1 : i32
        %get3A_579 = arith.index_cast %get3A_578 : i32 to index
        %get3A_580 = arith.index_cast %add3A_530 : i32 to index
        %get3A_581 = arith.constant 64 : index
        %get3A_582 = tpu.vector_load %arg11[%get3A_579, %get3A_580, %get3A_581] {strides = array<i32>} : memref<2x80x128xf32, #tpu.memory_space<vmem>>, vector<16xf32>,
        %mul3A_583 = arith.mulf %get3A_582, %gather3A : vector<16xf32>
        %swap3A_584 = arith.constant 1 : i32
        %swap3A_585 = arith.index_cast %swap3A_584 : i32 to index
        %swap3A_586 = arith.index_cast %add3A_530 : i32 to index
        %swap3A_587 = arith.constant 64 : index
        %swap3A_588 = tpu.vector_load %arg11[%swap3A_585, %swap3A_586, %swap3A_587] {strides = array<i32>} : memref<2x80x128xf32, #tpu.memory_space<vmem>>, vector<16xf32>,
        tpu.vector_store %arg11[%swap3A_585, %swap3A_586, %swap3A_587], %mul3A_583 {strides = array<i32>} : memref<2x80x128xf32, #tpu.memory_space<vmem>>, vector<16xf32>,
        %get3A_589 = arith.constant 1 : i32
        %get3A_590 = arith.index_cast %get3A_589 : i32 to index
        %get3A_591 = arith.index_cast %add3A_530 : i32 to index
        %get3A_592 = arith.constant 80 : index
        %get3A_593 = tpu.vector_load %arg11[%get3A_590, %get3A_591, %get3A_592] {strides = array<i32>} : memref<2x80x128xf32, #tpu.memory_space<vmem>>, vector<16xf32>,
        %mul3A_594 = arith.mulf %get3A_593, %gather3A : vector<16xf32>
        %swap3A_595 = arith.constant 1 : i32
        %swap3A_596 = arith.index_cast %swap3A_595 : i32 to index
        %swap3A_597 = arith.index_cast %add3A_530 : i32 to index
        %swap3A_598 = arith.constant 80 : index
        %swap3A_599 = tpu.vector_load %arg11[%swap3A_596, %swap3A_597, %swap3A_598] {strides = array<i32>} : memref<2x80x128xf32, #tpu.memory_space<vmem>>, vector<16xf32>,
        tpu.vector_store %arg11[%swap3A_596, %swap3A_597, %swap3A_598], %mul3A_594 {strides = array<i32>} : memref<2x80x128xf32, #tpu.memory_space<vmem>>, vector<16xf32>,
        %get3A_600 = arith.constant 1 : i32
        %get3A_601 = arith.index_cast %get3A_600 : i32 to index
        %get3A_602 = arith.index_cast %add3A_530 : i32 to index
        %get3A_603 = arith.constant 96 : index
        %get3A_604 = tpu.vector_load %arg11[%get3A_601, %get3A_602, %get3A_603] {strides = array<i32>} : memref<2x80x128xf32, #tpu.memory_space<vmem>>, vector<16xf32>,
        %mul3A_605 = arith.mulf %get3A_604, %gather3A : vector<16xf32>
        %swap3A_606 = arith.constant 1 : i32
        %swap3A_607 = arith.index_cast %swap3A_606 : i32 to index
        %swap3A_608 = arith.index_cast %add3A_530 : i32 to index
        %swap3A_609 = arith.constant 96 : index
        %swap3A_610 = tpu.vector_load %arg11[%swap3A_607, %swap3A_608, %swap3A_609] {strides = array<i32>} : memref<2x80x128xf32, #tpu.memory_space<vmem>>, vector<16xf32>,
        tpu.vector_store %arg11[%swap3A_607, %swap3A_608, %swap3A_609], %mul3A_605 {strides = array<i32>} : memref<2x80x128xf32, #tpu.memory_space<vmem>>, vector<16xf32>,
        %get3A_611 = arith.constant 1 : i32
        %get3A_612 = arith.index_cast %get3A_611 : i32 to index
        %get3A_613 = arith.index_cast %add3A_530 : i32 to index
        %get3A_614 = arith.constant 112 : index
        %get3A_615 = tpu.vector_load %arg11[%get3A_612, %get3A_613, %get3A_614] {strides = array<i32>} : memref<2x80x128xf32, #tpu.memory_space<vmem>>, vector<16xf32>,
        %mul3A_616 = arith.mulf %get3A_615, %gather3A : vector<16xf32>
        %swap3A_617 = arith.constant 1 : i32
        %swap3A_618 = arith.index_cast %swap3A_617 : i32 to index
        %swap3A_619 = arith.index_cast %add3A_530 : i32 to index
        %swap3A_620 = arith.constant 112 : index
        %swap3A_621 = tpu.vector_load %arg11[%swap3A_618, %swap3A_619, %swap3A_620] {strides = array<i32>} : memref<2x80x128xf32, #tpu.memory_space<vmem>>, vector<16xf32>,
        tpu.vector_store %arg11[%swap3A_618, %swap3A_619, %swap3A_620], %mul3A_616 {strides = array<i32>} : memref<2x80x128xf32, #tpu.memory_space<vmem>>, vector<16xf32>,
      }
      %scan3A_448 = arith.constant 80 : i32
      %mul3A_449 = arith.constant 80 : i32
      %mul3A_450 = arith.muli %add3A_337, %mul3A_449 : i32
      %add3A_451 = arith.constant 0 : i32
      %add3A_452 = arith.addi %mul3A_450, %add3A_451 : i32
      %get3A_453 = arith.index_cast %add3A_452 : i32 to index
      %get3A_454 = tpu.vector_load %arg7[%get3A_453] {strides = array<i32>} : memref<10000xi32, #tpu.memory_space<vmem>>, vector<16xi32>,
      %shift_right_logical3A_455 = arith.constant 16 : i32
      %shift_right_logical3A_456 = vector.broadcast %shift_right_logical3A_455 : i32 to vector<16xi32>
      %shift_right_logical3A_457 = arith.shrui %get3A_454, %shift_right_logical3A_456 : vector<16xi32>
      %swap3A_458 = arith.constant 1 : i32
      %swap3A_459 = arith.index_cast %swap3A_458 : i32 to index
      %swap3A_460 = arith.constant 0 : index
      %swap3A_461 = tpu.vector_load %arg10[%swap3A_459, %swap3A_460] {strides = array<i32>} : memref<2x80xi32, #tpu.memory_space<vmem>>, vector<16xi32>,
      tpu.vector_store %arg10[%swap3A_459, %swap3A_460], %shift_right_logical3A_457 {strides = array<i32>} : memref<2x80xi32, #tpu.memory_space<vmem>>, vector<16xi32>,
      %mul3A_462 = arith.constant 80 : i32
      %mul3A_463 = arith.muli %add3A_337, %mul3A_462 : i32
      %add3A_464 = arith.constant 16 : i32
      %add3A_465 = arith.addi %mul3A_463, %add3A_464 : i32
      %get3A_466 = arith.index_cast %add3A_465 : i32 to index
      %get3A_467 = tpu.vector_load %arg7[%get3A_466] {strides = array<i32>} : memref<10000xi32, #tpu.memory_space<vmem>>, vector<16xi32>,
      %shift_right_logical3A_468 = arith.constant 16 : i32
      %shift_right_logical3A_469 = vector.broadcast %shift_right_logical3A_468 : i32 to vector<16xi32>
      %shift_right_logical3A_470 = arith.shrui %get3A_467, %shift_right_logical3A_469 : vector<16xi32>
      %swap3A_471 = arith.constant 1 : i32
      %swap3A_472 = arith.index_cast %swap3A_471 : i32 to index
      %swap3A_473 = arith.constant 16 : index
      %swap3A_474 = tpu.vector_load %arg10[%swap3A_472, %swap3A_473] {strides = array<i32>} : memref<2x80xi32, #tpu.memory_space<vmem>>, vector<16xi32>,
      tpu.vector_store %arg10[%swap3A_472, %swap3A_473], %shift_right_logical3A_470 {strides = array<i32>} : memref<2x80xi32, #tpu.memory_space<vmem>>, vector<16xi32>,
      %mul3A_475 = arith.constant 80 : i32
      %mul3A_476 = arith.muli %add3A_337, %mul3A_475 : i32
      %add3A_477 = arith.constant 32 : i32
      %add3A_478 = arith.addi %mul3A_476, %add3A_477 : i32
      %get3A_479 = arith.index_cast %add3A_478 : i32 to index
      %get3A_480 = tpu.vector_load %arg7[%get3A_479] {strides = array<i32>} : memref<10000xi32, #tpu.memory_space<vmem>>, vector<16xi32>,
      %shift_right_logical3A_481 = arith.constant 16 : i32
      %shift_right_logical3A_482 = vector.broadcast %shift_right_logical3A_481 : i32 to vector<16xi32>
      %shift_right_logical3A_483 = arith.shrui %get3A_480, %shift_right_logical3A_482 : vector<16xi32>
      %swap3A_484 = arith.constant 1 : i32
      %swap3A_485 = arith.index_cast %swap3A_484 : i32 to index
      %swap3A_486 = arith.constant 32 : index
      %swap3A_487 = tpu.vector_load %arg10[%swap3A_485, %swap3A_486] {strides = array<i32>} : memref<2x80xi32, #tpu.memory_space<vmem>>, vector<16xi32>,
      tpu.vector_store %arg10[%swap3A_485, %swap3A_486], %shift_right_logical3A_483 {strides = array<i32>} : memref<2x80xi32, #tpu.memory_space<vmem>>, vector<16xi32>,
      %mul3A_488 = arith.constant 80 : i32
      %mul3A_489 = arith.muli %add3A_337, %mul3A_488 : i32
      %add3A_490 = arith.constant 48 : i32
      %add3A_491 = arith.addi %mul3A_489, %add3A_490 : i32
      %get3A_492 = arith.index_cast %add3A_491 : i32 to index
      %get3A_493 = tpu.vector_load %arg7[%get3A_492] {strides = array<i32>} : memref<10000xi32, #tpu.memory_space<vmem>>, vector<16xi32>,
      %shift_right_logical3A_494 = arith.constant 16 : i32
      %shift_right_logical3A_495 = vector.broadcast %shift_right_logical3A_494 : i32 to vector<16xi32>
      %shift_right_logical3A_496 = arith.shrui %get3A_493, %shift_right_logical3A_495 : vector<16xi32>
      %swap3A_497 = arith.constant 1 : i32
      %swap3A_498 = arith.index_cast %swap3A_497 : i32 to index
      %swap3A_499 = arith.constant 48 : index
      %swap3A_500 = tpu.vector_load %arg10[%swap3A_498, %swap3A_499] {strides = array<i32>} : memref<2x80xi32, #tpu.memory_space<vmem>>, vector<16xi32>,
      tpu.vector_store %arg10[%swap3A_498, %swap3A_499], %shift_right_logical3A_496 {strides = array<i32>} : memref<2x80xi32, #tpu.memory_space<vmem>>, vector<16xi32>,
      %mul3A_501 = arith.constant 80 : i32
      %mul3A_502 = arith.muli %add3A_337, %mul3A_501 : i32
      %add3A_503 = arith.constant 64 : i32
      %add3A_504 = arith.addi %mul3A_502, %add3A_503 : i32
      %get3A_505 = arith.index_cast %add3A_504 : i32 to index
      %get3A_506 = tpu.vector_load %arg7[%get3A_505] {strides = array<i32>} : memref<10000xi32, #tpu.memory_space<vmem>>, vector<16xi32>,
      %shift_right_logical3A_507 = arith.constant 16 : i32
      %shift_right_logical3A_508 = vector.broadcast %shift_right_logical3A_507 : i32 to vector<16xi32>
      %shift_right_logical3A_509 = arith.shrui %get3A_506, %shift_right_logical3A_508 : vector<16xi32>
      %swap3A_510 = arith.constant 1 : i32
      %swap3A_511 = arith.index_cast %swap3A_510 : i32 to index
      %swap3A_512 = arith.constant 64 : index
      %swap3A_513 = tpu.vector_load %arg10[%swap3A_511, %swap3A_512] {strides = array<i32>} : memref<2x80xi32, #tpu.memory_space<vmem>>, vector<16xi32>,
      tpu.vector_store %arg10[%swap3A_511, %swap3A_512], %shift_right_logical3A_509 {strides = array<i32>} : memref<2x80xi32, #tpu.memory_space<vmem>>, vector<16xi32>,
      %dma_start3A_514 = arith.constant 1 : i32
      %dma_start3A_515 = arith.constant 1 : i32
      %dma_start3A_516 = arith.constant 0 : i32
      %dma_start3A_517 = arith.constant 0 : i32
      %dma_start3A_518 = tpu.memref_slice %arg11[%dma_start3A_514, %dma_start3A_516, %dma_start3A_517] : memref<2x80x128xf32, #tpu.memory_space<vmem>> -> memref<1x80x128xf32, #tpu.memory_space<vmem>>
      %dma_start3A_519 = tpu.memref_squeeze %dma_start3A_518 : memref<1x80x128xf32, #tpu.memory_space<vmem>> -> memref<80x128xf32, #tpu.memory_space<vmem>>
      %dma_start3A_520 = arith.constant 0 : i32
      %dma_start3A_521 = tpu.memref_slice %arg10[%dma_start3A_515, %dma_start3A_520] : memref<2x80xi32, #tpu.memory_space<vmem>> -> memref<1x80xi32, #tpu.memory_space<vmem>>
      %dma_start3A_522 = tpu.memref_squeeze %dma_start3A_521 : memref<1x80xi32, #tpu.memory_space<vmem>> -> memref<80xi32, #tpu.memory_space<vmem>>
      %dma_start3A_523 = arith.constant 0 : i32
      %dma_start3A_524 = arith.constant 0 : i32
      %dma_start3A_525 = tpu.memref_slice %arg12[%dma_start3A_523, %dma_start3A_524] : memref<10000x128xf32, #tpu.memory_space<vmem_shared>> -> memref<10000x128xf32, #tpu.memory_space<vmem_shared>>
      tpu.enqueue_indirect_dma source(%dma_start3A_519 : memref<80x128xf32, #tpu.memory_space<vmem>>) target(%dma_start3A_525 : memref<10000x128xf32, #tpu.memory_space<vmem_shared>>) offsets(%dma_start3A_522 : memref<80xi32, #tpu.memory_space<vmem>>) semaphore(%arg16 : memref<!tpu.dma_semaphore, #tpu.memory_space<semaphore_mem>>) {add = true}
    }
    %scan3A_65 = arith.constant 62 : i32
    %dma_wait3A = arith.constant 0 : i32
    %dma_wait3A_66 = arith.constant 0 : i32
    %dma_wait3A_67 = arith.constant 0 : i32
    %dma_wait3A_68 = arith.constant 0 : i32
    %dma_wait3A_69 = tpu.memref_slice %arg11[%dma_wait3A_66, %dma_wait3A_67, %dma_wait3A_68] : memref<2x80x128xf32, #tpu.memory_space<vmem>> -> memref<1x80x128xf32, #tpu.memory_space<vmem>>
    %dma_wait3A_70 = tpu.memref_squeeze %dma_wait3A_69 : memref<1x80x128xf32, #tpu.memory_space<vmem>> -> memref<80x128xf32, #tpu.memory_space<vmem>>
    %dma_wait3A_71 = arith.constant 0 : i32
    %dma_wait3A_72 = tpu.memref_slice %arg9[%dma_wait3A, %dma_wait3A_71] : memref<2x80xi32, #tpu.memory_space<vmem>> -> memref<1x80xi32, #tpu.memory_space<vmem>>
    %dma_wait3A_73 = tpu.memref_squeeze %dma_wait3A_72 : memref<1x80xi32, #tpu.memory_space<vmem>> -> memref<80xi32, #tpu.memory_space<vmem>>
    %dma_wait3A_74 = arith.constant 0 : i32
    %dma_wait3A_75 = arith.constant 0 : i32
    %dma_wait3A_76 = tpu.memref_slice %arg2[%dma_wait3A_74, %dma_wait3A_75] : memref<10000x128xf32, #tpu.memory_space<hbm>> -> memref<10000x128xf32, #tpu.memory_space<hbm>>
    tpu.wait_indirect_dma semaphore(%arg13 : memref<!tpu.dma_semaphore, #tpu.memory_space<semaphore_mem>>) src(%dma_wait3A_76 : memref<10000x128xf32, #tpu.memory_space<hbm>>) dst(%dma_wait3A_70 : memref<80x128xf32, #tpu.memory_space<vmem>>)
    %scan3A_77 = arith.constant 0 : i32
    %scan3A_78 = arith.constant 80 : i32
    %scan3A_79 = arith.addi %scan3A_77, %scan3A_78 : i32
    %scan3A_80 = arith.constant 1 : i32
    scf.for %scan3A_150 = %scan3A_77 to %scan3A_79 step %scan3A_80  : i32 {
      %mul3A_151 = arith.constant 1 : i32
      %mul3A_152 = arith.muli %scan3A_150, %mul3A_151 : i32
      %add3A_153 = arith.constant 0 : i32
      %add3A_154 = arith.addi %add3A_153, %mul3A_152 : i32
      %add3A_155 = arith.constant 9920 : i32
      %add3A_156 = arith.addi %add3A_155, %add3A_154 : i32
      %broadcast_in_dim3A = vector.broadcast %add3A_156 : i32 to vector<16xi32>
      %gather3A = tpu.vector_load_idx %arg8[%broadcast_in_dim3A] : memref<10000xf32, #tpu.memory_space<vmem>>[vector<16xi32>], vector<16xf32>,
      %get3A_157 = arith.constant 0 : i32
      %get3A_158 = arith.index_cast %get3A_157 : i32 to index
      %get3A_159 = arith.index_cast %add3A_154 : i32 to index
      %get3A_160 = arith.constant 0 : index
      %get3A_161 = tpu.vector_load %arg11[%get3A_158, %get3A_159, %get3A_160] {strides = array<i32>} : memref<2x80x128xf32, #tpu.memory_space<vmem>>, vector<16xf32>,
      %mul3A_162 = arith.mulf %get3A_161, %gather3A : vector<16xf32>
      %swap3A_163 = arith.constant 0 : i32
      %swap3A_164 = arith.index_cast %swap3A_163 : i32 to index
      %swap3A_165 = arith.index_cast %add3A_154 : i32 to index
      %swap3A_166 = arith.constant 0 : index
      %swap3A_167 = tpu.vector_load %arg11[%swap3A_164, %swap3A_165, %swap3A_166] {strides = array<i32>} : memref<2x80x128xf32, #tpu.memory_space<vmem>>, vector<16xf32>,
      tpu.vector_store %arg11[%swap3A_164, %swap3A_165, %swap3A_166], %mul3A_162 {strides = array<i32>} : memref<2x80x128xf32, #tpu.memory_space<vmem>>, vector<16xf32>,
      %get3A_168 = arith.constant 0 : i32
      %get3A_169 = arith.index_cast %get3A_168 : i32 to index
      %get3A_170 = arith.index_cast %add3A_154 : i32 to index
      %get3A_171 = arith.constant 16 : index
      %get3A_172 = tpu.vector_load %arg11[%get3A_169, %get3A_170, %get3A_171] {strides = array<i32>} : memref<2x80x128xf32, #tpu.memory_space<vmem>>, vector<16xf32>,
      %mul3A_173 = arith.mulf %get3A_172, %gather3A : vector<16xf32>
      %swap3A_174 = arith.constant 0 : i32
      %swap3A_175 = arith.index_cast %swap3A_174 : i32 to index
      %swap3A_176 = arith.index_cast %add3A_154 : i32 to index
      %swap3A_177 = arith.constant 16 : index
      %swap3A_178 = tpu.vector_load %arg11[%swap3A_175, %swap3A_176, %swap3A_177] {strides = array<i32>} : memref<2x80x128xf32, #tpu.memory_space<vmem>>, vector<16xf32>,
      tpu.vector_store %arg11[%swap3A_175, %swap3A_176, %swap3A_177], %mul3A_173 {strides = array<i32>} : memref<2x80x128xf32, #tpu.memory_space<vmem>>, vector<16xf32>,
      %get3A_179 = arith.constant 0 : i32
      %get3A_180 = arith.index_cast %get3A_179 : i32 to index
      %get3A_181 = arith.index_cast %add3A_154 : i32 to index
      %get3A_182 = arith.constant 32 : index
      %get3A_183 = tpu.vector_load %arg11[%get3A_180, %get3A_181, %get3A_182] {strides = array<i32>} : memref<2x80x128xf32, #tpu.memory_space<vmem>>, vector<16xf32>,
      %mul3A_184 = arith.mulf %get3A_183, %gather3A : vector<16xf32>
      %swap3A_185 = arith.constant 0 : i32
      %swap3A_186 = arith.index_cast %swap3A_185 : i32 to index
      %swap3A_187 = arith.index_cast %add3A_154 : i32 to index
      %swap3A_188 = arith.constant 32 : index
      %swap3A_189 = tpu.vector_load %arg11[%swap3A_186, %swap3A_187, %swap3A_188] {strides = array<i32>} : memref<2x80x128xf32, #tpu.memory_space<vmem>>, vector<16xf32>,
      tpu.vector_store %arg11[%swap3A_186, %swap3A_187, %swap3A_188], %mul3A_184 {strides = array<i32>} : memref<2x80x128xf32, #tpu.memory_space<vmem>>, vector<16xf32>,
      %get3A_190 = arith.constant 0 : i32
      %get3A_191 = arith.index_cast %get3A_190 : i32 to index
      %get3A_192 = arith.index_cast %add3A_154 : i32 to index
      %get3A_193 = arith.constant 48 : index
      %get3A_194 = tpu.vector_load %arg11[%get3A_191, %get3A_192, %get3A_193] {strides = array<i32>} : memref<2x80x128xf32, #tpu.memory_space<vmem>>, vector<16xf32>,
      %mul3A_195 = arith.mulf %get3A_194, %gather3A : vector<16xf32>
      %swap3A_196 = arith.constant 0 : i32
      %swap3A_197 = arith.index_cast %swap3A_196 : i32 to index
      %swap3A_198 = arith.index_cast %add3A_154 : i32 to index
      %swap3A_199 = arith.constant 48 : index
      %swap3A_200 = tpu.vector_load %arg11[%swap3A_197, %swap3A_198, %swap3A_199] {strides = array<i32>} : memref<2x80x128xf32, #tpu.memory_space<vmem>>, vector<16xf32>,
      tpu.vector_store %arg11[%swap3A_197, %swap3A_198, %swap3A_199], %mul3A_195 {strides = array<i32>} : memref<2x80x128xf32, #tpu.memory_space<vmem>>, vector<16xf32>,
      %get3A_201 = arith.constant 0 : i32
      %get3A_202 = arith.index_cast %get3A_201 : i32 to index
      %get3A_203 = arith.index_cast %add3A_154 : i32 to index
      %get3A_204 = arith.constant 64 : index
      %get3A_205 = tpu.vector_load %arg11[%get3A_202, %get3A_203, %get3A_204] {strides = array<i32>} : memref<2x80x128xf32, #tpu.memory_space<vmem>>, vector<16xf32>,
      %mul3A_206 = arith.mulf %get3A_205, %gather3A : vector<16xf32>
      %swap3A_207 = arith.constant 0 : i32
      %swap3A_208 = arith.index_cast %swap3A_207 : i32 to index
      %swap3A_209 = arith.index_cast %add3A_154 : i32 to index
      %swap3A_210 = arith.constant 64 : index
      %swap3A_211 = tpu.vector_load %arg11[%swap3A_208, %swap3A_209, %swap3A_210] {strides = array<i32>} : memref<2x80x128xf32, #tpu.memory_space<vmem>>, vector<16xf32>,
      tpu.vector_store %arg11[%swap3A_208, %swap3A_209, %swap3A_210], %mul3A_206 {strides = array<i32>} : memref<2x80x128xf32, #tpu.memory_space<vmem>>, vector<16xf32>,
      %get3A_212 = arith.constant 0 : i32
      %get3A_213 = arith.index_cast %get3A_212 : i32 to index
      %get3A_214 = arith.index_cast %add3A_154 : i32 to index
      %get3A_215 = arith.constant 80 : index
      %get3A_216 = tpu.vector_load %arg11[%get3A_213, %get3A_214, %get3A_215] {strides = array<i32>} : memref<2x80x128xf32, #tpu.memory_space<vmem>>, vector<16xf32>,
      %mul3A_217 = arith.mulf %get3A_216, %gather3A : vector<16xf32>
      %swap3A_218 = arith.constant 0 : i32
      %swap3A_219 = arith.index_cast %swap3A_218 : i32 to index
      %swap3A_220 = arith.index_cast %add3A_154 : i32 to index
      %swap3A_221 = arith.constant 80 : index
      %swap3A_222 = tpu.vector_load %arg11[%swap3A_219, %swap3A_220, %swap3A_221] {strides = array<i32>} : memref<2x80x128xf32, #tpu.memory_space<vmem>>, vector<16xf32>,
      tpu.vector_store %arg11[%swap3A_219, %swap3A_220, %swap3A_221], %mul3A_217 {strides = array<i32>} : memref<2x80x128xf32, #tpu.memory_space<vmem>>, vector<16xf32>,
      %get3A_223 = arith.constant 0 : i32
      %get3A_224 = arith.index_cast %get3A_223 : i32 to index
      %get3A_225 = arith.index_cast %add3A_154 : i32 to index
      %get3A_226 = arith.constant 96 : index
      %get3A_227 = tpu.vector_load %arg11[%get3A_224, %get3A_225, %get3A_226] {strides = array<i32>} : memref<2x80x128xf32, #tpu.memory_space<vmem>>, vector<16xf32>,
      %mul3A_228 = arith.mulf %get3A_227, %gather3A : vector<16xf32>
      %swap3A_229 = arith.constant 0 : i32
      %swap3A_230 = arith.index_cast %swap3A_229 : i32 to index
      %swap3A_231 = arith.index_cast %add3A_154 : i32 to index
      %swap3A_232 = arith.constant 96 : index
      %swap3A_233 = tpu.vector_load %arg11[%swap3A_230, %swap3A_231, %swap3A_232] {strides = array<i32>} : memref<2x80x128xf32, #tpu.memory_space<vmem>>, vector<16xf32>,
      tpu.vector_store %arg11[%swap3A_230, %swap3A_231, %swap3A_232], %mul3A_228 {strides = array<i32>} : memref<2x80x128xf32, #tpu.memory_space<vmem>>, vector<16xf32>,
      %get3A_234 = arith.constant 0 : i32
      %get3A_235 = arith.index_cast %get3A_234 : i32 to index
      %get3A_236 = arith.index_cast %add3A_154 : i32 to index
      %get3A_237 = arith.constant 112 : index
      %get3A_238 = tpu.vector_load %arg11[%get3A_235, %get3A_236, %get3A_237] {strides = array<i32>} : memref<2x80x128xf32, #tpu.memory_space<vmem>>, vector<16xf32>,
      %mul3A_239 = arith.mulf %get3A_238, %gather3A : vector<16xf32>
      %swap3A_240 = arith.constant 0 : i32
      %swap3A_241 = arith.index_cast %swap3A_240 : i32 to index
      %swap3A_242 = arith.index_cast %add3A_154 : i32 to index
      %swap3A_243 = arith.constant 112 : index
      %swap3A_244 = tpu.vector_load %arg11[%swap3A_241, %swap3A_242, %swap3A_243] {strides = array<i32>} : memref<2x80x128xf32, #tpu.memory_space<vmem>>, vector<16xf32>,
      tpu.vector_store %arg11[%swap3A_241, %swap3A_242, %swap3A_243], %mul3A_239 {strides = array<i32>} : memref<2x80x128xf32, #tpu.memory_space<vmem>>, vector<16xf32>,
    }
    %scan3A_81 = arith.constant 80 : i32
    %get3A_82 = arith.constant 9920 : index
    %get3A_83 = tpu.vector_load %arg7[%get3A_82] {strides = array<i32>} : memref<10000xi32, #tpu.memory_space<vmem>>, vector<16xi32>,
    %shift_right_logical3A = arith.constant 16 : i32
    %shift_right_logical3A_84 = vector.broadcast %shift_right_logical3A : i32 to vector<16xi32>
    %shift_right_logical3A_85 = arith.shrui %get3A_83, %shift_right_logical3A_84 : vector<16xi32>
    %swap3A_86 = arith.constant 0 : i32
    %swap3A_87 = arith.index_cast %swap3A_86 : i32 to index
    %swap3A_88 = arith.constant 0 : index
    %swap3A_89 = tpu.vector_load %arg10[%swap3A_87, %swap3A_88] {strides = array<i32>} : memref<2x80xi32, #tpu.memory_space<vmem>>, vector<16xi32>,
    tpu.vector_store %arg10[%swap3A_87, %swap3A_88], %shift_right_logical3A_85 {strides = array<i32>} : memref<2x80xi32, #tpu.memory_space<vmem>>, vector<16xi32>,
    %get3A_90 = arith.constant 9936 : index
    %get3A_91 = tpu.vector_load %arg7[%get3A_90] {strides = array<i32>} : memref<10000xi32, #tpu.memory_space<vmem>>, vector<16xi32>,
    %shift_right_logical3A_92 = arith.constant 16 : i32
    %shift_right_logical3A_93 = vector.broadcast %shift_right_logical3A_92 : i32 to vector<16xi32>
    %shift_right_logical3A_94 = arith.shrui %get3A_91, %shift_right_logical3A_93 : vector<16xi32>
    %swap3A_95 = arith.constant 0 : i32
    %swap3A_96 = arith.index_cast %swap3A_95 : i32 to index
    %swap3A_97 = arith.constant 16 : index
    %swap3A_98 = tpu.vector_load %arg10[%swap3A_96, %swap3A_97] {strides = array<i32>} : memref<2x80xi32, #tpu.memory_space<vmem>>, vector<16xi32>,
    tpu.vector_store %arg10[%swap3A_96, %swap3A_97], %shift_right_logical3A_94 {strides = array<i32>} : memref<2x80xi32, #tpu.memory_space<vmem>>, vector<16xi32>,
    %get3A_99 = arith.constant 9952 : index
    %get3A_100 = tpu.vector_load %arg7[%get3A_99] {strides = array<i32>} : memref<10000xi32, #tpu.memory_space<vmem>>, vector<16xi32>,
    %shift_right_logical3A_101 = arith.constant 16 : i32
    %shift_right_logical3A_102 = vector.broadcast %shift_right_logical3A_101 : i32 to vector<16xi32>
    %shift_right_logical3A_103 = arith.shrui %get3A_100, %shift_right_logical3A_102 : vector<16xi32>
    %swap3A_104 = arith.constant 0 : i32
    %swap3A_105 = arith.index_cast %swap3A_104 : i32 to index
    %swap3A_106 = arith.constant 32 : index
    %swap3A_107 = tpu.vector_load %arg10[%swap3A_105, %swap3A_106] {strides = array<i32>} : memref<2x80xi32, #tpu.memory_space<vmem>>, vector<16xi32>,
    tpu.vector_store %arg10[%swap3A_105, %swap3A_106], %shift_right_logical3A_103 {strides = array<i32>} : memref<2x80xi32, #tpu.memory_space<vmem>>, vector<16xi32>,
    %get3A_108 = arith.constant 9968 : index
    %get3A_109 = tpu.vector_load %arg7[%get3A_108] {strides = array<i32>} : memref<10000xi32, #tpu.memory_space<vmem>>, vector<16xi32>,
    %shift_right_logical3A_110 = arith.constant 16 : i32
    %shift_right_logical3A_111 = vector.broadcast %shift_right_logical3A_110 : i32 to vector<16xi32>
    %shift_right_logical3A_112 = arith.shrui %get3A_109, %shift_right_logical3A_111 : vector<16xi32>
    %swap3A_113 = arith.constant 0 : i32
    %swap3A_114 = arith.index_cast %swap3A_113 : i32 to index
    %swap3A_115 = arith.constant 48 : index
    %swap3A_116 = tpu.vector_load %arg10[%swap3A_114, %swap3A_115] {strides = array<i32>} : memref<2x80xi32, #tpu.memory_space<vmem>>, vector<16xi32>,
    tpu.vector_store %arg10[%swap3A_114, %swap3A_115], %shift_right_logical3A_112 {strides = array<i32>} : memref<2x80xi32, #tpu.memory_space<vmem>>, vector<16xi32>,
    %get3A_117 = arith.constant 9984 : index
    %get3A_118 = tpu.vector_load %arg7[%get3A_117] {strides = array<i32>} : memref<10000xi32, #tpu.memory_space<vmem>>, vector<16xi32>,
    %shift_right_logical3A_119 = arith.constant 16 : i32
    %shift_right_logical3A_120 = vector.broadcast %shift_right_logical3A_119 : i32 to vector<16xi32>
    %shift_right_logical3A_121 = arith.shrui %get3A_118, %shift_right_logical3A_120 : vector<16xi32>
    %swap3A_122 = arith.constant 0 : i32
    %swap3A_123 = arith.index_cast %swap3A_122 : i32 to index
    %swap3A_124 = arith.constant 64 : index
    %swap3A_125 = tpu.vector_load %arg10[%swap3A_123, %swap3A_124] {strides = array<i32>} : memref<2x80xi32, #tpu.memory_space<vmem>>, vector<16xi32>,
    tpu.vector_store %arg10[%swap3A_123, %swap3A_124], %shift_right_logical3A_121 {strides = array<i32>} : memref<2x80xi32, #tpu.memory_space<vmem>>, vector<16xi32>,
    %dma_wait3A_126 = arith.constant 1 : i32
    %dma_wait3A_127 = arith.constant 1 : i32
    %dma_wait3A_128 = arith.constant 0 : i32
    %dma_wait3A_129 = arith.constant 0 : i32
    %dma_wait3A_130 = tpu.memref_slice %arg11[%dma_wait3A_126, %dma_wait3A_128, %dma_wait3A_129] : memref<2x80x128xf32, #tpu.memory_space<vmem>> -> memref<1x80x128xf32, #tpu.memory_space<vmem>>
    %dma_wait3A_131 = tpu.memref_squeeze %dma_wait3A_130 : memref<1x80x128xf32, #tpu.memory_space<vmem>> -> memref<80x128xf32, #tpu.memory_space<vmem>>
    %dma_wait3A_132 = arith.constant 0 : i32
    %dma_wait3A_133 = tpu.memref_slice %arg10[%dma_wait3A_127, %dma_wait3A_132] : memref<2x80xi32, #tpu.memory_space<vmem>> -> memref<1x80xi32, #tpu.memory_space<vmem>>
    %dma_wait3A_134 = tpu.memref_squeeze %dma_wait3A_133 : memref<1x80xi32, #tpu.memory_space<vmem>> -> memref<80xi32, #tpu.memory_space<vmem>>
    %dma_wait3A_135 = arith.constant 0 : i32
    %dma_wait3A_136 = arith.constant 0 : i32
    %dma_wait3A_137 = tpu.memref_slice %arg12[%dma_wait3A_135, %dma_wait3A_136] : memref<10000x128xf32, #tpu.memory_space<vmem_shared>> -> memref<10000x128xf32, #tpu.memory_space<vmem_shared>>
    tpu.wait_indirect_dma semaphore(%arg16 : memref<!tpu.dma_semaphore, #tpu.memory_space<semaphore_mem>>) src(%dma_wait3A_131 : memref<80x128xf32, #tpu.memory_space<vmem>>) dst(%dma_wait3A_137 : memref<10000x128xf32, #tpu.memory_space<vmem_shared>>)
    %run_scoped3A = arith.constant 0 : i32
    %run_scoped3A_138 = arith.constant 0 : i32
    "tpu.region"() ({
      %run_scoped3A_150 = tpu.sem_alloc : memref<!tpu.dma_semaphore, #tpu.memory_space<semaphore_mem>>
      %dma_start3A_151 = arith.constant 0 : i32
      %dma_start3A_152 = arith.constant 0 : i32
      %dma_start3A_153 = tpu.memref_slice %arg11[%run_scoped3A, %dma_start3A_151, %dma_start3A_152] : memref<2x80x128xf32, #tpu.memory_space<vmem>> -> memref<1x80x128xf32, #tpu.memory_space<vmem>>
      %dma_start3A_154 = tpu.memref_squeeze %dma_start3A_153 : memref<1x80x128xf32, #tpu.memory_space<vmem>> -> memref<80x128xf32, #tpu.memory_space<vmem>>
      %dma_start3A_155 = arith.constant 0 : i32
      %dma_start3A_156 = tpu.memref_slice %arg10[%run_scoped3A_138, %dma_start3A_155] : memref<2x80xi32, #tpu.memory_space<vmem>> -> memref<1x80xi32, #tpu.memory_space<vmem>>
      %dma_start3A_157 = tpu.memref_squeeze %dma_start3A_156 : memref<1x80xi32, #tpu.memory_space<vmem>> -> memref<80xi32, #tpu.memory_space<vmem>>
      %dma_start3A_158 = arith.constant 0 : i32
      %dma_start3A_159 = arith.constant 0 : i32
      %dma_start3A_160 = tpu.memref_slice %arg12[%dma_start3A_158, %dma_start3A_159] : memref<10000x128xf32, #tpu.memory_space<vmem_shared>> -> memref<10000x128xf32, #tpu.memory_space<vmem_shared>>
      tpu.enqueue_indirect_dma source(%dma_start3A_154 : memref<80x128xf32, #tpu.memory_space<vmem>>) target(%dma_start3A_160 : memref<10000x128xf32, #tpu.memory_space<vmem_shared>>) offsets(%dma_start3A_157 : memref<80xi32, #tpu.memory_space<vmem>>) semaphore(%run_scoped3A_150 : memref<!tpu.dma_semaphore, #tpu.memory_space<semaphore_mem>>) {add = true}
      %dma_wait3A_161 = arith.constant 0 : i32
      %dma_wait3A_162 = arith.constant 0 : i32
      %dma_wait3A_163 = tpu.memref_slice %arg11[%run_scoped3A, %dma_wait3A_161, %dma_wait3A_162] : memref<2x80x128xf32, #tpu.memory_space<vmem>> -> memref<1x80x128xf32, #tpu.memory_space<vmem>>
      %dma_wait3A_164 = tpu.memref_squeeze %dma_wait3A_163 : memref<1x80x128xf32, #tpu.memory_space<vmem>> -> memref<80x128xf32, #tpu.memory_space<vmem>>
      %dma_wait3A_165 = arith.constant 0 : i32
      %dma_wait3A_166 = tpu.memref_slice %arg10[%run_scoped3A_138, %dma_wait3A_165] : memref<2x80xi32, #tpu.memory_space<vmem>> -> memref<1x80xi32, #tpu.memory_space<vmem>>
      %dma_wait3A_167 = tpu.memref_squeeze %dma_wait3A_166 : memref<1x80xi32, #tpu.memory_space<vmem>> -> memref<80xi32, #tpu.memory_space<vmem>>
      %dma_wait3A_168 = arith.constant 0 : i32
      %dma_wait3A_169 = arith.constant 0 : i32
      %dma_wait3A_170 = tpu.memref_slice %arg12[%dma_wait3A_168, %dma_wait3A_169] : memref<10000x128xf32, #tpu.memory_space<vmem_shared>> -> memref<10000x128xf32, #tpu.memory_space<vmem_shared>>
      tpu.wait_indirect_dma semaphore(%run_scoped3A_150 : memref<!tpu.dma_semaphore, #tpu.memory_space<semaphore_mem>>) src(%dma_wait3A_164 : memref<80x128xf32, #tpu.memory_space<vmem>>) dst(%dma_wait3A_170 : memref<10000x128xf32, #tpu.memory_space<vmem_shared>>)
      tpu.yield
    }) : () -> ()
    %barrier3A_139 = arith.constant 0 : index
    tpu.barrier barrier_id(%barrier3A_139)
    %lt3A_140 = arith.constant 15 : i32
    %lt3A_141 = arith.cmpi slt, %arg1, %lt3A_140 : i32
    %convert_element_type3A_142 = arith.extui %lt3A_141 : i1 to i32
    %cond3A_143 = arith.constant 0 : i32
    %cond3A_144 = arith.cmpi ne, %convert_element_type3A_142, %cond3A_143 : i32
    scf.if %cond3A_144 {
      "tpu.region"() ({
        %run_scoped3A_150 = tpu.sem_alloc : memref<!tpu.dma_semaphore, #tpu.memory_space<semaphore_mem>>
        %dma_start3A_151 = arith.constant 0 : i32
        %dma_start3A_152 = tpu.memref_slice %arg6[%arg0, %mul3A_2, %dma_start3A_151] : memref<2x10000x128xf32, #tpu.memory_space<hbm>> -> memref<1x624x128xf32, #tpu.memory_space<hbm>>
        %dma_start3A_153 = tpu.memref_squeeze %dma_start3A_152 : memref<1x624x128xf32, #tpu.memory_space<hbm>> -> memref<624x128xf32, #tpu.memory_space<hbm>>
        %dma_start3A_154 = arith.constant 0 : i32
        %dma_start3A_155 = tpu.memref_slice %arg12[%mul3A_2, %dma_start3A_154] : memref<10000x128xf32, #tpu.memory_space<vmem_shared>> -> memref<624x128xf32, #tpu.memory_space<vmem_shared>>
        tpu.enqueue_dma source(%dma_start3A_155 : memref<624x128xf32, #tpu.memory_space<vmem_shared>>) target(%dma_start3A_153 : memref<624x128xf32, #tpu.memory_space<hbm>>) target_semaphore(%run_scoped3A_150 : memref<!tpu.dma_semaphore, #tpu.memory_space<semaphore_mem>>)
        %dma_wait3A_156 = arith.constant 0 : i32
        %dma_wait3A_157 = tpu.memref_slice %arg6[%arg0, %mul3A_2, %dma_wait3A_156] : memref<2x10000x128xf32, #tpu.memory_space<hbm>> -> memref<1x624x128xf32, #tpu.memory_space<hbm>>
        %dma_wait3A_158 = tpu.memref_squeeze %dma_wait3A_157 : memref<1x624x128xf32, #tpu.memory_space<hbm>> -> memref<624x128xf32, #tpu.memory_space<hbm>>
        %dma_wait3A_159 = arith.constant 0 : i32
        %dma_wait3A_160 = tpu.memref_slice %arg12[%mul3A_2, %dma_wait3A_159] : memref<10000x128xf32, #tpu.memory_space<vmem_shared>> -> memref<624x128xf32, #tpu.memory_space<vmem_shared>>
        tpu.wait_dma2 semaphore(%run_scoped3A_150 : memref<!tpu.dma_semaphore, #tpu.memory_space<semaphore_mem>>) src(%dma_wait3A_160 : memref<624x128xf32, #tpu.memory_space<vmem_shared>>) dst(%dma_wait3A_158 : memref<624x128xf32, #tpu.memory_space<hbm>>)
        tpu.yield
      }) : () -> ()
    } else {
    }
    %eq3A_145 = arith.constant 15 : i32
    %eq3A_146 = arith.cmpi eq, %arg1, %eq3A_145 : i32
    %convert_element_type3A_147 = arith.extui %eq3A_146 : i1 to i32
    %cond3A_148 = arith.constant 0 : i32
    %cond3A_149 = arith.cmpi ne, %convert_element_type3A_147, %cond3A_148 : i32
    scf.if %cond3A_149 {
      "tpu.region"() ({
        %run_scoped3A_150 = tpu.sem_alloc : memref<!tpu.dma_semaphore, #tpu.memory_space<semaphore_mem>>
        %dma_start3A_151 = arith.constant 0 : i32
        %dma_start3A_152 = tpu.memref_slice %arg6[%arg0, %mul3A_2, %dma_start3A_151] : memref<2x10000x128xf32, #tpu.memory_space<hbm>> -> memref<1x640x128xf32, #tpu.memory_space<hbm>>
        %dma_start3A_153 = tpu.memref_squeeze %dma_start3A_152 : memref<1x640x128xf32, #tpu.memory_space<hbm>> -> memref<640x128xf32, #tpu.memory_space<hbm>>
        %dma_start3A_154 = arith.constant 0 : i32
        %dma_start3A_155 = tpu.memref_slice %arg12[%mul3A_2, %dma_start3A_154] : memref<10000x128xf32, #tpu.memory_space<vmem_shared>> -> memref<640x128xf32, #tpu.memory_space<vmem_shared>>
        tpu.enqueue_dma source(%dma_start3A_155 : memref<640x128xf32, #tpu.memory_space<vmem_shared>>) target(%dma_start3A_153 : memref<640x128xf32, #tpu.memory_space<hbm>>) target_semaphore(%run_scoped3A_150 : memref<!tpu.dma_semaphore, #tpu.memory_space<semaphore_mem>>)
        %dma_wait3A_156 = arith.constant 0 : i32
        %dma_wait3A_157 = tpu.memref_slice %arg6[%arg0, %mul3A_2, %dma_wait3A_156] : memref<2x10000x128xf32, #tpu.memory_space<hbm>> -> memref<1x640x128xf32, #tpu.memory_space<hbm>>
        %dma_wait3A_158 = tpu.memref_squeeze %dma_wait3A_157 : memref<1x640x128xf32, #tpu.memory_space<hbm>> -> memref<640x128xf32, #tpu.memory_space<hbm>>
        %dma_wait3A_159 = arith.constant 0 : i32
        %dma_wait3A_160 = tpu.memref_slice %arg12[%mul3A_2, %dma_wait3A_159] : memref<10000x128xf32, #tpu.memory_space<vmem_shared>> -> memref<640x128xf32, #tpu.memory_space<vmem_shared>>
        tpu.wait_dma2 semaphore(%run_scoped3A_150 : memref<!tpu.dma_semaphore, #tpu.memory_space<semaphore_mem>>) src(%dma_wait3A_160 : memref<640x128xf32, #tpu.memory_space<vmem_shared>>) dst(%dma_wait3A_158 : memref<640x128xf32, #tpu.memory_space<hbm>>)
        tpu.yield
      }) : () -> ()
    } else {
    }
    return
  }
}

#map = affine_map<(d0, d1) -> (0, 0)>
#map1 = affine_map<(d0, d1) -> (0, 0, 0)>
module attributes {stable_mosaic.version = 14 : i64} {
  func.func @_sc_edge_pass(%arg0: i32, %arg1: i32, %arg2: memref<10000x128xf32, #tpu.memory_space<hbm>>, %arg3: memref<32x10000xi32, #tpu.memory_space<hbm>>, %arg4: memref<32x10000xf32, #tpu.memory_space<hbm>>, %arg5: memref<10000x128xf32, #tpu.memory_space<hbm>>, %arg6: memref<2x10000x128xf32, #tpu.memory_space<hbm>>, %arg7: memref<10000xi32, #tpu.memory_space<vmem>>, %arg8: memref<10000xf32, #tpu.memory_space<vmem>>, %arg9: memref<2x80xi32, #tpu.memory_space<vmem>>, %arg10: memref<2x80xi32, #tpu.memory_space<vmem>>, %arg11: memref<2x80x128xf32, #tpu.memory_space<vmem>>, %arg12: memref<10000x128xf32, #tpu.memory_space<vmem_shared>>, %arg13: memref<!tpu.dma_semaphore, #tpu.memory_space<semaphore_mem>>, %arg14: memref<!tpu.dma_semaphore, #tpu.memory_space<semaphore_mem>>, %arg15: memref<!tpu.dma_semaphore, #tpu.memory_space<semaphore_mem>>, %arg16: memref<!tpu.dma_semaphore, #tpu.memory_space<semaphore_mem>>) attributes {dimension_semantics = [#tpu.dimension_semantics<core_parallel>, #tpu.dimension_semantics<subcore_parallel>], iteration_bounds = array<i64: 2, 16>, scalar_prefetch = 0 : i64, scratch_operands = 10 : i64, tpu.core_type = #tpu.core_type<sc_vector_subcore>, window_params = [{transform_indices = #map}, {transform_indices = #map}, {transform_indices = #map}, {transform_indices = #map}, {transform_indices = #map1}]} {
    %mul3A = arith.constant 2 : i32
    %mul3A_0 = arith.muli %arg1, %mul3A : i32
    %add3A = arith.addi %mul3A_0, %arg0 : i32
    %mul3A_1 = arith.constant 624 : i32
    %mul3A_2 = arith.muli %arg1, %mul3A_1 : i32
    %lt3A = arith.constant 15 : i32
    %lt3A_3 = arith.cmpi slt, %arg1, %lt3A : i32
    %convert_element_type3A = arith.extui %lt3A_3 : i1 to i32
    %cond3A = arith.constant 0 : i32
    %cond3A_4 = arith.cmpi ne, %convert_element_type3A, %cond3A : i32
    scf.if %cond3A_4 {
      "tpu.region"() ({
        %run_scoped3A_150 = tpu.sem_alloc : memref<!tpu.dma_semaphore, #tpu.memory_space<semaphore_mem>>
        %dma_start3A_151 = arith.constant 0 : i32
        %dma_start3A_152 = tpu.memref_slice %arg12[%mul3A_2, %dma_start3A_151] : memref<10000x128xf32, #tpu.memory_space<vmem_shared>> -> memref<624x128xf32, #tpu.memory_space<vmem_shared>>
        %dma_start3A_153 = arith.constant 0 : i32
        %dma_start3A_154 = tpu.memref_slice %arg5[%mul3A_2, %dma_start3A_153] : memref<10000x128xf32, #tpu.memory_space<hbm>> -> memref<624x128xf32, #tpu.memory_space<hbm>>
        tpu.enqueue_dma source(%dma_start3A_154 : memref<624x128xf32, #tpu.memory_space<hbm>>) target(%dma_start3A_152 : memref<624x128xf32, #tpu.memory_space<vmem_shared>>) target_semaphore(%run_scoped3A_150 : memref<!tpu.dma_semaphore, #tpu.memory_space<semaphore_mem>>)
        %dma_wait3A_155 = arith.constant 0 : i32
        %dma_wait3A_156 = tpu.memref_slice %arg12[%mul3A_2, %dma_wait3A_155] : memref<10000x128xf32, #tpu.memory_space<vmem_shared>> -> memref<624x128xf32, #tpu.memory_space<vmem_shared>>
        %dma_wait3A_157 = arith.constant 0 : i32
        %dma_wait3A_158 = tpu.memref_slice %arg5[%mul3A_2, %dma_wait3A_157] : memref<10000x128xf32, #tpu.memory_space<hbm>> -> memref<624x128xf32, #tpu.memory_space<hbm>>
        tpu.wait_dma2 semaphore(%run_scoped3A_150 : memref<!tpu.dma_semaphore, #tpu.memory_space<semaphore_mem>>) src(%dma_wait3A_158 : memref<624x128xf32, #tpu.memory_space<hbm>>) dst(%dma_wait3A_156 : memref<624x128xf32, #tpu.memory_space<vmem_shared>>)
        tpu.yield
      }) : () -> ()
    } else {
    }
    %eq3A = arith.constant 15 : i32
    %eq3A_5 = arith.cmpi eq, %arg1, %eq3A : i32
    %convert_element_type3A_6 = arith.extui %eq3A_5 : i1 to i32
    %cond3A_7 = arith.constant 0 : i32
    %cond3A_8 = arith.cmpi ne, %convert_element_type3A_6, %cond3A_7 : i32
    scf.if %cond3A_8 {
      "tpu.region"() ({
        %run_scoped3A_150 = tpu.sem_alloc : memref<!tpu.dma_semaphore, #tpu.memory_space<semaphore_mem>>
        %dma_start3A_151 = arith.constant 0 : i32
        %dma_start3A_152 = tpu.memref_slice %arg12[%mul3A_2, %dma_start3A_151] : memref<10000x128xf32, #tpu.memory_space<vmem_shared>> -> memref<640x128xf32, #tpu.memory_space<vmem_shared>>
        %dma_start3A_153 = arith.constant 0 : i32
        %dma_start3A_154 = tpu.memref_slice %arg5[%mul3A_2, %dma_start3A_153] : memref<10000x128xf32, #tpu.memory_space<hbm>> -> memref<640x128xf32, #tpu.memory_space<hbm>>
        tpu.enqueue_dma source(%dma_start3A_154 : memref<640x128xf32, #tpu.memory_space<hbm>>) target(%dma_start3A_152 : memref<640x128xf32, #tpu.memory_space<vmem_shared>>) target_semaphore(%run_scoped3A_150 : memref<!tpu.dma_semaphore, #tpu.memory_space<semaphore_mem>>)
        %dma_wait3A_155 = arith.constant 0 : i32
        %dma_wait3A_156 = tpu.memref_slice %arg12[%mul3A_2, %dma_wait3A_155] : memref<10000x128xf32, #tpu.memory_space<vmem_shared>> -> memref<640x128xf32, #tpu.memory_space<vmem_shared>>
        %dma_wait3A_157 = arith.constant 0 : i32
        %dma_wait3A_158 = tpu.memref_slice %arg5[%mul3A_2, %dma_wait3A_157] : memref<10000x128xf32, #tpu.memory_space<hbm>> -> memref<640x128xf32, #tpu.memory_space<hbm>>
        tpu.wait_dma2 semaphore(%run_scoped3A_150 : memref<!tpu.dma_semaphore, #tpu.memory_space<semaphore_mem>>) src(%dma_wait3A_158 : memref<640x128xf32, #tpu.memory_space<hbm>>) dst(%dma_wait3A_156 : memref<640x128xf32, #tpu.memory_space<vmem_shared>>)
        tpu.yield
      }) : () -> ()
    } else {
    }
    "tpu.region"() ({
      %run_scoped3A_150 = tpu.sem_alloc : memref<!tpu.dma_semaphore, #tpu.memory_space<semaphore_mem>>
      %dma_start3A_151 = arith.constant 0 : i32
      %dma_start3A_152 = tpu.memref_slice %arg3[%add3A, %dma_start3A_151] : memref<32x10000xi32, #tpu.memory_space<hbm>> -> memref<1x10000xi32, #tpu.memory_space<hbm>>
      %dma_start3A_153 = tpu.memref_squeeze %dma_start3A_152 : memref<1x10000xi32, #tpu.memory_space<hbm>> -> memref<10000xi32, #tpu.memory_space<hbm>>
      %dma_start3A_154 = arith.constant 0 : i32
      %dma_start3A_155 = tpu.memref_slice %arg3[%add3A, %dma_start3A_154] : memref<32x10000xi32, #tpu.memory_space<hbm>> -> memref<1x10000xi32, #tpu.memory_space<hbm>>
      %dma_start3A_156 = tpu.memref_squeeze %dma_start3A_155 : memref<1x10000xi32, #tpu.memory_space<hbm>> -> memref<10000xi32, #tpu.memory_space<hbm>>
      tpu.enqueue_dma source(%dma_start3A_156 : memref<10000xi32, #tpu.memory_space<hbm>>) target(%arg7 : memref<10000xi32, #tpu.memory_space<vmem>>) target_semaphore(%run_scoped3A_150 : memref<!tpu.dma_semaphore, #tpu.memory_space<semaphore_mem>>)
      %dma_wait3A_157 = arith.constant 0 : i32
      %dma_wait3A_158 = tpu.memref_slice %arg3[%add3A, %dma_wait3A_157] : memref<32x10000xi32, #tpu.memory_space<hbm>> -> memref<1x10000xi32, #tpu.memory_space<hbm>>
      %dma_wait3A_159 = tpu.memref_squeeze %dma_wait3A_158 : memref<1x10000xi32, #tpu.memory_space<hbm>> -> memref<10000xi32, #tpu.memory_space<hbm>>
      %dma_wait3A_160 = arith.constant 0 : i32
      %dma_wait3A_161 = tpu.memref_slice %arg3[%add3A, %dma_wait3A_160] : memref<32x10000xi32, #tpu.memory_space<hbm>> -> memref<1x10000xi32, #tpu.memory_space<hbm>>
      %dma_wait3A_162 = tpu.memref_squeeze %dma_wait3A_161 : memref<1x10000xi32, #tpu.memory_space<hbm>> -> memref<10000xi32, #tpu.memory_space<hbm>>
      tpu.wait_dma2 semaphore(%run_scoped3A_150 : memref<!tpu.dma_semaphore, #tpu.memory_space<semaphore_mem>>) src(%dma_wait3A_162 : memref<10000xi32, #tpu.memory_space<hbm>>) dst(%arg7 : memref<10000xi32, #tpu.memory_space<vmem>>)
      tpu.yield
    }) : () -> ()
    "tpu.region"() ({
      %run_scoped3A_150 = tpu.sem_alloc : memref<!tpu.dma_semaphore, #tpu.memory_space<semaphore_mem>>
      %dma_start3A_151 = arith.constant 0 : i32
      %dma_start3A_152 = tpu.memref_slice %arg4[%add3A, %dma_start3A_151] : memref<32x10000xf32, #tpu.memory_space<hbm>> -> memref<1x10000xf32, #tpu.memory_space<hbm>>
      %dma_start3A_153 = tpu.memref_squeeze %dma_start3A_152 : memref<1x10000xf32, #tpu.memory_space<hbm>> -> memref<10000xf32, #tpu.memory_space<hbm>>
      %dma_start3A_154 = arith.constant 0 : i32
      %dma_start3A_155 = tpu.memref_slice %arg4[%add3A, %dma_start3A_154] : memref<32x10000xf32, #tpu.memory_space<hbm>> -> memref<1x10000xf32, #tpu.memory_space<hbm>>
      %dma_start3A_156 = tpu.memref_squeeze %dma_start3A_155 : memref<1x10000xf32, #tpu.memory_space<hbm>> -> memref<10000xf32, #tpu.memory_space<hbm>>
      tpu.enqueue_dma source(%dma_start3A_156 : memref<10000xf32, #tpu.memory_space<hbm>>) target(%arg8 : memref<10000xf32, #tpu.memory_space<vmem>>) target_semaphore(%run_scoped3A_150 : memref<!tpu.dma_semaphore, #tpu.memory_space<semaphore_mem>>)
      %dma_wait3A_157 = arith.constant 0 : i32
      %dma_wait3A_158 = tpu.memref_slice %arg4[%add3A, %dma_wait3A_157] : memref<32x10000xf32, #tpu.memory_space<hbm>> -> memref<1x10000xf32, #tpu.memory_space<hbm>>
      %dma_wait3A_159 = tpu.memref_squeeze %dma_wait3A_158 : memref<1x10000xf32, #tpu.memory_space<hbm>> -> memref<10000xf32, #tpu.memory_space<hbm>>
      %dma_wait3A_160 = arith.constant 0 : i32
      %dma_wait3A_161 = tpu.memref_slice %arg4[%add3A, %dma_wait3A_160] : memref<32x10000xf32, #tpu.memory_space<hbm>> -> memref<1x10000xf32, #tpu.memory_space<hbm>>
      %dma_wait3A_162 = tpu.memref_squeeze %dma_wait3A_161 : memref<1x10000xf32, #tpu.memory_space<hbm>> -> memref<10000xf32, #tpu.memory_space<hbm>>
      tpu.wait_dma2 semaphore(%run_scoped3A_150 : memref<!tpu.dma_semaphore, #tpu.memory_space<semaphore_mem>>) src(%dma_wait3A_162 : memref<10000xf32, #tpu.memory_space<hbm>>) dst(%arg8 : memref<10000xf32, #tpu.memory_space<vmem>>)
      tpu.yield
    }) : () -> ()
    %barrier3A = arith.constant 0 : index
    tpu.barrier barrier_id(%barrier3A)
    %get3A = arith.constant 0 : index
    %get3A_9 = tpu.vector_load %arg7[%get3A] {strides = array<i32>} : memref<10000xi32, #tpu.memory_space<vmem>>, vector<16xi32>,
    %and3A = arith.constant 65535 : i32
    %and3A_10 = vector.broadcast %and3A : i32 to vector<16xi32>
    %and3A_11 = arith.andi %get3A_9, %and3A_10 : vector<16xi32>
    %swap3A = arith.constant 0 : i32
    %swap3A_12 = arith.index_cast %swap3A : i32 to index
    %swap3A_13 = arith.constant 0 : index
    %swap3A_14 = tpu.vector_load %arg9[%swap3A_12, %swap3A_13] {strides = array<i32>} : memref<2x80xi32, #tpu.memory_space<vmem>>, vector<16xi32>,
    tpu.vector_store %arg9[%swap3A_12, %swap3A_13], %and3A_11 {strides = array<i32>} : memref<2x80xi32, #tpu.memory_space<vmem>>, vector<16xi32>,
    %get3A_15 = arith.constant 16 : index
    %get3A_16 = tpu.vector_load %arg7[%get3A_15] {strides = array<i32>} : memref<10000xi32, #tpu.memory_space<vmem>>, vector<16xi32>,
    %and3A_17 = arith.constant 65535 : i32
    %and3A_18 = vector.broadcast %and3A_17 : i32 to vector<16xi32>
    %and3A_19 = arith.andi %get3A_16, %and3A_18 : vector<16xi32>
    %swap3A_20 = arith.constant 0 : i32
    %swap3A_21 = arith.index_cast %swap3A_20 : i32 to index
    %swap3A_22 = arith.constant 16 : index
    %swap3A_23 = tpu.vector_load %arg9[%swap3A_21, %swap3A_22] {strides = array<i32>} : memref<2x80xi32, #tpu.memory_space<vmem>>, vector<16xi32>,
    tpu.vector_store %arg9[%swap3A_21, %swap3A_22], %and3A_19 {strides = array<i32>} : memref<2x80xi32, #tpu.memory_space<vmem>>, vector<16xi32>,
    %get3A_24 = arith.constant 32 : index
    %get3A_25 = tpu.vector_load %arg7[%get3A_24] {strides = array<i32>} : memref<10000xi32, #tpu.memory_space<vmem>>, vector<16xi32>,
    %and3A_26 = arith.constant 65535 : i32
    %and3A_27 = vector.broadcast %and3A_26 : i32 to vector<16xi32>
    %and3A_28 = arith.andi %get3A_25, %and3A_27 : vector<16xi32>
    %swap3A_29 = arith.constant 0 : i32
    %swap3A_30 = arith.index_cast %swap3A_29 : i32 to index
    %swap3A_31 = arith.constant 32 : index
    %swap3A_32 = tpu.vector_load %arg9[%swap3A_30, %swap3A_31] {strides = array<i32>} : memref<2x80xi32, #tpu.memory_space<vmem>>, vector<16xi32>,
    tpu.vector_store %arg9[%swap3A_30, %swap3A_31], %and3A_28 {strides = array<i32>} : memref<2x80xi32, #tpu.memory_space<vmem>>, vector<16xi32>,
    %get3A_33 = arith.constant 48 : index
    %get3A_34 = tpu.vector_load %arg7[%get3A_33] {strides = array<i32>} : memref<10000xi32, #tpu.memory_space<vmem>>, vector<16xi32>,
    %and3A_35 = arith.constant 65535 : i32
    %and3A_36 = vector.broadcast %and3A_35 : i32 to vector<16xi32>
    %and3A_37 = arith.andi %get3A_34, %and3A_36 : vector<16xi32>
    %swap3A_38 = arith.constant 0 : i32
    %swap3A_39 = arith.index_cast %swap3A_38 : i32 to index
    %swap3A_40 = arith.constant 48 : index
    %swap3A_41 = tpu.vector_load %arg9[%swap3A_39, %swap3A_40] {strides = array<i32>} : memref<2x80xi32, #tpu.memory_space<vmem>>, vector<16xi32>,
    tpu.vector_store %arg9[%swap3A_39, %swap3A_40], %and3A_37 {strides = array<i32>} : memref<2x80xi32, #tpu.memory_space<vmem>>, vector<16xi32>,
    %get3A_42 = arith.constant 64 : index
    %get3A_43 = tpu.vector_load %arg7[%get3A_42] {strides = array<i32>} : memref<10000xi32, #tpu.memory_space<vmem>>, vector<16xi32>,
    %and3A_44 = arith.constant 65535 : i32
    %and3A_45 = vector.broadcast %and3A_44 : i32 to vector<16xi32>
    %and3A_46 = arith.andi %get3A_43, %and3A_45 : vector<16xi32>
    %swap3A_47 = arith.constant 0 : i32
    %swap3A_48 = arith.index_cast %swap3A_47 : i32 to index
    %swap3A_49 = arith.constant 64 : index
    %swap3A_50 = tpu.vector_load %arg9[%swap3A_48, %swap3A_49] {strides = array<i32>} : memref<2x80xi32, #tpu.memory_space<vmem>>, vector<16xi32>,
    tpu.vector_store %arg9[%swap3A_48, %swap3A_49], %and3A_46 {strides = array<i32>} : memref<2x80xi32, #tpu.memory_space<vmem>>, vector<16xi32>,
    %dma_start3A = arith.constant 0 : i32
    %dma_start3A_51 = arith.constant 0 : i32
    %dma_start3A_52 = arith.constant 0 : i32
    %dma_start3A_53 = arith.constant 0 : i32
    %dma_start3A_54 = tpu.memref_slice %arg11[%dma_start3A_51, %dma_start3A_52, %dma_start3A_53] : memref<2x80x128xf32, #tpu.memory_space<vmem>> -> memref<1x80x128xf32, #tpu.memory_space<vmem>>
    %dma_start3A_55 = tpu.memref_squeeze %dma_start3A_54 : memref<1x80x128xf32, #tpu.memory_space<vmem>> -> memref<80x128xf32, #tpu.memory_space<vmem>>
    %dma_start3A_56 = arith.constant 0 : i32
    %dma_start3A_57 = tpu.memref_slice %arg9[%dma_start3A, %dma_start3A_56] : memref<2x80xi32, #tpu.memory_space<vmem>> -> memref<1x80xi32, #tpu.memory_space<vmem>>
    %dma_start3A_58 = tpu.memref_squeeze %dma_start3A_57 : memref<1x80xi32, #tpu.memory_space<vmem>> -> memref<80xi32, #tpu.memory_space<vmem>>
    %dma_start3A_59 = arith.constant 0 : i32
    %dma_start3A_60 = arith.constant 0 : i32
    %dma_start3A_61 = tpu.memref_slice %arg2[%dma_start3A_59, %dma_start3A_60] : memref<10000x128xf32, #tpu.memory_space<hbm>> -> memref<10000x128xf32, #tpu.memory_space<hbm>>
    tpu.enqueue_indirect_dma source(%dma_start3A_61 : memref<10000x128xf32, #tpu.memory_space<hbm>>) target(%dma_start3A_55 : memref<80x128xf32, #tpu.memory_space<vmem>>) offsets(%dma_start3A_58 : memref<80xi32, #tpu.memory_space<vmem>>) semaphore(%arg13 : memref<!tpu.dma_semaphore, #tpu.memory_space<semaphore_mem>>)
    %scan3A = arith.constant 0 : i32
    %scan3A_62 = arith.constant 62 : i32
    %scan3A_63 = arith.addi %scan3A, %scan3A_62 : i32
    %scan3A_64 = arith.constant 1 : i32
    scf.for %scan3A_150 = %scan3A to %scan3A_63 step %scan3A_64  : i32 {
      %mul3A_151 = arith.constant 2 : i32
      %mul3A_152 = arith.muli %scan3A_150, %mul3A_151 : i32
      %add3A_153 = arith.constant 0 : i32
      %add3A_154 = arith.addi %add3A_153, %mul3A_152 : i32
      %add3A_155 = arith.constant 0 : i32
      %add3A_156 = arith.addi %add3A_154, %add3A_155 : i32
      %add3A_157 = arith.constant 1 : i32
      %add3A_158 = arith.addi %add3A_156, %add3A_157 : i32
      %mul3A_159 = arith.constant 80 : i32
      %mul3A_160 = arith.muli %add3A_158, %mul3A_159 : i32
      %add3A_161 = arith.constant 0 : i32
      %add3A_162 = arith.addi %mul3A_160, %add3A_161 : i32
      %get3A_163 = arith.index_cast %add3A_162 : i32 to index
      %get3A_164 = tpu.vector_load %arg7[%get3A_163] {strides = array<i32>} : memref<10000xi32, #tpu.memory_space<vmem>>, vector<16xi32>,
      %and3A_165 = arith.constant 65535 : i32
      %and3A_166 = vector.broadcast %and3A_165 : i32 to vector<16xi32>
      %and3A_167 = arith.andi %get3A_164, %and3A_166 : vector<16xi32>
      %swap3A_168 = arith.constant 1 : i32
      %swap3A_169 = arith.index_cast %swap3A_168 : i32 to index
      %swap3A_170 = arith.constant 0 : index
      %swap3A_171 = tpu.vector_load %arg9[%swap3A_169, %swap3A_170] {strides = array<i32>} : memref<2x80xi32, #tpu.memory_space<vmem>>, vector<16xi32>,
      tpu.vector_store %arg9[%swap3A_169, %swap3A_170], %and3A_167 {strides = array<i32>} : memref<2x80xi32, #tpu.memory_space<vmem>>, vector<16xi32>,
      %mul3A_172 = arith.constant 80 : i32
      %mul3A_173 = arith.muli %add3A_158, %mul3A_172 : i32
      %add3A_174 = arith.constant 16 : i32
      %add3A_175 = arith.addi %mul3A_173, %add3A_174 : i32
      %get3A_176 = arith.index_cast %add3A_175 : i32 to index
      %get3A_177 = tpu.vector_load %arg7[%get3A_176] {strides = array<i32>} : memref<10000xi32, #tpu.memory_space<vmem>>, vector<16xi32>,
      %and3A_178 = arith.constant 65535 : i32
      %and3A_179 = vector.broadcast %and3A_178 : i32 to vector<16xi32>
      %and3A_180 = arith.andi %get3A_177, %and3A_179 : vector<16xi32>
      %swap3A_181 = arith.constant 1 : i32
      %swap3A_182 = arith.index_cast %swap3A_181 : i32 to index
      %swap3A_183 = arith.constant 16 : index
      %swap3A_184 = tpu.vector_load %arg9[%swap3A_182, %swap3A_183] {strides = array<i32>} : memref<2x80xi32, #tpu.memory_space<vmem>>, vector<16xi32>,
      tpu.vector_store %arg9[%swap3A_182, %swap3A_183], %and3A_180 {strides = array<i32>} : memref<2x80xi32, #tpu.memory_space<vmem>>, vector<16xi32>,
      %mul3A_185 = arith.constant 80 : i32
      %mul3A_186 = arith.muli %add3A_158, %mul3A_185 : i32
      %add3A_187 = arith.constant 32 : i32
      %add3A_188 = arith.addi %mul3A_186, %add3A_187 : i32
      %get3A_189 = arith.index_cast %add3A_188 : i32 to index
      %get3A_190 = tpu.vector_load %arg7[%get3A_189] {strides = array<i32>} : memref<10000xi32, #tpu.memory_space<vmem>>, vector<16xi32>,
      %and3A_191 = arith.constant 65535 : i32
      %and3A_192 = vector.broadcast %and3A_191 : i32 to vector<16xi32>
      %and3A_193 = arith.andi %get3A_190, %and3A_192 : vector<16xi32>
      %swap3A_194 = arith.constant 1 : i32
      %swap3A_195 = arith.index_cast %swap3A_194 : i32 to index
      %swap3A_196 = arith.constant 32 : index
      %swap3A_197 = tpu.vector_load %arg9[%swap3A_195, %swap3A_196] {strides = array<i32>} : memref<2x80xi32, #tpu.memory_space<vmem>>, vector<16xi32>,
      tpu.vector_store %arg9[%swap3A_195, %swap3A_196], %and3A_193 {strides = array<i32>} : memref<2x80xi32, #tpu.memory_space<vmem>>, vector<16xi32>,
      %mul3A_198 = arith.constant 80 : i32
      %mul3A_199 = arith.muli %add3A_158, %mul3A_198 : i32
      %add3A_200 = arith.constant 48 : i32
      %add3A_201 = arith.addi %mul3A_199, %add3A_200 : i32
      %get3A_202 = arith.index_cast %add3A_201 : i32 to index
      %get3A_203 = tpu.vector_load %arg7[%get3A_202] {strides = array<i32>} : memref<10000xi32, #tpu.memory_space<vmem>>, vector<16xi32>,
      %and3A_204 = arith.constant 65535 : i32
      %and3A_205 = vector.broadcast %and3A_204 : i32 to vector<16xi32>
      %and3A_206 = arith.andi %get3A_203, %and3A_205 : vector<16xi32>
      %swap3A_207 = arith.constant 1 : i32
      %swap3A_208 = arith.index_cast %swap3A_207 : i32 to index
      %swap3A_209 = arith.constant 48 : index
      %swap3A_210 = tpu.vector_load %arg9[%swap3A_208, %swap3A_209] {strides = array<i32>} : memref<2x80xi32, #tpu.memory_space<vmem>>, vector<16xi32>,
      tpu.vector_store %arg9[%swap3A_208, %swap3A_209], %and3A_206 {strides = array<i32>} : memref<2x80xi32, #tpu.memory_space<vmem>>, vector<16xi32>,
      %mul3A_211 = arith.constant 80 : i32
      %mul3A_212 = arith.muli %add3A_158, %mul3A_211 : i32
      %add3A_213 = arith.constant 64 : i32
      %add3A_214 = arith.addi %mul3A_212, %add3A_213 : i32
      %get3A_215 = arith.index_cast %add3A_214 : i32 to index
      %get3A_216 = tpu.vector_load %arg7[%get3A_215] {strides = array<i32>} : memref<10000xi32, #tpu.memory_space<vmem>>, vector<16xi32>,
      %and3A_217 = arith.constant 65535 : i32
      %and3A_218 = vector.broadcast %and3A_217 : i32 to vector<16xi32>
      %and3A_219 = arith.andi %get3A_216, %and3A_218 : vector<16xi32>
      %swap3A_220 = arith.constant 1 : i32
      %swap3A_221 = arith.index_cast %swap3A_220 : i32 to index
      %swap3A_222 = arith.constant 64 : index
      %swap3A_223 = tpu.vector_load %arg9[%swap3A_221, %swap3A_222] {strides = array<i32>} : memref<2x80xi32, #tpu.memory_space<vmem>>, vector<16xi32>,
      tpu.vector_store %arg9[%swap3A_221, %swap3A_222], %and3A_219 {strides = array<i32>} : memref<2x80xi32, #tpu.memory_space<vmem>>, vector<16xi32>,
      %gt3A = arith.constant 0 : i32
      %gt3A_224 = arith.cmpi sgt, %add3A_154, %gt3A : i32
      %convert_element_type3A_225 = arith.extui %gt3A_224 : i1 to i32
      %cond3A_226 = arith.constant 0 : i32
      %cond3A_227 = arith.cmpi ne, %convert_element_type3A_225, %cond3A_226 : i32
      scf.if %cond3A_227 {
        %sub3A_526 = arith.constant 1 : i32
        %sub3A_527 = arith.subi %add3A_156, %sub3A_526 : i32
        %dma_wait3A_528 = arith.constant 1 : i32
        %dma_wait3A_529 = arith.constant 1 : i32
        %dma_wait3A_530 = arith.constant 0 : i32
        %dma_wait3A_531 = arith.constant 0 : i32
        %dma_wait3A_532 = tpu.memref_slice %arg11[%dma_wait3A_528, %dma_wait3A_530, %dma_wait3A_531] : memref<2x80x128xf32, #tpu.memory_space<vmem>> -> memref<1x80x128xf32, #tpu.memory_space<vmem>>
        %dma_wait3A_533 = tpu.memref_squeeze %dma_wait3A_532 : memref<1x80x128xf32, #tpu.memory_space<vmem>> -> memref<80x128xf32, #tpu.memory_space<vmem>>
        %dma_wait3A_534 = arith.constant 0 : i32
        %dma_wait3A_535 = tpu.memref_slice %arg10[%dma_wait3A_529, %dma_wait3A_534] : memref<2x80xi32, #tpu.memory_space<vmem>> -> memref<1x80xi32, #tpu.memory_space<vmem>>
        %dma_wait3A_536 = tpu.memref_squeeze %dma_wait3A_535 : memref<1x80xi32, #tpu.memory_space<vmem>> -> memref<80xi32, #tpu.memory_space<vmem>>
        %dma_wait3A_537 = arith.constant 0 : i32
        %dma_wait3A_538 = arith.constant 0 : i32
        %dma_wait3A_539 = tpu.memref_slice %arg12[%dma_wait3A_537, %dma_wait3A_538] : memref<10000x128xf32, #tpu.memory_space<vmem_shared>> -> memref<10000x128xf32, #tpu.memory_space<vmem_shared>>
        tpu.wait_indirect_dma semaphore(%arg16 : memref<!tpu.dma_semaphore, #tpu.memory_space<semaphore_mem>>) src(%dma_wait3A_533 : memref<80x128xf32, #tpu.memory_space<vmem>>) dst(%dma_wait3A_539 : memref<10000x128xf32, #tpu.memory_space<vmem_shared>>)
      } else {
      }
      %add3A_228 = arith.constant 1 : i32
      %add3A_229 = arith.addi %add3A_156, %add3A_228 : i32
      %dma_start3A_230 = arith.constant 1 : i32
      %dma_start3A_231 = arith.constant 1 : i32
      %dma_start3A_232 = arith.constant 0 : i32
      %dma_start3A_233 = arith.constant 0 : i32
      %dma_start3A_234 = tpu.memref_slice %arg11[%dma_start3A_231, %dma_start3A_232, %dma_start3A_233] : memref<2x80x128xf32, #tpu.memory_space<vmem>> -> memref<1x80x128xf32, #tpu.memory_space<vmem>>
      %dma_start3A_235 = tpu.memref_squeeze %dma_start3A_234 : memref<1x80x128xf32, #tpu.memory_space<vmem>> -> memref<80x128xf32, #tpu.memory_space<vmem>>
      %dma_start3A_236 = arith.constant 0 : i32
      %dma_start3A_237 = tpu.memref_slice %arg9[%dma_start3A_230, %dma_start3A_236] : memref<2x80xi32, #tpu.memory_space<vmem>> -> memref<1x80xi32, #tpu.memory_space<vmem>>
      %dma_start3A_238 = tpu.memref_squeeze %dma_start3A_237 : memref<1x80xi32, #tpu.memory_space<vmem>> -> memref<80xi32, #tpu.memory_space<vmem>>
      %dma_start3A_239 = arith.constant 0 : i32
      %dma_start3A_240 = arith.constant 0 : i32
      %dma_start3A_241 = tpu.memref_slice %arg2[%dma_start3A_239, %dma_start3A_240] : memref<10000x128xf32, #tpu.memory_space<hbm>> -> memref<10000x128xf32, #tpu.memory_space<hbm>>
      tpu.enqueue_indirect_dma source(%dma_start3A_241 : memref<10000x128xf32, #tpu.memory_space<hbm>>) target(%dma_start3A_235 : memref<80x128xf32, #tpu.memory_space<vmem>>) offsets(%dma_start3A_238 : memref<80xi32, #tpu.memory_space<vmem>>) semaphore(%arg14 : memref<!tpu.dma_semaphore, #tpu.memory_space<semaphore_mem>>)
      %dma_wait3A_242 = arith.constant 0 : i32
      %dma_wait3A_243 = arith.constant 0 : i32
      %dma_wait3A_244 = arith.constant 0 : i32
      %dma_wait3A_245 = arith.constant 0 : i32
      %dma_wait3A_246 = tpu.memref_slice %arg11[%dma_wait3A_243, %dma_wait3A_244, %dma_wait3A_245] : memref<2x80x128xf32, #tpu.memory_space<vmem>> -> memref<1x80x128xf32, #tpu.memory_space<vmem>>
      %dma_wait3A_247 = tpu.memref_squeeze %dma_wait3A_246 : memref<1x80x128xf32, #tpu.memory_space<vmem>> -> memref<80x128xf32, #tpu.memory_space<vmem>>
      %dma_wait3A_248 = arith.constant 0 : i32
      %dma_wait3A_249 = tpu.memref_slice %arg9[%dma_wait3A_242, %dma_wait3A_248] : memref<2x80xi32, #tpu.memory_space<vmem>> -> memref<1x80xi32, #tpu.memory_space<vmem>>
      %dma_wait3A_250 = tpu.memref_squeeze %dma_wait3A_249 : memref<1x80xi32, #tpu.memory_space<vmem>> -> memref<80xi32, #tpu.memory_space<vmem>>
      %dma_wait3A_251 = arith.constant 0 : i32
      %dma_wait3A_252 = arith.constant 0 : i32
      %dma_wait3A_253 = tpu.memref_slice %arg2[%dma_wait3A_251, %dma_wait3A_252] : memref<10000x128xf32, #tpu.memory_space<hbm>> -> memref<10000x128xf32, #tpu.memory_space<hbm>>
      tpu.wait_indirect_dma semaphore(%arg13 : memref<!tpu.dma_semaphore, #tpu.memory_space<semaphore_mem>>) src(%dma_wait3A_253 : memref<10000x128xf32, #tpu.memory_space<hbm>>) dst(%dma_wait3A_247 : memref<80x128xf32, #tpu.memory_space<vmem>>)
      %scan3A_254 = arith.constant 0 : i32
      %scan3A_255 = arith.constant 80 : i32
      %scan3A_256 = arith.addi %scan3A_254, %scan3A_255 : i32
      %scan3A_257 = arith.constant 1 : i32
      scf.for %scan3A_526 = %scan3A_254 to %scan3A_256 step %scan3A_257  : i32 {
        %mul3A_527 = arith.constant 1 : i32
        %mul3A_528 = arith.muli %scan3A_526, %mul3A_527 : i32
        %add3A_529 = arith.constant 0 : i32
        %add3A_530 = arith.addi %add3A_529, %mul3A_528 : i32
        %mul3A_531 = arith.constant 80 : i32
        %mul3A_532 = arith.muli %add3A_156, %mul3A_531 : i32
        %add3A_533 = arith.addi %mul3A_532, %add3A_530 : i32
        %broadcast_in_dim3A = vector.broadcast %add3A_533 : i32 to vector<16xi32>
        %gather3A = tpu.vector_load_idx %arg8[%broadcast_in_dim3A] : memref<10000xf32, #tpu.memory_space<vmem>>[vector<16xi32>], vector<16xf32>,
        %get3A_534 = arith.constant 0 : i32
        %get3A_535 = arith.index_cast %get3A_534 : i32 to index
        %get3A_536 = arith.index_cast %add3A_530 : i32 to index
        %get3A_537 = arith.constant 0 : index
        %get3A_538 = tpu.vector_load %arg11[%get3A_535, %get3A_536, %get3A_537] {strides = array<i32>} : memref<2x80x128xf32, #tpu.memory_space<vmem>>, vector<16xf32>,
        %mul3A_539 = arith.mulf %get3A_538, %gather3A : vector<16xf32>
        %swap3A_540 = arith.constant 0 : i32
        %swap3A_541 = arith.index_cast %swap3A_540 : i32 to index
        %swap3A_542 = arith.index_cast %add3A_530 : i32 to index
        %swap3A_543 = arith.constant 0 : index
        %swap3A_544 = tpu.vector_load %arg11[%swap3A_541, %swap3A_542, %swap3A_543] {strides = array<i32>} : memref<2x80x128xf32, #tpu.memory_space<vmem>>, vector<16xf32>,
        tpu.vector_store %arg11[%swap3A_541, %swap3A_542, %swap3A_543], %mul3A_539 {strides = array<i32>} : memref<2x80x128xf32, #tpu.memory_space<vmem>>, vector<16xf32>,
        %get3A_545 = arith.constant 0 : i32
        %get3A_546 = arith.index_cast %get3A_545 : i32 to index
        %get3A_547 = arith.index_cast %add3A_530 : i32 to index
        %get3A_548 = arith.constant 16 : index
        %get3A_549 = tpu.vector_load %arg11[%get3A_546, %get3A_547, %get3A_548] {strides = array<i32>} : memref<2x80x128xf32, #tpu.memory_space<vmem>>, vector<16xf32>,
        %mul3A_550 = arith.mulf %get3A_549, %gather3A : vector<16xf32>
        %swap3A_551 = arith.constant 0 : i32
        %swap3A_552 = arith.index_cast %swap3A_551 : i32 to index
        %swap3A_553 = arith.index_cast %add3A_530 : i32 to index
        %swap3A_554 = arith.constant 16 : index
        %swap3A_555 = tpu.vector_load %arg11[%swap3A_552, %swap3A_553, %swap3A_554] {strides = array<i32>} : memref<2x80x128xf32, #tpu.memory_space<vmem>>, vector<16xf32>,
        tpu.vector_store %arg11[%swap3A_552, %swap3A_553, %swap3A_554], %mul3A_550 {strides = array<i32>} : memref<2x80x128xf32, #tpu.memory_space<vmem>>, vector<16xf32>,
        %get3A_556 = arith.constant 0 : i32
        %get3A_557 = arith.index_cast %get3A_556 : i32 to index
        %get3A_558 = arith.index_cast %add3A_530 : i32 to index
        %get3A_559 = arith.constant 32 : index
        %get3A_560 = tpu.vector_load %arg11[%get3A_557, %get3A_558, %get3A_559] {strides = array<i32>} : memref<2x80x128xf32, #tpu.memory_space<vmem>>, vector<16xf32>,
        %mul3A_561 = arith.mulf %get3A_560, %gather3A : vector<16xf32>
        %swap3A_562 = arith.constant 0 : i32
        %swap3A_563 = arith.index_cast %swap3A_562 : i32 to index
        %swap3A_564 = arith.index_cast %add3A_530 : i32 to index
        %swap3A_565 = arith.constant 32 : index
        %swap3A_566 = tpu.vector_load %arg11[%swap3A_563, %swap3A_564, %swap3A_565] {strides = array<i32>} : memref<2x80x128xf32, #tpu.memory_space<vmem>>, vector<16xf32>,
        tpu.vector_store %arg11[%swap3A_563, %swap3A_564, %swap3A_565], %mul3A_561 {strides = array<i32>} : memref<2x80x128xf32, #tpu.memory_space<vmem>>, vector<16xf32>,
        %get3A_567 = arith.constant 0 : i32
        %get3A_568 = arith.index_cast %get3A_567 : i32 to index
        %get3A_569 = arith.index_cast %add3A_530 : i32 to index
        %get3A_570 = arith.constant 48 : index
        %get3A_571 = tpu.vector_load %arg11[%get3A_568, %get3A_569, %get3A_570] {strides = array<i32>} : memref<2x80x128xf32, #tpu.memory_space<vmem>>, vector<16xf32>,
        %mul3A_572 = arith.mulf %get3A_571, %gather3A : vector<16xf32>
        %swap3A_573 = arith.constant 0 : i32
        %swap3A_574 = arith.index_cast %swap3A_573 : i32 to index
        %swap3A_575 = arith.index_cast %add3A_530 : i32 to index
        %swap3A_576 = arith.constant 48 : index
        %swap3A_577 = tpu.vector_load %arg11[%swap3A_574, %swap3A_575, %swap3A_576] {strides = array<i32>} : memref<2x80x128xf32, #tpu.memory_space<vmem>>, vector<16xf32>,
        tpu.vector_store %arg11[%swap3A_574, %swap3A_575, %swap3A_576], %mul3A_572 {strides = array<i32>} : memref<2x80x128xf32, #tpu.memory_space<vmem>>, vector<16xf32>,
        %get3A_578 = arith.constant 0 : i32
        %get3A_579 = arith.index_cast %get3A_578 : i32 to index
        %get3A_580 = arith.index_cast %add3A_530 : i32 to index
        %get3A_581 = arith.constant 64 : index
        %get3A_582 = tpu.vector_load %arg11[%get3A_579, %get3A_580, %get3A_581] {strides = array<i32>} : memref<2x80x128xf32, #tpu.memory_space<vmem>>, vector<16xf32>,
        %mul3A_583 = arith.mulf %get3A_582, %gather3A : vector<16xf32>
        %swap3A_584 = arith.constant 0 : i32
        %swap3A_585 = arith.index_cast %swap3A_584 : i32 to index
        %swap3A_586 = arith.index_cast %add3A_530 : i32 to index
        %swap3A_587 = arith.constant 64 : index
        %swap3A_588 = tpu.vector_load %arg11[%swap3A_585, %swap3A_586, %swap3A_587] {strides = array<i32>} : memref<2x80x128xf32, #tpu.memory_space<vmem>>, vector<16xf32>,
        tpu.vector_store %arg11[%swap3A_585, %swap3A_586, %swap3A_587], %mul3A_583 {strides = array<i32>} : memref<2x80x128xf32, #tpu.memory_space<vmem>>, vector<16xf32>,
        %get3A_589 = arith.constant 0 : i32
        %get3A_590 = arith.index_cast %get3A_589 : i32 to index
        %get3A_591 = arith.index_cast %add3A_530 : i32 to index
        %get3A_592 = arith.constant 80 : index
        %get3A_593 = tpu.vector_load %arg11[%get3A_590, %get3A_591, %get3A_592] {strides = array<i32>} : memref<2x80x128xf32, #tpu.memory_space<vmem>>, vector<16xf32>,
        %mul3A_594 = arith.mulf %get3A_593, %gather3A : vector<16xf32>
        %swap3A_595 = arith.constant 0 : i32
        %swap3A_596 = arith.index_cast %swap3A_595 : i32 to index
        %swap3A_597 = arith.index_cast %add3A_530 : i32 to index
        %swap3A_598 = arith.constant 80 : index
        %swap3A_599 = tpu.vector_load %arg11[%swap3A_596, %swap3A_597, %swap3A_598] {strides = array<i32>} : memref<2x80x128xf32, #tpu.memory_space<vmem>>, vector<16xf32>,
        tpu.vector_store %arg11[%swap3A_596, %swap3A_597, %swap3A_598], %mul3A_594 {strides = array<i32>} : memref<2x80x128xf32, #tpu.memory_space<vmem>>, vector<16xf32>,
        %get3A_600 = arith.constant 0 : i32
        %get3A_601 = arith.index_cast %get3A_600 : i32 to index
        %get3A_602 = arith.index_cast %add3A_530 : i32 to index
        %get3A_603 = arith.constant 96 : index
        %get3A_604 = tpu.vector_load %arg11[%get3A_601, %get3A_602, %get3A_603] {strides = array<i32>} : memref<2x80x128xf32, #tpu.memory_space<vmem>>, vector<16xf32>,
        %mul3A_605 = arith.mulf %get3A_604, %gather3A : vector<16xf32>
        %swap3A_606 = arith.constant 0 : i32
        %swap3A_607 = arith.index_cast %swap3A_606 : i32 to index
        %swap3A_608 = arith.index_cast %add3A_530 : i32 to index
        %swap3A_609 = arith.constant 96 : index
        %swap3A_610 = tpu.vector_load %arg11[%swap3A_607, %swap3A_608, %swap3A_609] {strides = array<i32>} : memref<2x80x128xf32, #tpu.memory_space<vmem>>, vector<16xf32>,
        tpu.vector_store %arg11[%swap3A_607, %swap3A_608, %swap3A_609], %mul3A_605 {strides = array<i32>} : memref<2x80x128xf32, #tpu.memory_space<vmem>>, vector<16xf32>,
        %get3A_611 = arith.constant 0 : i32
        %get3A_612 = arith.index_cast %get3A_611 : i32 to index
        %get3A_613 = arith.index_cast %add3A_530 : i32 to index
        %get3A_614 = arith.constant 112 : index
        %get3A_615 = tpu.vector_load %arg11[%get3A_612, %get3A_613, %get3A_614] {strides = array<i32>} : memref<2x80x128xf32, #tpu.memory_space<vmem>>, vector<16xf32>,
        %mul3A_616 = arith.mulf %get3A_615, %gather3A : vector<16xf32>
        %swap3A_617 = arith.constant 0 : i32
        %swap3A_618 = arith.index_cast %swap3A_617 : i32 to index
        %swap3A_619 = arith.index_cast %add3A_530 : i32 to index
        %swap3A_620 = arith.constant 112 : index
        %swap3A_621 = tpu.vector_load %arg11[%swap3A_618, %swap3A_619, %swap3A_620] {strides = array<i32>} : memref<2x80x128xf32, #tpu.memory_space<vmem>>, vector<16xf32>,
        tpu.vector_store %arg11[%swap3A_618, %swap3A_619, %swap3A_620], %mul3A_616 {strides = array<i32>} : memref<2x80x128xf32, #tpu.memory_space<vmem>>, vector<16xf32>,
      }
      %scan3A_258 = arith.constant 80 : i32
      %mul3A_259 = arith.constant 80 : i32
      %mul3A_260 = arith.muli %add3A_156, %mul3A_259 : i32
      %add3A_261 = arith.constant 0 : i32
      %add3A_262 = arith.addi %mul3A_260, %add3A_261 : i32
      %get3A_263 = arith.index_cast %add3A_262 : i32 to index
      %get3A_264 = tpu.vector_load %arg7[%get3A_263] {strides = array<i32>} : memref<10000xi32, #tpu.memory_space<vmem>>, vector<16xi32>,
      %shift_right_logical3A_265 = arith.constant 16 : i32
      %shift_right_logical3A_266 = vector.broadcast %shift_right_logical3A_265 : i32 to vector<16xi32>
      %shift_right_logical3A_267 = arith.shrui %get3A_264, %shift_right_logical3A_266 : vector<16xi32>
      %swap3A_268 = arith.constant 0 : i32
      %swap3A_269 = arith.index_cast %swap3A_268 : i32 to index
      %swap3A_270 = arith.constant 0 : index
      %swap3A_271 = tpu.vector_load %arg10[%swap3A_269, %swap3A_270] {strides = array<i32>} : memref<2x80xi32, #tpu.memory_space<vmem>>, vector<16xi32>,
      tpu.vector_store %arg10[%swap3A_269, %swap3A_270], %shift_right_logical3A_267 {strides = array<i32>} : memref<2x80xi32, #tpu.memory_space<vmem>>, vector<16xi32>,
      %mul3A_272 = arith.constant 80 : i32
      %mul3A_273 = arith.muli %add3A_156, %mul3A_272 : i32
      %add3A_274 = arith.constant 16 : i32
      %add3A_275 = arith.addi %mul3A_273, %add3A_274 : i32
      %get3A_276 = arith.index_cast %add3A_275 : i32 to index
      %get3A_277 = tpu.vector_load %arg7[%get3A_276] {strides = array<i32>} : memref<10000xi32, #tpu.memory_space<vmem>>, vector<16xi32>,
      %shift_right_logical3A_278 = arith.constant 16 : i32
      %shift_right_logical3A_279 = vector.broadcast %shift_right_logical3A_278 : i32 to vector<16xi32>
      %shift_right_logical3A_280 = arith.shrui %get3A_277, %shift_right_logical3A_279 : vector<16xi32>
      %swap3A_281 = arith.constant 0 : i32
      %swap3A_282 = arith.index_cast %swap3A_281 : i32 to index
      %swap3A_283 = arith.constant 16 : index
      %swap3A_284 = tpu.vector_load %arg10[%swap3A_282, %swap3A_283] {strides = array<i32>} : memref<2x80xi32, #tpu.memory_space<vmem>>, vector<16xi32>,
      tpu.vector_store %arg10[%swap3A_282, %swap3A_283], %shift_right_logical3A_280 {strides = array<i32>} : memref<2x80xi32, #tpu.memory_space<vmem>>, vector<16xi32>,
      %mul3A_285 = arith.constant 80 : i32
      %mul3A_286 = arith.muli %add3A_156, %mul3A_285 : i32
      %add3A_287 = arith.constant 32 : i32
      %add3A_288 = arith.addi %mul3A_286, %add3A_287 : i32
      %get3A_289 = arith.index_cast %add3A_288 : i32 to index
      %get3A_290 = tpu.vector_load %arg7[%get3A_289] {strides = array<i32>} : memref<10000xi32, #tpu.memory_space<vmem>>, vector<16xi32>,
      %shift_right_logical3A_291 = arith.constant 16 : i32
      %shift_right_logical3A_292 = vector.broadcast %shift_right_logical3A_291 : i32 to vector<16xi32>
      %shift_right_logical3A_293 = arith.shrui %get3A_290, %shift_right_logical3A_292 : vector<16xi32>
      %swap3A_294 = arith.constant 0 : i32
      %swap3A_295 = arith.index_cast %swap3A_294 : i32 to index
      %swap3A_296 = arith.constant 32 : index
      %swap3A_297 = tpu.vector_load %arg10[%swap3A_295, %swap3A_296] {strides = array<i32>} : memref<2x80xi32, #tpu.memory_space<vmem>>, vector<16xi32>,
      tpu.vector_store %arg10[%swap3A_295, %swap3A_296], %shift_right_logical3A_293 {strides = array<i32>} : memref<2x80xi32, #tpu.memory_space<vmem>>, vector<16xi32>,
      %mul3A_298 = arith.constant 80 : i32
      %mul3A_299 = arith.muli %add3A_156, %mul3A_298 : i32
      %add3A_300 = arith.constant 48 : i32
      %add3A_301 = arith.addi %mul3A_299, %add3A_300 : i32
      %get3A_302 = arith.index_cast %add3A_301 : i32 to index
      %get3A_303 = tpu.vector_load %arg7[%get3A_302] {strides = array<i32>} : memref<10000xi32, #tpu.memory_space<vmem>>, vector<16xi32>,
      %shift_right_logical3A_304 = arith.constant 16 : i32
      %shift_right_logical3A_305 = vector.broadcast %shift_right_logical3A_304 : i32 to vector<16xi32>
      %shift_right_logical3A_306 = arith.shrui %get3A_303, %shift_right_logical3A_305 : vector<16xi32>
      %swap3A_307 = arith.constant 0 : i32
      %swap3A_308 = arith.index_cast %swap3A_307 : i32 to index
      %swap3A_309 = arith.constant 48 : index
      %swap3A_310 = tpu.vector_load %arg10[%swap3A_308, %swap3A_309] {strides = array<i32>} : memref<2x80xi32, #tpu.memory_space<vmem>>, vector<16xi32>,
      tpu.vector_store %arg10[%swap3A_308, %swap3A_309], %shift_right_logical3A_306 {strides = array<i32>} : memref<2x80xi32, #tpu.memory_space<vmem>>, vector<16xi32>,
      %mul3A_311 = arith.constant 80 : i32
      %mul3A_312 = arith.muli %add3A_156, %mul3A_311 : i32
      %add3A_313 = arith.constant 64 : i32
      %add3A_314 = arith.addi %mul3A_312, %add3A_313 : i32
      %get3A_315 = arith.index_cast %add3A_314 : i32 to index
      %get3A_316 = tpu.vector_load %arg7[%get3A_315] {strides = array<i32>} : memref<10000xi32, #tpu.memory_space<vmem>>, vector<16xi32>,
      %shift_right_logical3A_317 = arith.constant 16 : i32
      %shift_right_logical3A_318 = vector.broadcast %shift_right_logical3A_317 : i32 to vector<16xi32>
      %shift_right_logical3A_319 = arith.shrui %get3A_316, %shift_right_logical3A_318 : vector<16xi32>
      %swap3A_320 = arith.constant 0 : i32
      %swap3A_321 = arith.index_cast %swap3A_320 : i32 to index
      %swap3A_322 = arith.constant 64 : index
      %swap3A_323 = tpu.vector_load %arg10[%swap3A_321, %swap3A_322] {strides = array<i32>} : memref<2x80xi32, #tpu.memory_space<vmem>>, vector<16xi32>,
      tpu.vector_store %arg10[%swap3A_321, %swap3A_322], %shift_right_logical3A_319 {strides = array<i32>} : memref<2x80xi32, #tpu.memory_space<vmem>>, vector<16xi32>,
      %dma_start3A_324 = arith.constant 0 : i32
      %dma_start3A_325 = arith.constant 0 : i32
      %dma_start3A_326 = arith.constant 0 : i32
      %dma_start3A_327 = arith.constant 0 : i32
      %dma_start3A_328 = tpu.memref_slice %arg11[%dma_start3A_324, %dma_start3A_326, %dma_start3A_327] : memref<2x80x128xf32, #tpu.memory_space<vmem>> -> memref<1x80x128xf32, #tpu.memory_space<vmem>>
      %dma_start3A_329 = tpu.memref_squeeze %dma_start3A_328 : memref<1x80x128xf32, #tpu.memory_space<vmem>> -> memref<80x128xf32, #tpu.memory_space<vmem>>
      %dma_start3A_330 = arith.constant 0 : i32
      %dma_start3A_331 = tpu.memref_slice %arg10[%dma_start3A_325, %dma_start3A_330] : memref<2x80xi32, #tpu.memory_space<vmem>> -> memref<1x80xi32, #tpu.memory_space<vmem>>
      %dma_start3A_332 = tpu.memref_squeeze %dma_start3A_331 : memref<1x80xi32, #tpu.memory_space<vmem>> -> memref<80xi32, #tpu.memory_space<vmem>>
      %dma_start3A_333 = arith.constant 0 : i32
      %dma_start3A_334 = arith.constant 0 : i32
      %dma_start3A_335 = tpu.memref_slice %arg12[%dma_start3A_333, %dma_start3A_334] : memref<10000x128xf32, #tpu.memory_space<vmem_shared>> -> memref<10000x128xf32, #tpu.memory_space<vmem_shared>>
      tpu.enqueue_indirect_dma source(%dma_start3A_329 : memref<80x128xf32, #tpu.memory_space<vmem>>) target(%dma_start3A_335 : memref<10000x128xf32, #tpu.memory_space<vmem_shared>>) offsets(%dma_start3A_332 : memref<80xi32, #tpu.memory_space<vmem>>) semaphore(%arg15 : memref<!tpu.dma_semaphore, #tpu.memory_space<semaphore_mem>>) {add = true}
      %add3A_336 = arith.constant 1 : i32
      %add3A_337 = arith.addi %add3A_154, %add3A_336 : i32
      %add3A_338 = arith.constant 1 : i32
      %add3A_339 = arith.addi %add3A_337, %add3A_338 : i32
      %mul3A_340 = arith.constant 80 : i32
      %mul3A_341 = arith.muli %add3A_339, %mul3A_340 : i32
      %add3A_342 = arith.constant 0 : i32
      %add3A_343 = arith.addi %mul3A_341, %add3A_342 : i32
      %get3A_344 = arith.index_cast %add3A_343 : i32 to index
      %get3A_345 = tpu.vector_load %arg7[%get3A_344] {strides = array<i32>} : memref<10000xi32, #tpu.memory_space<vmem>>, vector<16xi32>,
      %and3A_346 = arith.constant 65535 : i32
      %and3A_347 = vector.broadcast %and3A_346 : i32 to vector<16xi32>
      %and3A_348 = arith.andi %get3A_345, %and3A_347 : vector<16xi32>
      %swap3A_349 = arith.constant 0 : i32
      %swap3A_350 = arith.index_cast %swap3A_349 : i32 to index
      %swap3A_351 = arith.constant 0 : index
      %swap3A_352 = tpu.vector_load %arg9[%swap3A_350, %swap3A_351] {strides = array<i32>} : memref<2x80xi32, #tpu.memory_space<vmem>>, vector<16xi32>,
      tpu.vector_store %arg9[%swap3A_350, %swap3A_351], %and3A_348 {strides = array<i32>} : memref<2x80xi32, #tpu.memory_space<vmem>>, vector<16xi32>,
      %mul3A_353 = arith.constant 80 : i32
      %mul3A_354 = arith.muli %add3A_339, %mul3A_353 : i32
      %add3A_355 = arith.constant 16 : i32
      %add3A_356 = arith.addi %mul3A_354, %add3A_355 : i32
      %get3A_357 = arith.index_cast %add3A_356 : i32 to index
      %get3A_358 = tpu.vector_load %arg7[%get3A_357] {strides = array<i32>} : memref<10000xi32, #tpu.memory_space<vmem>>, vector<16xi32>,
      %and3A_359 = arith.constant 65535 : i32
      %and3A_360 = vector.broadcast %and3A_359 : i32 to vector<16xi32>
      %and3A_361 = arith.andi %get3A_358, %and3A_360 : vector<16xi32>
      %swap3A_362 = arith.constant 0 : i32
      %swap3A_363 = arith.index_cast %swap3A_362 : i32 to index
      %swap3A_364 = arith.constant 16 : index
      %swap3A_365 = tpu.vector_load %arg9[%swap3A_363, %swap3A_364] {strides = array<i32>} : memref<2x80xi32, #tpu.memory_space<vmem>>, vector<16xi32>,
      tpu.vector_store %arg9[%swap3A_363, %swap3A_364], %and3A_361 {strides = array<i32>} : memref<2x80xi32, #tpu.memory_space<vmem>>, vector<16xi32>,
      %mul3A_366 = arith.constant 80 : i32
      %mul3A_367 = arith.muli %add3A_339, %mul3A_366 : i32
      %add3A_368 = arith.constant 32 : i32
      %add3A_369 = arith.addi %mul3A_367, %add3A_368 : i32
      %get3A_370 = arith.index_cast %add3A_369 : i32 to index
      %get3A_371 = tpu.vector_load %arg7[%get3A_370] {strides = array<i32>} : memref<10000xi32, #tpu.memory_space<vmem>>, vector<16xi32>,
      %and3A_372 = arith.constant 65535 : i32
      %and3A_373 = vector.broadcast %and3A_372 : i32 to vector<16xi32>
      %and3A_374 = arith.andi %get3A_371, %and3A_373 : vector<16xi32>
      %swap3A_375 = arith.constant 0 : i32
      %swap3A_376 = arith.index_cast %swap3A_375 : i32 to index
      %swap3A_377 = arith.constant 32 : index
      %swap3A_378 = tpu.vector_load %arg9[%swap3A_376, %swap3A_377] {strides = array<i32>} : memref<2x80xi32, #tpu.memory_space<vmem>>, vector<16xi32>,
      tpu.vector_store %arg9[%swap3A_376, %swap3A_377], %and3A_374 {strides = array<i32>} : memref<2x80xi32, #tpu.memory_space<vmem>>, vector<16xi32>,
      %mul3A_379 = arith.constant 80 : i32
      %mul3A_380 = arith.muli %add3A_339, %mul3A_379 : i32
      %add3A_381 = arith.constant 48 : i32
      %add3A_382 = arith.addi %mul3A_380, %add3A_381 : i32
      %get3A_383 = arith.index_cast %add3A_382 : i32 to index
      %get3A_384 = tpu.vector_load %arg7[%get3A_383] {strides = array<i32>} : memref<10000xi32, #tpu.memory_space<vmem>>, vector<16xi32>,
      %and3A_385 = arith.constant 65535 : i32
      %and3A_386 = vector.broadcast %and3A_385 : i32 to vector<16xi32>
      %and3A_387 = arith.andi %get3A_384, %and3A_386 : vector<16xi32>
      %swap3A_388 = arith.constant 0 : i32
      %swap3A_389 = arith.index_cast %swap3A_388 : i32 to index
      %swap3A_390 = arith.constant 48 : index
      %swap3A_391 = tpu.vector_load %arg9[%swap3A_389, %swap3A_390] {strides = array<i32>} : memref<2x80xi32, #tpu.memory_space<vmem>>, vector<16xi32>,
      tpu.vector_store %arg9[%swap3A_389, %swap3A_390], %and3A_387 {strides = array<i32>} : memref<2x80xi32, #tpu.memory_space<vmem>>, vector<16xi32>,
      %mul3A_392 = arith.constant 80 : i32
      %mul3A_393 = arith.muli %add3A_339, %mul3A_392 : i32
      %add3A_394 = arith.constant 64 : i32
      %add3A_395 = arith.addi %mul3A_393, %add3A_394 : i32
      %get3A_396 = arith.index_cast %add3A_395 : i32 to index
      %get3A_397 = tpu.vector_load %arg7[%get3A_396] {strides = array<i32>} : memref<10000xi32, #tpu.memory_space<vmem>>, vector<16xi32>,
      %and3A_398 = arith.constant 65535 : i32
      %and3A_399 = vector.broadcast %and3A_398 : i32 to vector<16xi32>
      %and3A_400 = arith.andi %get3A_397, %and3A_399 : vector<16xi32>
      %swap3A_401 = arith.constant 0 : i32
      %swap3A_402 = arith.index_cast %swap3A_401 : i32 to index
      %swap3A_403 = arith.constant 64 : index
      %swap3A_404 = tpu.vector_load %arg9[%swap3A_402, %swap3A_403] {strides = array<i32>} : memref<2x80xi32, #tpu.memory_space<vmem>>, vector<16xi32>,
      tpu.vector_store %arg9[%swap3A_402, %swap3A_403], %and3A_400 {strides = array<i32>} : memref<2x80xi32, #tpu.memory_space<vmem>>, vector<16xi32>,
      %sub3A = arith.constant 1 : i32
      %sub3A_405 = arith.subi %add3A_337, %sub3A : i32
      %dma_wait3A_406 = arith.constant 0 : i32
      %dma_wait3A_407 = arith.constant 0 : i32
      %dma_wait3A_408 = arith.constant 0 : i32
      %dma_wait3A_409 = arith.constant 0 : i32
      %dma_wait3A_410 = tpu.memref_slice %arg11[%dma_wait3A_406, %dma_wait3A_408, %dma_wait3A_409] : memref<2x80x128xf32, #tpu.memory_space<vmem>> -> memref<1x80x128xf32, #tpu.memory_space<vmem>>
      %dma_wait3A_411 = tpu.memref_squeeze %dma_wait3A_410 : memref<1x80x128xf32, #tpu.memory_space<vmem>> -> memref<80x128xf32, #tpu.memory_space<vmem>>
      %dma_wait3A_412 = arith.constant 0 : i32
      %dma_wait3A_413 = tpu.memref_slice %arg10[%dma_wait3A_407, %dma_wait3A_412] : memref<2x80xi32, #tpu.memory_space<vmem>> -> memref<1x80xi32, #tpu.memory_space<vmem>>
      %dma_wait3A_414 = tpu.memref_squeeze %dma_wait3A_413 : memref<1x80xi32, #tpu.memory_space<vmem>> -> memref<80xi32, #tpu.memory_space<vmem>>
      %dma_wait3A_415 = arith.constant 0 : i32
      %dma_wait3A_416 = arith.constant 0 : i32
      %dma_wait3A_417 = tpu.memref_slice %arg12[%dma_wait3A_415, %dma_wait3A_416] : memref<10000x128xf32, #tpu.memory_space<vmem_shared>> -> memref<10000x128xf32, #tpu.memory_space<vmem_shared>>
      tpu.wait_indirect_dma semaphore(%arg15 : memref<!tpu.dma_semaphore, #tpu.memory_space<semaphore_mem>>) src(%dma_wait3A_411 : memref<80x128xf32, #tpu.memory_space<vmem>>) dst(%dma_wait3A_417 : memref<10000x128xf32, #tpu.memory_space<vmem_shared>>)
      %add3A_418 = arith.constant 1 : i32
      %add3A_419 = arith.addi %add3A_337, %add3A_418 : i32
      %dma_start3A_420 = arith.constant 0 : i32
      %dma_start3A_421 = arith.constant 0 : i32
      %dma_start3A_422 = arith.constant 0 : i32
      %dma_start3A_423 = arith.constant 0 : i32
      %dma_start3A_424 = tpu.memref_slice %arg11[%dma_start3A_421, %dma_start3A_422, %dma_start3A_423] : memref<2x80x128xf32, #tpu.memory_space<vmem>> -> memref<1x80x128xf32, #tpu.memory_space<vmem>>
      %dma_start3A_425 = tpu.memref_squeeze %dma_start3A_424 : memref<1x80x128xf32, #tpu.memory_space<vmem>> -> memref<80x128xf32, #tpu.memory_space<vmem>>
      %dma_start3A_426 = arith.constant 0 : i32
      %dma_start3A_427 = tpu.memref_slice %arg9[%dma_start3A_420, %dma_start3A_426] : memref<2x80xi32, #tpu.memory_space<vmem>> -> memref<1x80xi32, #tpu.memory_space<vmem>>
      %dma_start3A_428 = tpu.memref_squeeze %dma_start3A_427 : memref<1x80xi32, #tpu.memory_space<vmem>> -> memref<80xi32, #tpu.memory_space<vmem>>
      %dma_start3A_429 = arith.constant 0 : i32
      %dma_start3A_430 = arith.constant 0 : i32
      %dma_start3A_431 = tpu.memref_slice %arg2[%dma_start3A_429, %dma_start3A_430] : memref<10000x128xf32, #tpu.memory_space<hbm>> -> memref<10000x128xf32, #tpu.memory_space<hbm>>
      tpu.enqueue_indirect_dma source(%dma_start3A_431 : memref<10000x128xf32, #tpu.memory_space<hbm>>) target(%dma_start3A_425 : memref<80x128xf32, #tpu.memory_space<vmem>>) offsets(%dma_start3A_428 : memref<80xi32, #tpu.memory_space<vmem>>) semaphore(%arg13 : memref<!tpu.dma_semaphore, #tpu.memory_space<semaphore_mem>>)
      %dma_wait3A_432 = arith.constant 1 : i32
      %dma_wait3A_433 = arith.constant 1 : i32
      %dma_wait3A_434 = arith.constant 0 : i32
      %dma_wait3A_435 = arith.constant 0 : i32
      %dma_wait3A_436 = tpu.memref_slice %arg11[%dma_wait3A_433, %dma_wait3A_434, %dma_wait3A_435] : memref<2x80x128xf32, #tpu.memory_space<vmem>> -> memref<1x80x128xf32, #tpu.memory_space<vmem>>
      %dma_wait3A_437 = tpu.memref_squeeze %dma_wait3A_436 : memref<1x80x128xf32, #tpu.memory_space<vmem>> -> memref<80x128xf32, #tpu.memory_space<vmem>>
      %dma_wait3A_438 = arith.constant 0 : i32
      %dma_wait3A_439 = tpu.memref_slice %arg9[%dma_wait3A_432, %dma_wait3A_438] : memref<2x80xi32, #tpu.memory_space<vmem>> -> memref<1x80xi32, #tpu.memory_space<vmem>>
      %dma_wait3A_440 = tpu.memref_squeeze %dma_wait3A_439 : memref<1x80xi32, #tpu.memory_space<vmem>> -> memref<80xi32, #tpu.memory_space<vmem>>
      %dma_wait3A_441 = arith.constant 0 : i32
      %dma_wait3A_442 = arith.constant 0 : i32
      %dma_wait3A_443 = tpu.memref_slice %arg2[%dma_wait3A_441, %dma_wait3A_442] : memref<10000x128xf32, #tpu.memory_space<hbm>> -> memref<10000x128xf32, #tpu.memory_space<hbm>>
      tpu.wait_indirect_dma semaphore(%arg14 : memref<!tpu.dma_semaphore, #tpu.memory_space<semaphore_mem>>) src(%dma_wait3A_443 : memref<10000x128xf32, #tpu.memory_space<hbm>>) dst(%dma_wait3A_437 : memref<80x128xf32, #tpu.memory_space<vmem>>)
      %scan3A_444 = arith.constant 0 : i32
      %scan3A_445 = arith.constant 80 : i32
      %scan3A_446 = arith.addi %scan3A_444, %scan3A_445 : i32
      %scan3A_447 = arith.constant 1 : i32
      scf.for %scan3A_526 = %scan3A_444 to %scan3A_446 step %scan3A_447  : i32 {
        %mul3A_527 = arith.constant 1 : i32
        %mul3A_528 = arith.muli %scan3A_526, %mul3A_527 : i32
        %add3A_529 = arith.constant 0 : i32
        %add3A_530 = arith.addi %add3A_529, %mul3A_528 : i32
        %mul3A_531 = arith.constant 80 : i32
        %mul3A_532 = arith.muli %add3A_337, %mul3A_531 : i32
        %add3A_533 = arith.addi %mul3A_532, %add3A_530 : i32
        %broadcast_in_dim3A = vector.broadcast %add3A_533 : i32 to vector<16xi32>
        %gather3A = tpu.vector_load_idx %arg8[%broadcast_in_dim3A] : memref<10000xf32, #tpu.memory_space<vmem>>[vector<16xi32>], vector<16xf32>,
        %get3A_534 = arith.constant 1 : i32
        %get3A_535 = arith.index_cast %get3A_534 : i32 to index
        %get3A_536 = arith.index_cast %add3A_530 : i32 to index
        %get3A_537 = arith.constant 0 : index
        %get3A_538 = tpu.vector_load %arg11[%get3A_535, %get3A_536, %get3A_537] {strides = array<i32>} : memref<2x80x128xf32, #tpu.memory_space<vmem>>, vector<16xf32>,
        %mul3A_539 = arith.mulf %get3A_538, %gather3A : vector<16xf32>
        %swap3A_540 = arith.constant 1 : i32
        %swap3A_541 = arith.index_cast %swap3A_540 : i32 to index
        %swap3A_542 = arith.index_cast %add3A_530 : i32 to index
        %swap3A_543 = arith.constant 0 : index
        %swap3A_544 = tpu.vector_load %arg11[%swap3A_541, %swap3A_542, %swap3A_543] {strides = array<i32>} : memref<2x80x128xf32, #tpu.memory_space<vmem>>, vector<16xf32>,
        tpu.vector_store %arg11[%swap3A_541, %swap3A_542, %swap3A_543], %mul3A_539 {strides = array<i32>} : memref<2x80x128xf32, #tpu.memory_space<vmem>>, vector<16xf32>,
        %get3A_545 = arith.constant 1 : i32
        %get3A_546 = arith.index_cast %get3A_545 : i32 to index
        %get3A_547 = arith.index_cast %add3A_530 : i32 to index
        %get3A_548 = arith.constant 16 : index
        %get3A_549 = tpu.vector_load %arg11[%get3A_546, %get3A_547, %get3A_548] {strides = array<i32>} : memref<2x80x128xf32, #tpu.memory_space<vmem>>, vector<16xf32>,
        %mul3A_550 = arith.mulf %get3A_549, %gather3A : vector<16xf32>
        %swap3A_551 = arith.constant 1 : i32
        %swap3A_552 = arith.index_cast %swap3A_551 : i32 to index
        %swap3A_553 = arith.index_cast %add3A_530 : i32 to index
        %swap3A_554 = arith.constant 16 : index
        %swap3A_555 = tpu.vector_load %arg11[%swap3A_552, %swap3A_553, %swap3A_554] {strides = array<i32>} : memref<2x80x128xf32, #tpu.memory_space<vmem>>, vector<16xf32>,
        tpu.vector_store %arg11[%swap3A_552, %swap3A_553, %swap3A_554], %mul3A_550 {strides = array<i32>} : memref<2x80x128xf32, #tpu.memory_space<vmem>>, vector<16xf32>,
        %get3A_556 = arith.constant 1 : i32
        %get3A_557 = arith.index_cast %get3A_556 : i32 to index
        %get3A_558 = arith.index_cast %add3A_530 : i32 to index
        %get3A_559 = arith.constant 32 : index
        %get3A_560 = tpu.vector_load %arg11[%get3A_557, %get3A_558, %get3A_559] {strides = array<i32>} : memref<2x80x128xf32, #tpu.memory_space<vmem>>, vector<16xf32>,
        %mul3A_561 = arith.mulf %get3A_560, %gather3A : vector<16xf32>
        %swap3A_562 = arith.constant 1 : i32
        %swap3A_563 = arith.index_cast %swap3A_562 : i32 to index
        %swap3A_564 = arith.index_cast %add3A_530 : i32 to index
        %swap3A_565 = arith.constant 32 : index
        %swap3A_566 = tpu.vector_load %arg11[%swap3A_563, %swap3A_564, %swap3A_565] {strides = array<i32>} : memref<2x80x128xf32, #tpu.memory_space<vmem>>, vector<16xf32>,
        tpu.vector_store %arg11[%swap3A_563, %swap3A_564, %swap3A_565], %mul3A_561 {strides = array<i32>} : memref<2x80x128xf32, #tpu.memory_space<vmem>>, vector<16xf32>,
        %get3A_567 = arith.constant 1 : i32
        %get3A_568 = arith.index_cast %get3A_567 : i32 to index
        %get3A_569 = arith.index_cast %add3A_530 : i32 to index
        %get3A_570 = arith.constant 48 : index
        %get3A_571 = tpu.vector_load %arg11[%get3A_568, %get3A_569, %get3A_570] {strides = array<i32>} : memref<2x80x128xf32, #tpu.memory_space<vmem>>, vector<16xf32>,
        %mul3A_572 = arith.mulf %get3A_571, %gather3A : vector<16xf32>
        %swap3A_573 = arith.constant 1 : i32
        %swap3A_574 = arith.index_cast %swap3A_573 : i32 to index
        %swap3A_575 = arith.index_cast %add3A_530 : i32 to index
        %swap3A_576 = arith.constant 48 : index
        %swap3A_577 = tpu.vector_load %arg11[%swap3A_574, %swap3A_575, %swap3A_576] {strides = array<i32>} : memref<2x80x128xf32, #tpu.memory_space<vmem>>, vector<16xf32>,
        tpu.vector_store %arg11[%swap3A_574, %swap3A_575, %swap3A_576], %mul3A_572 {strides = array<i32>} : memref<2x80x128xf32, #tpu.memory_space<vmem>>, vector<16xf32>,
        %get3A_578 = arith.constant 1 : i32
        %get3A_579 = arith.index_cast %get3A_578 : i32 to index
        %get3A_580 = arith.index_cast %add3A_530 : i32 to index
        %get3A_581 = arith.constant 64 : index
        %get3A_582 = tpu.vector_load %arg11[%get3A_579, %get3A_580, %get3A_581] {strides = array<i32>} : memref<2x80x128xf32, #tpu.memory_space<vmem>>, vector<16xf32>,
        %mul3A_583 = arith.mulf %get3A_582, %gather3A : vector<16xf32>
        %swap3A_584 = arith.constant 1 : i32
        %swap3A_585 = arith.index_cast %swap3A_584 : i32 to index
        %swap3A_586 = arith.index_cast %add3A_530 : i32 to index
        %swap3A_587 = arith.constant 64 : index
        %swap3A_588 = tpu.vector_load %arg11[%swap3A_585, %swap3A_586, %swap3A_587] {strides = array<i32>} : memref<2x80x128xf32, #tpu.memory_space<vmem>>, vector<16xf32>,
        tpu.vector_store %arg11[%swap3A_585, %swap3A_586, %swap3A_587], %mul3A_583 {strides = array<i32>} : memref<2x80x128xf32, #tpu.memory_space<vmem>>, vector<16xf32>,
        %get3A_589 = arith.constant 1 : i32
        %get3A_590 = arith.index_cast %get3A_589 : i32 to index
        %get3A_591 = arith.index_cast %add3A_530 : i32 to index
        %get3A_592 = arith.constant 80 : index
        %get3A_593 = tpu.vector_load %arg11[%get3A_590, %get3A_591, %get3A_592] {strides = array<i32>} : memref<2x80x128xf32, #tpu.memory_space<vmem>>, vector<16xf32>,
        %mul3A_594 = arith.mulf %get3A_593, %gather3A : vector<16xf32>
        %swap3A_595 = arith.constant 1 : i32
        %swap3A_596 = arith.index_cast %swap3A_595 : i32 to index
        %swap3A_597 = arith.index_cast %add3A_530 : i32 to index
        %swap3A_598 = arith.constant 80 : index
        %swap3A_599 = tpu.vector_load %arg11[%swap3A_596, %swap3A_597, %swap3A_598] {strides = array<i32>} : memref<2x80x128xf32, #tpu.memory_space<vmem>>, vector<16xf32>,
        tpu.vector_store %arg11[%swap3A_596, %swap3A_597, %swap3A_598], %mul3A_594 {strides = array<i32>} : memref<2x80x128xf32, #tpu.memory_space<vmem>>, vector<16xf32>,
        %get3A_600 = arith.constant 1 : i32
        %get3A_601 = arith.index_cast %get3A_600 : i32 to index
        %get3A_602 = arith.index_cast %add3A_530 : i32 to index
        %get3A_603 = arith.constant 96 : index
        %get3A_604 = tpu.vector_load %arg11[%get3A_601, %get3A_602, %get3A_603] {strides = array<i32>} : memref<2x80x128xf32, #tpu.memory_space<vmem>>, vector<16xf32>,
        %mul3A_605 = arith.mulf %get3A_604, %gather3A : vector<16xf32>
        %swap3A_606 = arith.constant 1 : i32
        %swap3A_607 = arith.index_cast %swap3A_606 : i32 to index
        %swap3A_608 = arith.index_cast %add3A_530 : i32 to index
        %swap3A_609 = arith.constant 96 : index
        %swap3A_610 = tpu.vector_load %arg11[%swap3A_607, %swap3A_608, %swap3A_609] {strides = array<i32>} : memref<2x80x128xf32, #tpu.memory_space<vmem>>, vector<16xf32>,
        tpu.vector_store %arg11[%swap3A_607, %swap3A_608, %swap3A_609], %mul3A_605 {strides = array<i32>} : memref<2x80x128xf32, #tpu.memory_space<vmem>>, vector<16xf32>,
        %get3A_611 = arith.constant 1 : i32
        %get3A_612 = arith.index_cast %get3A_611 : i32 to index
        %get3A_613 = arith.index_cast %add3A_530 : i32 to index
        %get3A_614 = arith.constant 112 : index
        %get3A_615 = tpu.vector_load %arg11[%get3A_612, %get3A_613, %get3A_614] {strides = array<i32>} : memref<2x80x128xf32, #tpu.memory_space<vmem>>, vector<16xf32>,
        %mul3A_616 = arith.mulf %get3A_615, %gather3A : vector<16xf32>
        %swap3A_617 = arith.constant 1 : i32
        %swap3A_618 = arith.index_cast %swap3A_617 : i32 to index
        %swap3A_619 = arith.index_cast %add3A_530 : i32 to index
        %swap3A_620 = arith.constant 112 : index
        %swap3A_621 = tpu.vector_load %arg11[%swap3A_618, %swap3A_619, %swap3A_620] {strides = array<i32>} : memref<2x80x128xf32, #tpu.memory_space<vmem>>, vector<16xf32>,
        tpu.vector_store %arg11[%swap3A_618, %swap3A_619, %swap3A_620], %mul3A_616 {strides = array<i32>} : memref<2x80x128xf32, #tpu.memory_space<vmem>>, vector<16xf32>,
      }
      %scan3A_448 = arith.constant 80 : i32
      %mul3A_449 = arith.constant 80 : i32
      %mul3A_450 = arith.muli %add3A_337, %mul3A_449 : i32
      %add3A_451 = arith.constant 0 : i32
      %add3A_452 = arith.addi %mul3A_450, %add3A_451 : i32
      %get3A_453 = arith.index_cast %add3A_452 : i32 to index
      %get3A_454 = tpu.vector_load %arg7[%get3A_453] {strides = array<i32>} : memref<10000xi32, #tpu.memory_space<vmem>>, vector<16xi32>,
      %shift_right_logical3A_455 = arith.constant 16 : i32
      %shift_right_logical3A_456 = vector.broadcast %shift_right_logical3A_455 : i32 to vector<16xi32>
      %shift_right_logical3A_457 = arith.shrui %get3A_454, %shift_right_logical3A_456 : vector<16xi32>
      %swap3A_458 = arith.constant 1 : i32
      %swap3A_459 = arith.index_cast %swap3A_458 : i32 to index
      %swap3A_460 = arith.constant 0 : index
      %swap3A_461 = tpu.vector_load %arg10[%swap3A_459, %swap3A_460] {strides = array<i32>} : memref<2x80xi32, #tpu.memory_space<vmem>>, vector<16xi32>,
      tpu.vector_store %arg10[%swap3A_459, %swap3A_460], %shift_right_logical3A_457 {strides = array<i32>} : memref<2x80xi32, #tpu.memory_space<vmem>>, vector<16xi32>,
      %mul3A_462 = arith.constant 80 : i32
      %mul3A_463 = arith.muli %add3A_337, %mul3A_462 : i32
      %add3A_464 = arith.constant 16 : i32
      %add3A_465 = arith.addi %mul3A_463, %add3A_464 : i32
      %get3A_466 = arith.index_cast %add3A_465 : i32 to index
      %get3A_467 = tpu.vector_load %arg7[%get3A_466] {strides = array<i32>} : memref<10000xi32, #tpu.memory_space<vmem>>, vector<16xi32>,
      %shift_right_logical3A_468 = arith.constant 16 : i32
      %shift_right_logical3A_469 = vector.broadcast %shift_right_logical3A_468 : i32 to vector<16xi32>
      %shift_right_logical3A_470 = arith.shrui %get3A_467, %shift_right_logical3A_469 : vector<16xi32>
      %swap3A_471 = arith.constant 1 : i32
      %swap3A_472 = arith.index_cast %swap3A_471 : i32 to index
      %swap3A_473 = arith.constant 16 : index
      %swap3A_474 = tpu.vector_load %arg10[%swap3A_472, %swap3A_473] {strides = array<i32>} : memref<2x80xi32, #tpu.memory_space<vmem>>, vector<16xi32>,
      tpu.vector_store %arg10[%swap3A_472, %swap3A_473], %shift_right_logical3A_470 {strides = array<i32>} : memref<2x80xi32, #tpu.memory_space<vmem>>, vector<16xi32>,
      %mul3A_475 = arith.constant 80 : i32
      %mul3A_476 = arith.muli %add3A_337, %mul3A_475 : i32
      %add3A_477 = arith.constant 32 : i32
      %add3A_478 = arith.addi %mul3A_476, %add3A_477 : i32
      %get3A_479 = arith.index_cast %add3A_478 : i32 to index
      %get3A_480 = tpu.vector_load %arg7[%get3A_479] {strides = array<i32>} : memref<10000xi32, #tpu.memory_space<vmem>>, vector<16xi32>,
      %shift_right_logical3A_481 = arith.constant 16 : i32
      %shift_right_logical3A_482 = vector.broadcast %shift_right_logical3A_481 : i32 to vector<16xi32>
      %shift_right_logical3A_483 = arith.shrui %get3A_480, %shift_right_logical3A_482 : vector<16xi32>
      %swap3A_484 = arith.constant 1 : i32
      %swap3A_485 = arith.index_cast %swap3A_484 : i32 to index
      %swap3A_486 = arith.constant 32 : index
      %swap3A_487 = tpu.vector_load %arg10[%swap3A_485, %swap3A_486] {strides = array<i32>} : memref<2x80xi32, #tpu.memory_space<vmem>>, vector<16xi32>,
      tpu.vector_store %arg10[%swap3A_485, %swap3A_486], %shift_right_logical3A_483 {strides = array<i32>} : memref<2x80xi32, #tpu.memory_space<vmem>>, vector<16xi32>,
      %mul3A_488 = arith.constant 80 : i32
      %mul3A_489 = arith.muli %add3A_337, %mul3A_488 : i32
      %add3A_490 = arith.constant 48 : i32
      %add3A_491 = arith.addi %mul3A_489, %add3A_490 : i32
      %get3A_492 = arith.index_cast %add3A_491 : i32 to index
      %get3A_493 = tpu.vector_load %arg7[%get3A_492] {strides = array<i32>} : memref<10000xi32, #tpu.memory_space<vmem>>, vector<16xi32>,
      %shift_right_logical3A_494 = arith.constant 16 : i32
      %shift_right_logical3A_495 = vector.broadcast %shift_right_logical3A_494 : i32 to vector<16xi32>
      %shift_right_logical3A_496 = arith.shrui %get3A_493, %shift_right_logical3A_495 : vector<16xi32>
      %swap3A_497 = arith.constant 1 : i32
      %swap3A_498 = arith.index_cast %swap3A_497 : i32 to index
      %swap3A_499 = arith.constant 48 : index
      %swap3A_500 = tpu.vector_load %arg10[%swap3A_498, %swap3A_499] {strides = array<i32>} : memref<2x80xi32, #tpu.memory_space<vmem>>, vector<16xi32>,
      tpu.vector_store %arg10[%swap3A_498, %swap3A_499], %shift_right_logical3A_496 {strides = array<i32>} : memref<2x80xi32, #tpu.memory_space<vmem>>, vector<16xi32>,
      %mul3A_501 = arith.constant 80 : i32
      %mul3A_502 = arith.muli %add3A_337, %mul3A_501 : i32
      %add3A_503 = arith.constant 64 : i32
      %add3A_504 = arith.addi %mul3A_502, %add3A_503 : i32
      %get3A_505 = arith.index_cast %add3A_504 : i32 to index
      %get3A_506 = tpu.vector_load %arg7[%get3A_505] {strides = array<i32>} : memref<10000xi32, #tpu.memory_space<vmem>>, vector<16xi32>,
      %shift_right_logical3A_507 = arith.constant 16 : i32
      %shift_right_logical3A_508 = vector.broadcast %shift_right_logical3A_507 : i32 to vector<16xi32>
      %shift_right_logical3A_509 = arith.shrui %get3A_506, %shift_right_logical3A_508 : vector<16xi32>
      %swap3A_510 = arith.constant 1 : i32
      %swap3A_511 = arith.index_cast %swap3A_510 : i32 to index
      %swap3A_512 = arith.constant 64 : index
      %swap3A_513 = tpu.vector_load %arg10[%swap3A_511, %swap3A_512] {strides = array<i32>} : memref<2x80xi32, #tpu.memory_space<vmem>>, vector<16xi32>,
      tpu.vector_store %arg10[%swap3A_511, %swap3A_512], %shift_right_logical3A_509 {strides = array<i32>} : memref<2x80xi32, #tpu.memory_space<vmem>>, vector<16xi32>,
      %dma_start3A_514 = arith.constant 1 : i32
      %dma_start3A_515 = arith.constant 1 : i32
      %dma_start3A_516 = arith.constant 0 : i32
      %dma_start3A_517 = arith.constant 0 : i32
      %dma_start3A_518 = tpu.memref_slice %arg11[%dma_start3A_514, %dma_start3A_516, %dma_start3A_517] : memref<2x80x128xf32, #tpu.memory_space<vmem>> -> memref<1x80x128xf32, #tpu.memory_space<vmem>>
      %dma_start3A_519 = tpu.memref_squeeze %dma_start3A_518 : memref<1x80x128xf32, #tpu.memory_space<vmem>> -> memref<80x128xf32, #tpu.memory_space<vmem>>
      %dma_start3A_520 = arith.constant 0 : i32
      %dma_start3A_521 = tpu.memref_slice %arg10[%dma_start3A_515, %dma_start3A_520] : memref<2x80xi32, #tpu.memory_space<vmem>> -> memref<1x80xi32, #tpu.memory_space<vmem>>
      %dma_start3A_522 = tpu.memref_squeeze %dma_start3A_521 : memref<1x80xi32, #tpu.memory_space<vmem>> -> memref<80xi32, #tpu.memory_space<vmem>>
      %dma_start3A_523 = arith.constant 0 : i32
      %dma_start3A_524 = arith.constant 0 : i32
      %dma_start3A_525 = tpu.memref_slice %arg12[%dma_start3A_523, %dma_start3A_524] : memref<10000x128xf32, #tpu.memory_space<vmem_shared>> -> memref<10000x128xf32, #tpu.memory_space<vmem_shared>>
      tpu.enqueue_indirect_dma source(%dma_start3A_519 : memref<80x128xf32, #tpu.memory_space<vmem>>) target(%dma_start3A_525 : memref<10000x128xf32, #tpu.memory_space<vmem_shared>>) offsets(%dma_start3A_522 : memref<80xi32, #tpu.memory_space<vmem>>) semaphore(%arg16 : memref<!tpu.dma_semaphore, #tpu.memory_space<semaphore_mem>>) {add = true}
    }
    %scan3A_65 = arith.constant 62 : i32
    %dma_wait3A = arith.constant 0 : i32
    %dma_wait3A_66 = arith.constant 0 : i32
    %dma_wait3A_67 = arith.constant 0 : i32
    %dma_wait3A_68 = arith.constant 0 : i32
    %dma_wait3A_69 = tpu.memref_slice %arg11[%dma_wait3A_66, %dma_wait3A_67, %dma_wait3A_68] : memref<2x80x128xf32, #tpu.memory_space<vmem>> -> memref<1x80x128xf32, #tpu.memory_space<vmem>>
    %dma_wait3A_70 = tpu.memref_squeeze %dma_wait3A_69 : memref<1x80x128xf32, #tpu.memory_space<vmem>> -> memref<80x128xf32, #tpu.memory_space<vmem>>
    %dma_wait3A_71 = arith.constant 0 : i32
    %dma_wait3A_72 = tpu.memref_slice %arg9[%dma_wait3A, %dma_wait3A_71] : memref<2x80xi32, #tpu.memory_space<vmem>> -> memref<1x80xi32, #tpu.memory_space<vmem>>
    %dma_wait3A_73 = tpu.memref_squeeze %dma_wait3A_72 : memref<1x80xi32, #tpu.memory_space<vmem>> -> memref<80xi32, #tpu.memory_space<vmem>>
    %dma_wait3A_74 = arith.constant 0 : i32
    %dma_wait3A_75 = arith.constant 0 : i32
    %dma_wait3A_76 = tpu.memref_slice %arg2[%dma_wait3A_74, %dma_wait3A_75] : memref<10000x128xf32, #tpu.memory_space<hbm>> -> memref<10000x128xf32, #tpu.memory_space<hbm>>
    tpu.wait_indirect_dma semaphore(%arg13 : memref<!tpu.dma_semaphore, #tpu.memory_space<semaphore_mem>>) src(%dma_wait3A_76 : memref<10000x128xf32, #tpu.memory_space<hbm>>) dst(%dma_wait3A_70 : memref<80x128xf32, #tpu.memory_space<vmem>>)
    %scan3A_77 = arith.constant 0 : i32
    %scan3A_78 = arith.constant 80 : i32
    %scan3A_79 = arith.addi %scan3A_77, %scan3A_78 : i32
    %scan3A_80 = arith.constant 1 : i32
    scf.for %scan3A_150 = %scan3A_77 to %scan3A_79 step %scan3A_80  : i32 {
      %mul3A_151 = arith.constant 1 : i32
      %mul3A_152 = arith.muli %scan3A_150, %mul3A_151 : i32
      %add3A_153 = arith.constant 0 : i32
      %add3A_154 = arith.addi %add3A_153, %mul3A_152 : i32
      %add3A_155 = arith.constant 9920 : i32
      %add3A_156 = arith.addi %add3A_155, %add3A_154 : i32
      %broadcast_in_dim3A = vector.broadcast %add3A_156 : i32 to vector<16xi32>
      %gather3A = tpu.vector_load_idx %arg8[%broadcast_in_dim3A] : memref<10000xf32, #tpu.memory_space<vmem>>[vector<16xi32>], vector<16xf32>,
      %get3A_157 = arith.constant 0 : i32
      %get3A_158 = arith.index_cast %get3A_157 : i32 to index
      %get3A_159 = arith.index_cast %add3A_154 : i32 to index
      %get3A_160 = arith.constant 0 : index
      %get3A_161 = tpu.vector_load %arg11[%get3A_158, %get3A_159, %get3A_160] {strides = array<i32>} : memref<2x80x128xf32, #tpu.memory_space<vmem>>, vector<16xf32>,
      %mul3A_162 = arith.mulf %get3A_161, %gather3A : vector<16xf32>
      %swap3A_163 = arith.constant 0 : i32
      %swap3A_164 = arith.index_cast %swap3A_163 : i32 to index
      %swap3A_165 = arith.index_cast %add3A_154 : i32 to index
      %swap3A_166 = arith.constant 0 : index
      %swap3A_167 = tpu.vector_load %arg11[%swap3A_164, %swap3A_165, %swap3A_166] {strides = array<i32>} : memref<2x80x128xf32, #tpu.memory_space<vmem>>, vector<16xf32>,
      tpu.vector_store %arg11[%swap3A_164, %swap3A_165, %swap3A_166], %mul3A_162 {strides = array<i32>} : memref<2x80x128xf32, #tpu.memory_space<vmem>>, vector<16xf32>,
      %get3A_168 = arith.constant 0 : i32
      %get3A_169 = arith.index_cast %get3A_168 : i32 to index
      %get3A_170 = arith.index_cast %add3A_154 : i32 to index
      %get3A_171 = arith.constant 16 : index
      %get3A_172 = tpu.vector_load %arg11[%get3A_169, %get3A_170, %get3A_171] {strides = array<i32>} : memref<2x80x128xf32, #tpu.memory_space<vmem>>, vector<16xf32>,
      %mul3A_173 = arith.mulf %get3A_172, %gather3A : vector<16xf32>
      %swap3A_174 = arith.constant 0 : i32
      %swap3A_175 = arith.index_cast %swap3A_174 : i32 to index
      %swap3A_176 = arith.index_cast %add3A_154 : i32 to index
      %swap3A_177 = arith.constant 16 : index
      %swap3A_178 = tpu.vector_load %arg11[%swap3A_175, %swap3A_176, %swap3A_177] {strides = array<i32>} : memref<2x80x128xf32, #tpu.memory_space<vmem>>, vector<16xf32>,
      tpu.vector_store %arg11[%swap3A_175, %swap3A_176, %swap3A_177], %mul3A_173 {strides = array<i32>} : memref<2x80x128xf32, #tpu.memory_space<vmem>>, vector<16xf32>,
      %get3A_179 = arith.constant 0 : i32
      %get3A_180 = arith.index_cast %get3A_179 : i32 to index
      %get3A_181 = arith.index_cast %add3A_154 : i32 to index
      %get3A_182 = arith.constant 32 : index
      %get3A_183 = tpu.vector_load %arg11[%get3A_180, %get3A_181, %get3A_182] {strides = array<i32>} : memref<2x80x128xf32, #tpu.memory_space<vmem>>, vector<16xf32>,
      %mul3A_184 = arith.mulf %get3A_183, %gather3A : vector<16xf32>
      %swap3A_185 = arith.constant 0 : i32
      %swap3A_186 = arith.index_cast %swap3A_185 : i32 to index
      %swap3A_187 = arith.index_cast %add3A_154 : i32 to index
      %swap3A_188 = arith.constant 32 : index
      %swap3A_189 = tpu.vector_load %arg11[%swap3A_186, %swap3A_187, %swap3A_188] {strides = array<i32>} : memref<2x80x128xf32, #tpu.memory_space<vmem>>, vector<16xf32>,
      tpu.vector_store %arg11[%swap3A_186, %swap3A_187, %swap3A_188], %mul3A_184 {strides = array<i32>} : memref<2x80x128xf32, #tpu.memory_space<vmem>>, vector<16xf32>,
      %get3A_190 = arith.constant 0 : i32
      %get3A_191 = arith.index_cast %get3A_190 : i32 to index
      %get3A_192 = arith.index_cast %add3A_154 : i32 to index
      %get3A_193 = arith.constant 48 : index
      %get3A_194 = tpu.vector_load %arg11[%get3A_191, %get3A_192, %get3A_193] {strides = array<i32>} : memref<2x80x128xf32, #tpu.memory_space<vmem>>, vector<16xf32>,
      %mul3A_195 = arith.mulf %get3A_194, %gather3A : vector<16xf32>
      %swap3A_196 = arith.constant 0 : i32
      %swap3A_197 = arith.index_cast %swap3A_196 : i32 to index
      %swap3A_198 = arith.index_cast %add3A_154 : i32 to index
      %swap3A_199 = arith.constant 48 : index
      %swap3A_200 = tpu.vector_load %arg11[%swap3A_197, %swap3A_198, %swap3A_199] {strides = array<i32>} : memref<2x80x128xf32, #tpu.memory_space<vmem>>, vector<16xf32>,
      tpu.vector_store %arg11[%swap3A_197, %swap3A_198, %swap3A_199], %mul3A_195 {strides = array<i32>} : memref<2x80x128xf32, #tpu.memory_space<vmem>>, vector<16xf32>,
      %get3A_201 = arith.constant 0 : i32
      %get3A_202 = arith.index_cast %get3A_201 : i32 to index
      %get3A_203 = arith.index_cast %add3A_154 : i32 to index
      %get3A_204 = arith.constant 64 : index
      %get3A_205 = tpu.vector_load %arg11[%get3A_202, %get3A_203, %get3A_204] {strides = array<i32>} : memref<2x80x128xf32, #tpu.memory_space<vmem>>, vector<16xf32>,
      %mul3A_206 = arith.mulf %get3A_205, %gather3A : vector<16xf32>
      %swap3A_207 = arith.constant 0 : i32
      %swap3A_208 = arith.index_cast %swap3A_207 : i32 to index
      %swap3A_209 = arith.index_cast %add3A_154 : i32 to index
      %swap3A_210 = arith.constant 64 : index
      %swap3A_211 = tpu.vector_load %arg11[%swap3A_208, %swap3A_209, %swap3A_210] {strides = array<i32>} : memref<2x80x128xf32, #tpu.memory_space<vmem>>, vector<16xf32>,
      tpu.vector_store %arg11[%swap3A_208, %swap3A_209, %swap3A_210], %mul3A_206 {strides = array<i32>} : memref<2x80x128xf32, #tpu.memory_space<vmem>>, vector<16xf32>,
      %get3A_212 = arith.constant 0 : i32
      %get3A_213 = arith.index_cast %get3A_212 : i32 to index
      %get3A_214 = arith.index_cast %add3A_154 : i32 to index
      %get3A_215 = arith.constant 80 : index
      %get3A_216 = tpu.vector_load %arg11[%get3A_213, %get3A_214, %get3A_215] {strides = array<i32>} : memref<2x80x128xf32, #tpu.memory_space<vmem>>, vector<16xf32>,
      %mul3A_217 = arith.mulf %get3A_216, %gather3A : vector<16xf32>
      %swap3A_218 = arith.constant 0 : i32
      %swap3A_219 = arith.index_cast %swap3A_218 : i32 to index
      %swap3A_220 = arith.index_cast %add3A_154 : i32 to index
      %swap3A_221 = arith.constant 80 : index
      %swap3A_222 = tpu.vector_load %arg11[%swap3A_219, %swap3A_220, %swap3A_221] {strides = array<i32>} : memref<2x80x128xf32, #tpu.memory_space<vmem>>, vector<16xf32>,
      tpu.vector_store %arg11[%swap3A_219, %swap3A_220, %swap3A_221], %mul3A_217 {strides = array<i32>} : memref<2x80x128xf32, #tpu.memory_space<vmem>>, vector<16xf32>,
      %get3A_223 = arith.constant 0 : i32
      %get3A_224 = arith.index_cast %get3A_223 : i32 to index
      %get3A_225 = arith.index_cast %add3A_154 : i32 to index
      %get3A_226 = arith.constant 96 : index
      %get3A_227 = tpu.vector_load %arg11[%get3A_224, %get3A_225, %get3A_226] {strides = array<i32>} : memref<2x80x128xf32, #tpu.memory_space<vmem>>, vector<16xf32>,
      %mul3A_228 = arith.mulf %get3A_227, %gather3A : vector<16xf32>
      %swap3A_229 = arith.constant 0 : i32
      %swap3A_230 = arith.index_cast %swap3A_229 : i32 to index
      %swap3A_231 = arith.index_cast %add3A_154 : i32 to index
      %swap3A_232 = arith.constant 96 : index
      %swap3A_233 = tpu.vector_load %arg11[%swap3A_230, %swap3A_231, %swap3A_232] {strides = array<i32>} : memref<2x80x128xf32, #tpu.memory_space<vmem>>, vector<16xf32>,
      tpu.vector_store %arg11[%swap3A_230, %swap3A_231, %swap3A_232], %mul3A_228 {strides = array<i32>} : memref<2x80x128xf32, #tpu.memory_space<vmem>>, vector<16xf32>,
      %get3A_234 = arith.constant 0 : i32
      %get3A_235 = arith.index_cast %get3A_234 : i32 to index
      %get3A_236 = arith.index_cast %add3A_154 : i32 to index
      %get3A_237 = arith.constant 112 : index
      %get3A_238 = tpu.vector_load %arg11[%get3A_235, %get3A_236, %get3A_237] {strides = array<i32>} : memref<2x80x128xf32, #tpu.memory_space<vmem>>, vector<16xf32>,
      %mul3A_239 = arith.mulf %get3A_238, %gather3A : vector<16xf32>
      %swap3A_240 = arith.constant 0 : i32
      %swap3A_241 = arith.index_cast %swap3A_240 : i32 to index
      %swap3A_242 = arith.index_cast %add3A_154 : i32 to index
      %swap3A_243 = arith.constant 112 : index
      %swap3A_244 = tpu.vector_load %arg11[%swap3A_241, %swap3A_242, %swap3A_243] {strides = array<i32>} : memref<2x80x128xf32, #tpu.memory_space<vmem>>, vector<16xf32>,
      tpu.vector_store %arg11[%swap3A_241, %swap3A_242, %swap3A_243], %mul3A_239 {strides = array<i32>} : memref<2x80x128xf32, #tpu.memory_space<vmem>>, vector<16xf32>,
    }
    %scan3A_81 = arith.constant 80 : i32
    %get3A_82 = arith.constant 9920 : index
    %get3A_83 = tpu.vector_load %arg7[%get3A_82] {strides = array<i32>} : memref<10000xi32, #tpu.memory_space<vmem>>, vector<16xi32>,
    %shift_right_logical3A = arith.constant 16 : i32
    %shift_right_logical3A_84 = vector.broadcast %shift_right_logical3A : i32 to vector<16xi32>
    %shift_right_logical3A_85 = arith.shrui %get3A_83, %shift_right_logical3A_84 : vector<16xi32>
    %swap3A_86 = arith.constant 0 : i32
    %swap3A_87 = arith.index_cast %swap3A_86 : i32 to index
    %swap3A_88 = arith.constant 0 : index
    %swap3A_89 = tpu.vector_load %arg10[%swap3A_87, %swap3A_88] {strides = array<i32>} : memref<2x80xi32, #tpu.memory_space<vmem>>, vector<16xi32>,
    tpu.vector_store %arg10[%swap3A_87, %swap3A_88], %shift_right_logical3A_85 {strides = array<i32>} : memref<2x80xi32, #tpu.memory_space<vmem>>, vector<16xi32>,
    %get3A_90 = arith.constant 9936 : index
    %get3A_91 = tpu.vector_load %arg7[%get3A_90] {strides = array<i32>} : memref<10000xi32, #tpu.memory_space<vmem>>, vector<16xi32>,
    %shift_right_logical3A_92 = arith.constant 16 : i32
    %shift_right_logical3A_93 = vector.broadcast %shift_right_logical3A_92 : i32 to vector<16xi32>
    %shift_right_logical3A_94 = arith.shrui %get3A_91, %shift_right_logical3A_93 : vector<16xi32>
    %swap3A_95 = arith.constant 0 : i32
    %swap3A_96 = arith.index_cast %swap3A_95 : i32 to index
    %swap3A_97 = arith.constant 16 : index
    %swap3A_98 = tpu.vector_load %arg10[%swap3A_96, %swap3A_97] {strides = array<i32>} : memref<2x80xi32, #tpu.memory_space<vmem>>, vector<16xi32>,
    tpu.vector_store %arg10[%swap3A_96, %swap3A_97], %shift_right_logical3A_94 {strides = array<i32>} : memref<2x80xi32, #tpu.memory_space<vmem>>, vector<16xi32>,
    %get3A_99 = arith.constant 9952 : index
    %get3A_100 = tpu.vector_load %arg7[%get3A_99] {strides = array<i32>} : memref<10000xi32, #tpu.memory_space<vmem>>, vector<16xi32>,
    %shift_right_logical3A_101 = arith.constant 16 : i32
    %shift_right_logical3A_102 = vector.broadcast %shift_right_logical3A_101 : i32 to vector<16xi32>
    %shift_right_logical3A_103 = arith.shrui %get3A_100, %shift_right_logical3A_102 : vector<16xi32>
    %swap3A_104 = arith.constant 0 : i32
    %swap3A_105 = arith.index_cast %swap3A_104 : i32 to index
    %swap3A_106 = arith.constant 32 : index
    %swap3A_107 = tpu.vector_load %arg10[%swap3A_105, %swap3A_106] {strides = array<i32>} : memref<2x80xi32, #tpu.memory_space<vmem>>, vector<16xi32>,
    tpu.vector_store %arg10[%swap3A_105, %swap3A_106], %shift_right_logical3A_103 {strides = array<i32>} : memref<2x80xi32, #tpu.memory_space<vmem>>, vector<16xi32>,
    %get3A_108 = arith.constant 9968 : index
    %get3A_109 = tpu.vector_load %arg7[%get3A_108] {strides = array<i32>} : memref<10000xi32, #tpu.memory_space<vmem>>, vector<16xi32>,
    %shift_right_logical3A_110 = arith.constant 16 : i32
    %shift_right_logical3A_111 = vector.broadcast %shift_right_logical3A_110 : i32 to vector<16xi32>
    %shift_right_logical3A_112 = arith.shrui %get3A_109, %shift_right_logical3A_111 : vector<16xi32>
    %swap3A_113 = arith.constant 0 : i32
    %swap3A_114 = arith.index_cast %swap3A_113 : i32 to index
    %swap3A_115 = arith.constant 48 : index
    %swap3A_116 = tpu.vector_load %arg10[%swap3A_114, %swap3A_115] {strides = array<i32>} : memref<2x80xi32, #tpu.memory_space<vmem>>, vector<16xi32>,
    tpu.vector_store %arg10[%swap3A_114, %swap3A_115], %shift_right_logical3A_112 {strides = array<i32>} : memref<2x80xi32, #tpu.memory_space<vmem>>, vector<16xi32>,
    %get3A_117 = arith.constant 9984 : index
    %get3A_118 = tpu.vector_load %arg7[%get3A_117] {strides = array<i32>} : memref<10000xi32, #tpu.memory_space<vmem>>, vector<16xi32>,
    %shift_right_logical3A_119 = arith.constant 16 : i32
    %shift_right_logical3A_120 = vector.broadcast %shift_right_logical3A_119 : i32 to vector<16xi32>
    %shift_right_logical3A_121 = arith.shrui %get3A_118, %shift_right_logical3A_120 : vector<16xi32>
    %swap3A_122 = arith.constant 0 : i32
    %swap3A_123 = arith.index_cast %swap3A_122 : i32 to index
    %swap3A_124 = arith.constant 64 : index
    %swap3A_125 = tpu.vector_load %arg10[%swap3A_123, %swap3A_124] {strides = array<i32>} : memref<2x80xi32, #tpu.memory_space<vmem>>, vector<16xi32>,
    tpu.vector_store %arg10[%swap3A_123, %swap3A_124], %shift_right_logical3A_121 {strides = array<i32>} : memref<2x80xi32, #tpu.memory_space<vmem>>, vector<16xi32>,
    %dma_wait3A_126 = arith.constant 1 : i32
    %dma_wait3A_127 = arith.constant 1 : i32
    %dma_wait3A_128 = arith.constant 0 : i32
    %dma_wait3A_129 = arith.constant 0 : i32
    %dma_wait3A_130 = tpu.memref_slice %arg11[%dma_wait3A_126, %dma_wait3A_128, %dma_wait3A_129] : memref<2x80x128xf32, #tpu.memory_space<vmem>> -> memref<1x80x128xf32, #tpu.memory_space<vmem>>
    %dma_wait3A_131 = tpu.memref_squeeze %dma_wait3A_130 : memref<1x80x128xf32, #tpu.memory_space<vmem>> -> memref<80x128xf32, #tpu.memory_space<vmem>>
    %dma_wait3A_132 = arith.constant 0 : i32
    %dma_wait3A_133 = tpu.memref_slice %arg10[%dma_wait3A_127, %dma_wait3A_132] : memref<2x80xi32, #tpu.memory_space<vmem>> -> memref<1x80xi32, #tpu.memory_space<vmem>>
    %dma_wait3A_134 = tpu.memref_squeeze %dma_wait3A_133 : memref<1x80xi32, #tpu.memory_space<vmem>> -> memref<80xi32, #tpu.memory_space<vmem>>
    %dma_wait3A_135 = arith.constant 0 : i32
    %dma_wait3A_136 = arith.constant 0 : i32
    %dma_wait3A_137 = tpu.memref_slice %arg12[%dma_wait3A_135, %dma_wait3A_136] : memref<10000x128xf32, #tpu.memory_space<vmem_shared>> -> memref<10000x128xf32, #tpu.memory_space<vmem_shared>>
    tpu.wait_indirect_dma semaphore(%arg16 : memref<!tpu.dma_semaphore, #tpu.memory_space<semaphore_mem>>) src(%dma_wait3A_131 : memref<80x128xf32, #tpu.memory_space<vmem>>) dst(%dma_wait3A_137 : memref<10000x128xf32, #tpu.memory_space<vmem_shared>>)
    %run_scoped3A = arith.constant 0 : i32
    %run_scoped3A_138 = arith.constant 0 : i32
    "tpu.region"() ({
      %run_scoped3A_150 = tpu.sem_alloc : memref<!tpu.dma_semaphore, #tpu.memory_space<semaphore_mem>>
      %dma_start3A_151 = arith.constant 0 : i32
      %dma_start3A_152 = arith.constant 0 : i32
      %dma_start3A_153 = tpu.memref_slice %arg11[%run_scoped3A, %dma_start3A_151, %dma_start3A_152] : memref<2x80x128xf32, #tpu.memory_space<vmem>> -> memref<1x80x128xf32, #tpu.memory_space<vmem>>
      %dma_start3A_154 = tpu.memref_squeeze %dma_start3A_153 : memref<1x80x128xf32, #tpu.memory_space<vmem>> -> memref<80x128xf32, #tpu.memory_space<vmem>>
      %dma_start3A_155 = arith.constant 0 : i32
      %dma_start3A_156 = tpu.memref_slice %arg10[%run_scoped3A_138, %dma_start3A_155] : memref<2x80xi32, #tpu.memory_space<vmem>> -> memref<1x80xi32, #tpu.memory_space<vmem>>
      %dma_start3A_157 = tpu.memref_squeeze %dma_start3A_156 : memref<1x80xi32, #tpu.memory_space<vmem>> -> memref<80xi32, #tpu.memory_space<vmem>>
      %dma_start3A_158 = arith.constant 0 : i32
      %dma_start3A_159 = arith.constant 0 : i32
      %dma_start3A_160 = tpu.memref_slice %arg12[%dma_start3A_158, %dma_start3A_159] : memref<10000x128xf32, #tpu.memory_space<vmem_shared>> -> memref<10000x128xf32, #tpu.memory_space<vmem_shared>>
      tpu.enqueue_indirect_dma source(%dma_start3A_154 : memref<80x128xf32, #tpu.memory_space<vmem>>) target(%dma_start3A_160 : memref<10000x128xf32, #tpu.memory_space<vmem_shared>>) offsets(%dma_start3A_157 : memref<80xi32, #tpu.memory_space<vmem>>) semaphore(%run_scoped3A_150 : memref<!tpu.dma_semaphore, #tpu.memory_space<semaphore_mem>>) {add = true}
      %dma_wait3A_161 = arith.constant 0 : i32
      %dma_wait3A_162 = arith.constant 0 : i32
      %dma_wait3A_163 = tpu.memref_slice %arg11[%run_scoped3A, %dma_wait3A_161, %dma_wait3A_162] : memref<2x80x128xf32, #tpu.memory_space<vmem>> -> memref<1x80x128xf32, #tpu.memory_space<vmem>>
      %dma_wait3A_164 = tpu.memref_squeeze %dma_wait3A_163 : memref<1x80x128xf32, #tpu.memory_space<vmem>> -> memref<80x128xf32, #tpu.memory_space<vmem>>
      %dma_wait3A_165 = arith.constant 0 : i32
      %dma_wait3A_166 = tpu.memref_slice %arg10[%run_scoped3A_138, %dma_wait3A_165] : memref<2x80xi32, #tpu.memory_space<vmem>> -> memref<1x80xi32, #tpu.memory_space<vmem>>
      %dma_wait3A_167 = tpu.memref_squeeze %dma_wait3A_166 : memref<1x80xi32, #tpu.memory_space<vmem>> -> memref<80xi32, #tpu.memory_space<vmem>>
      %dma_wait3A_168 = arith.constant 0 : i32
      %dma_wait3A_169 = arith.constant 0 : i32
      %dma_wait3A_170 = tpu.memref_slice %arg12[%dma_wait3A_168, %dma_wait3A_169] : memref<10000x128xf32, #tpu.memory_space<vmem_shared>> -> memref<10000x128xf32, #tpu.memory_space<vmem_shared>>
      tpu.wait_indirect_dma semaphore(%run_scoped3A_150 : memref<!tpu.dma_semaphore, #tpu.memory_space<semaphore_mem>>) src(%dma_wait3A_164 : memref<80x128xf32, #tpu.memory_space<vmem>>) dst(%dma_wait3A_170 : memref<10000x128xf32, #tpu.memory_space<vmem_shared>>)
      tpu.yield
    }) : () -> ()
    %barrier3A_139 = arith.constant 0 : index
    tpu.barrier barrier_id(%barrier3A_139)
    %lt3A_140 = arith.constant 15 : i32
    %lt3A_141 = arith.cmpi slt, %arg1, %lt3A_140 : i32
    %convert_element_type3A_142 = arith.extui %lt3A_141 : i1 to i32
    %cond3A_143 = arith.constant 0 : i32
    %cond3A_144 = arith.cmpi ne, %convert_element_type3A_142, %cond3A_143 : i32
    scf.if %cond3A_144 {
      "tpu.region"() ({
        %run_scoped3A_150 = tpu.sem_alloc : memref<!tpu.dma_semaphore, #tpu.memory_space<semaphore_mem>>
        %dma_start3A_151 = arith.constant 0 : i32
        %dma_start3A_152 = tpu.memref_slice %arg6[%arg0, %mul3A_2, %dma_start3A_151] : memref<2x10000x128xf32, #tpu.memory_space<hbm>> -> memref<1x624x128xf32, #tpu.memory_space<hbm>>
        %dma_start3A_153 = tpu.memref_squeeze %dma_start3A_152 : memref<1x624x128xf32, #tpu.memory_space<hbm>> -> memref<624x128xf32, #tpu.memory_space<hbm>>
        %dma_start3A_154 = arith.constant 0 : i32
        %dma_start3A_155 = tpu.memref_slice %arg12[%mul3A_2, %dma_start3A_154] : memref<10000x128xf32, #tpu.memory_space<vmem_shared>> -> memref<624x128xf32, #tpu.memory_space<vmem_shared>>
        tpu.enqueue_dma source(%dma_start3A_155 : memref<624x128xf32, #tpu.memory_space<vmem_shared>>) target(%dma_start3A_153 : memref<624x128xf32, #tpu.memory_space<hbm>>) target_semaphore(%run_scoped3A_150 : memref<!tpu.dma_semaphore, #tpu.memory_space<semaphore_mem>>)
        %dma_wait3A_156 = arith.constant 0 : i32
        %dma_wait3A_157 = tpu.memref_slice %arg6[%arg0, %mul3A_2, %dma_wait3A_156] : memref<2x10000x128xf32, #tpu.memory_space<hbm>> -> memref<1x624x128xf32, #tpu.memory_space<hbm>>
        %dma_wait3A_158 = tpu.memref_squeeze %dma_wait3A_157 : memref<1x624x128xf32, #tpu.memory_space<hbm>> -> memref<624x128xf32, #tpu.memory_space<hbm>>
        %dma_wait3A_159 = arith.constant 0 : i32
        %dma_wait3A_160 = tpu.memref_slice %arg12[%mul3A_2, %dma_wait3A_159] : memref<10000x128xf32, #tpu.memory_space<vmem_shared>> -> memref<624x128xf32, #tpu.memory_space<vmem_shared>>
        tpu.wait_dma2 semaphore(%run_scoped3A_150 : memref<!tpu.dma_semaphore, #tpu.memory_space<semaphore_mem>>) src(%dma_wait3A_160 : memref<624x128xf32, #tpu.memory_space<vmem_shared>>) dst(%dma_wait3A_158 : memref<624x128xf32, #tpu.memory_space<hbm>>)
        tpu.yield
      }) : () -> ()
    } else {
    }
    %eq3A_145 = arith.constant 15 : i32
    %eq3A_146 = arith.cmpi eq, %arg1, %eq3A_145 : i32
    %convert_element_type3A_147 = arith.extui %eq3A_146 : i1 to i32
    %cond3A_148 = arith.constant 0 : i32
    %cond3A_149 = arith.cmpi ne, %convert_element_type3A_147, %cond3A_148 : i32
    scf.if %cond3A_149 {
      "tpu.region"() ({
        %run_scoped3A_150 = tpu.sem_alloc : memref<!tpu.dma_semaphore, #tpu.memory_space<semaphore_mem>>
        %dma_start3A_151 = arith.constant 0 : i32
        %dma_start3A_152 = tpu.memref_slice %arg6[%arg0, %mul3A_2, %dma_start3A_151] : memref<2x10000x128xf32, #tpu.memory_space<hbm>> -> memref<1x640x128xf32, #tpu.memory_space<hbm>>
        %dma_start3A_153 = tpu.memref_squeeze %dma_start3A_152 : memref<1x640x128xf32, #tpu.memory_space<hbm>> -> memref<640x128xf32, #tpu.memory_space<hbm>>
        %dma_start3A_154 = arith.constant 0 : i32
        %dma_start3A_155 = tpu.memref_slice %arg12[%mul3A_2, %dma_start3A_154] : memref<10000x128xf32, #tpu.memory_space<vmem_shared>> -> memref<640x128xf32, #tpu.memory_space<vmem_shared>>
        tpu.enqueue_dma source(%dma_start3A_155 : memref<640x128xf32, #tpu.memory_space<vmem_shared>>) target(%dma_start3A_153 : memref<640x128xf32, #tpu.memory_space<hbm>>) target_semaphore(%run_scoped3A_150 : memref<!tpu.dma_semaphore, #tpu.memory_space<semaphore_mem>>)
        %dma_wait3A_156 = arith.constant 0 : i32
        %dma_wait3A_157 = tpu.memref_slice %arg6[%arg0, %mul3A_2, %dma_wait3A_156] : memref<2x10000x128xf32, #tpu.memory_space<hbm>> -> memref<1x640x128xf32, #tpu.memory_space<hbm>>
        %dma_wait3A_158 = tpu.memref_squeeze %dma_wait3A_157 : memref<1x640x128xf32, #tpu.memory_space<hbm>> -> memref<640x128xf32, #tpu.memory_space<hbm>>
        %dma_wait3A_159 = arith.constant 0 : i32
        %dma_wait3A_160 = tpu.memref_slice %arg12[%mul3A_2, %dma_wait3A_159] : memref<10000x128xf32, #tpu.memory_space<vmem_shared>> -> memref<640x128xf32, #tpu.memory_space<vmem_shared>>
        tpu.wait_dma2 semaphore(%run_scoped3A_150 : memref<!tpu.dma_semaphore, #tpu.memory_space<semaphore_mem>>) src(%dma_wait3A_160 : memref<640x128xf32, #tpu.memory_space<vmem_shared>>) dst(%dma_wait3A_158 : memref<640x128xf32, #tpu.memory_space<hbm>>)
        tpu.yield
      }) : () -> ()
    } else {
    }
    return
  }
}

#map = affine_map<(d0, d1) -> (0, 0)>
#map1 = affine_map<(d0, d1) -> (0, 0, 0)>
module attributes {stable_mosaic.version = 14 : i64} {
  func.func @_sc_degrees(%arg0: i32, %arg1: i32, %arg2: memref<32x10000xi32, #tpu.memory_space<hbm>>, %arg3: memref<32x10000xf32, #tpu.memory_space<hbm>>, %arg4: memref<32x2x10000xf32, #tpu.memory_space<hbm>>, %arg5: memref<10000xi32, #tpu.memory_space<vmem>>, %arg6: memref<10000xf32, #tpu.memory_space<vmem>>, %arg7: memref<10000xf32, #tpu.memory_space<vmem>>, %arg8: memref<10000xf32, #tpu.memory_space<vmem>>) attributes {dimension_semantics = [#tpu.dimension_semantics<core_parallel>, #tpu.dimension_semantics<subcore_parallel>], iteration_bounds = array<i64: 2, 16>, scalar_prefetch = 0 : i64, scratch_operands = 4 : i64, tpu.core_type = #tpu.core_type<sc_vector_subcore>, window_params = [{transform_indices = #map}, {transform_indices = #map}, {transform_indices = #map1}]} {
    %mul3A = arith.constant 2 : i32
    %mul3A_0 = arith.muli %arg1, %mul3A : i32
    %add3A = arith.addi %mul3A_0, %arg0 : i32
    "tpu.region"() ({
      %run_scoped3A_12 = tpu.sem_alloc : memref<!tpu.dma_semaphore, #tpu.memory_space<semaphore_mem>>
      %dma_start3A = arith.constant 0 : i32
      %dma_start3A_13 = tpu.memref_slice %arg2[%add3A, %dma_start3A] : memref<32x10000xi32, #tpu.memory_space<hbm>> -> memref<1x10000xi32, #tpu.memory_space<hbm>>
      %dma_start3A_14 = tpu.memref_squeeze %dma_start3A_13 : memref<1x10000xi32, #tpu.memory_space<hbm>> -> memref<10000xi32, #tpu.memory_space<hbm>>
      %dma_start3A_15 = arith.constant 0 : i32
      %dma_start3A_16 = tpu.memref_slice %arg2[%add3A, %dma_start3A_15] : memref<32x10000xi32, #tpu.memory_space<hbm>> -> memref<1x10000xi32, #tpu.memory_space<hbm>>
      %dma_start3A_17 = tpu.memref_squeeze %dma_start3A_16 : memref<1x10000xi32, #tpu.memory_space<hbm>> -> memref<10000xi32, #tpu.memory_space<hbm>>
      tpu.enqueue_dma source(%dma_start3A_17 : memref<10000xi32, #tpu.memory_space<hbm>>) target(%arg5 : memref<10000xi32, #tpu.memory_space<vmem>>) target_semaphore(%run_scoped3A_12 : memref<!tpu.dma_semaphore, #tpu.memory_space<semaphore_mem>>)
      %dma_wait3A = arith.constant 0 : i32
      %dma_wait3A_18 = tpu.memref_slice %arg2[%add3A, %dma_wait3A] : memref<32x10000xi32, #tpu.memory_space<hbm>> -> memref<1x10000xi32, #tpu.memory_space<hbm>>
      %dma_wait3A_19 = tpu.memref_squeeze %dma_wait3A_18 : memref<1x10000xi32, #tpu.memory_space<hbm>> -> memref<10000xi32, #tpu.memory_space<hbm>>
      %dma_wait3A_20 = arith.constant 0 : i32
      %dma_wait3A_21 = tpu.memref_slice %arg2[%add3A, %dma_wait3A_20] : memref<32x10000xi32, #tpu.memory_space<hbm>> -> memref<1x10000xi32, #tpu.memory_space<hbm>>
      %dma_wait3A_22 = tpu.memref_squeeze %dma_wait3A_21 : memref<1x10000xi32, #tpu.memory_space<hbm>> -> memref<10000xi32, #tpu.memory_space<hbm>>
      tpu.wait_dma2 semaphore(%run_scoped3A_12 : memref<!tpu.dma_semaphore, #tpu.memory_space<semaphore_mem>>) src(%dma_wait3A_22 : memref<10000xi32, #tpu.memory_space<hbm>>) dst(%arg5 : memref<10000xi32, #tpu.memory_space<vmem>>)
      tpu.yield
    }) : () -> ()
    "tpu.region"() ({
      %run_scoped3A_12 = tpu.sem_alloc : memref<!tpu.dma_semaphore, #tpu.memory_space<semaphore_mem>>
      %dma_start3A = arith.constant 0 : i32
      %dma_start3A_13 = tpu.memref_slice %arg3[%add3A, %dma_start3A] : memref<32x10000xf32, #tpu.memory_space<hbm>> -> memref<1x10000xf32, #tpu.memory_space<hbm>>
      %dma_start3A_14 = tpu.memref_squeeze %dma_start3A_13 : memref<1x10000xf32, #tpu.memory_space<hbm>> -> memref<10000xf32, #tpu.memory_space<hbm>>
      %dma_start3A_15 = arith.constant 0 : i32
      %dma_start3A_16 = tpu.memref_slice %arg3[%add3A, %dma_start3A_15] : memref<32x10000xf32, #tpu.memory_space<hbm>> -> memref<1x10000xf32, #tpu.memory_space<hbm>>
      %dma_start3A_17 = tpu.memref_squeeze %dma_start3A_16 : memref<1x10000xf32, #tpu.memory_space<hbm>> -> memref<10000xf32, #tpu.memory_space<hbm>>
      tpu.enqueue_dma source(%dma_start3A_17 : memref<10000xf32, #tpu.memory_space<hbm>>) target(%arg6 : memref<10000xf32, #tpu.memory_space<vmem>>) target_semaphore(%run_scoped3A_12 : memref<!tpu.dma_semaphore, #tpu.memory_space<semaphore_mem>>)
      %dma_wait3A = arith.constant 0 : i32
      %dma_wait3A_18 = tpu.memref_slice %arg3[%add3A, %dma_wait3A] : memref<32x10000xf32, #tpu.memory_space<hbm>> -> memref<1x10000xf32, #tpu.memory_space<hbm>>
      %dma_wait3A_19 = tpu.memref_squeeze %dma_wait3A_18 : memref<1x10000xf32, #tpu.memory_space<hbm>> -> memref<10000xf32, #tpu.memory_space<hbm>>
      %dma_wait3A_20 = arith.constant 0 : i32
      %dma_wait3A_21 = tpu.memref_slice %arg3[%add3A, %dma_wait3A_20] : memref<32x10000xf32, #tpu.memory_space<hbm>> -> memref<1x10000xf32, #tpu.memory_space<hbm>>
      %dma_wait3A_22 = tpu.memref_squeeze %dma_wait3A_21 : memref<1x10000xf32, #tpu.memory_space<hbm>> -> memref<10000xf32, #tpu.memory_space<hbm>>
      tpu.wait_dma2 semaphore(%run_scoped3A_12 : memref<!tpu.dma_semaphore, #tpu.memory_space<semaphore_mem>>) src(%dma_wait3A_22 : memref<10000xf32, #tpu.memory_space<hbm>>) dst(%arg6 : memref<10000xf32, #tpu.memory_space<vmem>>)
      tpu.yield
    }) : () -> ()
    %broadcast_in_dim3A = arith.constant 0.000000e+00 : f32
    %broadcast_in_dim3A_1 = vector.broadcast %broadcast_in_dim3A : f32 to vector<16xf32>
    %scan3A = arith.constant 0 : i32
    %scan3A_2 = arith.constant 625 : i32
    %scan3A_3 = arith.addi %scan3A, %scan3A_2 : i32
    %scan3A_4 = arith.constant 1 : i32
    scf.for %scan3A_12 = %scan3A to %scan3A_3 step %scan3A_4  : i32 {
      %mul3A_13 = arith.constant 1 : i32
      %mul3A_14 = arith.muli %scan3A_12, %mul3A_13 : i32
      %add3A_15 = arith.constant 0 : i32
      %add3A_16 = arith.addi %add3A_15, %mul3A_14 : i32
      %mul3A_17 = arith.constant 16 : i32
      %mul3A_18 = arith.muli %add3A_16, %mul3A_17 : i32
      %swap3A = arith.index_cast %mul3A_18 : i32 to index
      %swap3A_19 = tpu.vector_load %arg7[%swap3A] {strides = array<i32>} : memref<10000xf32, #tpu.memory_space<vmem>>, vector<16xf32>,
      tpu.vector_store %arg7[%swap3A], %broadcast_in_dim3A_1 {strides = array<i32>} : memref<10000xf32, #tpu.memory_space<vmem>>, vector<16xf32>,
      %mul3A_20 = arith.constant 16 : i32
      %mul3A_21 = arith.muli %add3A_16, %mul3A_20 : i32
      %swap3A_22 = arith.index_cast %mul3A_21 : i32 to index
      %swap3A_23 = tpu.vector_load %arg8[%swap3A_22] {strides = array<i32>} : memref<10000xf32, #tpu.memory_space<vmem>>, vector<16xf32>,
      tpu.vector_store %arg8[%swap3A_22], %broadcast_in_dim3A_1 {strides = array<i32>} : memref<10000xf32, #tpu.memory_space<vmem>>, vector<16xf32>,
    }
    %scan3A_5 = arith.constant 625 : i32
    %scan3A_6 = arith.constant 0 : i32
    %scan3A_7 = arith.constant 625 : i32
    %scan3A_8 = arith.addi %scan3A_6, %scan3A_7 : i32
    %scan3A_9 = arith.constant 1 : i32
    scf.for %scan3A_12 = %scan3A_6 to %scan3A_8 step %scan3A_9  : i32 {
      %mul3A_13 = arith.constant 1 : i32
      %mul3A_14 = arith.muli %scan3A_12, %mul3A_13 : i32
      %add3A_15 = arith.constant 0 : i32
      %add3A_16 = arith.addi %add3A_15, %mul3A_14 : i32
      %mul3A_17 = arith.constant 16 : i32
      %mul3A_18 = arith.muli %add3A_16, %mul3A_17 : i32
      %get3A = arith.index_cast %mul3A_18 : i32 to index
      %get3A_19 = tpu.vector_load %arg5[%get3A] {strides = array<i32>} : memref<10000xi32, #tpu.memory_space<vmem>>, vector<16xi32>,
      %and3A = arith.constant 65535 : i32
      %and3A_20 = vector.broadcast %and3A : i32 to vector<16xi32>
      %and3A_21 = arith.andi %get3A_19, %and3A_20 : vector<16xi32>
      %shift_right_logical3A = arith.constant 16 : i32
      %shift_right_logical3A_22 = vector.broadcast %shift_right_logical3A : i32 to vector<16xi32>
      %shift_right_logical3A_23 = arith.shrui %get3A_19, %shift_right_logical3A_22 : vector<16xi32>
      %mul3A_24 = arith.constant 16 : i32
      %mul3A_25 = arith.muli %add3A_16, %mul3A_24 : i32
      %get3A_26 = arith.index_cast %mul3A_25 : i32 to index
      %get3A_27 = tpu.vector_load %arg6[%get3A_26] {strides = array<i32>} : memref<10000xf32, #tpu.memory_space<vmem>>, vector<16xf32>,
      tpu.vector_store_idx %arg7[%and3A_21], %get3A_27 {add = true} : memref<10000xf32, #tpu.memory_space<vmem>>[vector<16xi32>], vector<16xf32>,
      tpu.vector_store_idx %arg8[%shift_right_logical3A_23], %get3A_27 {add = true} : memref<10000xf32, #tpu.memory_space<vmem>>[vector<16xi32>], vector<16xf32>,
    }
    %scan3A_10 = arith.constant 625 : i32
    %run_scoped3A = arith.constant 0 : i32
    "tpu.region"() ({
      %run_scoped3A_12 = tpu.sem_alloc : memref<!tpu.dma_semaphore, #tpu.memory_space<semaphore_mem>>
      %dma_start3A = arith.constant 0 : i32
      %dma_start3A_13 = tpu.memref_slice %arg4[%add3A, %run_scoped3A, %dma_start3A] : memref<32x2x10000xf32, #tpu.memory_space<hbm>> -> memref<1x1x10000xf32, #tpu.memory_space<hbm>>
      %dma_start3A_14 = tpu.memref_squeeze %dma_start3A_13 : memref<1x1x10000xf32, #tpu.memory_space<hbm>> -> memref<10000xf32, #tpu.memory_space<hbm>>
      %dma_start3A_15 = arith.constant 0 : i32
      %dma_start3A_16 = tpu.memref_slice %arg4[%add3A, %run_scoped3A, %dma_start3A_15] : memref<32x2x10000xf32, #tpu.memory_space<hbm>> -> memref<1x1x10000xf32, #tpu.memory_space<hbm>>
      %dma_start3A_17 = tpu.memref_squeeze %dma_start3A_16 : memref<1x1x10000xf32, #tpu.memory_space<hbm>> -> memref<10000xf32, #tpu.memory_space<hbm>>
      tpu.enqueue_dma source(%arg7 : memref<10000xf32, #tpu.memory_space<vmem>>) target(%dma_start3A_17 : memref<10000xf32, #tpu.memory_space<hbm>>) target_semaphore(%run_scoped3A_12 : memref<!tpu.dma_semaphore, #tpu.memory_space<semaphore_mem>>)
      %dma_wait3A = arith.constant 0 : i32
      %dma_wait3A_18 = tpu.memref_slice %arg4[%add3A, %run_scoped3A, %dma_wait3A] : memref<32x2x10000xf32, #tpu.memory_space<hbm>> -> memref<1x1x10000xf32, #tpu.memory_space<hbm>>
      %dma_wait3A_19 = tpu.memref_squeeze %dma_wait3A_18 : memref<1x1x10000xf32, #tpu.memory_space<hbm>> -> memref<10000xf32, #tpu.memory_space<hbm>>
      %dma_wait3A_20 = arith.constant 0 : i32
      %dma_wait3A_21 = tpu.memref_slice %arg4[%add3A, %run_scoped3A, %dma_wait3A_20] : memref<32x2x10000xf32, #tpu.memory_space<hbm>> -> memref<1x1x10000xf32, #tpu.memory_space<hbm>>
      %dma_wait3A_22 = tpu.memref_squeeze %dma_wait3A_21 : memref<1x1x10000xf32, #tpu.memory_space<hbm>> -> memref<10000xf32, #tpu.memory_space<hbm>>
      tpu.wait_dma2 semaphore(%run_scoped3A_12 : memref<!tpu.dma_semaphore, #tpu.memory_space<semaphore_mem>>) src(%arg7 : memref<10000xf32, #tpu.memory_space<vmem>>) dst(%dma_wait3A_22 : memref<10000xf32, #tpu.memory_space<hbm>>)
      tpu.yield
    }) : () -> ()
    %run_scoped3A_11 = arith.constant 1 : i32
    "tpu.region"() ({
      %run_scoped3A_12 = tpu.sem_alloc : memref<!tpu.dma_semaphore, #tpu.memory_space<semaphore_mem>>
      %dma_start3A = arith.constant 0 : i32
      %dma_start3A_13 = tpu.memref_slice %arg4[%add3A, %run_scoped3A_11, %dma_start3A] : memref<32x2x10000xf32, #tpu.memory_space<hbm>> -> memref<1x1x10000xf32, #tpu.memory_space<hbm>>
      %dma_start3A_14 = tpu.memref_squeeze %dma_start3A_13 : memref<1x1x10000xf32, #tpu.memory_space<hbm>> -> memref<10000xf32, #tpu.memory_space<hbm>>
      %dma_start3A_15 = arith.constant 0 : i32
      %dma_start3A_16 = tpu.memref_slice %arg4[%add3A, %run_scoped3A_11, %dma_start3A_15] : memref<32x2x10000xf32, #tpu.memory_space<hbm>> -> memref<1x1x10000xf32, #tpu.memory_space<hbm>>
      %dma_start3A_17 = tpu.memref_squeeze %dma_start3A_16 : memref<1x1x10000xf32, #tpu.memory_space<hbm>> -> memref<10000xf32, #tpu.memory_space<hbm>>
      tpu.enqueue_dma source(%arg8 : memref<10000xf32, #tpu.memory_space<vmem>>) target(%dma_start3A_17 : memref<10000xf32, #tpu.memory_space<hbm>>) target_semaphore(%run_scoped3A_12 : memref<!tpu.dma_semaphore, #tpu.memory_space<semaphore_mem>>)
      %dma_wait3A = arith.constant 0 : i32
      %dma_wait3A_18 = tpu.memref_slice %arg4[%add3A, %run_scoped3A_11, %dma_wait3A] : memref<32x2x10000xf32, #tpu.memory_space<hbm>> -> memref<1x1x10000xf32, #tpu.memory_space<hbm>>
      %dma_wait3A_19 = tpu.memref_squeeze %dma_wait3A_18 : memref<1x1x10000xf32, #tpu.memory_space<hbm>> -> memref<10000xf32, #tpu.memory_space<hbm>>
      %dma_wait3A_20 = arith.constant 0 : i32
      %dma_wait3A_21 = tpu.memref_slice %arg4[%add3A, %run_scoped3A_11, %dma_wait3A_20] : memref<32x2x10000xf32, #tpu.memory_space<hbm>> -> memref<1x1x10000xf32, #tpu.memory_space<hbm>>
      %dma_wait3A_22 = tpu.memref_squeeze %dma_wait3A_21 : memref<1x1x10000xf32, #tpu.memory_space<hbm>> -> memref<10000xf32, #tpu.memory_space<hbm>>
      tpu.wait_dma2 semaphore(%run_scoped3A_12 : memref<!tpu.dma_semaphore, #tpu.memory_space<semaphore_mem>>) src(%arg8 : memref<10000xf32, #tpu.memory_space<vmem>>) dst(%dma_wait3A_22 : memref<10000xf32, #tpu.memory_space<hbm>>)
      tpu.yield
    }) : () -> ()
    return
  }
}

#map = affine_map<(d0, d1) -> (0, 0)>
#map1 = affine_map<(d0, d1) -> (0, 0, 0)>
module attributes {stable_mosaic.version = 14 : i64} {
  func.func @_sc_edge_pass(%arg0: i32, %arg1: i32, %arg2: memref<10000x128xf32, #tpu.memory_space<hbm>>, %arg3: memref<32x10000xi32, #tpu.memory_space<hbm>>, %arg4: memref<32x10000xf32, #tpu.memory_space<hbm>>, %arg5: memref<10000x128xf32, #tpu.memory_space<hbm>>, %arg6: memref<2x10000x128xf32, #tpu.memory_space<hbm>>, %arg7: memref<10000xi32, #tpu.memory_space<vmem>>, %arg8: memref<10000xf32, #tpu.memory_space<vmem>>, %arg9: memref<2x80xi32, #tpu.memory_space<vmem>>, %arg10: memref<2x80xi32, #tpu.memory_space<vmem>>, %arg11: memref<2x80x128xf32, #tpu.memory_space<vmem>>, %arg12: memref<10000x128xf32, #tpu.memory_space<vmem_shared>>, %arg13: memref<!tpu.dma_semaphore, #tpu.memory_space<semaphore_mem>>, %arg14: memref<!tpu.dma_semaphore, #tpu.memory_space<semaphore_mem>>, %arg15: memref<!tpu.dma_semaphore, #tpu.memory_space<semaphore_mem>>, %arg16: memref<!tpu.dma_semaphore, #tpu.memory_space<semaphore_mem>>) attributes {dimension_semantics = [#tpu.dimension_semantics<core_parallel>, #tpu.dimension_semantics<subcore_parallel>], iteration_bounds = array<i64: 2, 16>, scalar_prefetch = 0 : i64, scratch_operands = 10 : i64, tpu.core_type = #tpu.core_type<sc_vector_subcore>, window_params = [{transform_indices = #map}, {transform_indices = #map}, {transform_indices = #map}, {transform_indices = #map}, {transform_indices = #map1}]} {
    %mul3A = arith.constant 2 : i32
    %mul3A_0 = arith.muli %arg1, %mul3A : i32
    %add3A = arith.addi %mul3A_0, %arg0 : i32
    %mul3A_1 = arith.constant 624 : i32
    %mul3A_2 = arith.muli %arg1, %mul3A_1 : i32
    %lt3A = arith.constant 15 : i32
    %lt3A_3 = arith.cmpi slt, %arg1, %lt3A : i32
    %convert_element_type3A = arith.extui %lt3A_3 : i1 to i32
    %cond3A = arith.constant 0 : i32
    %cond3A_4 = arith.cmpi ne, %convert_element_type3A, %cond3A : i32
    scf.if %cond3A_4 {
      "tpu.region"() ({
        %run_scoped3A_150 = tpu.sem_alloc : memref<!tpu.dma_semaphore, #tpu.memory_space<semaphore_mem>>
        %dma_start3A_151 = arith.constant 0 : i32
        %dma_start3A_152 = tpu.memref_slice %arg12[%mul3A_2, %dma_start3A_151] : memref<10000x128xf32, #tpu.memory_space<vmem_shared>> -> memref<624x128xf32, #tpu.memory_space<vmem_shared>>
        %dma_start3A_153 = arith.constant 0 : i32
        %dma_start3A_154 = tpu.memref_slice %arg5[%mul3A_2, %dma_start3A_153] : memref<10000x128xf32, #tpu.memory_space<hbm>> -> memref<624x128xf32, #tpu.memory_space<hbm>>
        tpu.enqueue_dma source(%dma_start3A_154 : memref<624x128xf32, #tpu.memory_space<hbm>>) target(%dma_start3A_152 : memref<624x128xf32, #tpu.memory_space<vmem_shared>>) target_semaphore(%run_scoped3A_150 : memref<!tpu.dma_semaphore, #tpu.memory_space<semaphore_mem>>)
        %dma_wait3A_155 = arith.constant 0 : i32
        %dma_wait3A_156 = tpu.memref_slice %arg12[%mul3A_2, %dma_wait3A_155] : memref<10000x128xf32, #tpu.memory_space<vmem_shared>> -> memref<624x128xf32, #tpu.memory_space<vmem_shared>>
        %dma_wait3A_157 = arith.constant 0 : i32
        %dma_wait3A_158 = tpu.memref_slice %arg5[%mul3A_2, %dma_wait3A_157] : memref<10000x128xf32, #tpu.memory_space<hbm>> -> memref<624x128xf32, #tpu.memory_space<hbm>>
        tpu.wait_dma2 semaphore(%run_scoped3A_150 : memref<!tpu.dma_semaphore, #tpu.memory_space<semaphore_mem>>) src(%dma_wait3A_158 : memref<624x128xf32, #tpu.memory_space<hbm>>) dst(%dma_wait3A_156 : memref<624x128xf32, #tpu.memory_space<vmem_shared>>)
        tpu.yield
      }) : () -> ()
    } else {
    }
    %eq3A = arith.constant 15 : i32
    %eq3A_5 = arith.cmpi eq, %arg1, %eq3A : i32
    %convert_element_type3A_6 = arith.extui %eq3A_5 : i1 to i32
    %cond3A_7 = arith.constant 0 : i32
    %cond3A_8 = arith.cmpi ne, %convert_element_type3A_6, %cond3A_7 : i32
    scf.if %cond3A_8 {
      "tpu.region"() ({
        %run_scoped3A_150 = tpu.sem_alloc : memref<!tpu.dma_semaphore, #tpu.memory_space<semaphore_mem>>
        %dma_start3A_151 = arith.constant 0 : i32
        %dma_start3A_152 = tpu.memref_slice %arg12[%mul3A_2, %dma_start3A_151] : memref<10000x128xf32, #tpu.memory_space<vmem_shared>> -> memref<640x128xf32, #tpu.memory_space<vmem_shared>>
        %dma_start3A_153 = arith.constant 0 : i32
        %dma_start3A_154 = tpu.memref_slice %arg5[%mul3A_2, %dma_start3A_153] : memref<10000x128xf32, #tpu.memory_space<hbm>> -> memref<640x128xf32, #tpu.memory_space<hbm>>
        tpu.enqueue_dma source(%dma_start3A_154 : memref<640x128xf32, #tpu.memory_space<hbm>>) target(%dma_start3A_152 : memref<640x128xf32, #tpu.memory_space<vmem_shared>>) target_semaphore(%run_scoped3A_150 : memref<!tpu.dma_semaphore, #tpu.memory_space<semaphore_mem>>)
        %dma_wait3A_155 = arith.constant 0 : i32
        %dma_wait3A_156 = tpu.memref_slice %arg12[%mul3A_2, %dma_wait3A_155] : memref<10000x128xf32, #tpu.memory_space<vmem_shared>> -> memref<640x128xf32, #tpu.memory_space<vmem_shared>>
        %dma_wait3A_157 = arith.constant 0 : i32
        %dma_wait3A_158 = tpu.memref_slice %arg5[%mul3A_2, %dma_wait3A_157] : memref<10000x128xf32, #tpu.memory_space<hbm>> -> memref<640x128xf32, #tpu.memory_space<hbm>>
        tpu.wait_dma2 semaphore(%run_scoped3A_150 : memref<!tpu.dma_semaphore, #tpu.memory_space<semaphore_mem>>) src(%dma_wait3A_158 : memref<640x128xf32, #tpu.memory_space<hbm>>) dst(%dma_wait3A_156 : memref<640x128xf32, #tpu.memory_space<vmem_shared>>)
        tpu.yield
      }) : () -> ()
    } else {
    }
    "tpu.region"() ({
      %run_scoped3A_150 = tpu.sem_alloc : memref<!tpu.dma_semaphore, #tpu.memory_space<semaphore_mem>>
      %dma_start3A_151 = arith.constant 0 : i32
      %dma_start3A_152 = tpu.memref_slice %arg3[%add3A, %dma_start3A_151] : memref<32x10000xi32, #tpu.memory_space<hbm>> -> memref<1x10000xi32, #tpu.memory_space<hbm>>
      %dma_start3A_153 = tpu.memref_squeeze %dma_start3A_152 : memref<1x10000xi32, #tpu.memory_space<hbm>> -> memref<10000xi32, #tpu.memory_space<hbm>>
      %dma_start3A_154 = arith.constant 0 : i32
      %dma_start3A_155 = tpu.memref_slice %arg3[%add3A, %dma_start3A_154] : memref<32x10000xi32, #tpu.memory_space<hbm>> -> memref<1x10000xi32, #tpu.memory_space<hbm>>
      %dma_start3A_156 = tpu.memref_squeeze %dma_start3A_155 : memref<1x10000xi32, #tpu.memory_space<hbm>> -> memref<10000xi32, #tpu.memory_space<hbm>>
      tpu.enqueue_dma source(%dma_start3A_156 : memref<10000xi32, #tpu.memory_space<hbm>>) target(%arg7 : memref<10000xi32, #tpu.memory_space<vmem>>) target_semaphore(%run_scoped3A_150 : memref<!tpu.dma_semaphore, #tpu.memory_space<semaphore_mem>>)
      %dma_wait3A_157 = arith.constant 0 : i32
      %dma_wait3A_158 = tpu.memref_slice %arg3[%add3A, %dma_wait3A_157] : memref<32x10000xi32, #tpu.memory_space<hbm>> -> memref<1x10000xi32, #tpu.memory_space<hbm>>
      %dma_wait3A_159 = tpu.memref_squeeze %dma_wait3A_158 : memref<1x10000xi32, #tpu.memory_space<hbm>> -> memref<10000xi32, #tpu.memory_space<hbm>>
      %dma_wait3A_160 = arith.constant 0 : i32
      %dma_wait3A_161 = tpu.memref_slice %arg3[%add3A, %dma_wait3A_160] : memref<32x10000xi32, #tpu.memory_space<hbm>> -> memref<1x10000xi32, #tpu.memory_space<hbm>>
      %dma_wait3A_162 = tpu.memref_squeeze %dma_wait3A_161 : memref<1x10000xi32, #tpu.memory_space<hbm>> -> memref<10000xi32, #tpu.memory_space<hbm>>
      tpu.wait_dma2 semaphore(%run_scoped3A_150 : memref<!tpu.dma_semaphore, #tpu.memory_space<semaphore_mem>>) src(%dma_wait3A_162 : memref<10000xi32, #tpu.memory_space<hbm>>) dst(%arg7 : memref<10000xi32, #tpu.memory_space<vmem>>)
      tpu.yield
    }) : () -> ()
    "tpu.region"() ({
      %run_scoped3A_150 = tpu.sem_alloc : memref<!tpu.dma_semaphore, #tpu.memory_space<semaphore_mem>>
      %dma_start3A_151 = arith.constant 0 : i32
      %dma_start3A_152 = tpu.memref_slice %arg4[%add3A, %dma_start3A_151] : memref<32x10000xf32, #tpu.memory_space<hbm>> -> memref<1x10000xf32, #tpu.memory_space<hbm>>
      %dma_start3A_153 = tpu.memref_squeeze %dma_start3A_152 : memref<1x10000xf32, #tpu.memory_space<hbm>> -> memref<10000xf32, #tpu.memory_space<hbm>>
      %dma_start3A_154 = arith.constant 0 : i32
      %dma_start3A_155 = tpu.memref_slice %arg4[%add3A, %dma_start3A_154] : memref<32x10000xf32, #tpu.memory_space<hbm>> -> memref<1x10000xf32, #tpu.memory_space<hbm>>
      %dma_start3A_156 = tpu.memref_squeeze %dma_start3A_155 : memref<1x10000xf32, #tpu.memory_space<hbm>> -> memref<10000xf32, #tpu.memory_space<hbm>>
      tpu.enqueue_dma source(%dma_start3A_156 : memref<10000xf32, #tpu.memory_space<hbm>>) target(%arg8 : memref<10000xf32, #tpu.memory_space<vmem>>) target_semaphore(%run_scoped3A_150 : memref<!tpu.dma_semaphore, #tpu.memory_space<semaphore_mem>>)
      %dma_wait3A_157 = arith.constant 0 : i32
      %dma_wait3A_158 = tpu.memref_slice %arg4[%add3A, %dma_wait3A_157] : memref<32x10000xf32, #tpu.memory_space<hbm>> -> memref<1x10000xf32, #tpu.memory_space<hbm>>
      %dma_wait3A_159 = tpu.memref_squeeze %dma_wait3A_158 : memref<1x10000xf32, #tpu.memory_space<hbm>> -> memref<10000xf32, #tpu.memory_space<hbm>>
      %dma_wait3A_160 = arith.constant 0 : i32
      %dma_wait3A_161 = tpu.memref_slice %arg4[%add3A, %dma_wait3A_160] : memref<32x10000xf32, #tpu.memory_space<hbm>> -> memref<1x10000xf32, #tpu.memory_space<hbm>>
      %dma_wait3A_162 = tpu.memref_squeeze %dma_wait3A_161 : memref<1x10000xf32, #tpu.memory_space<hbm>> -> memref<10000xf32, #tpu.memory_space<hbm>>
      tpu.wait_dma2 semaphore(%run_scoped3A_150 : memref<!tpu.dma_semaphore, #tpu.memory_space<semaphore_mem>>) src(%dma_wait3A_162 : memref<10000xf32, #tpu.memory_space<hbm>>) dst(%arg8 : memref<10000xf32, #tpu.memory_space<vmem>>)
      tpu.yield
    }) : () -> ()
    %barrier3A = arith.constant 0 : index
    tpu.barrier barrier_id(%barrier3A)
    %get3A = arith.constant 0 : index
    %get3A_9 = tpu.vector_load %arg7[%get3A] {strides = array<i32>} : memref<10000xi32, #tpu.memory_space<vmem>>, vector<16xi32>,
    %and3A = arith.constant 65535 : i32
    %and3A_10 = vector.broadcast %and3A : i32 to vector<16xi32>
    %and3A_11 = arith.andi %get3A_9, %and3A_10 : vector<16xi32>
    %swap3A = arith.constant 0 : i32
    %swap3A_12 = arith.index_cast %swap3A : i32 to index
    %swap3A_13 = arith.constant 0 : index
    %swap3A_14 = tpu.vector_load %arg9[%swap3A_12, %swap3A_13] {strides = array<i32>} : memref<2x80xi32, #tpu.memory_space<vmem>>, vector<16xi32>,
    tpu.vector_store %arg9[%swap3A_12, %swap3A_13], %and3A_11 {strides = array<i32>} : memref<2x80xi32, #tpu.memory_space<vmem>>, vector<16xi32>,
    %get3A_15 = arith.constant 16 : index
    %get3A_16 = tpu.vector_load %arg7[%get3A_15] {strides = array<i32>} : memref<10000xi32, #tpu.memory_space<vmem>>, vector<16xi32>,
    %and3A_17 = arith.constant 65535 : i32
    %and3A_18 = vector.broadcast %and3A_17 : i32 to vector<16xi32>
    %and3A_19 = arith.andi %get3A_16, %and3A_18 : vector<16xi32>
    %swap3A_20 = arith.constant 0 : i32
    %swap3A_21 = arith.index_cast %swap3A_20 : i32 to index
    %swap3A_22 = arith.constant 16 : index
    %swap3A_23 = tpu.vector_load %arg9[%swap3A_21, %swap3A_22] {strides = array<i32>} : memref<2x80xi32, #tpu.memory_space<vmem>>, vector<16xi32>,
    tpu.vector_store %arg9[%swap3A_21, %swap3A_22], %and3A_19 {strides = array<i32>} : memref<2x80xi32, #tpu.memory_space<vmem>>, vector<16xi32>,
    %get3A_24 = arith.constant 32 : index
    %get3A_25 = tpu.vector_load %arg7[%get3A_24] {strides = array<i32>} : memref<10000xi32, #tpu.memory_space<vmem>>, vector<16xi32>,
    %and3A_26 = arith.constant 65535 : i32
    %and3A_27 = vector.broadcast %and3A_26 : i32 to vector<16xi32>
    %and3A_28 = arith.andi %get3A_25, %and3A_27 : vector<16xi32>
    %swap3A_29 = arith.constant 0 : i32
    %swap3A_30 = arith.index_cast %swap3A_29 : i32 to index
    %swap3A_31 = arith.constant 32 : index
    %swap3A_32 = tpu.vector_load %arg9[%swap3A_30, %swap3A_31] {strides = array<i32>} : memref<2x80xi32, #tpu.memory_space<vmem>>, vector<16xi32>,
    tpu.vector_store %arg9[%swap3A_30, %swap3A_31], %and3A_28 {strides = array<i32>} : memref<2x80xi32, #tpu.memory_space<vmem>>, vector<16xi32>,
    %get3A_33 = arith.constant 48 : index
    %get3A_34 = tpu.vector_load %arg7[%get3A_33] {strides = array<i32>} : memref<10000xi32, #tpu.memory_space<vmem>>, vector<16xi32>,
    %and3A_35 = arith.constant 65535 : i32
    %and3A_36 = vector.broadcast %and3A_35 : i32 to vector<16xi32>
    %and3A_37 = arith.andi %get3A_34, %and3A_36 : vector<16xi32>
    %swap3A_38 = arith.constant 0 : i32
    %swap3A_39 = arith.index_cast %swap3A_38 : i32 to index
    %swap3A_40 = arith.constant 48 : index
    %swap3A_41 = tpu.vector_load %arg9[%swap3A_39, %swap3A_40] {strides = array<i32>} : memref<2x80xi32, #tpu.memory_space<vmem>>, vector<16xi32>,
    tpu.vector_store %arg9[%swap3A_39, %swap3A_40], %and3A_37 {strides = array<i32>} : memref<2x80xi32, #tpu.memory_space<vmem>>, vector<16xi32>,
    %get3A_42 = arith.constant 64 : index
    %get3A_43 = tpu.vector_load %arg7[%get3A_42] {strides = array<i32>} : memref<10000xi32, #tpu.memory_space<vmem>>, vector<16xi32>,
    %and3A_44 = arith.constant 65535 : i32
    %and3A_45 = vector.broadcast %and3A_44 : i32 to vector<16xi32>
    %and3A_46 = arith.andi %get3A_43, %and3A_45 : vector<16xi32>
    %swap3A_47 = arith.constant 0 : i32
    %swap3A_48 = arith.index_cast %swap3A_47 : i32 to index
    %swap3A_49 = arith.constant 64 : index
    %swap3A_50 = tpu.vector_load %arg9[%swap3A_48, %swap3A_49] {strides = array<i32>} : memref<2x80xi32, #tpu.memory_space<vmem>>, vector<16xi32>,
    tpu.vector_store %arg9[%swap3A_48, %swap3A_49], %and3A_46 {strides = array<i32>} : memref<2x80xi32, #tpu.memory_space<vmem>>, vector<16xi32>,
    %dma_start3A = arith.constant 0 : i32
    %dma_start3A_51 = arith.constant 0 : i32
    %dma_start3A_52 = arith.constant 0 : i32
    %dma_start3A_53 = arith.constant 0 : i32
    %dma_start3A_54 = tpu.memref_slice %arg11[%dma_start3A_51, %dma_start3A_52, %dma_start3A_53] : memref<2x80x128xf32, #tpu.memory_space<vmem>> -> memref<1x80x128xf32, #tpu.memory_space<vmem>>
    %dma_start3A_55 = tpu.memref_squeeze %dma_start3A_54 : memref<1x80x128xf32, #tpu.memory_space<vmem>> -> memref<80x128xf32, #tpu.memory_space<vmem>>
    %dma_start3A_56 = arith.constant 0 : i32
    %dma_start3A_57 = tpu.memref_slice %arg9[%dma_start3A, %dma_start3A_56] : memref<2x80xi32, #tpu.memory_space<vmem>> -> memref<1x80xi32, #tpu.memory_space<vmem>>
    %dma_start3A_58 = tpu.memref_squeeze %dma_start3A_57 : memref<1x80xi32, #tpu.memory_space<vmem>> -> memref<80xi32, #tpu.memory_space<vmem>>
    %dma_start3A_59 = arith.constant 0 : i32
    %dma_start3A_60 = arith.constant 0 : i32
    %dma_start3A_61 = tpu.memref_slice %arg2[%dma_start3A_59, %dma_start3A_60] : memref<10000x128xf32, #tpu.memory_space<hbm>> -> memref<10000x128xf32, #tpu.memory_space<hbm>>
    tpu.enqueue_indirect_dma source(%dma_start3A_61 : memref<10000x128xf32, #tpu.memory_space<hbm>>) target(%dma_start3A_55 : memref<80x128xf32, #tpu.memory_space<vmem>>) offsets(%dma_start3A_58 : memref<80xi32, #tpu.memory_space<vmem>>) semaphore(%arg13 : memref<!tpu.dma_semaphore, #tpu.memory_space<semaphore_mem>>)
    %scan3A = arith.constant 0 : i32
    %scan3A_62 = arith.constant 62 : i32
    %scan3A_63 = arith.addi %scan3A, %scan3A_62 : i32
    %scan3A_64 = arith.constant 1 : i32
    scf.for %scan3A_150 = %scan3A to %scan3A_63 step %scan3A_64  : i32 {
      %mul3A_151 = arith.constant 2 : i32
      %mul3A_152 = arith.muli %scan3A_150, %mul3A_151 : i32
      %add3A_153 = arith.constant 0 : i32
      %add3A_154 = arith.addi %add3A_153, %mul3A_152 : i32
      %add3A_155 = arith.constant 0 : i32
      %add3A_156 = arith.addi %add3A_154, %add3A_155 : i32
      %add3A_157 = arith.constant 1 : i32
      %add3A_158 = arith.addi %add3A_156, %add3A_157 : i32
      %mul3A_159 = arith.constant 80 : i32
      %mul3A_160 = arith.muli %add3A_158, %mul3A_159 : i32
      %add3A_161 = arith.constant 0 : i32
      %add3A_162 = arith.addi %mul3A_160, %add3A_161 : i32
      %get3A_163 = arith.index_cast %add3A_162 : i32 to index
      %get3A_164 = tpu.vector_load %arg7[%get3A_163] {strides = array<i32>} : memref<10000xi32, #tpu.memory_space<vmem>>, vector<16xi32>,
      %and3A_165 = arith.constant 65535 : i32
      %and3A_166 = vector.broadcast %and3A_165 : i32 to vector<16xi32>
      %and3A_167 = arith.andi %get3A_164, %and3A_166 : vector<16xi32>
      %swap3A_168 = arith.constant 1 : i32
      %swap3A_169 = arith.index_cast %swap3A_168 : i32 to index
      %swap3A_170 = arith.constant 0 : index
      %swap3A_171 = tpu.vector_load %arg9[%swap3A_169, %swap3A_170] {strides = array<i32>} : memref<2x80xi32, #tpu.memory_space<vmem>>, vector<16xi32>,
      tpu.vector_store %arg9[%swap3A_169, %swap3A_170], %and3A_167 {strides = array<i32>} : memref<2x80xi32, #tpu.memory_space<vmem>>, vector<16xi32>,
      %mul3A_172 = arith.constant 80 : i32
      %mul3A_173 = arith.muli %add3A_158, %mul3A_172 : i32
      %add3A_174 = arith.constant 16 : i32
      %add3A_175 = arith.addi %mul3A_173, %add3A_174 : i32
      %get3A_176 = arith.index_cast %add3A_175 : i32 to index
      %get3A_177 = tpu.vector_load %arg7[%get3A_176] {strides = array<i32>} : memref<10000xi32, #tpu.memory_space<vmem>>, vector<16xi32>,
      %and3A_178 = arith.constant 65535 : i32
      %and3A_179 = vector.broadcast %and3A_178 : i32 to vector<16xi32>
      %and3A_180 = arith.andi %get3A_177, %and3A_179 : vector<16xi32>
      %swap3A_181 = arith.constant 1 : i32
      %swap3A_182 = arith.index_cast %swap3A_181 : i32 to index
      %swap3A_183 = arith.constant 16 : index
      %swap3A_184 = tpu.vector_load %arg9[%swap3A_182, %swap3A_183] {strides = array<i32>} : memref<2x80xi32, #tpu.memory_space<vmem>>, vector<16xi32>,
      tpu.vector_store %arg9[%swap3A_182, %swap3A_183], %and3A_180 {strides = array<i32>} : memref<2x80xi32, #tpu.memory_space<vmem>>, vector<16xi32>,
      %mul3A_185 = arith.constant 80 : i32
      %mul3A_186 = arith.muli %add3A_158, %mul3A_185 : i32
      %add3A_187 = arith.constant 32 : i32
      %add3A_188 = arith.addi %mul3A_186, %add3A_187 : i32
      %get3A_189 = arith.index_cast %add3A_188 : i32 to index
      %get3A_190 = tpu.vector_load %arg7[%get3A_189] {strides = array<i32>} : memref<10000xi32, #tpu.memory_space<vmem>>, vector<16xi32>,
      %and3A_191 = arith.constant 65535 : i32
      %and3A_192 = vector.broadcast %and3A_191 : i32 to vector<16xi32>
      %and3A_193 = arith.andi %get3A_190, %and3A_192 : vector<16xi32>
      %swap3A_194 = arith.constant 1 : i32
      %swap3A_195 = arith.index_cast %swap3A_194 : i32 to index
      %swap3A_196 = arith.constant 32 : index
      %swap3A_197 = tpu.vector_load %arg9[%swap3A_195, %swap3A_196] {strides = array<i32>} : memref<2x80xi32, #tpu.memory_space<vmem>>, vector<16xi32>,
      tpu.vector_store %arg9[%swap3A_195, %swap3A_196], %and3A_193 {strides = array<i32>} : memref<2x80xi32, #tpu.memory_space<vmem>>, vector<16xi32>,
      %mul3A_198 = arith.constant 80 : i32
      %mul3A_199 = arith.muli %add3A_158, %mul3A_198 : i32
      %add3A_200 = arith.constant 48 : i32
      %add3A_201 = arith.addi %mul3A_199, %add3A_200 : i32
      %get3A_202 = arith.index_cast %add3A_201 : i32 to index
      %get3A_203 = tpu.vector_load %arg7[%get3A_202] {strides = array<i32>} : memref<10000xi32, #tpu.memory_space<vmem>>, vector<16xi32>,
      %and3A_204 = arith.constant 65535 : i32
      %and3A_205 = vector.broadcast %and3A_204 : i32 to vector<16xi32>
      %and3A_206 = arith.andi %get3A_203, %and3A_205 : vector<16xi32>
      %swap3A_207 = arith.constant 1 : i32
      %swap3A_208 = arith.index_cast %swap3A_207 : i32 to index
      %swap3A_209 = arith.constant 48 : index
      %swap3A_210 = tpu.vector_load %arg9[%swap3A_208, %swap3A_209] {strides = array<i32>} : memref<2x80xi32, #tpu.memory_space<vmem>>, vector<16xi32>,
      tpu.vector_store %arg9[%swap3A_208, %swap3A_209], %and3A_206 {strides = array<i32>} : memref<2x80xi32, #tpu.memory_space<vmem>>, vector<16xi32>,
      %mul3A_211 = arith.constant 80 : i32
      %mul3A_212 = arith.muli %add3A_158, %mul3A_211 : i32
      %add3A_213 = arith.constant 64 : i32
      %add3A_214 = arith.addi %mul3A_212, %add3A_213 : i32
      %get3A_215 = arith.index_cast %add3A_214 : i32 to index
      %get3A_216 = tpu.vector_load %arg7[%get3A_215] {strides = array<i32>} : memref<10000xi32, #tpu.memory_space<vmem>>, vector<16xi32>,
      %and3A_217 = arith.constant 65535 : i32
      %and3A_218 = vector.broadcast %and3A_217 : i32 to vector<16xi32>
      %and3A_219 = arith.andi %get3A_216, %and3A_218 : vector<16xi32>
      %swap3A_220 = arith.constant 1 : i32
      %swap3A_221 = arith.index_cast %swap3A_220 : i32 to index
      %swap3A_222 = arith.constant 64 : index
      %swap3A_223 = tpu.vector_load %arg9[%swap3A_221, %swap3A_222] {strides = array<i32>} : memref<2x80xi32, #tpu.memory_space<vmem>>, vector<16xi32>,
      tpu.vector_store %arg9[%swap3A_221, %swap3A_222], %and3A_219 {strides = array<i32>} : memref<2x80xi32, #tpu.memory_space<vmem>>, vector<16xi32>,
      %gt3A = arith.constant 0 : i32
      %gt3A_224 = arith.cmpi sgt, %add3A_154, %gt3A : i32
      %convert_element_type3A_225 = arith.extui %gt3A_224 : i1 to i32
      %cond3A_226 = arith.constant 0 : i32
      %cond3A_227 = arith.cmpi ne, %convert_element_type3A_225, %cond3A_226 : i32
      scf.if %cond3A_227 {
        %sub3A_526 = arith.constant 1 : i32
        %sub3A_527 = arith.subi %add3A_156, %sub3A_526 : i32
        %dma_wait3A_528 = arith.constant 1 : i32
        %dma_wait3A_529 = arith.constant 1 : i32
        %dma_wait3A_530 = arith.constant 0 : i32
        %dma_wait3A_531 = arith.constant 0 : i32
        %dma_wait3A_532 = tpu.memref_slice %arg11[%dma_wait3A_528, %dma_wait3A_530, %dma_wait3A_531] : memref<2x80x128xf32, #tpu.memory_space<vmem>> -> memref<1x80x128xf32, #tpu.memory_space<vmem>>
        %dma_wait3A_533 = tpu.memref_squeeze %dma_wait3A_532 : memref<1x80x128xf32, #tpu.memory_space<vmem>> -> memref<80x128xf32, #tpu.memory_space<vmem>>
        %dma_wait3A_534 = arith.constant 0 : i32
        %dma_wait3A_535 = tpu.memref_slice %arg10[%dma_wait3A_529, %dma_wait3A_534] : memref<2x80xi32, #tpu.memory_space<vmem>> -> memref<1x80xi32, #tpu.memory_space<vmem>>
        %dma_wait3A_536 = tpu.memref_squeeze %dma_wait3A_535 : memref<1x80xi32, #tpu.memory_space<vmem>> -> memref<80xi32, #tpu.memory_space<vmem>>
        %dma_wait3A_537 = arith.constant 0 : i32
        %dma_wait3A_538 = arith.constant 0 : i32
        %dma_wait3A_539 = tpu.memref_slice %arg12[%dma_wait3A_537, %dma_wait3A_538] : memref<10000x128xf32, #tpu.memory_space<vmem_shared>> -> memref<10000x128xf32, #tpu.memory_space<vmem_shared>>
        tpu.wait_indirect_dma semaphore(%arg16 : memref<!tpu.dma_semaphore, #tpu.memory_space<semaphore_mem>>) src(%dma_wait3A_533 : memref<80x128xf32, #tpu.memory_space<vmem>>) dst(%dma_wait3A_539 : memref<10000x128xf32, #tpu.memory_space<vmem_shared>>)
      } else {
      }
      %add3A_228 = arith.constant 1 : i32
      %add3A_229 = arith.addi %add3A_156, %add3A_228 : i32
      %dma_start3A_230 = arith.constant 1 : i32
      %dma_start3A_231 = arith.constant 1 : i32
      %dma_start3A_232 = arith.constant 0 : i32
      %dma_start3A_233 = arith.constant 0 : i32
      %dma_start3A_234 = tpu.memref_slice %arg11[%dma_start3A_231, %dma_start3A_232, %dma_start3A_233] : memref<2x80x128xf32, #tpu.memory_space<vmem>> -> memref<1x80x128xf32, #tpu.memory_space<vmem>>
      %dma_start3A_235 = tpu.memref_squeeze %dma_start3A_234 : memref<1x80x128xf32, #tpu.memory_space<vmem>> -> memref<80x128xf32, #tpu.memory_space<vmem>>
      %dma_start3A_236 = arith.constant 0 : i32
      %dma_start3A_237 = tpu.memref_slice %arg9[%dma_start3A_230, %dma_start3A_236] : memref<2x80xi32, #tpu.memory_space<vmem>> -> memref<1x80xi32, #tpu.memory_space<vmem>>
      %dma_start3A_238 = tpu.memref_squeeze %dma_start3A_237 : memref<1x80xi32, #tpu.memory_space<vmem>> -> memref<80xi32, #tpu.memory_space<vmem>>
      %dma_start3A_239 = arith.constant 0 : i32
      %dma_start3A_240 = arith.constant 0 : i32
      %dma_start3A_241 = tpu.memref_slice %arg2[%dma_start3A_239, %dma_start3A_240] : memref<10000x128xf32, #tpu.memory_space<hbm>> -> memref<10000x128xf32, #tpu.memory_space<hbm>>
      tpu.enqueue_indirect_dma source(%dma_start3A_241 : memref<10000x128xf32, #tpu.memory_space<hbm>>) target(%dma_start3A_235 : memref<80x128xf32, #tpu.memory_space<vmem>>) offsets(%dma_start3A_238 : memref<80xi32, #tpu.memory_space<vmem>>) semaphore(%arg14 : memref<!tpu.dma_semaphore, #tpu.memory_space<semaphore_mem>>)
      %dma_wait3A_242 = arith.constant 0 : i32
      %dma_wait3A_243 = arith.constant 0 : i32
      %dma_wait3A_244 = arith.constant 0 : i32
      %dma_wait3A_245 = arith.constant 0 : i32
      %dma_wait3A_246 = tpu.memref_slice %arg11[%dma_wait3A_243, %dma_wait3A_244, %dma_wait3A_245] : memref<2x80x128xf32, #tpu.memory_space<vmem>> -> memref<1x80x128xf32, #tpu.memory_space<vmem>>
      %dma_wait3A_247 = tpu.memref_squeeze %dma_wait3A_246 : memref<1x80x128xf32, #tpu.memory_space<vmem>> -> memref<80x128xf32, #tpu.memory_space<vmem>>
      %dma_wait3A_248 = arith.constant 0 : i32
      %dma_wait3A_249 = tpu.memref_slice %arg9[%dma_wait3A_242, %dma_wait3A_248] : memref<2x80xi32, #tpu.memory_space<vmem>> -> memref<1x80xi32, #tpu.memory_space<vmem>>
      %dma_wait3A_250 = tpu.memref_squeeze %dma_wait3A_249 : memref<1x80xi32, #tpu.memory_space<vmem>> -> memref<80xi32, #tpu.memory_space<vmem>>
      %dma_wait3A_251 = arith.constant 0 : i32
      %dma_wait3A_252 = arith.constant 0 : i32
      %dma_wait3A_253 = tpu.memref_slice %arg2[%dma_wait3A_251, %dma_wait3A_252] : memref<10000x128xf32, #tpu.memory_space<hbm>> -> memref<10000x128xf32, #tpu.memory_space<hbm>>
      tpu.wait_indirect_dma semaphore(%arg13 : memref<!tpu.dma_semaphore, #tpu.memory_space<semaphore_mem>>) src(%dma_wait3A_253 : memref<10000x128xf32, #tpu.memory_space<hbm>>) dst(%dma_wait3A_247 : memref<80x128xf32, #tpu.memory_space<vmem>>)
      %scan3A_254 = arith.constant 0 : i32
      %scan3A_255 = arith.constant 80 : i32
      %scan3A_256 = arith.addi %scan3A_254, %scan3A_255 : i32
      %scan3A_257 = arith.constant 1 : i32
      scf.for %scan3A_526 = %scan3A_254 to %scan3A_256 step %scan3A_257  : i32 {
        %mul3A_527 = arith.constant 1 : i32
        %mul3A_528 = arith.muli %scan3A_526, %mul3A_527 : i32
        %add3A_529 = arith.constant 0 : i32
        %add3A_530 = arith.addi %add3A_529, %mul3A_528 : i32
        %mul3A_531 = arith.constant 80 : i32
        %mul3A_532 = arith.muli %add3A_156, %mul3A_531 : i32
        %add3A_533 = arith.addi %mul3A_532, %add3A_530 : i32
        %broadcast_in_dim3A = vector.broadcast %add3A_533 : i32 to vector<16xi32>
        %gather3A = tpu.vector_load_idx %arg8[%broadcast_in_dim3A] : memref<10000xf32, #tpu.memory_space<vmem>>[vector<16xi32>], vector<16xf32>,
        %get3A_534 = arith.constant 0 : i32
        %get3A_535 = arith.index_cast %get3A_534 : i32 to index
        %get3A_536 = arith.index_cast %add3A_530 : i32 to index
        %get3A_537 = arith.constant 0 : index
        %get3A_538 = tpu.vector_load %arg11[%get3A_535, %get3A_536, %get3A_537] {strides = array<i32>} : memref<2x80x128xf32, #tpu.memory_space<vmem>>, vector<16xf32>,
        %mul3A_539 = arith.mulf %get3A_538, %gather3A : vector<16xf32>
        %swap3A_540 = arith.constant 0 : i32
        %swap3A_541 = arith.index_cast %swap3A_540 : i32 to index
        %swap3A_542 = arith.index_cast %add3A_530 : i32 to index
        %swap3A_543 = arith.constant 0 : index
        %swap3A_544 = tpu.vector_load %arg11[%swap3A_541, %swap3A_542, %swap3A_543] {strides = array<i32>} : memref<2x80x128xf32, #tpu.memory_space<vmem>>, vector<16xf32>,
        tpu.vector_store %arg11[%swap3A_541, %swap3A_542, %swap3A_543], %mul3A_539 {strides = array<i32>} : memref<2x80x128xf32, #tpu.memory_space<vmem>>, vector<16xf32>,
        %get3A_545 = arith.constant 0 : i32
        %get3A_546 = arith.index_cast %get3A_545 : i32 to index
        %get3A_547 = arith.index_cast %add3A_530 : i32 to index
        %get3A_548 = arith.constant 16 : index
        %get3A_549 = tpu.vector_load %arg11[%get3A_546, %get3A_547, %get3A_548] {strides = array<i32>} : memref<2x80x128xf32, #tpu.memory_space<vmem>>, vector<16xf32>,
        %mul3A_550 = arith.mulf %get3A_549, %gather3A : vector<16xf32>
        %swap3A_551 = arith.constant 0 : i32
        %swap3A_552 = arith.index_cast %swap3A_551 : i32 to index
        %swap3A_553 = arith.index_cast %add3A_530 : i32 to index
        %swap3A_554 = arith.constant 16 : index
        %swap3A_555 = tpu.vector_load %arg11[%swap3A_552, %swap3A_553, %swap3A_554] {strides = array<i32>} : memref<2x80x128xf32, #tpu.memory_space<vmem>>, vector<16xf32>,
        tpu.vector_store %arg11[%swap3A_552, %swap3A_553, %swap3A_554], %mul3A_550 {strides = array<i32>} : memref<2x80x128xf32, #tpu.memory_space<vmem>>, vector<16xf32>,
        %get3A_556 = arith.constant 0 : i32
        %get3A_557 = arith.index_cast %get3A_556 : i32 to index
        %get3A_558 = arith.index_cast %add3A_530 : i32 to index
        %get3A_559 = arith.constant 32 : index
        %get3A_560 = tpu.vector_load %arg11[%get3A_557, %get3A_558, %get3A_559] {strides = array<i32>} : memref<2x80x128xf32, #tpu.memory_space<vmem>>, vector<16xf32>,
        %mul3A_561 = arith.mulf %get3A_560, %gather3A : vector<16xf32>
        %swap3A_562 = arith.constant 0 : i32
        %swap3A_563 = arith.index_cast %swap3A_562 : i32 to index
        %swap3A_564 = arith.index_cast %add3A_530 : i32 to index
        %swap3A_565 = arith.constant 32 : index
        %swap3A_566 = tpu.vector_load %arg11[%swap3A_563, %swap3A_564, %swap3A_565] {strides = array<i32>} : memref<2x80x128xf32, #tpu.memory_space<vmem>>, vector<16xf32>,
        tpu.vector_store %arg11[%swap3A_563, %swap3A_564, %swap3A_565], %mul3A_561 {strides = array<i32>} : memref<2x80x128xf32, #tpu.memory_space<vmem>>, vector<16xf32>,
        %get3A_567 = arith.constant 0 : i32
        %get3A_568 = arith.index_cast %get3A_567 : i32 to index
        %get3A_569 = arith.index_cast %add3A_530 : i32 to index
        %get3A_570 = arith.constant 48 : index
        %get3A_571 = tpu.vector_load %arg11[%get3A_568, %get3A_569, %get3A_570] {strides = array<i32>} : memref<2x80x128xf32, #tpu.memory_space<vmem>>, vector<16xf32>,
        %mul3A_572 = arith.mulf %get3A_571, %gather3A : vector<16xf32>
        %swap3A_573 = arith.constant 0 : i32
        %swap3A_574 = arith.index_cast %swap3A_573 : i32 to index
        %swap3A_575 = arith.index_cast %add3A_530 : i32 to index
        %swap3A_576 = arith.constant 48 : index
        %swap3A_577 = tpu.vector_load %arg11[%swap3A_574, %swap3A_575, %swap3A_576] {strides = array<i32>} : memref<2x80x128xf32, #tpu.memory_space<vmem>>, vector<16xf32>,
        tpu.vector_store %arg11[%swap3A_574, %swap3A_575, %swap3A_576], %mul3A_572 {strides = array<i32>} : memref<2x80x128xf32, #tpu.memory_space<vmem>>, vector<16xf32>,
        %get3A_578 = arith.constant 0 : i32
        %get3A_579 = arith.index_cast %get3A_578 : i32 to index
        %get3A_580 = arith.index_cast %add3A_530 : i32 to index
        %get3A_581 = arith.constant 64 : index
        %get3A_582 = tpu.vector_load %arg11[%get3A_579, %get3A_580, %get3A_581] {strides = array<i32>} : memref<2x80x128xf32, #tpu.memory_space<vmem>>, vector<16xf32>,
        %mul3A_583 = arith.mulf %get3A_582, %gather3A : vector<16xf32>
        %swap3A_584 = arith.constant 0 : i32
        %swap3A_585 = arith.index_cast %swap3A_584 : i32 to index
        %swap3A_586 = arith.index_cast %add3A_530 : i32 to index
        %swap3A_587 = arith.constant 64 : index
        %swap3A_588 = tpu.vector_load %arg11[%swap3A_585, %swap3A_586, %swap3A_587] {strides = array<i32>} : memref<2x80x128xf32, #tpu.memory_space<vmem>>, vector<16xf32>,
        tpu.vector_store %arg11[%swap3A_585, %swap3A_586, %swap3A_587], %mul3A_583 {strides = array<i32>} : memref<2x80x128xf32, #tpu.memory_space<vmem>>, vector<16xf32>,
        %get3A_589 = arith.constant 0 : i32
        %get3A_590 = arith.index_cast %get3A_589 : i32 to index
        %get3A_591 = arith.index_cast %add3A_530 : i32 to index
        %get3A_592 = arith.constant 80 : index
        %get3A_593 = tpu.vector_load %arg11[%get3A_590, %get3A_591, %get3A_592] {strides = array<i32>} : memref<2x80x128xf32, #tpu.memory_space<vmem>>, vector<16xf32>,
        %mul3A_594 = arith.mulf %get3A_593, %gather3A : vector<16xf32>
        %swap3A_595 = arith.constant 0 : i32
        %swap3A_596 = arith.index_cast %swap3A_595 : i32 to index
        %swap3A_597 = arith.index_cast %add3A_530 : i32 to index
        %swap3A_598 = arith.constant 80 : index
        %swap3A_599 = tpu.vector_load %arg11[%swap3A_596, %swap3A_597, %swap3A_598] {strides = array<i32>} : memref<2x80x128xf32, #tpu.memory_space<vmem>>, vector<16xf32>,
        tpu.vector_store %arg11[%swap3A_596, %swap3A_597, %swap3A_598], %mul3A_594 {strides = array<i32>} : memref<2x80x128xf32, #tpu.memory_space<vmem>>, vector<16xf32>,
        %get3A_600 = arith.constant 0 : i32
        %get3A_601 = arith.index_cast %get3A_600 : i32 to index
        %get3A_602 = arith.index_cast %add3A_530 : i32 to index
        %get3A_603 = arith.constant 96 : index
        %get3A_604 = tpu.vector_load %arg11[%get3A_601, %get3A_602, %get3A_603] {strides = array<i32>} : memref<2x80x128xf32, #tpu.memory_space<vmem>>, vector<16xf32>,
        %mul3A_605 = arith.mulf %get3A_604, %gather3A : vector<16xf32>
        %swap3A_606 = arith.constant 0 : i32
        %swap3A_607 = arith.index_cast %swap3A_606 : i32 to index
        %swap3A_608 = arith.index_cast %add3A_530 : i32 to index
        %swap3A_609 = arith.constant 96 : index
        %swap3A_610 = tpu.vector_load %arg11[%swap3A_607, %swap3A_608, %swap3A_609] {strides = array<i32>} : memref<2x80x128xf32, #tpu.memory_space<vmem>>, vector<16xf32>,
        tpu.vector_store %arg11[%swap3A_607, %swap3A_608, %swap3A_609], %mul3A_605 {strides = array<i32>} : memref<2x80x128xf32, #tpu.memory_space<vmem>>, vector<16xf32>,
        %get3A_611 = arith.constant 0 : i32
        %get3A_612 = arith.index_cast %get3A_611 : i32 to index
        %get3A_613 = arith.index_cast %add3A_530 : i32 to index
        %get3A_614 = arith.constant 112 : index
        %get3A_615 = tpu.vector_load %arg11[%get3A_612, %get3A_613, %get3A_614] {strides = array<i32>} : memref<2x80x128xf32, #tpu.memory_space<vmem>>, vector<16xf32>,
        %mul3A_616 = arith.mulf %get3A_615, %gather3A : vector<16xf32>
        %swap3A_617 = arith.constant 0 : i32
        %swap3A_618 = arith.index_cast %swap3A_617 : i32 to index
        %swap3A_619 = arith.index_cast %add3A_530 : i32 to index
        %swap3A_620 = arith.constant 112 : index
        %swap3A_621 = tpu.vector_load %arg11[%swap3A_618, %swap3A_619, %swap3A_620] {strides = array<i32>} : memref<2x80x128xf32, #tpu.memory_space<vmem>>, vector<16xf32>,
        tpu.vector_store %arg11[%swap3A_618, %swap3A_619, %swap3A_620], %mul3A_616 {strides = array<i32>} : memref<2x80x128xf32, #tpu.memory_space<vmem>>, vector<16xf32>,
      }
      %scan3A_258 = arith.constant 80 : i32
      %mul3A_259 = arith.constant 80 : i32
      %mul3A_260 = arith.muli %add3A_156, %mul3A_259 : i32
      %add3A_261 = arith.constant 0 : i32
      %add3A_262 = arith.addi %mul3A_260, %add3A_261 : i32
      %get3A_263 = arith.index_cast %add3A_262 : i32 to index
      %get3A_264 = tpu.vector_load %arg7[%get3A_263] {strides = array<i32>} : memref<10000xi32, #tpu.memory_space<vmem>>, vector<16xi32>,
      %shift_right_logical3A_265 = arith.constant 16 : i32
      %shift_right_logical3A_266 = vector.broadcast %shift_right_logical3A_265 : i32 to vector<16xi32>
      %shift_right_logical3A_267 = arith.shrui %get3A_264, %shift_right_logical3A_266 : vector<16xi32>
      %swap3A_268 = arith.constant 0 : i32
      %swap3A_269 = arith.index_cast %swap3A_268 : i32 to index
      %swap3A_270 = arith.constant 0 : index
      %swap3A_271 = tpu.vector_load %arg10[%swap3A_269, %swap3A_270] {strides = array<i32>} : memref<2x80xi32, #tpu.memory_space<vmem>>, vector<16xi32>,
      tpu.vector_store %arg10[%swap3A_269, %swap3A_270], %shift_right_logical3A_267 {strides = array<i32>} : memref<2x80xi32, #tpu.memory_space<vmem>>, vector<16xi32>,
      %mul3A_272 = arith.constant 80 : i32
      %mul3A_273 = arith.muli %add3A_156, %mul3A_272 : i32
      %add3A_274 = arith.constant 16 : i32
      %add3A_275 = arith.addi %mul3A_273, %add3A_274 : i32
      %get3A_276 = arith.index_cast %add3A_275 : i32 to index
      %get3A_277 = tpu.vector_load %arg7[%get3A_276] {strides = array<i32>} : memref<10000xi32, #tpu.memory_space<vmem>>, vector<16xi32>,
      %shift_right_logical3A_278 = arith.constant 16 : i32
      %shift_right_logical3A_279 = vector.broadcast %shift_right_logical3A_278 : i32 to vector<16xi32>
      %shift_right_logical3A_280 = arith.shrui %get3A_277, %shift_right_logical3A_279 : vector<16xi32>
      %swap3A_281 = arith.constant 0 : i32
      %swap3A_282 = arith.index_cast %swap3A_281 : i32 to index
      %swap3A_283 = arith.constant 16 : index
      %swap3A_284 = tpu.vector_load %arg10[%swap3A_282, %swap3A_283] {strides = array<i32>} : memref<2x80xi32, #tpu.memory_space<vmem>>, vector<16xi32>,
      tpu.vector_store %arg10[%swap3A_282, %swap3A_283], %shift_right_logical3A_280 {strides = array<i32>} : memref<2x80xi32, #tpu.memory_space<vmem>>, vector<16xi32>,
      %mul3A_285 = arith.constant 80 : i32
      %mul3A_286 = arith.muli %add3A_156, %mul3A_285 : i32
      %add3A_287 = arith.constant 32 : i32
      %add3A_288 = arith.addi %mul3A_286, %add3A_287 : i32
      %get3A_289 = arith.index_cast %add3A_288 : i32 to index
      %get3A_290 = tpu.vector_load %arg7[%get3A_289] {strides = array<i32>} : memref<10000xi32, #tpu.memory_space<vmem>>, vector<16xi32>,
      %shift_right_logical3A_291 = arith.constant 16 : i32
      %shift_right_logical3A_292 = vector.broadcast %shift_right_logical3A_291 : i32 to vector<16xi32>
      %shift_right_logical3A_293 = arith.shrui %get3A_290, %shift_right_logical3A_292 : vector<16xi32>
      %swap3A_294 = arith.constant 0 : i32
      %swap3A_295 = arith.index_cast %swap3A_294 : i32 to index
      %swap3A_296 = arith.constant 32 : index
      %swap3A_297 = tpu.vector_load %arg10[%swap3A_295, %swap3A_296] {strides = array<i32>} : memref<2x80xi32, #tpu.memory_space<vmem>>, vector<16xi32>,
      tpu.vector_store %arg10[%swap3A_295, %swap3A_296], %shift_right_logical3A_293 {strides = array<i32>} : memref<2x80xi32, #tpu.memory_space<vmem>>, vector<16xi32>,
      %mul3A_298 = arith.constant 80 : i32
      %mul3A_299 = arith.muli %add3A_156, %mul3A_298 : i32
      %add3A_300 = arith.constant 48 : i32
      %add3A_301 = arith.addi %mul3A_299, %add3A_300 : i32
      %get3A_302 = arith.index_cast %add3A_301 : i32 to index
      %get3A_303 = tpu.vector_load %arg7[%get3A_302] {strides = array<i32>} : memref<10000xi32, #tpu.memory_space<vmem>>, vector<16xi32>,
      %shift_right_logical3A_304 = arith.constant 16 : i32
      %shift_right_logical3A_305 = vector.broadcast %shift_right_logical3A_304 : i32 to vector<16xi32>
      %shift_right_logical3A_306 = arith.shrui %get3A_303, %shift_right_logical3A_305 : vector<16xi32>
      %swap3A_307 = arith.constant 0 : i32
      %swap3A_308 = arith.index_cast %swap3A_307 : i32 to index
      %swap3A_309 = arith.constant 48 : index
      %swap3A_310 = tpu.vector_load %arg10[%swap3A_308, %swap3A_309] {strides = array<i32>} : memref<2x80xi32, #tpu.memory_space<vmem>>, vector<16xi32>,
      tpu.vector_store %arg10[%swap3A_308, %swap3A_309], %shift_right_logical3A_306 {strides = array<i32>} : memref<2x80xi32, #tpu.memory_space<vmem>>, vector<16xi32>,
      %mul3A_311 = arith.constant 80 : i32
      %mul3A_312 = arith.muli %add3A_156, %mul3A_311 : i32
      %add3A_313 = arith.constant 64 : i32
      %add3A_314 = arith.addi %mul3A_312, %add3A_313 : i32
      %get3A_315 = arith.index_cast %add3A_314 : i32 to index
      %get3A_316 = tpu.vector_load %arg7[%get3A_315] {strides = array<i32>} : memref<10000xi32, #tpu.memory_space<vmem>>, vector<16xi32>,
      %shift_right_logical3A_317 = arith.constant 16 : i32
      %shift_right_logical3A_318 = vector.broadcast %shift_right_logical3A_317 : i32 to vector<16xi32>
      %shift_right_logical3A_319 = arith.shrui %get3A_316, %shift_right_logical3A_318 : vector<16xi32>
      %swap3A_320 = arith.constant 0 : i32
      %swap3A_321 = arith.index_cast %swap3A_320 : i32 to index
      %swap3A_322 = arith.constant 64 : index
      %swap3A_323 = tpu.vector_load %arg10[%swap3A_321, %swap3A_322] {strides = array<i32>} : memref<2x80xi32, #tpu.memory_space<vmem>>, vector<16xi32>,
      tpu.vector_store %arg10[%swap3A_321, %swap3A_322], %shift_right_logical3A_319 {strides = array<i32>} : memref<2x80xi32, #tpu.memory_space<vmem>>, vector<16xi32>,
      %dma_start3A_324 = arith.constant 0 : i32
      %dma_start3A_325 = arith.constant 0 : i32
      %dma_start3A_326 = arith.constant 0 : i32
      %dma_start3A_327 = arith.constant 0 : i32
      %dma_start3A_328 = tpu.memref_slice %arg11[%dma_start3A_324, %dma_start3A_326, %dma_start3A_327] : memref<2x80x128xf32, #tpu.memory_space<vmem>> -> memref<1x80x128xf32, #tpu.memory_space<vmem>>
      %dma_start3A_329 = tpu.memref_squeeze %dma_start3A_328 : memref<1x80x128xf32, #tpu.memory_space<vmem>> -> memref<80x128xf32, #tpu.memory_space<vmem>>
      %dma_start3A_330 = arith.constant 0 : i32
      %dma_start3A_331 = tpu.memref_slice %arg10[%dma_start3A_325, %dma_start3A_330] : memref<2x80xi32, #tpu.memory_space<vmem>> -> memref<1x80xi32, #tpu.memory_space<vmem>>
      %dma_start3A_332 = tpu.memref_squeeze %dma_start3A_331 : memref<1x80xi32, #tpu.memory_space<vmem>> -> memref<80xi32, #tpu.memory_space<vmem>>
      %dma_start3A_333 = arith.constant 0 : i32
      %dma_start3A_334 = arith.constant 0 : i32
      %dma_start3A_335 = tpu.memref_slice %arg12[%dma_start3A_333, %dma_start3A_334] : memref<10000x128xf32, #tpu.memory_space<vmem_shared>> -> memref<10000x128xf32, #tpu.memory_space<vmem_shared>>
      tpu.enqueue_indirect_dma source(%dma_start3A_329 : memref<80x128xf32, #tpu.memory_space<vmem>>) target(%dma_start3A_335 : memref<10000x128xf32, #tpu.memory_space<vmem_shared>>) offsets(%dma_start3A_332 : memref<80xi32, #tpu.memory_space<vmem>>) semaphore(%arg15 : memref<!tpu.dma_semaphore, #tpu.memory_space<semaphore_mem>>) {add = true}
      %add3A_336 = arith.constant 1 : i32
      %add3A_337 = arith.addi %add3A_154, %add3A_336 : i32
      %add3A_338 = arith.constant 1 : i32
      %add3A_339 = arith.addi %add3A_337, %add3A_338 : i32
      %mul3A_340 = arith.constant 80 : i32
      %mul3A_341 = arith.muli %add3A_339, %mul3A_340 : i32
      %add3A_342 = arith.constant 0 : i32
      %add3A_343 = arith.addi %mul3A_341, %add3A_342 : i32
      %get3A_344 = arith.index_cast %add3A_343 : i32 to index
      %get3A_345 = tpu.vector_load %arg7[%get3A_344] {strides = array<i32>} : memref<10000xi32, #tpu.memory_space<vmem>>, vector<16xi32>,
      %and3A_346 = arith.constant 65535 : i32
      %and3A_347 = vector.broadcast %and3A_346 : i32 to vector<16xi32>
      %and3A_348 = arith.andi %get3A_345, %and3A_347 : vector<16xi32>
      %swap3A_349 = arith.constant 0 : i32
      %swap3A_350 = arith.index_cast %swap3A_349 : i32 to index
      %swap3A_351 = arith.constant 0 : index
      %swap3A_352 = tpu.vector_load %arg9[%swap3A_350, %swap3A_351] {strides = array<i32>} : memref<2x80xi32, #tpu.memory_space<vmem>>, vector<16xi32>,
      tpu.vector_store %arg9[%swap3A_350, %swap3A_351], %and3A_348 {strides = array<i32>} : memref<2x80xi32, #tpu.memory_space<vmem>>, vector<16xi32>,
      %mul3A_353 = arith.constant 80 : i32
      %mul3A_354 = arith.muli %add3A_339, %mul3A_353 : i32
      %add3A_355 = arith.constant 16 : i32
      %add3A_356 = arith.addi %mul3A_354, %add3A_355 : i32
      %get3A_357 = arith.index_cast %add3A_356 : i32 to index
      %get3A_358 = tpu.vector_load %arg7[%get3A_357] {strides = array<i32>} : memref<10000xi32, #tpu.memory_space<vmem>>, vector<16xi32>,
      %and3A_359 = arith.constant 65535 : i32
      %and3A_360 = vector.broadcast %and3A_359 : i32 to vector<16xi32>
      %and3A_361 = arith.andi %get3A_358, %and3A_360 : vector<16xi32>
      %swap3A_362 = arith.constant 0 : i32
      %swap3A_363 = arith.index_cast %swap3A_362 : i32 to index
      %swap3A_364 = arith.constant 16 : index
      %swap3A_365 = tpu.vector_load %arg9[%swap3A_363, %swap3A_364] {strides = array<i32>} : memref<2x80xi32, #tpu.memory_space<vmem>>, vector<16xi32>,
      tpu.vector_store %arg9[%swap3A_363, %swap3A_364], %and3A_361 {strides = array<i32>} : memref<2x80xi32, #tpu.memory_space<vmem>>, vector<16xi32>,
      %mul3A_366 = arith.constant 80 : i32
      %mul3A_367 = arith.muli %add3A_339, %mul3A_366 : i32
      %add3A_368 = arith.constant 32 : i32
      %add3A_369 = arith.addi %mul3A_367, %add3A_368 : i32
      %get3A_370 = arith.index_cast %add3A_369 : i32 to index
      %get3A_371 = tpu.vector_load %arg7[%get3A_370] {strides = array<i32>} : memref<10000xi32, #tpu.memory_space<vmem>>, vector<16xi32>,
      %and3A_372 = arith.constant 65535 : i32
      %and3A_373 = vector.broadcast %and3A_372 : i32 to vector<16xi32>
      %and3A_374 = arith.andi %get3A_371, %and3A_373 : vector<16xi32>
      %swap3A_375 = arith.constant 0 : i32
      %swap3A_376 = arith.index_cast %swap3A_375 : i32 to index
      %swap3A_377 = arith.constant 32 : index
      %swap3A_378 = tpu.vector_load %arg9[%swap3A_376, %swap3A_377] {strides = array<i32>} : memref<2x80xi32, #tpu.memory_space<vmem>>, vector<16xi32>,
      tpu.vector_store %arg9[%swap3A_376, %swap3A_377], %and3A_374 {strides = array<i32>} : memref<2x80xi32, #tpu.memory_space<vmem>>, vector<16xi32>,
      %mul3A_379 = arith.constant 80 : i32
      %mul3A_380 = arith.muli %add3A_339, %mul3A_379 : i32
      %add3A_381 = arith.constant 48 : i32
      %add3A_382 = arith.addi %mul3A_380, %add3A_381 : i32
      %get3A_383 = arith.index_cast %add3A_382 : i32 to index
      %get3A_384 = tpu.vector_load %arg7[%get3A_383] {strides = array<i32>} : memref<10000xi32, #tpu.memory_space<vmem>>, vector<16xi32>,
      %and3A_385 = arith.constant 65535 : i32
      %and3A_386 = vector.broadcast %and3A_385 : i32 to vector<16xi32>
      %and3A_387 = arith.andi %get3A_384, %and3A_386 : vector<16xi32>
      %swap3A_388 = arith.constant 0 : i32
      %swap3A_389 = arith.index_cast %swap3A_388 : i32 to index
      %swap3A_390 = arith.constant 48 : index
      %swap3A_391 = tpu.vector_load %arg9[%swap3A_389, %swap3A_390] {strides = array<i32>} : memref<2x80xi32, #tpu.memory_space<vmem>>, vector<16xi32>,
      tpu.vector_store %arg9[%swap3A_389, %swap3A_390], %and3A_387 {strides = array<i32>} : memref<2x80xi32, #tpu.memory_space<vmem>>, vector<16xi32>,
      %mul3A_392 = arith.constant 80 : i32
      %mul3A_393 = arith.muli %add3A_339, %mul3A_392 : i32
      %add3A_394 = arith.constant 64 : i32
      %add3A_395 = arith.addi %mul3A_393, %add3A_394 : i32
      %get3A_396 = arith.index_cast %add3A_395 : i32 to index
      %get3A_397 = tpu.vector_load %arg7[%get3A_396] {strides = array<i32>} : memref<10000xi32, #tpu.memory_space<vmem>>, vector<16xi32>,
      %and3A_398 = arith.constant 65535 : i32
      %and3A_399 = vector.broadcast %and3A_398 : i32 to vector<16xi32>
      %and3A_400 = arith.andi %get3A_397, %and3A_399 : vector<16xi32>
      %swap3A_401 = arith.constant 0 : i32
      %swap3A_402 = arith.index_cast %swap3A_401 : i32 to index
      %swap3A_403 = arith.constant 64 : index
      %swap3A_404 = tpu.vector_load %arg9[%swap3A_402, %swap3A_403] {strides = array<i32>} : memref<2x80xi32, #tpu.memory_space<vmem>>, vector<16xi32>,
      tpu.vector_store %arg9[%swap3A_402, %swap3A_403], %and3A_400 {strides = array<i32>} : memref<2x80xi32, #tpu.memory_space<vmem>>, vector<16xi32>,
      %sub3A = arith.constant 1 : i32
      %sub3A_405 = arith.subi %add3A_337, %sub3A : i32
      %dma_wait3A_406 = arith.constant 0 : i32
      %dma_wait3A_407 = arith.constant 0 : i32
      %dma_wait3A_408 = arith.constant 0 : i32
      %dma_wait3A_409 = arith.constant 0 : i32
      %dma_wait3A_410 = tpu.memref_slice %arg11[%dma_wait3A_406, %dma_wait3A_408, %dma_wait3A_409] : memref<2x80x128xf32, #tpu.memory_space<vmem>> -> memref<1x80x128xf32, #tpu.memory_space<vmem>>
      %dma_wait3A_411 = tpu.memref_squeeze %dma_wait3A_410 : memref<1x80x128xf32, #tpu.memory_space<vmem>> -> memref<80x128xf32, #tpu.memory_space<vmem>>
      %dma_wait3A_412 = arith.constant 0 : i32
      %dma_wait3A_413 = tpu.memref_slice %arg10[%dma_wait3A_407, %dma_wait3A_412] : memref<2x80xi32, #tpu.memory_space<vmem>> -> memref<1x80xi32, #tpu.memory_space<vmem>>
      %dma_wait3A_414 = tpu.memref_squeeze %dma_wait3A_413 : memref<1x80xi32, #tpu.memory_space<vmem>> -> memref<80xi32, #tpu.memory_space<vmem>>
      %dma_wait3A_415 = arith.constant 0 : i32
      %dma_wait3A_416 = arith.constant 0 : i32
      %dma_wait3A_417 = tpu.memref_slice %arg12[%dma_wait3A_415, %dma_wait3A_416] : memref<10000x128xf32, #tpu.memory_space<vmem_shared>> -> memref<10000x128xf32, #tpu.memory_space<vmem_shared>>
      tpu.wait_indirect_dma semaphore(%arg15 : memref<!tpu.dma_semaphore, #tpu.memory_space<semaphore_mem>>) src(%dma_wait3A_411 : memref<80x128xf32, #tpu.memory_space<vmem>>) dst(%dma_wait3A_417 : memref<10000x128xf32, #tpu.memory_space<vmem_shared>>)
      %add3A_418 = arith.constant 1 : i32
      %add3A_419 = arith.addi %add3A_337, %add3A_418 : i32
      %dma_start3A_420 = arith.constant 0 : i32
      %dma_start3A_421 = arith.constant 0 : i32
      %dma_start3A_422 = arith.constant 0 : i32
      %dma_start3A_423 = arith.constant 0 : i32
      %dma_start3A_424 = tpu.memref_slice %arg11[%dma_start3A_421, %dma_start3A_422, %dma_start3A_423] : memref<2x80x128xf32, #tpu.memory_space<vmem>> -> memref<1x80x128xf32, #tpu.memory_space<vmem>>
      %dma_start3A_425 = tpu.memref_squeeze %dma_start3A_424 : memref<1x80x128xf32, #tpu.memory_space<vmem>> -> memref<80x128xf32, #tpu.memory_space<vmem>>
      %dma_start3A_426 = arith.constant 0 : i32
      %dma_start3A_427 = tpu.memref_slice %arg9[%dma_start3A_420, %dma_start3A_426] : memref<2x80xi32, #tpu.memory_space<vmem>> -> memref<1x80xi32, #tpu.memory_space<vmem>>
      %dma_start3A_428 = tpu.memref_squeeze %dma_start3A_427 : memref<1x80xi32, #tpu.memory_space<vmem>> -> memref<80xi32, #tpu.memory_space<vmem>>
      %dma_start3A_429 = arith.constant 0 : i32
      %dma_start3A_430 = arith.constant 0 : i32
      %dma_start3A_431 = tpu.memref_slice %arg2[%dma_start3A_429, %dma_start3A_430] : memref<10000x128xf32, #tpu.memory_space<hbm>> -> memref<10000x128xf32, #tpu.memory_space<hbm>>
      tpu.enqueue_indirect_dma source(%dma_start3A_431 : memref<10000x128xf32, #tpu.memory_space<hbm>>) target(%dma_start3A_425 : memref<80x128xf32, #tpu.memory_space<vmem>>) offsets(%dma_start3A_428 : memref<80xi32, #tpu.memory_space<vmem>>) semaphore(%arg13 : memref<!tpu.dma_semaphore, #tpu.memory_space<semaphore_mem>>)
      %dma_wait3A_432 = arith.constant 1 : i32
      %dma_wait3A_433 = arith.constant 1 : i32
      %dma_wait3A_434 = arith.constant 0 : i32
      %dma_wait3A_435 = arith.constant 0 : i32
      %dma_wait3A_436 = tpu.memref_slice %arg11[%dma_wait3A_433, %dma_wait3A_434, %dma_wait3A_435] : memref<2x80x128xf32, #tpu.memory_space<vmem>> -> memref<1x80x128xf32, #tpu.memory_space<vmem>>
      %dma_wait3A_437 = tpu.memref_squeeze %dma_wait3A_436 : memref<1x80x128xf32, #tpu.memory_space<vmem>> -> memref<80x128xf32, #tpu.memory_space<vmem>>
      %dma_wait3A_438 = arith.constant 0 : i32
      %dma_wait3A_439 = tpu.memref_slice %arg9[%dma_wait3A_432, %dma_wait3A_438] : memref<2x80xi32, #tpu.memory_space<vmem>> -> memref<1x80xi32, #tpu.memory_space<vmem>>
      %dma_wait3A_440 = tpu.memref_squeeze %dma_wait3A_439 : memref<1x80xi32, #tpu.memory_space<vmem>> -> memref<80xi32, #tpu.memory_space<vmem>>
      %dma_wait3A_441 = arith.constant 0 : i32
      %dma_wait3A_442 = arith.constant 0 : i32
      %dma_wait3A_443 = tpu.memref_slice %arg2[%dma_wait3A_441, %dma_wait3A_442] : memref<10000x128xf32, #tpu.memory_space<hbm>> -> memref<10000x128xf32, #tpu.memory_space<hbm>>
      tpu.wait_indirect_dma semaphore(%arg14 : memref<!tpu.dma_semaphore, #tpu.memory_space<semaphore_mem>>) src(%dma_wait3A_443 : memref<10000x128xf32, #tpu.memory_space<hbm>>) dst(%dma_wait3A_437 : memref<80x128xf32, #tpu.memory_space<vmem>>)
      %scan3A_444 = arith.constant 0 : i32
      %scan3A_445 = arith.constant 80 : i32
      %scan3A_446 = arith.addi %scan3A_444, %scan3A_445 : i32
      %scan3A_447 = arith.constant 1 : i32
      scf.for %scan3A_526 = %scan3A_444 to %scan3A_446 step %scan3A_447  : i32 {
        %mul3A_527 = arith.constant 1 : i32
        %mul3A_528 = arith.muli %scan3A_526, %mul3A_527 : i32
        %add3A_529 = arith.constant 0 : i32
        %add3A_530 = arith.addi %add3A_529, %mul3A_528 : i32
        %mul3A_531 = arith.constant 80 : i32
        %mul3A_532 = arith.muli %add3A_337, %mul3A_531 : i32
        %add3A_533 = arith.addi %mul3A_532, %add3A_530 : i32
        %broadcast_in_dim3A = vector.broadcast %add3A_533 : i32 to vector<16xi32>
        %gather3A = tpu.vector_load_idx %arg8[%broadcast_in_dim3A] : memref<10000xf32, #tpu.memory_space<vmem>>[vector<16xi32>], vector<16xf32>,
        %get3A_534 = arith.constant 1 : i32
        %get3A_535 = arith.index_cast %get3A_534 : i32 to index
        %get3A_536 = arith.index_cast %add3A_530 : i32 to index
        %get3A_537 = arith.constant 0 : index
        %get3A_538 = tpu.vector_load %arg11[%get3A_535, %get3A_536, %get3A_537] {strides = array<i32>} : memref<2x80x128xf32, #tpu.memory_space<vmem>>, vector<16xf32>,
        %mul3A_539 = arith.mulf %get3A_538, %gather3A : vector<16xf32>
        %swap3A_540 = arith.constant 1 : i32
        %swap3A_541 = arith.index_cast %swap3A_540 : i32 to index
        %swap3A_542 = arith.index_cast %add3A_530 : i32 to index
        %swap3A_543 = arith.constant 0 : index
        %swap3A_544 = tpu.vector_load %arg11[%swap3A_541, %swap3A_542, %swap3A_543] {strides = array<i32>} : memref<2x80x128xf32, #tpu.memory_space<vmem>>, vector<16xf32>,
        tpu.vector_store %arg11[%swap3A_541, %swap3A_542, %swap3A_543], %mul3A_539 {strides = array<i32>} : memref<2x80x128xf32, #tpu.memory_space<vmem>>, vector<16xf32>,
        %get3A_545 = arith.constant 1 : i32
        %get3A_546 = arith.index_cast %get3A_545 : i32 to index
        %get3A_547 = arith.index_cast %add3A_530 : i32 to index
        %get3A_548 = arith.constant 16 : index
        %get3A_549 = tpu.vector_load %arg11[%get3A_546, %get3A_547, %get3A_548] {strides = array<i32>} : memref<2x80x128xf32, #tpu.memory_space<vmem>>, vector<16xf32>,
        %mul3A_550 = arith.mulf %get3A_549, %gather3A : vector<16xf32>
        %swap3A_551 = arith.constant 1 : i32
        %swap3A_552 = arith.index_cast %swap3A_551 : i32 to index
        %swap3A_553 = arith.index_cast %add3A_530 : i32 to index
        %swap3A_554 = arith.constant 16 : index
        %swap3A_555 = tpu.vector_load %arg11[%swap3A_552, %swap3A_553, %swap3A_554] {strides = array<i32>} : memref<2x80x128xf32, #tpu.memory_space<vmem>>, vector<16xf32>,
        tpu.vector_store %arg11[%swap3A_552, %swap3A_553, %swap3A_554], %mul3A_550 {strides = array<i32>} : memref<2x80x128xf32, #tpu.memory_space<vmem>>, vector<16xf32>,
        %get3A_556 = arith.constant 1 : i32
        %get3A_557 = arith.index_cast %get3A_556 : i32 to index
        %get3A_558 = arith.index_cast %add3A_530 : i32 to index
        %get3A_559 = arith.constant 32 : index
        %get3A_560 = tpu.vector_load %arg11[%get3A_557, %get3A_558, %get3A_559] {strides = array<i32>} : memref<2x80x128xf32, #tpu.memory_space<vmem>>, vector<16xf32>,
        %mul3A_561 = arith.mulf %get3A_560, %gather3A : vector<16xf32>
        %swap3A_562 = arith.constant 1 : i32
        %swap3A_563 = arith.index_cast %swap3A_562 : i32 to index
        %swap3A_564 = arith.index_cast %add3A_530 : i32 to index
        %swap3A_565 = arith.constant 32 : index
        %swap3A_566 = tpu.vector_load %arg11[%swap3A_563, %swap3A_564, %swap3A_565] {strides = array<i32>} : memref<2x80x128xf32, #tpu.memory_space<vmem>>, vector<16xf32>,
        tpu.vector_store %arg11[%swap3A_563, %swap3A_564, %swap3A_565], %mul3A_561 {strides = array<i32>} : memref<2x80x128xf32, #tpu.memory_space<vmem>>, vector<16xf32>,
        %get3A_567 = arith.constant 1 : i32
        %get3A_568 = arith.index_cast %get3A_567 : i32 to index
        %get3A_569 = arith.index_cast %add3A_530 : i32 to index
        %get3A_570 = arith.constant 48 : index
        %get3A_571 = tpu.vector_load %arg11[%get3A_568, %get3A_569, %get3A_570] {strides = array<i32>} : memref<2x80x128xf32, #tpu.memory_space<vmem>>, vector<16xf32>,
        %mul3A_572 = arith.mulf %get3A_571, %gather3A : vector<16xf32>
        %swap3A_573 = arith.constant 1 : i32
        %swap3A_574 = arith.index_cast %swap3A_573 : i32 to index
        %swap3A_575 = arith.index_cast %add3A_530 : i32 to index
        %swap3A_576 = arith.constant 48 : index
        %swap3A_577 = tpu.vector_load %arg11[%swap3A_574, %swap3A_575, %swap3A_576] {strides = array<i32>} : memref<2x80x128xf32, #tpu.memory_space<vmem>>, vector<16xf32>,
        tpu.vector_store %arg11[%swap3A_574, %swap3A_575, %swap3A_576], %mul3A_572 {strides = array<i32>} : memref<2x80x128xf32, #tpu.memory_space<vmem>>, vector<16xf32>,
        %get3A_578 = arith.constant 1 : i32
        %get3A_579 = arith.index_cast %get3A_578 : i32 to index
        %get3A_580 = arith.index_cast %add3A_530 : i32 to index
        %get3A_581 = arith.constant 64 : index
        %get3A_582 = tpu.vector_load %arg11[%get3A_579, %get3A_580, %get3A_581] {strides = array<i32>} : memref<2x80x128xf32, #tpu.memory_space<vmem>>, vector<16xf32>,
        %mul3A_583 = arith.mulf %get3A_582, %gather3A : vector<16xf32>
        %swap3A_584 = arith.constant 1 : i32
        %swap3A_585 = arith.index_cast %swap3A_584 : i32 to index
        %swap3A_586 = arith.index_cast %add3A_530 : i32 to index
        %swap3A_587 = arith.constant 64 : index
        %swap3A_588 = tpu.vector_load %arg11[%swap3A_585, %swap3A_586, %swap3A_587] {strides = array<i32>} : memref<2x80x128xf32, #tpu.memory_space<vmem>>, vector<16xf32>,
        tpu.vector_store %arg11[%swap3A_585, %swap3A_586, %swap3A_587], %mul3A_583 {strides = array<i32>} : memref<2x80x128xf32, #tpu.memory_space<vmem>>, vector<16xf32>,
        %get3A_589 = arith.constant 1 : i32
        %get3A_590 = arith.index_cast %get3A_589 : i32 to index
        %get3A_591 = arith.index_cast %add3A_530 : i32 to index
        %get3A_592 = arith.constant 80 : index
        %get3A_593 = tpu.vector_load %arg11[%get3A_590, %get3A_591, %get3A_592] {strides = array<i32>} : memref<2x80x128xf32, #tpu.memory_space<vmem>>, vector<16xf32>,
        %mul3A_594 = arith.mulf %get3A_593, %gather3A : vector<16xf32>
        %swap3A_595 = arith.constant 1 : i32
        %swap3A_596 = arith.index_cast %swap3A_595 : i32 to index
        %swap3A_597 = arith.index_cast %add3A_530 : i32 to index
        %swap3A_598 = arith.constant 80 : index
        %swap3A_599 = tpu.vector_load %arg11[%swap3A_596, %swap3A_597, %swap3A_598] {strides = array<i32>} : memref<2x80x128xf32, #tpu.memory_space<vmem>>, vector<16xf32>,
        tpu.vector_store %arg11[%swap3A_596, %swap3A_597, %swap3A_598], %mul3A_594 {strides = array<i32>} : memref<2x80x128xf32, #tpu.memory_space<vmem>>, vector<16xf32>,
        %get3A_600 = arith.constant 1 : i32
        %get3A_601 = arith.index_cast %get3A_600 : i32 to index
        %get3A_602 = arith.index_cast %add3A_530 : i32 to index
        %get3A_603 = arith.constant 96 : index
        %get3A_604 = tpu.vector_load %arg11[%get3A_601, %get3A_602, %get3A_603] {strides = array<i32>} : memref<2x80x128xf32, #tpu.memory_space<vmem>>, vector<16xf32>,
        %mul3A_605 = arith.mulf %get3A_604, %gather3A : vector<16xf32>
        %swap3A_606 = arith.constant 1 : i32
        %swap3A_607 = arith.index_cast %swap3A_606 : i32 to index
        %swap3A_608 = arith.index_cast %add3A_530 : i32 to index
        %swap3A_609 = arith.constant 96 : index
        %swap3A_610 = tpu.vector_load %arg11[%swap3A_607, %swap3A_608, %swap3A_609] {strides = array<i32>} : memref<2x80x128xf32, #tpu.memory_space<vmem>>, vector<16xf32>,
        tpu.vector_store %arg11[%swap3A_607, %swap3A_608, %swap3A_609], %mul3A_605 {strides = array<i32>} : memref<2x80x128xf32, #tpu.memory_space<vmem>>, vector<16xf32>,
        %get3A_611 = arith.constant 1 : i32
        %get3A_612 = arith.index_cast %get3A_611 : i32 to index
        %get3A_613 = arith.index_cast %add3A_530 : i32 to index
        %get3A_614 = arith.constant 112 : index
        %get3A_615 = tpu.vector_load %arg11[%get3A_612, %get3A_613, %get3A_614] {strides = array<i32>} : memref<2x80x128xf32, #tpu.memory_space<vmem>>, vector<16xf32>,
        %mul3A_616 = arith.mulf %get3A_615, %gather3A : vector<16xf32>
        %swap3A_617 = arith.constant 1 : i32
        %swap3A_618 = arith.index_cast %swap3A_617 : i32 to index
        %swap3A_619 = arith.index_cast %add3A_530 : i32 to index
        %swap3A_620 = arith.constant 112 : index
        %swap3A_621 = tpu.vector_load %arg11[%swap3A_618, %swap3A_619, %swap3A_620] {strides = array<i32>} : memref<2x80x128xf32, #tpu.memory_space<vmem>>, vector<16xf32>,
        tpu.vector_store %arg11[%swap3A_618, %swap3A_619, %swap3A_620], %mul3A_616 {strides = array<i32>} : memref<2x80x128xf32, #tpu.memory_space<vmem>>, vector<16xf32>,
      }
      %scan3A_448 = arith.constant 80 : i32
      %mul3A_449 = arith.constant 80 : i32
      %mul3A_450 = arith.muli %add3A_337, %mul3A_449 : i32
      %add3A_451 = arith.constant 0 : i32
      %add3A_452 = arith.addi %mul3A_450, %add3A_451 : i32
      %get3A_453 = arith.index_cast %add3A_452 : i32 to index
      %get3A_454 = tpu.vector_load %arg7[%get3A_453] {strides = array<i32>} : memref<10000xi32, #tpu.memory_space<vmem>>, vector<16xi32>,
      %shift_right_logical3A_455 = arith.constant 16 : i32
      %shift_right_logical3A_456 = vector.broadcast %shift_right_logical3A_455 : i32 to vector<16xi32>
      %shift_right_logical3A_457 = arith.shrui %get3A_454, %shift_right_logical3A_456 : vector<16xi32>
      %swap3A_458 = arith.constant 1 : i32
      %swap3A_459 = arith.index_cast %swap3A_458 : i32 to index
      %swap3A_460 = arith.constant 0 : index
      %swap3A_461 = tpu.vector_load %arg10[%swap3A_459, %swap3A_460] {strides = array<i32>} : memref<2x80xi32, #tpu.memory_space<vmem>>, vector<16xi32>,
      tpu.vector_store %arg10[%swap3A_459, %swap3A_460], %shift_right_logical3A_457 {strides = array<i32>} : memref<2x80xi32, #tpu.memory_space<vmem>>, vector<16xi32>,
      %mul3A_462 = arith.constant 80 : i32
      %mul3A_463 = arith.muli %add3A_337, %mul3A_462 : i32
      %add3A_464 = arith.constant 16 : i32
      %add3A_465 = arith.addi %mul3A_463, %add3A_464 : i32
      %get3A_466 = arith.index_cast %add3A_465 : i32 to index
      %get3A_467 = tpu.vector_load %arg7[%get3A_466] {strides = array<i32>} : memref<10000xi32, #tpu.memory_space<vmem>>, vector<16xi32>,
      %shift_right_logical3A_468 = arith.constant 16 : i32
      %shift_right_logical3A_469 = vector.broadcast %shift_right_logical3A_468 : i32 to vector<16xi32>
      %shift_right_logical3A_470 = arith.shrui %get3A_467, %shift_right_logical3A_469 : vector<16xi32>
      %swap3A_471 = arith.constant 1 : i32
      %swap3A_472 = arith.index_cast %swap3A_471 : i32 to index
      %swap3A_473 = arith.constant 16 : index
      %swap3A_474 = tpu.vector_load %arg10[%swap3A_472, %swap3A_473] {strides = array<i32>} : memref<2x80xi32, #tpu.memory_space<vmem>>, vector<16xi32>,
      tpu.vector_store %arg10[%swap3A_472, %swap3A_473], %shift_right_logical3A_470 {strides = array<i32>} : memref<2x80xi32, #tpu.memory_space<vmem>>, vector<16xi32>,
      %mul3A_475 = arith.constant 80 : i32
      %mul3A_476 = arith.muli %add3A_337, %mul3A_475 : i32
      %add3A_477 = arith.constant 32 : i32
      %add3A_478 = arith.addi %mul3A_476, %add3A_477 : i32
      %get3A_479 = arith.index_cast %add3A_478 : i32 to index
      %get3A_480 = tpu.vector_load %arg7[%get3A_479] {strides = array<i32>} : memref<10000xi32, #tpu.memory_space<vmem>>, vector<16xi32>,
      %shift_right_logical3A_481 = arith.constant 16 : i32
      %shift_right_logical3A_482 = vector.broadcast %shift_right_logical3A_481 : i32 to vector<16xi32>
      %shift_right_logical3A_483 = arith.shrui %get3A_480, %shift_right_logical3A_482 : vector<16xi32>
      %swap3A_484 = arith.constant 1 : i32
      %swap3A_485 = arith.index_cast %swap3A_484 : i32 to index
      %swap3A_486 = arith.constant 32 : index
      %swap3A_487 = tpu.vector_load %arg10[%swap3A_485, %swap3A_486] {strides = array<i32>} : memref<2x80xi32, #tpu.memory_space<vmem>>, vector<16xi32>,
      tpu.vector_store %arg10[%swap3A_485, %swap3A_486], %shift_right_logical3A_483 {strides = array<i32>} : memref<2x80xi32, #tpu.memory_space<vmem>>, vector<16xi32>,
      %mul3A_488 = arith.constant 80 : i32
      %mul3A_489 = arith.muli %add3A_337, %mul3A_488 : i32
      %add3A_490 = arith.constant 48 : i32
      %add3A_491 = arith.addi %mul3A_489, %add3A_490 : i32
      %get3A_492 = arith.index_cast %add3A_491 : i32 to index
      %get3A_493 = tpu.vector_load %arg7[%get3A_492] {strides = array<i32>} : memref<10000xi32, #tpu.memory_space<vmem>>, vector<16xi32>,
      %shift_right_logical3A_494 = arith.constant 16 : i32
      %shift_right_logical3A_495 = vector.broadcast %shift_right_logical3A_494 : i32 to vector<16xi32>
      %shift_right_logical3A_496 = arith.shrui %get3A_493, %shift_right_logical3A_495 : vector<16xi32>
      %swap3A_497 = arith.constant 1 : i32
      %swap3A_498 = arith.index_cast %swap3A_497 : i32 to index
      %swap3A_499 = arith.constant 48 : index
      %swap3A_500 = tpu.vector_load %arg10[%swap3A_498, %swap3A_499] {strides = array<i32>} : memref<2x80xi32, #tpu.memory_space<vmem>>, vector<16xi32>,
      tpu.vector_store %arg10[%swap3A_498, %swap3A_499], %shift_right_logical3A_496 {strides = array<i32>} : memref<2x80xi32, #tpu.memory_space<vmem>>, vector<16xi32>,
      %mul3A_501 = arith.constant 80 : i32
      %mul3A_502 = arith.muli %add3A_337, %mul3A_501 : i32
      %add3A_503 = arith.constant 64 : i32
      %add3A_504 = arith.addi %mul3A_502, %add3A_503 : i32
      %get3A_505 = arith.index_cast %add3A_504 : i32 to index
      %get3A_506 = tpu.vector_load %arg7[%get3A_505] {strides = array<i32>} : memref<10000xi32, #tpu.memory_space<vmem>>, vector<16xi32>,
      %shift_right_logical3A_507 = arith.constant 16 : i32
      %shift_right_logical3A_508 = vector.broadcast %shift_right_logical3A_507 : i32 to vector<16xi32>
      %shift_right_logical3A_509 = arith.shrui %get3A_506, %shift_right_logical3A_508 : vector<16xi32>
      %swap3A_510 = arith.constant 1 : i32
      %swap3A_511 = arith.index_cast %swap3A_510 : i32 to index
      %swap3A_512 = arith.constant 64 : index
      %swap3A_513 = tpu.vector_load %arg10[%swap3A_511, %swap3A_512] {strides = array<i32>} : memref<2x80xi32, #tpu.memory_space<vmem>>, vector<16xi32>,
      tpu.vector_store %arg10[%swap3A_511, %swap3A_512], %shift_right_logical3A_509 {strides = array<i32>} : memref<2x80xi32, #tpu.memory_space<vmem>>, vector<16xi32>,
      %dma_start3A_514 = arith.constant 1 : i32
      %dma_start3A_515 = arith.constant 1 : i32
      %dma_start3A_516 = arith.constant 0 : i32
      %dma_start3A_517 = arith.constant 0 : i32
      %dma_start3A_518 = tpu.memref_slice %arg11[%dma_start3A_514, %dma_start3A_516, %dma_start3A_517] : memref<2x80x128xf32, #tpu.memory_space<vmem>> -> memref<1x80x128xf32, #tpu.memory_space<vmem>>
      %dma_start3A_519 = tpu.memref_squeeze %dma_start3A_518 : memref<1x80x128xf32, #tpu.memory_space<vmem>> -> memref<80x128xf32, #tpu.memory_space<vmem>>
      %dma_start3A_520 = arith.constant 0 : i32
      %dma_start3A_521 = tpu.memref_slice %arg10[%dma_start3A_515, %dma_start3A_520] : memref<2x80xi32, #tpu.memory_space<vmem>> -> memref<1x80xi32, #tpu.memory_space<vmem>>
      %dma_start3A_522 = tpu.memref_squeeze %dma_start3A_521 : memref<1x80xi32, #tpu.memory_space<vmem>> -> memref<80xi32, #tpu.memory_space<vmem>>
      %dma_start3A_523 = arith.constant 0 : i32
      %dma_start3A_524 = arith.constant 0 : i32
      %dma_start3A_525 = tpu.memref_slice %arg12[%dma_start3A_523, %dma_start3A_524] : memref<10000x128xf32, #tpu.memory_space<vmem_shared>> -> memref<10000x128xf32, #tpu.memory_space<vmem_shared>>
      tpu.enqueue_indirect_dma source(%dma_start3A_519 : memref<80x128xf32, #tpu.memory_space<vmem>>) target(%dma_start3A_525 : memref<10000x128xf32, #tpu.memory_space<vmem_shared>>) offsets(%dma_start3A_522 : memref<80xi32, #tpu.memory_space<vmem>>) semaphore(%arg16 : memref<!tpu.dma_semaphore, #tpu.memory_space<semaphore_mem>>) {add = true}
    }
    %scan3A_65 = arith.constant 62 : i32
    %dma_wait3A = arith.constant 0 : i32
    %dma_wait3A_66 = arith.constant 0 : i32
    %dma_wait3A_67 = arith.constant 0 : i32
    %dma_wait3A_68 = arith.constant 0 : i32
    %dma_wait3A_69 = tpu.memref_slice %arg11[%dma_wait3A_66, %dma_wait3A_67, %dma_wait3A_68] : memref<2x80x128xf32, #tpu.memory_space<vmem>> -> memref<1x80x128xf32, #tpu.memory_space<vmem>>
    %dma_wait3A_70 = tpu.memref_squeeze %dma_wait3A_69 : memref<1x80x128xf32, #tpu.memory_space<vmem>> -> memref<80x128xf32, #tpu.memory_space<vmem>>
    %dma_wait3A_71 = arith.constant 0 : i32
    %dma_wait3A_72 = tpu.memref_slice %arg9[%dma_wait3A, %dma_wait3A_71] : memref<2x80xi32, #tpu.memory_space<vmem>> -> memref<1x80xi32, #tpu.memory_space<vmem>>
    %dma_wait3A_73 = tpu.memref_squeeze %dma_wait3A_72 : memref<1x80xi32, #tpu.memory_space<vmem>> -> memref<80xi32, #tpu.memory_space<vmem>>
    %dma_wait3A_74 = arith.constant 0 : i32
    %dma_wait3A_75 = arith.constant 0 : i32
    %dma_wait3A_76 = tpu.memref_slice %arg2[%dma_wait3A_74, %dma_wait3A_75] : memref<10000x128xf32, #tpu.memory_space<hbm>> -> memref<10000x128xf32, #tpu.memory_space<hbm>>
    tpu.wait_indirect_dma semaphore(%arg13 : memref<!tpu.dma_semaphore, #tpu.memory_space<semaphore_mem>>) src(%dma_wait3A_76 : memref<10000x128xf32, #tpu.memory_space<hbm>>) dst(%dma_wait3A_70 : memref<80x128xf32, #tpu.memory_space<vmem>>)
    %scan3A_77 = arith.constant 0 : i32
    %scan3A_78 = arith.constant 80 : i32
    %scan3A_79 = arith.addi %scan3A_77, %scan3A_78 : i32
    %scan3A_80 = arith.constant 1 : i32
    scf.for %scan3A_150 = %scan3A_77 to %scan3A_79 step %scan3A_80  : i32 {
      %mul3A_151 = arith.constant 1 : i32
      %mul3A_152 = arith.muli %scan3A_150, %mul3A_151 : i32
      %add3A_153 = arith.constant 0 : i32
      %add3A_154 = arith.addi %add3A_153, %mul3A_152 : i32
      %add3A_155 = arith.constant 9920 : i32
      %add3A_156 = arith.addi %add3A_155, %add3A_154 : i32
      %broadcast_in_dim3A = vector.broadcast %add3A_156 : i32 to vector<16xi32>
      %gather3A = tpu.vector_load_idx %arg8[%broadcast_in_dim3A] : memref<10000xf32, #tpu.memory_space<vmem>>[vector<16xi32>], vector<16xf32>,
      %get3A_157 = arith.constant 0 : i32
      %get3A_158 = arith.index_cast %get3A_157 : i32 to index
      %get3A_159 = arith.index_cast %add3A_154 : i32 to index
      %get3A_160 = arith.constant 0 : index
      %get3A_161 = tpu.vector_load %arg11[%get3A_158, %get3A_159, %get3A_160] {strides = array<i32>} : memref<2x80x128xf32, #tpu.memory_space<vmem>>, vector<16xf32>,
      %mul3A_162 = arith.mulf %get3A_161, %gather3A : vector<16xf32>
      %swap3A_163 = arith.constant 0 : i32
      %swap3A_164 = arith.index_cast %swap3A_163 : i32 to index
      %swap3A_165 = arith.index_cast %add3A_154 : i32 to index
      %swap3A_166 = arith.constant 0 : index
      %swap3A_167 = tpu.vector_load %arg11[%swap3A_164, %swap3A_165, %swap3A_166] {strides = array<i32>} : memref<2x80x128xf32, #tpu.memory_space<vmem>>, vector<16xf32>,
      tpu.vector_store %arg11[%swap3A_164, %swap3A_165, %swap3A_166], %mul3A_162 {strides = array<i32>} : memref<2x80x128xf32, #tpu.memory_space<vmem>>, vector<16xf32>,
      %get3A_168 = arith.constant 0 : i32
      %get3A_169 = arith.index_cast %get3A_168 : i32 to index
      %get3A_170 = arith.index_cast %add3A_154 : i32 to index
      %get3A_171 = arith.constant 16 : index
      %get3A_172 = tpu.vector_load %arg11[%get3A_169, %get3A_170, %get3A_171] {strides = array<i32>} : memref<2x80x128xf32, #tpu.memory_space<vmem>>, vector<16xf32>,
      %mul3A_173 = arith.mulf %get3A_172, %gather3A : vector<16xf32>
      %swap3A_174 = arith.constant 0 : i32
      %swap3A_175 = arith.index_cast %swap3A_174 : i32 to index
      %swap3A_176 = arith.index_cast %add3A_154 : i32 to index
      %swap3A_177 = arith.constant 16 : index
      %swap3A_178 = tpu.vector_load %arg11[%swap3A_175, %swap3A_176, %swap3A_177] {strides = array<i32>} : memref<2x80x128xf32, #tpu.memory_space<vmem>>, vector<16xf32>,
      tpu.vector_store %arg11[%swap3A_175, %swap3A_176, %swap3A_177], %mul3A_173 {strides = array<i32>} : memref<2x80x128xf32, #tpu.memory_space<vmem>>, vector<16xf32>,
      %get3A_179 = arith.constant 0 : i32
      %get3A_180 = arith.index_cast %get3A_179 : i32 to index
      %get3A_181 = arith.index_cast %add3A_154 : i32 to index
      %get3A_182 = arith.constant 32 : index
      %get3A_183 = tpu.vector_load %arg11[%get3A_180, %get3A_181, %get3A_182] {strides = array<i32>} : memref<2x80x128xf32, #tpu.memory_space<vmem>>, vector<16xf32>,
      %mul3A_184 = arith.mulf %get3A_183, %gather3A : vector<16xf32>
      %swap3A_185 = arith.constant 0 : i32
      %swap3A_186 = arith.index_cast %swap3A_185 : i32 to index
      %swap3A_187 = arith.index_cast %add3A_154 : i32 to index
      %swap3A_188 = arith.constant 32 : index
      %swap3A_189 = tpu.vector_load %arg11[%swap3A_186, %swap3A_187, %swap3A_188] {strides = array<i32>} : memref<2x80x128xf32, #tpu.memory_space<vmem>>, vector<16xf32>,
      tpu.vector_store %arg11[%swap3A_186, %swap3A_187, %swap3A_188], %mul3A_184 {strides = array<i32>} : memref<2x80x128xf32, #tpu.memory_space<vmem>>, vector<16xf32>,
      %get3A_190 = arith.constant 0 : i32
      %get3A_191 = arith.index_cast %get3A_190 : i32 to index
      %get3A_192 = arith.index_cast %add3A_154 : i32 to index
      %get3A_193 = arith.constant 48 : index
      %get3A_194 = tpu.vector_load %arg11[%get3A_191, %get3A_192, %get3A_193] {strides = array<i32>} : memref<2x80x128xf32, #tpu.memory_space<vmem>>, vector<16xf32>,
      %mul3A_195 = arith.mulf %get3A_194, %gather3A : vector<16xf32>
      %swap3A_196 = arith.constant 0 : i32
      %swap3A_197 = arith.index_cast %swap3A_196 : i32 to index
      %swap3A_198 = arith.index_cast %add3A_154 : i32 to index
      %swap3A_199 = arith.constant 48 : index
      %swap3A_200 = tpu.vector_load %arg11[%swap3A_197, %swap3A_198, %swap3A_199] {strides = array<i32>} : memref<2x80x128xf32, #tpu.memory_space<vmem>>, vector<16xf32>,
      tpu.vector_store %arg11[%swap3A_197, %swap3A_198, %swap3A_199], %mul3A_195 {strides = array<i32>} : memref<2x80x128xf32, #tpu.memory_space<vmem>>, vector<16xf32>,
      %get3A_201 = arith.constant 0 : i32
      %get3A_202 = arith.index_cast %get3A_201 : i32 to index
      %get3A_203 = arith.index_cast %add3A_154 : i32 to index
      %get3A_204 = arith.constant 64 : index
      %get3A_205 = tpu.vector_load %arg11[%get3A_202, %get3A_203, %get3A_204] {strides = array<i32>} : memref<2x80x128xf32, #tpu.memory_space<vmem>>, vector<16xf32>,
      %mul3A_206 = arith.mulf %get3A_205, %gather3A : vector<16xf32>
      %swap3A_207 = arith.constant 0 : i32
      %swap3A_208 = arith.index_cast %swap3A_207 : i32 to index
      %swap3A_209 = arith.index_cast %add3A_154 : i32 to index
      %swap3A_210 = arith.constant 64 : index
      %swap3A_211 = tpu.vector_load %arg11[%swap3A_208, %swap3A_209, %swap3A_210] {strides = array<i32>} : memref<2x80x128xf32, #tpu.memory_space<vmem>>, vector<16xf32>,
      tpu.vector_store %arg11[%swap3A_208, %swap3A_209, %swap3A_210], %mul3A_206 {strides = array<i32>} : memref<2x80x128xf32, #tpu.memory_space<vmem>>, vector<16xf32>,
      %get3A_212 = arith.constant 0 : i32
      %get3A_213 = arith.index_cast %get3A_212 : i32 to index
      %get3A_214 = arith.index_cast %add3A_154 : i32 to index
      %get3A_215 = arith.constant 80 : index
      %get3A_216 = tpu.vector_load %arg11[%get3A_213, %get3A_214, %get3A_215] {strides = array<i32>} : memref<2x80x128xf32, #tpu.memory_space<vmem>>, vector<16xf32>,
      %mul3A_217 = arith.mulf %get3A_216, %gather3A : vector<16xf32>
      %swap3A_218 = arith.constant 0 : i32
      %swap3A_219 = arith.index_cast %swap3A_218 : i32 to index
      %swap3A_220 = arith.index_cast %add3A_154 : i32 to index
      %swap3A_221 = arith.constant 80 : index
      %swap3A_222 = tpu.vector_load %arg11[%swap3A_219, %swap3A_220, %swap3A_221] {strides = array<i32>} : memref<2x80x128xf32, #tpu.memory_space<vmem>>, vector<16xf32>,
      tpu.vector_store %arg11[%swap3A_219, %swap3A_220, %swap3A_221], %mul3A_217 {strides = array<i32>} : memref<2x80x128xf32, #tpu.memory_space<vmem>>, vector<16xf32>,
      %get3A_223 = arith.constant 0 : i32
      %get3A_224 = arith.index_cast %get3A_223 : i32 to index
      %get3A_225 = arith.index_cast %add3A_154 : i32 to index
      %get3A_226 = arith.constant 96 : index
      %get3A_227 = tpu.vector_load %arg11[%get3A_224, %get3A_225, %get3A_226] {strides = array<i32>} : memref<2x80x128xf32, #tpu.memory_space<vmem>>, vector<16xf32>,
      %mul3A_228 = arith.mulf %get3A_227, %gather3A : vector<16xf32>
      %swap3A_229 = arith.constant 0 : i32
      %swap3A_230 = arith.index_cast %swap3A_229 : i32 to index
      %swap3A_231 = arith.index_cast %add3A_154 : i32 to index
      %swap3A_232 = arith.constant 96 : index
      %swap3A_233 = tpu.vector_load %arg11[%swap3A_230, %swap3A_231, %swap3A_232] {strides = array<i32>} : memref<2x80x128xf32, #tpu.memory_space<vmem>>, vector<16xf32>,
      tpu.vector_store %arg11[%swap3A_230, %swap3A_231, %swap3A_232], %mul3A_228 {strides = array<i32>} : memref<2x80x128xf32, #tpu.memory_space<vmem>>, vector<16xf32>,
      %get3A_234 = arith.constant 0 : i32
      %get3A_235 = arith.index_cast %get3A_234 : i32 to index
      %get3A_236 = arith.index_cast %add3A_154 : i32 to index
      %get3A_237 = arith.constant 112 : index
      %get3A_238 = tpu.vector_load %arg11[%get3A_235, %get3A_236, %get3A_237] {strides = array<i32>} : memref<2x80x128xf32, #tpu.memory_space<vmem>>, vector<16xf32>,
      %mul3A_239 = arith.mulf %get3A_238, %gather3A : vector<16xf32>
      %swap3A_240 = arith.constant 0 : i32
      %swap3A_241 = arith.index_cast %swap3A_240 : i32 to index
      %swap3A_242 = arith.index_cast %add3A_154 : i32 to index
      %swap3A_243 = arith.constant 112 : index
      %swap3A_244 = tpu.vector_load %arg11[%swap3A_241, %swap3A_242, %swap3A_243] {strides = array<i32>} : memref<2x80x128xf32, #tpu.memory_space<vmem>>, vector<16xf32>,
      tpu.vector_store %arg11[%swap3A_241, %swap3A_242, %swap3A_243], %mul3A_239 {strides = array<i32>} : memref<2x80x128xf32, #tpu.memory_space<vmem>>, vector<16xf32>,
    }
    %scan3A_81 = arith.constant 80 : i32
    %get3A_82 = arith.constant 9920 : index
    %get3A_83 = tpu.vector_load %arg7[%get3A_82] {strides = array<i32>} : memref<10000xi32, #tpu.memory_space<vmem>>, vector<16xi32>,
    %shift_right_logical3A = arith.constant 16 : i32
    %shift_right_logical3A_84 = vector.broadcast %shift_right_logical3A : i32 to vector<16xi32>
    %shift_right_logical3A_85 = arith.shrui %get3A_83, %shift_right_logical3A_84 : vector<16xi32>
    %swap3A_86 = arith.constant 0 : i32
    %swap3A_87 = arith.index_cast %swap3A_86 : i32 to index
    %swap3A_88 = arith.constant 0 : index
    %swap3A_89 = tpu.vector_load %arg10[%swap3A_87, %swap3A_88] {strides = array<i32>} : memref<2x80xi32, #tpu.memory_space<vmem>>, vector<16xi32>,
    tpu.vector_store %arg10[%swap3A_87, %swap3A_88], %shift_right_logical3A_85 {strides = array<i32>} : memref<2x80xi32, #tpu.memory_space<vmem>>, vector<16xi32>,
    %get3A_90 = arith.constant 9936 : index
    %get3A_91 = tpu.vector_load %arg7[%get3A_90] {strides = array<i32>} : memref<10000xi32, #tpu.memory_space<vmem>>, vector<16xi32>,
    %shift_right_logical3A_92 = arith.constant 16 : i32
    %shift_right_logical3A_93 = vector.broadcast %shift_right_logical3A_92 : i32 to vector<16xi32>
    %shift_right_logical3A_94 = arith.shrui %get3A_91, %shift_right_logical3A_93 : vector<16xi32>
    %swap3A_95 = arith.constant 0 : i32
    %swap3A_96 = arith.index_cast %swap3A_95 : i32 to index
    %swap3A_97 = arith.constant 16 : index
    %swap3A_98 = tpu.vector_load %arg10[%swap3A_96, %swap3A_97] {strides = array<i32>} : memref<2x80xi32, #tpu.memory_space<vmem>>, vector<16xi32>,
    tpu.vector_store %arg10[%swap3A_96, %swap3A_97], %shift_right_logical3A_94 {strides = array<i32>} : memref<2x80xi32, #tpu.memory_space<vmem>>, vector<16xi32>,
    %get3A_99 = arith.constant 9952 : index
    %get3A_100 = tpu.vector_load %arg7[%get3A_99] {strides = array<i32>} : memref<10000xi32, #tpu.memory_space<vmem>>, vector<16xi32>,
    %shift_right_logical3A_101 = arith.constant 16 : i32
    %shift_right_logical3A_102 = vector.broadcast %shift_right_logical3A_101 : i32 to vector<16xi32>
    %shift_right_logical3A_103 = arith.shrui %get3A_100, %shift_right_logical3A_102 : vector<16xi32>
    %swap3A_104 = arith.constant 0 : i32
    %swap3A_105 = arith.index_cast %swap3A_104 : i32 to index
    %swap3A_106 = arith.constant 32 : index
    %swap3A_107 = tpu.vector_load %arg10[%swap3A_105, %swap3A_106] {strides = array<i32>} : memref<2x80xi32, #tpu.memory_space<vmem>>, vector<16xi32>,
    tpu.vector_store %arg10[%swap3A_105, %swap3A_106], %shift_right_logical3A_103 {strides = array<i32>} : memref<2x80xi32, #tpu.memory_space<vmem>>, vector<16xi32>,
    %get3A_108 = arith.constant 9968 : index
    %get3A_109 = tpu.vector_load %arg7[%get3A_108] {strides = array<i32>} : memref<10000xi32, #tpu.memory_space<vmem>>, vector<16xi32>,
    %shift_right_logical3A_110 = arith.constant 16 : i32
    %shift_right_logical3A_111 = vector.broadcast %shift_right_logical3A_110 : i32 to vector<16xi32>
    %shift_right_logical3A_112 = arith.shrui %get3A_109, %shift_right_logical3A_111 : vector<16xi32>
    %swap3A_113 = arith.constant 0 : i32
    %swap3A_114 = arith.index_cast %swap3A_113 : i32 to index
    %swap3A_115 = arith.constant 48 : index
    %swap3A_116 = tpu.vector_load %arg10[%swap3A_114, %swap3A_115] {strides = array<i32>} : memref<2x80xi32, #tpu.memory_space<vmem>>, vector<16xi32>,
    tpu.vector_store %arg10[%swap3A_114, %swap3A_115], %shift_right_logical3A_112 {strides = array<i32>} : memref<2x80xi32, #tpu.memory_space<vmem>>, vector<16xi32>,
    %get3A_117 = arith.constant 9984 : index
    %get3A_118 = tpu.vector_load %arg7[%get3A_117] {strides = array<i32>} : memref<10000xi32, #tpu.memory_space<vmem>>, vector<16xi32>,
    %shift_right_logical3A_119 = arith.constant 16 : i32
    %shift_right_logical3A_120 = vector.broadcast %shift_right_logical3A_119 : i32 to vector<16xi32>
    %shift_right_logical3A_121 = arith.shrui %get3A_118, %shift_right_logical3A_120 : vector<16xi32>
    %swap3A_122 = arith.constant 0 : i32
    %swap3A_123 = arith.index_cast %swap3A_122 : i32 to index
    %swap3A_124 = arith.constant 64 : index
    %swap3A_125 = tpu.vector_load %arg10[%swap3A_123, %swap3A_124] {strides = array<i32>} : memref<2x80xi32, #tpu.memory_space<vmem>>, vector<16xi32>,
    tpu.vector_store %arg10[%swap3A_123, %swap3A_124], %shift_right_logical3A_121 {strides = array<i32>} : memref<2x80xi32, #tpu.memory_space<vmem>>, vector<16xi32>,
    %dma_wait3A_126 = arith.constant 1 : i32
    %dma_wait3A_127 = arith.constant 1 : i32
    %dma_wait3A_128 = arith.constant 0 : i32
    %dma_wait3A_129 = arith.constant 0 : i32
    %dma_wait3A_130 = tpu.memref_slice %arg11[%dma_wait3A_126, %dma_wait3A_128, %dma_wait3A_129] : memref<2x80x128xf32, #tpu.memory_space<vmem>> -> memref<1x80x128xf32, #tpu.memory_space<vmem>>
    %dma_wait3A_131 = tpu.memref_squeeze %dma_wait3A_130 : memref<1x80x128xf32, #tpu.memory_space<vmem>> -> memref<80x128xf32, #tpu.memory_space<vmem>>
    %dma_wait3A_132 = arith.constant 0 : i32
    %dma_wait3A_133 = tpu.memref_slice %arg10[%dma_wait3A_127, %dma_wait3A_132] : memref<2x80xi32, #tpu.memory_space<vmem>> -> memref<1x80xi32, #tpu.memory_space<vmem>>
    %dma_wait3A_134 = tpu.memref_squeeze %dma_wait3A_133 : memref<1x80xi32, #tpu.memory_space<vmem>> -> memref<80xi32, #tpu.memory_space<vmem>>
    %dma_wait3A_135 = arith.constant 0 : i32
    %dma_wait3A_136 = arith.constant 0 : i32
    %dma_wait3A_137 = tpu.memref_slice %arg12[%dma_wait3A_135, %dma_wait3A_136] : memref<10000x128xf32, #tpu.memory_space<vmem_shared>> -> memref<10000x128xf32, #tpu.memory_space<vmem_shared>>
    tpu.wait_indirect_dma semaphore(%arg16 : memref<!tpu.dma_semaphore, #tpu.memory_space<semaphore_mem>>) src(%dma_wait3A_131 : memref<80x128xf32, #tpu.memory_space<vmem>>) dst(%dma_wait3A_137 : memref<10000x128xf32, #tpu.memory_space<vmem_shared>>)
    %run_scoped3A = arith.constant 0 : i32
    %run_scoped3A_138 = arith.constant 0 : i32
    "tpu.region"() ({
      %run_scoped3A_150 = tpu.sem_alloc : memref<!tpu.dma_semaphore, #tpu.memory_space<semaphore_mem>>
      %dma_start3A_151 = arith.constant 0 : i32
      %dma_start3A_152 = arith.constant 0 : i32
      %dma_start3A_153 = tpu.memref_slice %arg11[%run_scoped3A, %dma_start3A_151, %dma_start3A_152] : memref<2x80x128xf32, #tpu.memory_space<vmem>> -> memref<1x80x128xf32, #tpu.memory_space<vmem>>
      %dma_start3A_154 = tpu.memref_squeeze %dma_start3A_153 : memref<1x80x128xf32, #tpu.memory_space<vmem>> -> memref<80x128xf32, #tpu.memory_space<vmem>>
      %dma_start3A_155 = arith.constant 0 : i32
      %dma_start3A_156 = tpu.memref_slice %arg10[%run_scoped3A_138, %dma_start3A_155] : memref<2x80xi32, #tpu.memory_space<vmem>> -> memref<1x80xi32, #tpu.memory_space<vmem>>
      %dma_start3A_157 = tpu.memref_squeeze %dma_start3A_156 : memref<1x80xi32, #tpu.memory_space<vmem>> -> memref<80xi32, #tpu.memory_space<vmem>>
      %dma_start3A_158 = arith.constant 0 : i32
      %dma_start3A_159 = arith.constant 0 : i32
      %dma_start3A_160 = tpu.memref_slice %arg12[%dma_start3A_158, %dma_start3A_159] : memref<10000x128xf32, #tpu.memory_space<vmem_shared>> -> memref<10000x128xf32, #tpu.memory_space<vmem_shared>>
      tpu.enqueue_indirect_dma source(%dma_start3A_154 : memref<80x128xf32, #tpu.memory_space<vmem>>) target(%dma_start3A_160 : memref<10000x128xf32, #tpu.memory_space<vmem_shared>>) offsets(%dma_start3A_157 : memref<80xi32, #tpu.memory_space<vmem>>) semaphore(%run_scoped3A_150 : memref<!tpu.dma_semaphore, #tpu.memory_space<semaphore_mem>>) {add = true}
      %dma_wait3A_161 = arith.constant 0 : i32
      %dma_wait3A_162 = arith.constant 0 : i32
      %dma_wait3A_163 = tpu.memref_slice %arg11[%run_scoped3A, %dma_wait3A_161, %dma_wait3A_162] : memref<2x80x128xf32, #tpu.memory_space<vmem>> -> memref<1x80x128xf32, #tpu.memory_space<vmem>>
      %dma_wait3A_164 = tpu.memref_squeeze %dma_wait3A_163 : memref<1x80x128xf32, #tpu.memory_space<vmem>> -> memref<80x128xf32, #tpu.memory_space<vmem>>
      %dma_wait3A_165 = arith.constant 0 : i32
      %dma_wait3A_166 = tpu.memref_slice %arg10[%run_scoped3A_138, %dma_wait3A_165] : memref<2x80xi32, #tpu.memory_space<vmem>> -> memref<1x80xi32, #tpu.memory_space<vmem>>
      %dma_wait3A_167 = tpu.memref_squeeze %dma_wait3A_166 : memref<1x80xi32, #tpu.memory_space<vmem>> -> memref<80xi32, #tpu.memory_space<vmem>>
      %dma_wait3A_168 = arith.constant 0 : i32
      %dma_wait3A_169 = arith.constant 0 : i32
      %dma_wait3A_170 = tpu.memref_slice %arg12[%dma_wait3A_168, %dma_wait3A_169] : memref<10000x128xf32, #tpu.memory_space<vmem_shared>> -> memref<10000x128xf32, #tpu.memory_space<vmem_shared>>
      tpu.wait_indirect_dma semaphore(%run_scoped3A_150 : memref<!tpu.dma_semaphore, #tpu.memory_space<semaphore_mem>>) src(%dma_wait3A_164 : memref<80x128xf32, #tpu.memory_space<vmem>>) dst(%dma_wait3A_170 : memref<10000x128xf32, #tpu.memory_space<vmem_shared>>)
      tpu.yield
    }) : () -> ()
    %barrier3A_139 = arith.constant 0 : index
    tpu.barrier barrier_id(%barrier3A_139)
    %lt3A_140 = arith.constant 15 : i32
    %lt3A_141 = arith.cmpi slt, %arg1, %lt3A_140 : i32
    %convert_element_type3A_142 = arith.extui %lt3A_141 : i1 to i32
    %cond3A_143 = arith.constant 0 : i32
    %cond3A_144 = arith.cmpi ne, %convert_element_type3A_142, %cond3A_143 : i32
    scf.if %cond3A_144 {
      "tpu.region"() ({
        %run_scoped3A_150 = tpu.sem_alloc : memref<!tpu.dma_semaphore, #tpu.memory_space<semaphore_mem>>
        %dma_start3A_151 = arith.constant 0 : i32
        %dma_start3A_152 = tpu.memref_slice %arg6[%arg0, %mul3A_2, %dma_start3A_151] : memref<2x10000x128xf32, #tpu.memory_space<hbm>> -> memref<1x624x128xf32, #tpu.memory_space<hbm>>
        %dma_start3A_153 = tpu.memref_squeeze %dma_start3A_152 : memref<1x624x128xf32, #tpu.memory_space<hbm>> -> memref<624x128xf32, #tpu.memory_space<hbm>>
        %dma_start3A_154 = arith.constant 0 : i32
        %dma_start3A_155 = tpu.memref_slice %arg12[%mul3A_2, %dma_start3A_154] : memref<10000x128xf32, #tpu.memory_space<vmem_shared>> -> memref<624x128xf32, #tpu.memory_space<vmem_shared>>
        tpu.enqueue_dma source(%dma_start3A_155 : memref<624x128xf32, #tpu.memory_space<vmem_shared>>) target(%dma_start3A_153 : memref<624x128xf32, #tpu.memory_space<hbm>>) target_semaphore(%run_scoped3A_150 : memref<!tpu.dma_semaphore, #tpu.memory_space<semaphore_mem>>)
        %dma_wait3A_156 = arith.constant 0 : i32
        %dma_wait3A_157 = tpu.memref_slice %arg6[%arg0, %mul3A_2, %dma_wait3A_156] : memref<2x10000x128xf32, #tpu.memory_space<hbm>> -> memref<1x624x128xf32, #tpu.memory_space<hbm>>
        %dma_wait3A_158 = tpu.memref_squeeze %dma_wait3A_157 : memref<1x624x128xf32, #tpu.memory_space<hbm>> -> memref<624x128xf32, #tpu.memory_space<hbm>>
        %dma_wait3A_159 = arith.constant 0 : i32
        %dma_wait3A_160 = tpu.memref_slice %arg12[%mul3A_2, %dma_wait3A_159] : memref<10000x128xf32, #tpu.memory_space<vmem_shared>> -> memref<624x128xf32, #tpu.memory_space<vmem_shared>>
        tpu.wait_dma2 semaphore(%run_scoped3A_150 : memref<!tpu.dma_semaphore, #tpu.memory_space<semaphore_mem>>) src(%dma_wait3A_160 : memref<624x128xf32, #tpu.memory_space<vmem_shared>>) dst(%dma_wait3A_158 : memref<624x128xf32, #tpu.memory_space<hbm>>)
        tpu.yield
      }) : () -> ()
    } else {
    }
    %eq3A_145 = arith.constant 15 : i32
    %eq3A_146 = arith.cmpi eq, %arg1, %eq3A_145 : i32
    %convert_element_type3A_147 = arith.extui %eq3A_146 : i1 to i32
    %cond3A_148 = arith.constant 0 : i32
    %cond3A_149 = arith.cmpi ne, %convert_element_type3A_147, %cond3A_148 : i32
    scf.if %cond3A_149 {
      "tpu.region"() ({
        %run_scoped3A_150 = tpu.sem_alloc : memref<!tpu.dma_semaphore, #tpu.memory_space<semaphore_mem>>
        %dma_start3A_151 = arith.constant 0 : i32
        %dma_start3A_152 = tpu.memref_slice %arg6[%arg0, %mul3A_2, %dma_start3A_151] : memref<2x10000x128xf32, #tpu.memory_space<hbm>> -> memref<1x640x128xf32, #tpu.memory_space<hbm>>
        %dma_start3A_153 = tpu.memref_squeeze %dma_start3A_152 : memref<1x640x128xf32, #tpu.memory_space<hbm>> -> memref<640x128xf32, #tpu.memory_space<hbm>>
        %dma_start3A_154 = arith.constant 0 : i32
        %dma_start3A_155 = tpu.memref_slice %arg12[%mul3A_2, %dma_start3A_154] : memref<10000x128xf32, #tpu.memory_space<vmem_shared>> -> memref<640x128xf32, #tpu.memory_space<vmem_shared>>
        tpu.enqueue_dma source(%dma_start3A_155 : memref<640x128xf32, #tpu.memory_space<vmem_shared>>) target(%dma_start3A_153 : memref<640x128xf32, #tpu.memory_space<hbm>>) target_semaphore(%run_scoped3A_150 : memref<!tpu.dma_semaphore, #tpu.memory_space<semaphore_mem>>)
        %dma_wait3A_156 = arith.constant 0 : i32
        %dma_wait3A_157 = tpu.memref_slice %arg6[%arg0, %mul3A_2, %dma_wait3A_156] : memref<2x10000x128xf32, #tpu.memory_space<hbm>> -> memref<1x640x128xf32, #tpu.memory_space<hbm>>
        %dma_wait3A_158 = tpu.memref_squeeze %dma_wait3A_157 : memref<1x640x128xf32, #tpu.memory_space<hbm>> -> memref<640x128xf32, #tpu.memory_space<hbm>>
        %dma_wait3A_159 = arith.constant 0 : i32
        %dma_wait3A_160 = tpu.memref_slice %arg12[%mul3A_2, %dma_wait3A_159] : memref<10000x128xf32, #tpu.memory_space<vmem_shared>> -> memref<640x128xf32, #tpu.memory_space<vmem_shared>>
        tpu.wait_dma2 semaphore(%run_scoped3A_150 : memref<!tpu.dma_semaphore, #tpu.memory_space<semaphore_mem>>) src(%dma_wait3A_160 : memref<640x128xf32, #tpu.memory_space<vmem_shared>>) dst(%dma_wait3A_158 : memref<640x128xf32, #tpu.memory_space<hbm>>)
        tpu.yield
      }) : () -> ()
    } else {
    }
    return
  }
}

module attributes {stable_mosaic.version = 14 : i64} {
  func.func @_mm_first_block(%arg0: memref<10000x128xf32, #tpu.memory_space<vmem>>, %arg1: memref<128x128xf32, #tpu.memory_space<vmem>>, %arg2: memref<10000x128xf32, #tpu.memory_space<vmem>>) attributes {dimension_semantics = [], scalar_prefetch = 0 : i64, scratch_operands = 0 : i64, tpu.core_type = #tpu.core_type<tc>} {
    %get3A = arith.constant 0 : index
    %get3A_0 = arith.constant 0 : index
    %get3A_1 = vector.load %arg0[%get3A, %get3A_0] : memref<10000x128xf32, #tpu.memory_space<vmem>>, vector<10000x128xf32>
    %get3A_2 = arith.constant 0 : index
    %get3A_3 = arith.constant 0 : index
    %get3A_4 = vector.load %arg1[%get3A_2, %get3A_3] : memref<128x128xf32, #tpu.memory_space<vmem>>, vector<128x128xf32>
    %dot_general3A = arith.constant dense<0.000000e+00> : vector<10000x128xf32>
    %dot_general3A_5 = tpu.matmul %get3A_1, %get3A_4, %dot_general3A {dimension_numbers = #tpu.dot_dimension_numbers<[1], [0], [0], [1], [0, 0, 1, 1], [], []>, transpose_lhs_hint = false} : vector<10000x128xf32>, vector<128x128xf32>, vector<10000x128xf32> -> vector<10000x128xf32>
    %swap3A = arith.constant 0 : index
    %swap3A_6 = arith.constant 0 : index
    %swap3A_7 = vector.load %arg2[%swap3A, %swap3A_6] : memref<10000x128xf32, #tpu.memory_space<vmem>>, vector<10000x128xf32>
    tpu.vector_store %arg2[%swap3A, %swap3A_6], %dot_general3A_5 {strides = array<i32>} : memref<10000x128xf32, #tpu.memory_space<vmem>>, vector<10000x128xf32>,
    return
  }
}

module attributes {stable_mosaic.version = 14 : i64} {
  func.func @_mm_mid_block(%arg0: memref<2x10000x128xf32, #tpu.memory_space<vmem>>, %arg1: memref<10000x128xf32, #tpu.memory_space<vmem>>, %arg2: memref<10000x1xf32, #tpu.memory_space<vmem>>, %arg3: memref<10000x1xf32, #tpu.memory_space<vmem>>, %arg4: memref<1x128xf32, #tpu.memory_space<vmem>>, %arg5: memref<128x128xf32, #tpu.memory_space<vmem>>, %arg6: memref<10000x128xf32, #tpu.memory_space<vmem>>) attributes {dimension_semantics = [], scalar_prefetch = 0 : i64, scratch_operands = 0 : i64, tpu.core_type = #tpu.core_type<tc>} {
    %get3A = arith.constant 0 : index
    %get3A_0 = arith.constant 0 : index
    %get3A_1 = vector.load %arg3[%get3A, %get3A_0] : memref<10000x1xf32, #tpu.memory_space<vmem>>, vector<10000x1xf32>
    %get3A_2 = arith.constant 0 : index
    %get3A_3 = arith.constant 0 : index
    %get3A_4 = arith.constant 0 : index
    %get3A_5 = vector.load %arg0[%get3A_2, %get3A_3, %get3A_4] : memref<2x10000x128xf32, #tpu.memory_space<vmem>>, vector<1x10000x128xf32>
    %get3A_6 = vector.shape_cast %get3A_5 : vector<1x10000x128xf32> to vector<10000x128xf32>
    %get3A_7 = arith.constant 1 : index
    %get3A_8 = arith.constant 0 : index
    %get3A_9 = arith.constant 0 : index
    %get3A_10 = vector.load %arg0[%get3A_7, %get3A_8, %get3A_9] : memref<2x10000x128xf32, #tpu.memory_space<vmem>>, vector<1x10000x128xf32>
    %get3A_11 = vector.shape_cast %get3A_10 : vector<1x10000x128xf32> to vector<10000x128xf32>
    %add3A = arith.addf %get3A_6, %get3A_11 : vector<10000x128xf32>
    %get3A_12 = arith.constant 0 : index
    %get3A_13 = arith.constant 0 : index
    %get3A_14 = vector.load %arg1[%get3A_12, %get3A_13] : memref<10000x128xf32, #tpu.memory_space<vmem>>, vector<10000x128xf32>
    %add3A_15 = arith.addf %add3A, %get3A_14 : vector<10000x128xf32>
    %mul3A = vector.broadcast %get3A_1 : vector<10000x1xf32> to vector<10000x128xf32>
    %mul3A_16 = arith.mulf %mul3A, %add3A_15 : vector<10000x128xf32>
    %get3A_17 = arith.constant 0 : index
    %get3A_18 = arith.constant 0 : index
    %get3A_19 = vector.load %arg4[%get3A_17, %get3A_18] : memref<1x128xf32, #tpu.memory_space<vmem>>, vector<1x128xf32>
    %add3A_20 = vector.broadcast %get3A_19 : vector<1x128xf32> to vector<10000x128xf32>
    %add3A_21 = arith.addf %mul3A_16, %add3A_20 : vector<10000x128xf32>
    %get3A_22 = arith.constant 0 : index
    %get3A_23 = arith.constant 0 : index
    %get3A_24 = vector.load %arg2[%get3A_22, %get3A_23] : memref<10000x1xf32, #tpu.memory_space<vmem>>, vector<10000x1xf32>
    %get3A_25 = arith.constant 0 : index
    %get3A_26 = arith.constant 0 : index
    %get3A_27 = vector.load %arg5[%get3A_25, %get3A_26] : memref<128x128xf32, #tpu.memory_space<vmem>>, vector<128x128xf32>
    %dot_general3A = arith.constant dense<0.000000e+00> : vector<10000x128xf32>
    %dot_general3A_28 = tpu.matmul %add3A_21, %get3A_27, %dot_general3A {dimension_numbers = #tpu.dot_dimension_numbers<[1], [0], [0], [1], [0, 0, 1, 1], [], []>, transpose_lhs_hint = false} : vector<10000x128xf32>, vector<128x128xf32>, vector<10000x128xf32> -> vector<10000x128xf32>
    %mul3A_29 = vector.broadcast %get3A_24 : vector<10000x1xf32> to vector<10000x128xf32>
    %mul3A_30 = arith.mulf %mul3A_29, %dot_general3A_28 : vector<10000x128xf32>
    %swap3A = arith.constant 0 : index
    %swap3A_31 = arith.constant 0 : index
    %swap3A_32 = vector.load %arg6[%swap3A, %swap3A_31] : memref<10000x128xf32, #tpu.memory_space<vmem>>, vector<10000x128xf32>
    tpu.vector_store %arg6[%swap3A, %swap3A_31], %mul3A_30 {strides = array<i32>} : memref<10000x128xf32, #tpu.memory_space<vmem>>, vector<10000x128xf32>,
    return
  }
}

module attributes {stable_mosaic.version = 14 : i64} {
  func.func @_final_block(%arg0: memref<2x10000x128xf32, #tpu.memory_space<vmem>>, %arg1: memref<10000x128xf32, #tpu.memory_space<vmem>>, %arg2: memref<10000x1xf32, #tpu.memory_space<vmem>>, %arg3: memref<1x128xf32, #tpu.memory_space<vmem>>, %arg4: memref<10000x128xf32, #tpu.memory_space<vmem>>) attributes {dimension_semantics = [], scalar_prefetch = 0 : i64, scratch_operands = 0 : i64, tpu.core_type = #tpu.core_type<tc>} {
    %get3A = arith.constant 0 : index
    %get3A_0 = arith.constant 0 : index
    %get3A_1 = vector.load %arg2[%get3A, %get3A_0] : memref<10000x1xf32, #tpu.memory_space<vmem>>, vector<10000x1xf32>
    %get3A_2 = arith.constant 0 : index
    %get3A_3 = arith.constant 0 : index
    %get3A_4 = arith.constant 0 : index
    %get3A_5 = vector.load %arg0[%get3A_2, %get3A_3, %get3A_4] : memref<2x10000x128xf32, #tpu.memory_space<vmem>>, vector<1x10000x128xf32>
    %get3A_6 = vector.shape_cast %get3A_5 : vector<1x10000x128xf32> to vector<10000x128xf32>
    %get3A_7 = arith.constant 1 : index
    %get3A_8 = arith.constant 0 : index
    %get3A_9 = arith.constant 0 : index
    %get3A_10 = vector.load %arg0[%get3A_7, %get3A_8, %get3A_9] : memref<2x10000x128xf32, #tpu.memory_space<vmem>>, vector<1x10000x128xf32>
    %get3A_11 = vector.shape_cast %get3A_10 : vector<1x10000x128xf32> to vector<10000x128xf32>
    %add3A = arith.addf %get3A_6, %get3A_11 : vector<10000x128xf32>
    %get3A_12 = arith.constant 0 : index
    %get3A_13 = arith.constant 0 : index
    %get3A_14 = vector.load %arg1[%get3A_12, %get3A_13] : memref<10000x128xf32, #tpu.memory_space<vmem>>, vector<10000x128xf32>
    %add3A_15 = arith.addf %add3A, %get3A_14 : vector<10000x128xf32>
    %mul3A = vector.broadcast %get3A_1 : vector<10000x1xf32> to vector<10000x128xf32>
    %mul3A_16 = arith.mulf %mul3A, %add3A_15 : vector<10000x128xf32>
    %get3A_17 = arith.constant 0 : index
    %get3A_18 = arith.constant 0 : index
    %get3A_19 = vector.load %arg3[%get3A_17, %get3A_18] : memref<1x128xf32, #tpu.memory_space<vmem>>, vector<1x128xf32>
    %add3A_20 = vector.broadcast %get3A_19 : vector<1x128xf32> to vector<10000x128xf32>
    %add3A_21 = arith.addf %mul3A_16, %add3A_20 : vector<10000x128xf32>
    %swap3A = arith.constant 0 : index
    %swap3A_22 = arith.constant 0 : index
    %swap3A_23 = vector.load %arg4[%swap3A, %swap3A_22] : memref<10000x128xf32, #tpu.memory_space<vmem>>, vector<10000x128xf32>
    tpu.vector_store %arg4[%swap3A, %swap3A_22], %add3A_21 {strides = array<i32>} : memref<10000x128xf32, #tpu.memory_space<vmem>>, vector<10000x128xf32>,
    return
  }
}

</mosaic_0001>

<sc_bundles>
// kernel: kernel.10.cloned.1.call-start
scs
__scs_entry_jumppad:
0x0: {  	(pc) =	sbr.rel $0x88, $3  }
0x1: {  	(tag) =	ssettag $0x0;
	lr =	simm.s32 $0x1  }
0x2: {  	[smem:$0x3F9C] =	sst lr;
	_ =	strace $0xD0000000  }
0x3: {  	_ = 	snop  }
0x4: {  	_ = 	snop  }
0x5: {  	_ = 	snop  }
0x6: {  	_ = 	snop  }
0x7: {  	_ = 	snop  }
__scs_overlays_trampoline_lowered:
0x8: {  	[smem:$0x3FAB] =	sst s0  }
0x9: {  	[smem:$0x3FAC] =	sst s1  }
0xa: {  	[smem:$0x3FAD] =	sst s2  }
0xb: {  	[smem:$0x3FAE] =	sst s3  }
0xc: {  	[smem:$0x3FAF] =	sst s4  }
0xd: {  	[smem:$0x3FB0] =	sst s5  }
0xe: {  	[smem:$0x3FB1] =	sst s6  }
0xf: {  	[smem:$0x3FB2] =	sst s7  }
0x10: {  	[smem:$0x3FB3] =	sst s8  }
0x11: {  	[smem:$0x3FB4] =	sst s9;
	s0 =	simm.s32 @!p0 $0x0  }
0x12: {  	s1 =	sld [smem:$0x3F9A];
	s0 =	simm.s32 @p0 $0x1  }
0x13: {  	[smem:$0x3FB5] =	sst s0;
	s0 =	simm.s32 @!p1 $0x0  }
0x14: {  	s2 =	sld [smem:$0x3F99];
	s0 =	simm.s32 @p1 $0x1  }
0x15: {  	[smem:$0x3FB6] =	sst s0;
	s0 =	simm.s32 @!p2 $0x0  }
0x16: {  	s3 =	sld [smem:$0x3FDB];
	s0 =	simm.s32 @p2 $0x1  }
0x17: {  	s4 =	simm.s32 $0x1BF5;
	[smem:$0x3FB8] =	sst s0  }
0x18: {  	s0 =	sld [smem:$0x3F9B];
	_ =	swait.ge [sflag:s4], $0x0  }
0x19: {  	s7 =	sld [smem:$0x3F9C]  }
0x1a: {  	s8 =	sadd.s32 $0xFFFFE003, lr  }
0x1b: {  	s9 =	sadd.s32 $0xFFFFFEF7, lr;
	s5 =	simm.s32 $0xFFFFFFFF;
	p2 =	slt.u32 s8, $0xFFFFF086  }
0x1c: {  	p1 =	slt.u32 s9, $0xF7A;
	s5 =	simm.s32 @!p2 $0x0  }
0x1d: {  	s5 =	simm.s32 @p1 $0x1;
	p0 =	seq.s32 s7, s2  }
0x1e: {  	s7 =	smul.u32 @!p0 $0xF7A, s2;
	p2 =	seq.s32 @!p0 s5, $0x0  }
0x1f: {  	s9 =	smul.u32 $0xF7A, s1;
	s8 =	simm.s32 @!p0 $0x1BF5;
	p2 =	por !p2, p0  }
0x20: {  	[sflag:s8] =	ssyncset.s32 @!p0 $0xFFFFF086;
	s6 =	sadd.s32 @!p0 s3, s7;
	s7 =	simm.s32 @!p0 $0x108  }
0x21: {  	s3 =	sadd.s32 s3, s9;
	s6 =	sadd.s32 @!p0 $0x88, s6;
	s7 =	simm.s32 @p2 $0x1082  }
0x22: {  	[simem:s7], [sflag:s8] =	dma.local @!p0 [hbm:s6], $0xF7A  }
0x23: {  	s9 =	sor.u32 $0xD0000000, s2;
	s6 =	simm.s32 $0x108;
	_ =	swait.ge @!p0 [sflag:s8], $0x0  }
0x24: {  	s3 =	sadd.s32 $0x88, s3;
	s6 =	simm.s32 @!p1 $0x1082;
	[sflag:s4] =	ssyncset.s32 $0xFFFFF086  }
0x25: {  	[simem:s6], [sflag:s4] =	dma.local [hbm:s3], $0xF7A  }
0x26: {  	[smem:$0x3F9C] =	sst s1;
	(tag) =	ssettag s2;
	_ =	strace s9  }
0x27: {  	s1 =	sld [smem:$0x3FAC]  }
0x28: {  	s2 =	sld [smem:$0x3FAD]  }
0x29: {  	s4 =	sld [smem:$0x3FAF]  }
0x2a: {  	p0 =	seq.s32 s5, $0x0;
	s5 =	sld [smem:$0x3FB0]  }
0x2b: {  	s6 =	sld [smem:$0x3FB1]  }
0x2c: {  	s7 =	sld [smem:$0x3FB2]  }
0x2d: {  	s3 =	simm.s32 $0x108;
	s8 =	sld [smem:$0x3FB3]  }
0x2e: {  	s3 =	simm.s32 @!p0 $0x1082;
	s9 =	sld [smem:$0x3FB4]  }
0x2f: {  	lr =	sadd.s32 s0, s3;
	s0 =	sld [smem:$0x3FAB]  }
0x30: {  	s3 =	sld [smem:$0x3FAE]  }
0x31: {  	[smem:$0x3FB7] =	sst s10  }
0x32: {  	s10 =	sld [smem:$0x3FB5];
	_ =	sdelay $0x3  }
0x33: {  	p0 =	seq.s32 s10, $0x1;
	s10 =	sld [smem:$0x3FB7];
	_ =	sdelay $0x3  }
0x34: {  	[smem:$0x3FB7] =	sst s10  }
0x35: {  	s10 =	sld [smem:$0x3FB6];
	_ =	sdelay $0x3  }
0x36: {  	p1 =	seq.s32 s10, $0x1;
	s10 =	sld [smem:$0x3FB7];
	_ =	sdelay $0x3  }
0x37: {  	[smem:$0x3FB7] =	sst s10  }
0x38: {  	s10 =	sld [smem:$0x3FB8]  }
0x39: {  	_ = 	snop;
	(pc) =	sbr.ind lr, $3  }
0x3a: {  	_ = 	snop  }
0x3b: {  	_ = 	snop  }
0x3c: {  	p2 =	seq.s32 s10, $0x1;
	s10 =	sld [smem:$0x3FB7]  }
0x3d: {  	_ =	shalt  }
0x3e: {  	_ =	shalt  }
0x3f: {  	_ =	shalt  }
0x40: {  	_ =	shalt  }
0x41: {  	_ =	shalt  }
0x42: {  	_ =	shalt  }
0x43: {  	_ =	shalt  }
0x44: {  	_ =	shalt  }
0x45: {  	_ =	shalt  }
0x46: {  	_ =	shalt  }
0x47: {  	_ =	shalt  }
0x48: {  	_ =	shalt  }
0x49: {  	_ =	shalt  }
0x4a: {  	_ =	shalt  }
0x4b: {  	_ =	shalt  }
0x4c: {  	_ =	shalt  }
0x4d: {  	_ =	shalt  }
0x4e: {  	_ =	shalt  }
0x4f: {  	_ =	shalt  }
0x50: {  	_ =	shalt  }
0x51: {  	_ =	shalt  }
0x52: {  	_ =	shalt  }
0x53: {  	_ =	shalt  }
0x54: {  	_ =	shalt  }
0x55: {  	_ =	shalt  }
0x56: {  	_ =	shalt  }
0x57: {  	_ =	shalt  }
0x58: {  	_ =	shalt  }
0x59: {  	_ =	shalt  }
0x5a: {  	_ =	shalt  }
0x5b: {  	_ =	shalt  }
0x5c: {  	_ =	shalt  }
0x5d: {  	_ =	shalt  }
0x5e: {  	_ =	shalt  }
0x5f: {  	_ =	shalt  }
0x60: {  	_ =	shalt  }
0x61: {  	_ =	shalt  }
0x62: {  	_ =	shalt  }
0x63: {  	_ =	shalt  }
0x64: {  	_ =	shalt  }
0x65: {  	_ =	shalt  }
0x66: {  	_ =	shalt  }
0x67: {  	_ =	shalt  }
0x68: {  	_ =	shalt  }
0x69: {  	_ =	shalt  }
0x6a: {  	_ =	shalt  }
0x6b: {  	_ =	shalt  }
0x6c: {  	_ =	shalt  }
0x6d: {  	_ =	shalt  }
0x6e: {  	_ =	shalt  }
0x6f: {  	_ =	shalt  }
0x70: {  	_ =	shalt  }
0x71: {  	_ =	shalt  }
0x72: {  	_ =	shalt  }
0x73: {  	_ =	shalt  }
0x74: {  	_ =	shalt  }
0x75: {  	_ =	shalt  }
0x76: {  	_ =	shalt  }
0x77: {  	_ =	shalt  }
0x78: {  	_ =	shalt  }
0x79: {  	_ =	shalt  }
0x7a: {  	_ =	shalt  }
0x7b: {  	_ =	shalt  }
0x7c: {  	_ =	shalt  }
0x7d: {  	_ =	shalt  }
0x7e: {  	_ =	shalt  }
0x7f: {  	_ =	shalt  }
0x80: {  	_ =	shalt  }
0x81: {  	_ =	shalt  }
0x82: {  	_ =	shalt  }
0x83: {  	_ =	shalt  }
0x84: {  	_ =	shalt  }
0x85: {  	_ =	shalt  }
0x86: {  	_ =	shalt  }
0x87: {  	_ =	shalt  }
.Lfunc_end0:
.L_simem_size_0:
called_computation_lowered:
.L_overlay_start_0:
0x88: {  	s2 =	sld [smem:$0x3FD9]  }
0x89: {  	s3 =	sld [smem:$0x3FFE];
	_ =	sdelay $0x1  }
0x8a: {  	s1 =	srdreg.scid  }
0x8b: {  	s0 =	sand.u32 $0x1, s1  }
0x8c: {  	s17 =	sshll.u32 s0, $0xA;
	s2 =	sadd.s32 s3, s2  }
0x8d: {  	s2 =	sadd.s32 s2, s17  }
0x8e: {  	[smem:$0x3FC3] =	sst s2  }
0x8f: {  	_ = 	snop  }
0x90: {  	s2 =	sld [smem:$0x3FD0];
	(tm) =	ssettm $0x1  }
0x91: {  	s18 =	sld [smem:$0x3FFB];
	_ =	sdelay $0x3  }
0x92: {  	_ =	strace s18  }
0x93: {  	s3 =	sld [smem:$0x3FFC];
	_ =	sdelay $0x3  }
0x94: {  	_ =	strace s3  }
0x95: {  	s3 =	sld [smem:$0x3FFD];
	_ =	sdelay $0x3  }
0x96: {  	_ =	strace s3  }
0x97: {  	_ =	strace $0x8FFFFFFF  }
0x98: {  	s19 =	sld [smem:$0x3FDB];
	_ =	sdelay $0x1  }
0x99: {  	s4 =	simm.s32 $_scs_section_size  }
0x9a: {  	s5 =	simm.s32 $_size__tile_overlayer_lowered;
	s6 =	simm.s32 $_tile_overlayer_lowered  }
0x9b: {  	s22 =	simm.s32 $0x1BFF;
	s21 =	sshll.u32 s6, $0x1;
	s3 =	sadd.s32 s4, s19  }
0x9c: {  	s7 =	simm.s32 $0x0;
	s20 =	sshll.u32 s5, $0x1;
	s5 =	sadd.s32 s21, s3  }
0x9d: {  	[timem:s7], [sflag:s22] =	dma.local [hbm:s5], s20  }
0x9e: {  	_ =	swait.ge [sflag:s22], s20  }
0x9f: {  	s4 =	ssub.s32 $0x0, s20;
	[sflag:s22] =	ssyncset.done $0x0  }
0xa0: {  	[sflag:s22] =	ssyncadd.s32 s4;
	_ =	sdelay $0x1  }
0xa1: {  	s23 =	simm.s32 $0x1B8B  }
0xa2: {  	_ =	swait.ge [sflag:s23], $0x1  }
0xa3: {  	[sflag:s23] =	ssyncset.done $0x0  }
0xa4: {  	s25 =	simm.s32 $0x1B8E;
	s24 =	sld [smem:$0x3FFE];
	[sflag:s23] =	ssyncadd.s32 $0xFFFFFFFF  }
0xa5: {  	s26 =	simm.s32 $execute0_lowered;
	[smem:$0x3FD2] =	sst s25  }
0xa6: {  	s5 =	sshll.u32 s26, $0x1;
	_ =	strace $0x80000046;
	[dreg:$0x1] =	wrdreg $0xFFFFFFFF  }
0xa7: {  	s28 =	simm.s32 $_size_execute0_lowered;
	s3 =	sadd.s32 s3, s5;
	[dreg:$0x0] =	wrdreg $0x0  }
0xa8: {  	s5 =	sshll.u32 s28, $0x1;
	[dreg:$0x2] =	wrdreg s3  }
0xa9: {  	[dreg:$0x3] =	wrdreg s5  }
0xaa: {  	[dreg:$0x4] =	wrdreg $0xC0  }
0xab: {  	_ =	task [dreg:s7], $0x5FFFF  }
0xac: {  	[dreg:$0x1] =	wrdreg $0xFFFFFFFF  }
0xad: {  	[dreg:$0x0] =	wrdreg $0x60  }
0xae: {  	[dreg:$0x2] =	wrdreg s24  }
0xaf: {  	[dreg:$0x3] =	wrdreg s2  }
0xb0: {  	[dreg:$0x4] =	wrdreg $0x9  }
0xb1: {  	_ =	task.clear_ibuf [dreg:s7], $0x5FFFF;
	_ =	strace $0x90000046  }
0xb2: {  	s29 =	simm.s32 $0x9;
	_ =	strace $0x80000048  }
0xb3: {  	_ =	swait.ge [sflag:s29], $0x1  }
0xb4: {  	[sflag:s29] =	ssyncadd.s32 $0xFFFFFFFF  }
0xb5: {  	_ =	strace $0x90000048  }
0xb6: {  	_ =	sfence  }
0xb7: {  	s30 =	sld [smem:$0x0];
	_ =	sdelay $0x2  }
0xb8: {  	s31 =	sshll.u32 s1, $0xD;
	s1 =	sshrl.u32 s1, $0x2  }
0xb9: {  	s3 =	sand.u32 $0x4000, s31;
	s1 =	sadd.s32 s1, s30  }
0xba: {  	s0 =	sor.u32 s3, s0;
	s1 =	sshll.u32 s1, $0x11  }
0xbb: {  	s0 =	sor.u32 s1, s0  }
0xbc: {  	s0 =	sadd.s32 $0x8F2B, s0  }
0xbd: {  	[sflag:s0] =	ssyncadd.remote.s32 $0x1  }
0xbe: {  	_ =	sfence.sel $0xFFFF  }
0xbf: {  	[dreg:$0x0] =	wrdreg $0xFFFFFFFF;
	(pc) =	sbr.abs _section_cstart, $3  }
0xc0: {  	[dreg:$0x1] =	wrdreg $0xFFFFFFFF  }
0xc1: {  	_ =	task.clear_ibuf [dreg:s7], $0x2FFFF;
	_ =	strace $0x9FFFFFFF  }
0xc2: {  	(tm) =	ssettm $0x7FFFFFFF  }
0xc3: {  	_ =	shalt  }
tec
execute0_lowered:
.L_overlay_start_1:
0x0: {  	(tag) =	ssettag $0x1  }
0x1: {  	s3 =	rddreg [dreg:$0x0];
	s1 =	srdreg.scid  }
0x2: {  	s0 =	stileid.u32;
	s4 =	rddreg [dreg:$0x1];
	s9 =	simm.s32 $0x400  }
0x3: {  	s10 =	simm.s32 $0x1;
	s11 =	simm.s32 $0x2780;
	s12 =	simm.s32 $0x4F00  }
0x4: {  	s13 =	simm.s32 $0x7680;
	s5 =	sand.u32 $0x1, s1;
	s2 =	sshll.u32 s0, $0x1  }
0x5: {  	s14 =	simm.s32 $0x100;
	s7 =	sshrl.u32 s0, $0x2;
	s6 =	sor.u32 s5, s2  }
0x6: {  	s15 =	simm.s32 $0x0;
	s7 =	smul.u32 $0x13C00, s7;
	s8 =	sshll.u32 s6, $0x7  }
0x7: {  	s1 =	rddreg [dreg:$0x2];
	s2 =	simm.s32 $0x0;
	s8 =	sand.u32 $0x380, s8  }
0x8: {  	s5 =	ssub.s32 $0x2, s5;
	[smem:$0x7FF] =	sst s2;
	s7 =	sor.u32 s7, s8  }
0x9: {  	s6 =	smul.u32 $0x9E0, s6;
	s31 =	sshrl.u32 s5, $0x1;
	s7 =	sshrl.u32 s7, $0x3  }
0xa: {  	_ =	strace $0x80000047;
	s8 =	ssub.s32 s5, s31;
	s7 =	sadd.s32 s7, s3  }
0xb: {  	s3 =	sadd.s32 s4, s6;
	s4 =	sadd.s32 $0xC000, s7;
	s5 =	sadd.s32 $0x2200, s7  }
0xc: {  	v0 =	vimm.f32 $0.0e+00;
	s6 =	sadd.s32 $0x10, s3;
	s7 =	smax.u32 s8, $0x1;
	s8 =	simm.s32 $0x80  }
.LBB2_1:
0xd: {  	[tilespmem:s2], [sflag:$0x1] =	stream.strided.gather [hbm4b:s4+s8], $0x2780, s9, s8, $0x38;
	[tilespmem:$0x9E00] =	vst v63  }
0xe: {  	_ =	swait.ge [sflag:s10], $0x2780  }
0xf: {  	[sflag:s10] =	ssyncset.done $0x0  }
0x10: {  	[sflag:s10] =	ssyncadd.s32 $0xFFFFD880  }
0x11: {  	[tilespmem:s11], [sflag:$0x1] =	stream.strided.gather [hbm4b:s5+s8], $0x2780, s9, s8, $0x38;
	[tilespmem:$0x9E00] =	vst v63  }
0x12: {  	_ =	swait.ge [sflag:s10], $0x2780  }
0x13: {  	[sflag:s10] =	ssyncset.done $0x0  }
0x14: {  	s16 =	simm.s32 $0x0;
	[sflag:s10] =	ssyncadd.s32 $0xFFFFD880  }
.LBB2_2:
0x15: {  	p0 =	sne.s32 s16, $0x9C00  }
.Ltmp0:
0x16: {  	_ = 	snop;
	(pc) =	sbr.rel @p0 .LBB2_2-.Ltmp0, $4  }
0x17: {  	_ = 	snop  }
0x18: {  	s17 =	sshra.s32 s16, $0x2  }
0x19: {  	[tilespmem:s17+$0x4F00] =	vst v0  }
0x1a: {  	s16 =	sadd.s32 $0x40, s16;
	[tilespmem:s17+$0x7680] =	vst v0  }
0x1b: {  	s17 =	simm.s32 $0x0  }
0x1c: {  	s16 =	simm.s32 $0x40;
	v1 =	vld [tilespmem:s17+$0x0]  }
.LBB2_4:
0x1d: {  	p0 =	sne.s32 s16, $0x9C00;
	_ =	sdelay $0x3  }
0x1e: {  	v2 =	vld [tilespmem:s17+$0x2780];
	v3 =	vand.u32 $0xFFFF, v1  }
0x1f: {  	v1 =	vshrl.u32 v1, $0x10;
	_ =	sdelay $0x1  }
.Ltmp1:
0x20: {  	(pc) =	sbr.rel @p0 .LBB2_4-.Ltmp1, $4  }
0x21: {  	_ = 	snop  }
0x22: {  	[tilespmem:v3+s12+$0x0] =	vst.idx.add.f32.msk $0xffff, v2  }
0x23: {  	s17 =	sshra.s32 s16, $0x2;
	[tilespmem:v1+s13+$0x0] =	vst.idx.add.f32.msk $0xffff, v2  }
0x24: {  	s16 =	sadd.s32 $0x40, s16;
	v1 =	vld [tilespmem:s17+$0x0]  }
0x25: {  	_ =	sdelay $0x3  }
0x26: {  	v2 =	vld [tilespmem:s17+$0x2780];
	v3 =	vand.u32 $0xFFFF, v1  }
0x27: {  	v1 =	vshrl.u32 v1, $0x10;
	_ =	sdelay $0x3  }
0x28: {  	[tilespmem:v3+s12+$0x0] =	vst.idx.add.f32.msk $0xffff, v2  }
0x29: {  	[tilespmem:v1+s13+$0x0] =	vst.idx.add.f32.msk $0xffff, v2  }
0x2a: {  	[hbm4b:s3+s8] =	stream.strided.scatter [tilespmem:s12], [sflag:$0x1], $0x2780, s14, s8, $0x38;
	[tilespmem:$0x9E00] =	vst v63  }
0x2b: {  	s15 =	sadd.s32 $0x1, s15;
	_ =	swait.ge [sflag:s10], $0x2780  }
0x2c: {  	p0 =	sne.s32 s15, s7;
	[sflag:s10] =	ssyncset.done $0x0  }
.Ltmp2:
0x2d: {  	[sflag:s10] =	ssyncadd.s32 $0xFFFFD880;
	(pc) =	sbr.rel @p0 .LBB2_1-.Ltmp2, $4  }
0x2e: {  	[hbm4b:s6+s8] =	stream.strided.scatter [tilespmem:s13], [sflag:$0x1], $0x2780, s14, s8, $0x38;
	[tilespmem:$0x9E00] =	vst v63  }
0x2f: {  	_ =	swait.ge [sflag:s10], $0x2780  }
0x30: {  	[sflag:s10] =	ssyncset.done $0x0  }
0x31: {  	[sflag:s10] =	ssyncadd.s32 $0xFFFFD880  }
0x32: {  	_ =	sfence.sel $0x180000  }
0x33: {  	[bflag:$0x0] =	sbarrier.arrive $0xFFFF  }
0x34: {  	p0 =	sne.s32 s0, $0x0;
	_ =	strace $0x90000047  }
0x35: {  	s0 =	sadd.s32 @!p0 $0x100000, s1;
	[bflag:$0x2] =	sbarrier.arrive $0xFFFF  }
0x36: {  	[sflag:s0] =	ssyncadd.tile.s32 @!p0 $0x1;
	_ =	shalt  }
.Lfunc_end2:
_tile_overlayer_lowered:
.L_overlay_start_2:
0x37: {  	(tag) =	ssettag $0x2  }
0x38: {  	s0 =	rddreg [dreg:$0x0];
	s2 =	stileid.u32  }
0x39: {  	s1 =	rddreg [dreg:$0x1];
	p0 =	sne.s32 s2, $0x0  }
0x3a: {  	s3 =	rddreg [dreg:$0x2];
	[bflag:$0x3] =	sbarrier.arrive $0xFFFF;
	s2 =	simm.s32 @!p0 $0x1C01  }
0x3b: {  	[timem:s3], [sflag:s2] =	dma.local @!p0 [hbm:s0], s1  }
0x3c: {  	s0 =	simm.s32 @!p0 $0x1  }
0x3d: {  	_ =	swait.ge @!p0 [sflag:s0], s1  }
0x3e: {  	s1 =	ssub.s32 @!p0 $0x0, s1;
	[sflag:s0] =	ssyncset.done @!p0 $0x0  }
0x3f: {  	[sflag:s0] =	ssyncadd.s32 @!p0 s1  }
0x40: {  	[bflag:$0x3] =	sbarrier.arrive $0xFFFF  }
0x41: {  	_ =	shalt  }

// kernel: kernel.13.cloned.1.call-start
scs
__scs_entry_jumppad:
0x0: {  	(pc) =	sbr.rel $0x88, $3  }
0x1: {  	(tag) =	ssettag $0x0;
	lr =	simm.s32 $0x1  }
0x2: {  	[smem:$0x3F9C] =	sst lr;
	_ =	strace $0xD0000000  }
0x3: {  	_ = 	snop  }
0x4: {  	_ = 	snop  }
0x5: {  	_ = 	snop  }
0x6: {  	_ = 	snop  }
0x7: {  	_ = 	snop  }
__scs_overlays_trampoline_lowered:
0x8: {  	[smem:$0x3FAB] =	sst s0  }
0x9: {  	[smem:$0x3FAC] =	sst s1  }
0xa: {  	[smem:$0x3FAD] =	sst s2  }
0xb: {  	[smem:$0x3FAE] =	sst s3  }
0xc: {  	[smem:$0x3FAF] =	sst s4  }
0xd: {  	[smem:$0x3FB0] =	sst s5  }
0xe: {  	[smem:$0x3FB1] =	sst s6  }
0xf: {  	[smem:$0x3FB2] =	sst s7  }
0x10: {  	[smem:$0x3FB3] =	sst s8  }
0x11: {  	[smem:$0x3FB4] =	sst s9;
	s0 =	simm.s32 @!p0 $0x0  }
0x12: {  	s1 =	sld [smem:$0x3F9A];
	s0 =	simm.s32 @p0 $0x1  }
0x13: {  	[smem:$0x3FB5] =	sst s0;
	s0 =	simm.s32 @!p1 $0x0  }
0x14: {  	s2 =	sld [smem:$0x3F99];
	s0 =	simm.s32 @p1 $0x1  }
0x15: {  	[smem:$0x3FB6] =	sst s0;
	s0 =	simm.s32 @!p2 $0x0  }
0x16: {  	s3 =	sld [smem:$0x3FDB];
	s0 =	simm.s32 @p2 $0x1  }
0x17: {  	s4 =	simm.s32 $0x1BF5;
	[smem:$0x3FB8] =	sst s0  }
0x18: {  	s0 =	sld [smem:$0x3F9B];
	_ =	swait.ge [sflag:s4], $0x0  }
0x19: {  	s7 =	sld [smem:$0x3F9C]  }
0x1a: {  	s8 =	sadd.s32 $0xFFFFE003, lr  }
0x1b: {  	s9 =	sadd.s32 $0xFFFFFEF7, lr;
	s5 =	simm.s32 $0xFFFFFFFF;
	p2 =	slt.u32 s8, $0xFFFFF086  }
0x1c: {  	p1 =	slt.u32 s9, $0xF7A;
	s5 =	simm.s32 @!p2 $0x0  }
0x1d: {  	s5 =	simm.s32 @p1 $0x1;
	p0 =	seq.s32 s7, s2  }
0x1e: {  	s7 =	smul.u32 @!p0 $0xF7A, s2;
	p2 =	seq.s32 @!p0 s5, $0x0  }
0x1f: {  	s9 =	smul.u32 $0xF7A, s1;
	s8 =	simm.s32 @!p0 $0x1BF5;
	p2 =	por !p2, p0  }
0x20: {  	[sflag:s8] =	ssyncset.s32 @!p0 $0xFFFFF086;
	s6 =	sadd.s32 @!p0 s3, s7;
	s7 =	simm.s32 @!p0 $0x108  }
0x21: {  	s3 =	sadd.s32 s3, s9;
	s6 =	sadd.s32 @!p0 $0x88, s6;
	s7 =	simm.s32 @p2 $0x1082  }
0x22: {  	[simem:s7], [sflag:s8] =	dma.local @!p0 [hbm:s6], $0xF7A  }
0x23: {  	s9 =	sor.u32 $0xD0000000, s2;
	s6 =	simm.s32 $0x108;
	_ =	swait.ge @!p0 [sflag:s8], $0x0  }
0x24: {  	s3 =	sadd.s32 $0x88, s3;
	s6 =	simm.s32 @!p1 $0x1082;
	[sflag:s4] =	ssyncset.s32 $0xFFFFF086  }
0x25: {  	[simem:s6], [sflag:s4] =	dma.local [hbm:s3], $0xF7A  }
0x26: {  	[smem:$0x3F9C] =	sst s1;
	(tag) =	ssettag s2;
	_ =	strace s9  }
0x27: {  	s1 =	sld [smem:$0x3FAC]  }
0x28: {  	s2 =	sld [smem:$0x3FAD]  }
0x29: {  	s4 =	sld [smem:$0x3FAF]  }
0x2a: {  	p0 =	seq.s32 s5, $0x0;
	s5 =	sld [smem:$0x3FB0]  }
0x2b: {  	s6 =	sld [smem:$0x3FB1]  }
0x2c: {  	s7 =	sld [smem:$0x3FB2]  }
0x2d: {  	s3 =	simm.s32 $0x108;
	s8 =	sld [smem:$0x3FB3]  }
0x2e: {  	s3 =	simm.s32 @!p0 $0x1082;
	s9 =	sld [smem:$0x3FB4]  }
0x2f: {  	lr =	sadd.s32 s0, s3;
	s0 =	sld [smem:$0x3FAB]  }
0x30: {  	s3 =	sld [smem:$0x3FAE]  }
0x31: {  	[smem:$0x3FB7] =	sst s10  }
0x32: {  	s10 =	sld [smem:$0x3FB5];
	_ =	sdelay $0x3  }
0x33: {  	p0 =	seq.s32 s10, $0x1;
	s10 =	sld [smem:$0x3FB7];
	_ =	sdelay $0x3  }
0x34: {  	[smem:$0x3FB7] =	sst s10  }
0x35: {  	s10 =	sld [smem:$0x3FB6];
	_ =	sdelay $0x3  }
0x36: {  	p1 =	seq.s32 s10, $0x1;
	s10 =	sld [smem:$0x3FB7];
	_ =	sdelay $0x3  }
0x37: {  	[smem:$0x3FB7] =	sst s10  }
0x38: {  	s10 =	sld [smem:$0x3FB8]  }
0x39: {  	_ = 	snop;
	(pc) =	sbr.ind lr, $3  }
0x3a: {  	_ = 	snop  }
0x3b: {  	_ = 	snop  }
0x3c: {  	p2 =	seq.s32 s10, $0x1;
	s10 =	sld [smem:$0x3FB7]  }
0x3d: {  	_ =	shalt  }
0x3e: {  	_ =	shalt  }
0x3f: {  	_ =	shalt  }
0x40: {  	_ =	shalt  }
0x41: {  	_ =	shalt  }
0x42: {  	_ =	shalt  }
0x43: {  	_ =	shalt  }
0x44: {  	_ =	shalt  }
0x45: {  	_ =	shalt  }
0x46: {  	_ =	shalt  }
0x47: {  	_ =	shalt  }
0x48: {  	_ =	shalt  }
0x49: {  	_ =	shalt  }
0x4a: {  	_ =	shalt  }
0x4b: {  	_ =	shalt  }
0x4c: {  	_ =	shalt  }
0x4d: {  	_ =	shalt  }
0x4e: {  	_ =	shalt  }
0x4f: {  	_ =	shalt  }
0x50: {  	_ =	shalt  }
0x51: {  	_ =	shalt  }
0x52: {  	_ =	shalt  }
0x53: {  	_ =	shalt  }
0x54: {  	_ =	shalt  }
0x55: {  	_ =	shalt  }
0x56: {  	_ =	shalt  }
0x57: {  	_ =	shalt  }
0x58: {  	_ =	shalt  }
0x59: {  	_ =	shalt  }
0x5a: {  	_ =	shalt  }
0x5b: {  	_ =	shalt  }
0x5c: {  	_ =	shalt  }
0x5d: {  	_ =	shalt  }
0x5e: {  	_ =	shalt  }
0x5f: {  	_ =	shalt  }
0x60: {  	_ =	shalt  }
0x61: {  	_ =	shalt  }
0x62: {  	_ =	shalt  }
0x63: {  	_ =	shalt  }
0x64: {  	_ =	shalt  }
0x65: {  	_ =	shalt  }
0x66: {  	_ =	shalt  }
0x67: {  	_ =	shalt  }
0x68: {  	_ =	shalt  }
0x69: {  	_ =	shalt  }
0x6a: {  	_ =	shalt  }
0x6b: {  	_ =	shalt  }
0x6c: {  	_ =	shalt  }
0x6d: {  	_ =	shalt  }
0x6e: {  	_ =	shalt  }
0x6f: {  	_ =	shalt  }
0x70: {  	_ =	shalt  }
0x71: {  	_ =	shalt  }
0x72: {  	_ =	shalt  }
0x73: {  	_ =	shalt  }
0x74: {  	_ =	shalt  }
0x75: {  	_ =	shalt  }
0x76: {  	_ =	shalt  }
0x77: {  	_ =	shalt  }
0x78: {  	_ =	shalt  }
0x79: {  	_ =	shalt  }
0x7a: {  	_ =	shalt  }
0x7b: {  	_ =	shalt  }
0x7c: {  	_ =	shalt  }
0x7d: {  	_ =	shalt  }
0x7e: {  	_ =	shalt  }
0x7f: {  	_ =	shalt  }
0x80: {  	_ =	shalt  }
0x81: {  	_ =	shalt  }
0x82: {  	_ =	shalt  }
0x83: {  	_ =	shalt  }
0x84: {  	_ =	shalt  }
0x85: {  	_ =	shalt  }
0x86: {  	_ =	shalt  }
0x87: {  	_ =	shalt  }
.Lfunc_end0:
.L_simem_size_0:
called_computation.1_lowered:
.L_overlay_start_0:
0x88: {  	s2 =	sld [smem:$0x3FD9]  }
0x89: {  	s3 =	sld [smem:$0x3FFE];
	_ =	sdelay $0x1  }
0x8a: {  	s1 =	srdreg.scid  }
0x8b: {  	s0 =	sand.u32 $0x1, s1  }
0x8c: {  	s17 =	sshll.u32 s0, $0xA;
	s2 =	sadd.s32 s3, s2  }
0x8d: {  	s2 =	sadd.s32 s2, s17  }
0x8e: {  	[smem:$0x3FC3] =	sst s2  }
0x8f: {  	_ = 	snop  }
0x90: {  	s2 =	sld [smem:$0x3FD0];
	(tm) =	ssettm $0x1  }
0x91: {  	s18 =	sld [smem:$0x3FFB];
	_ =	sdelay $0x3  }
0x92: {  	_ =	strace s18  }
0x93: {  	s3 =	sld [smem:$0x3FFC];
	_ =	sdelay $0x3  }
0x94: {  	_ =	strace s3  }
0x95: {  	s3 =	sld [smem:$0x3FFD];
	_ =	sdelay $0x3  }
0x96: {  	_ =	strace s3  }
0x97: {  	_ =	strace $0x8FFFFFFF  }
0x98: {  	s19 =	sld [smem:$0x3FDB];
	_ =	sdelay $0x1  }
0x99: {  	s4 =	simm.s32 $_scs_section_size  }
0x9a: {  	s5 =	simm.s32 $_size__tile_overlayer_lowered;
	s6 =	simm.s32 $_tile_overlayer_lowered  }
0x9b: {  	s22 =	simm.s32 $0x1BFF;
	s21 =	sshll.u32 s6, $0x1;
	s3 =	sadd.s32 s4, s19  }
0x9c: {  	s7 =	simm.s32 $0x0;
	s20 =	sshll.u32 s5, $0x1;
	s5 =	sadd.s32 s21, s3  }
0x9d: {  	[timem:s7], [sflag:s22] =	dma.local [hbm:s5], s20  }
0x9e: {  	_ =	swait.ge [sflag:s22], s20  }
0x9f: {  	s4 =	ssub.s32 $0x0, s20;
	[sflag:s22] =	ssyncset.done $0x0  }
0xa0: {  	[sflag:s22] =	ssyncadd.s32 s4;
	_ =	sdelay $0x1  }
0xa1: {  	s23 =	simm.s32 $0x1B8B  }
0xa2: {  	_ =	swait.ge [sflag:s23], $0x1  }
0xa3: {  	[sflag:s23] =	ssyncset.done $0x0  }
0xa4: {  	s25 =	simm.s32 $0x1B8E;
	s24 =	sld [smem:$0x3FFE];
	[sflag:s23] =	ssyncadd.s32 $0xFFFFFFFF  }
0xa5: {  	s26 =	simm.s32 $execute0_lowered;
	[smem:$0x3FD2] =	sst s25  }
0xa6: {  	s5 =	sshll.u32 s26, $0x1;
	_ =	strace $0x80000049;
	[dreg:$0x1] =	wrdreg $0xFFFFFFFF  }
0xa7: {  	s28 =	simm.s32 $_size_execute0_lowered;
	s3 =	sadd.s32 s3, s5;
	[dreg:$0x0] =	wrdreg $0x0  }
0xa8: {  	s5 =	sshll.u32 s28, $0x1;
	[dreg:$0x2] =	wrdreg s3  }
0xa9: {  	[dreg:$0x3] =	wrdreg s5  }
0xaa: {  	[dreg:$0x4] =	wrdreg $0xC0  }
0xab: {  	_ =	task [dreg:s7], $0x5FFFF  }
0xac: {  	[dreg:$0x1] =	wrdreg $0xFFFFFFFF  }
0xad: {  	[dreg:$0x0] =	wrdreg $0x60  }
0xae: {  	[dreg:$0x2] =	wrdreg s2  }
0xaf: {  	[dreg:$0x3] =	wrdreg s24  }
0xb0: {  	[dreg:$0x4] =	wrdreg $0xA1000  }
0xb1: {  	[dreg:$0x5] =	wrdreg $0x9  }
0xb2: {  	_ =	task.clear_ibuf [dreg:s7], $0x6FFFF;
	_ =	strace $0x90000049  }
0xb3: {  	s29 =	simm.s32 $0x9;
	_ =	strace $0x8000004B  }
0xb4: {  	_ =	swait.ge [sflag:s29], $0x1  }
0xb5: {  	[sflag:s29] =	ssyncadd.s32 $0xFFFFFFFF  }
0xb6: {  	_ =	strace $0x9000004B  }
0xb7: {  	_ =	sfence  }
0xb8: {  	s30 =	sld [smem:$0x0];
	_ =	sdelay $0x2  }
0xb9: {  	s31 =	sshll.u32 s1, $0xD;
	s1 =	sshrl.u32 s1, $0x2  }
0xba: {  	s3 =	sand.u32 $0x4000, s31;
	s1 =	sadd.s32 s1, s30  }
0xbb: {  	s0 =	sor.u32 s3, s0;
	s1 =	sshll.u32 s1, $0x11  }
0xbc: {  	s0 =	sor.u32 s1, s0  }
0xbd: {  	s0 =	sadd.s32 $0x8F2B, s0  }
0xbe: {  	[sflag:s0] =	ssyncadd.remote.s32 $0x1  }
0xbf: {  	_ =	sfence.sel $0xFFFF  }
0xc0: {  	[dreg:$0x0] =	wrdreg $0xFFFFFFFF;
	(pc) =	sbr.abs _section_cstart, $3  }
0xc1: {  	[dreg:$0x1] =	wrdreg $0xFFFFFFFF  }
0xc2: {  	_ =	task.clear_ibuf [dreg:s7], $0x2FFFF;
	_ =	strace $0x9FFFFFFF  }
0xc3: {  	(tm) =	ssettm $0x7FFFFFFF  }
tec
execute0_lowered:
.L_overlay_start_1:
0x0: {  	(tag) =	ssettag $0x1  }
0x1: {  	s1 =	rddreg [dreg:$0x0]  }
0x2: {  	s0 =	rddreg [dreg:$0x1]  }
0x3: {  	s2 =	srdreg.scid;
	s10 =	stileid.u32;
	s20 =	simm.s32 $0x0  }
0x4: {  	s15 =	simm.s32 $0x80;
	s16 =	simm.s32 $0x400;
	s17 =	simm.s32 $0x5  }
0x5: {  	s18 =	simm.s32 $0x2780;
	s19 =	simm.s32 $0x4F00;
	s28 =	simm.s32 $0x2  }
0x6: {  	s29 =	simm.s32 $0x5080;
	s30 =	simm.s32 $0x4;
	s31 =	simm.s32 $0x0  }
0x7: {  	s2 =	sand.u32 $0x1, s2;
	s3 =	sshrl.u32 s10, $0x2;
	s21 =	smul.u32 $0x2700, s10  }
0x8: {  	s4 =	sshll.u32 s10, $0x8;
	[smem:$0x7FF] =	sst s20;
	s22 =	smul.u32 $0x4E000, s10  }
0x9: {  	s7 =	sadd.s32 $0x3D000, s0;
	s23 =	smul.u32 $0x13800, s10;
	p0 =	seq.s32 s10, $0xF  }
0xa: {  	s20 =	simm.s32 $0x5100;
	s5 =	smul.u32 $0x13C00, s3;
	s6 =	sshll.u32 s2, $0x7  }
0xb: {  	s4 =	sand.u32 $0x300, s4;
	s3 =	rddreg [dreg:$0x2];
	_ =	strace $0x8000004A  }
0xc: {  	s8 =	ssub.s32 $0x2, s2;
	s2 =	smul.u32 $0x138800, s2;
	s4 =	sor.u32 s6, s4  }
0xd: {  	s9 =	sshrl.u32 s8, $0x1;
	s6 =	sshrl.u32 s22, $0x2;
	s22 =	simm.s32 $0x4F80  }
0xe: {  	s4 =	sor.u32 s5, s4;
	s5 =	sadd.s32 s21, s0;
	s8 =	ssub.s32 s8, s9  }
0xf: {  	s6 =	sadd.s32 s6, s3;
	s25 =	sadd.s32 s23, s2;
	s2 =	sshrl.u32 s2, $0x3  }
0x10: {  	s21 =	simm.s32 $0x50;
	s23 =	simm.s32 $0x7900;
	s4 =	sshrl.u32 s4, $0x3  }
0x11: {  	s5 =	sadd.s32 $0x15E00, s5;
	s2 =	sadd.s32 s7, s2;
	s11 =	smax.u32 s8, $0x1  }
0x12: {  	s14 =	sshrl.u32 @!p0 s6, $0x3;
	s4 =	sadd.s32 s4, s0;
	[dreg:$0x4] =	wrdreg s5  }
0x13: {  	s5 =	sadd.s32 $0x124800, s3;
	s0 =	sadd.s32 $0x3A700, s0;
	s26 =	sadd.s32 $0x24900, s2  }
0x14: {  	[dreg:$0x5] =	wrdreg s0;
	s24 =	sadd.s32 $0xC000, s4;
	s4 =	sadd.s32 $0x2200, s4  }
0x15: {  	s0 =	sshrl.u32 s25, $0x3;
	[dreg:$0x9] =	wrdreg s26;
	s12 =	sshrl.u32 @p0 s5, $0x3  }
0x16: {  	s25 =	simm.s32 $0x5000;
	[dreg:$0x6] =	wrdreg s24;
	s0 =	sadd.s32 s7, s0  }
0x17: {  	s26 =	simm.s32 $0x3;
	[dreg:$0x8] =	wrdreg s0;
	s0 =	sshll.u32 @!p0 s10, $0x6  }
0x18: {  	[dreg:$0x7] =	wrdreg s4;
	s24 =	simm.s32 $0x1;
	s13 =	sor.u32 @!p0 $0x1C05, s0  }
.LBB2_1:
0x19: {  	s0 =	simm.s32 @p0 $0x1FC5;
	s2 =	rddreg [dreg:$0x5]  }
0x1a: {  	[spmem:s12], [sflag:s0] =	dma.local @p0 [hbm:s2], $0x2800  }
0x1b: {  	s0 =	simm.s32 @p0 $0x5  }
0x1c: {  	_ =	swait.ge @p0 [sflag:s0], $0x2800  }
0x1d: {  	[sflag:s0] =	ssyncset.done @p0 $0x0  }
0x1e: {  	[sflag:s0] =	ssyncadd.s32 @p0 $0xFFFFD800;
	s0 =	rddreg [dreg:$0x4]  }
0x1f: {  	[spmem:s14], [sflag:s13] =	dma.local @!p0 [hbm:s0], $0x2700  }
0x20: {  	s0 =	simm.s32 @!p0 $0x5  }
0x21: {  	_ =	swait.ge @!p0 [sflag:s0], $0x2700  }
0x22: {  	[sflag:s0] =	ssyncset.done @!p0 $0x0  }
0x23: {  	s8 =	simm.s32 $0x0;
	s9 =	rddreg [dreg:$0x6];
	[sflag:s0] =	ssyncadd.s32 @!p0 $0xFFFFD900  }
0x24: {  	[tilespmem:s8], [sflag:$0x5] =	stream.strided.gather [hbm4b:s9+s15], $0x2780, s16, s15, $0x38;
	[tilespmem:$0x1D980] =	vst v63  }
0x25: {  	_ =	swait.ge [sflag:s17], $0x2780  }
0x26: {  	[sflag:s17] =	ssyncset.done $0x0  }
0x27: {  	s10 =	rddreg [dreg:$0x7];
	[sflag:s17] =	ssyncadd.s32 $0xFFFFD880  }
0x28: {  	[tilespmem:s18], [sflag:$0x5] =	stream.strided.gather [hbm4b:s10+s15], $0x2780, s16, s15, $0x38;
	[tilespmem:$0x1D980] =	vst v63  }
0x29: {  	_ =	swait.ge [sflag:s17], $0x2780  }
0x2a: {  	[sflag:s17] =	ssyncset.done $0x0  }
0x2b: {  	[sflag:s17] =	ssyncadd.s32 $0xFFFFD880  }
0x2c: {  	[bflag:$0x0] =	sbarrier.arrive $0xFFFF  }
0x2d: {  	v0 =	vld [tilespmem:$0x0]  }
0x2e: {  	v1 =	vld [tilespmem:$0x10]  }
0x2f: {  	v2 =	vld [tilespmem:$0x20]  }
0x30: {  	v3 =	vld [tilespmem:$0x30]  }
0x31: {  	v4 =	vld [tilespmem:$0x40]  }
0x32: {  	v0 =	vand.u32 $0xFFFF, v0  }
0x33: {  	v60 =	vand.u32 $0xFFFF, v1;
	[tilespmem:$0x4F00] =	vst v0  }
0x34: {  	v61 =	vand.u32 $0xFFFF, v2;
	[tilespmem:$0x4F10] =	vst v60  }
0x35: {  	v62 =	vand.u32 $0xFFFF, v3;
	[tilespmem:$0x4F20] =	vst v61  }
0x36: {  	v63 =	vand.u32 $0xFFFF, v4;
	[tilespmem:$0x4F30] =	vst v62  }
0x37: {  	s4 =	simm.s32 $0x0;
	s2 =	simm.s32 $0x50;
	s0 =	simm.s32 $0x0;
	[tilespmem:$0x4F40] =	vst v63  }
0x38: {  	[tilespmem:s20], [sflag:$0x1] =	stream.indirect.gather [hbm4b:s1+s21], $0x80, s19, s21, $0xb8;
	[tilespmem:$0x1D980] =	vst v63  }
.LBB2_2:
0x39: {  	s5 =	smul.u32 $0xA0, s4;
	_ =	sdelay $0x1  }
0x3a: {  	v0 =	vld [tilespmem:s5+$0x50];
	_ =	sdelay $0x4  }
0x3b: {  	v0 =	vand.u32 $0xFFFF, v0  }
0x3c: {  	[tilespmem:$0x4F80] =	vst v0  }
0x3d: {  	v0 =	vld [tilespmem:s5+$0x60];
	_ =	sdelay $0x4  }
0x3e: {  	v0 =	vand.u32 $0xFFFF, v0  }
0x3f: {  	[tilespmem:$0x4F90] =	vst v0  }
0x40: {  	v0 =	vld [tilespmem:s5+$0x70];
	_ =	sdelay $0x4  }
0x41: {  	v0 =	vand.u32 $0xFFFF, v0  }
0x42: {  	s6 =	sand.u32 $0x3FE0, s5;
	[tilespmem:$0x4FA0] =	vst v0  }
0x43: {  	v0 =	vld [tilespmem:s6+$0x80];
	_ =	sdelay $0x4  }
0x44: {  	v0 =	vand.u32 $0xFFFF, v0  }
0x45: {  	[tilespmem:$0x4FB0] =	vst v0  }
0x46: {  	v0 =	vld [tilespmem:s5+$0x90];
	_ =	sdelay $0x4  }
0x47: {  	p1 =	seq.s32 s4, $0x0;
	v0 =	vand.u32 $0xFFFF, v0  }
0x48: {  	s7 =	simm.s32 @!p1 $0x4;
	[tilespmem:$0x4FC0] =	vst v0  }
0x49: {  	_ =	swait.ge @!p1 [sflag:s7], $0x2800  }
0x4a: {  	[sflag:s7] =	ssyncset.done @!p1 $0x0  }
0x4b: {  	[sflag:s7] =	ssyncadd.s32 @!p1 $0xFFFFD800  }
0x4c: {  	[tilespmem:s23], [sflag:$0x2] =	stream.indirect.gather [hbm4b:s1+s21], $0x80, s22, s21, $0xb8;
	[tilespmem:$0x1D980] =	vst v63  }
0x4d: {  	s10 =	sadd.s32 $0x0, s0;
	_ =	swait.ge [sflag:s24], $0x2800  }
0x4e: {  	v0 =	vmov s10;
	[sflag:s24] =	ssyncset.done $0x0  }
0x4f: {  	s7 =	simm.s32 $0x5140;
	[sflag:s24] =	ssyncadd.s32 $0xFFFFD800  }
0x50: {  	v4 =	vld [tilespmem:s7+$0x30]  }
0x51: {  	v7 =	vld [tilespmem:s7+$0x10]  }
0x52: {  	v5 =	vld [tilespmem:s7+$0xFFFFFFC0]  }
0x53: {  	v1 =	vld.idx.msk [tilespmem:v0+s18+$0x0], $0xffff  }
0x54: {  	v9 =	vld [tilespmem:s7+$0xFFFFFFE0]  }
0x55: {  	v0 =	vld [tilespmem:s7+$0xFFFFFFF0]  }
0x56: {  	v2 =	vld [tilespmem:s7+$0x20]  }
0x57: {  	v3 =	vld [tilespmem:s7+$0xFFFFFFD0]  }
0x58: {  	v8 =	vmul.f32 v4, v1;
	v4 =	vld [tilespmem:s7+$0x0]  }
0x59: {  	v6 =	vmul.f32 v5, v1  }
0x5a: {  	s8 =	simm.s32 $0x1;
	s9 =	simm.s32 $0x5140;
	v5 =	vmul.f32 v9, v1;
	v7 =	vmul.f32 v7, v1  }
.LBB2_3:
0x5b: {  	p1 =	sne.s32 s8, $0x4F  }
0x5c: {  	v3 =	vmul.f32 v3, v1;
	v2 =	vmul.f32 v2, v1;
	[tilespmem:s7+$0x30] =	vst v8;
	s9 =	sadd.s32 $0x80, s9;
	s10 =	smov.u32 s8;
	s8 =	sadd.s32 $0x1, s8  }
0x5d: {  	[tilespmem:s7+$0xFFFFFFC0] =	vst v6;
	v6 =	vmul.f32 v0, v1;
	v1 =	vmul.f32 v4, v1  }
0x5e: {  	s10 =	sadd.s32 s10, s0;
	[tilespmem:s7+$0x10] =	vst v7  }
0x5f: {  	v4 =	vmov s10;
	[tilespmem:s7+$0xFFFFFFE0] =	vst v5  }
0x60: {  	v0 =	vld [tilespmem:s9+$0xFFFFFFF0];
	[tilespmem:s7+$0xFFFFFFF0] =	vst v6  }
0x61: {  	v5 =	vld [tilespmem:s9+$0x30];
	[tilespmem:s7+$0x0] =	vst v1  }
0x62: {  	v7 =	vld [tilespmem:s9+$0x10];
	[tilespmem:s7+$0x20] =	vst v2  }
0x63: {  	v6 =	vld [tilespmem:s9+$0xFFFFFFC0];
	[tilespmem:s7+$0xFFFFFFD0] =	vst v3;
	s7 =	smov.u32 s9  }
0x64: {  	v1 =	vld.idx.msk [tilespmem:v4+s18+$0x0], $0xffff  }
0x65: {  	v9 =	vld [tilespmem:s9+$0xFFFFFFE0]  }
0x66: {  	v2 =	vld [tilespmem:s9+$0x20]  }
.Ltmp0:
0x67: {  	v3 =	vld [tilespmem:s9+$0xFFFFFFD0];
	(pc) =	sbr.rel @p1 .LBB2_3-.Ltmp0, $3  }
0x68: {  	v4 =	vld [tilespmem:s9+$0x0];
	_ =	sdelay $0x1  }
0x69: {  	v6 =	vmul.f32 v6, v1;
	v8 =	vmul.f32 v5, v1  }
0x6a: {  	v7 =	vmul.f32 v7, v1;
	v5 =	vmul.f32 v9, v1  }
0x6b: {  	[tilespmem:s7+$0x30] =	vst v8  }
0x6c: {  	[tilespmem:s7+$0xFFFFFFC0] =	vst v6  }
0x6d: {  	v0 =	vmul.f32 v0, v1;
	[tilespmem:s7+$0x10] =	vst v7  }
0x6e: {  	v2 =	vmul.f32 v2, v1;
	[tilespmem:s7+$0xFFFFFFE0] =	vst v5  }
0x6f: {  	v4 =	vmul.f32 v4, v1;
	[tilespmem:s7+$0xFFFFFFF0] =	vst v0  }
0x70: {  	v0 =	vmul.f32 v3, v1;
	[tilespmem:s7+$0x20] =	vst v2  }
0x71: {  	[tilespmem:s7+$0x0] =	vst v4  }
0x72: {  	[tilespmem:s7+$0xFFFFFFD0] =	vst v0  }
0x73: {  	v0 =	vld [tilespmem:s5+$0x0];
	_ =	sdelay $0x4  }
0x74: {  	v0 =	vshrl.u32 v0, $0x10  }
0x75: {  	[tilespmem:$0x5000] =	vst v0  }
0x76: {  	v0 =	vld [tilespmem:s5+$0x10];
	_ =	sdelay $0x4  }
0x77: {  	v0 =	vshrl.u32 v0, $0x10  }
0x78: {  	[tilespmem:$0x5010] =	vst v0  }
0x79: {  	v0 =	vld [tilespmem:s5+$0x20];
	_ =	sdelay $0x4  }
0x7a: {  	v0 =	vshrl.u32 v0, $0x10  }
0x7b: {  	[tilespmem:$0x5020] =	vst v0  }
0x7c: {  	v0 =	vld [tilespmem:s5+$0x30];
	_ =	sdelay $0x4  }
0x7d: {  	v0 =	vshrl.u32 v0, $0x10  }
0x7e: {  	[tilespmem:$0x5030] =	vst v0  }
0x7f: {  	v0 =	vld [tilespmem:s5+$0x40];
	_ =	sdelay $0x4  }
0x80: {  	v0 =	vshrl.u32 v0, $0x10  }
0x81: {  	[tilespmem:$0x5040] =	vst v0  }
0x82: {  	[spmem:s3] =	stream.indirect.scatter.add.f32 [tilespmem:s20], [sflag:$0x3], $0x80, s25, s21, $0xb8;
	[tilespmem:$0x1D980] =	vst v63  }
0x83: {  	v0 =	vld [tilespmem:s5+$0xA0];
	_ =	sdelay $0x4  }
0x84: {  	v0 =	vand.u32 $0xFFFF, v0  }
0x85: {  	[tilespmem:$0x4F00] =	vst v0  }
0x86: {  	v0 =	vld [tilespmem:s5+$0xB0];
	_ =	sdelay $0x4  }
0x87: {  	v0 =	vand.u32 $0xFFFF, v0  }
0x88: {  	[tilespmem:$0x4F10] =	vst v0  }
0x89: {  	v0 =	vld [tilespmem:s5+$0xC0];
	_ =	sdelay $0x4  }
0x8a: {  	v0 =	vand.u32 $0xFFFF, v0  }
0x8b: {  	[tilespmem:$0x4F20] =	vst v0  }
0x8c: {  	v0 =	vld [tilespmem:s5+$0xD0];
	_ =	sdelay $0x4  }
0x8d: {  	v0 =	vand.u32 $0xFFFF, v0  }
0x8e: {  	[tilespmem:$0x4F30] =	vst v0  }
0x8f: {  	v0 =	vld [tilespmem:s5+$0xE0];
	_ =	sdelay $0x4  }
0x90: {  	v0 =	vand.u32 $0xFFFF, v0  }
0x91: {  	[tilespmem:$0x4F40] =	vst v0  }
0x92: {  	_ =	swait.ge [sflag:s26], $0x2800  }
0x93: {  	[sflag:s26] =	ssyncset.done $0x0  }
0x94: {  	s10 =	sadd.s32 $0x0, s2;
	[sflag:s26] =	ssyncadd.s32 $0xFFFFD800  }
0x95: {  	[tilespmem:s20], [sflag:$0x1] =	stream.indirect.gather [hbm4b:s1+s21], $0x80, s19, s21, $0xb8;
	[tilespmem:$0x1D980] =	vst v63  }
0x96: {  	v0 =	vmov s10;
	_ =	swait.ge [sflag:s28], $0x2800  }
0x97: {  	[sflag:s28] =	ssyncset.done $0x0  }
0x98: {  	s7 =	simm.s32 $0x7970;
	[sflag:s28] =	ssyncadd.s32 $0xFFFFD800  }
0x99: {  	v4 =	vld [tilespmem:s7+$0x0]  }
0x9a: {  	v7 =	vld [tilespmem:s7+$0xFFFFFFE0]  }
0x9b: {  	v0 =	vld.idx.msk [tilespmem:v0+s18+$0x0], $0xffff  }
0x9c: {  	v5 =	vld [tilespmem:s7+$0xFFFFFF90]  }
0x9d: {  	v9 =	vld [tilespmem:s7+$0xFFFFFFB0]  }
0x9e: {  	v1 =	vld [tilespmem:s7+$0xFFFFFFF0]  }
0x9f: {  	v2 =	vld [tilespmem:s7+$0xFFFFFFC0]  }
0xa0: {  	v3 =	vld [tilespmem:s7+$0xFFFFFFA0]  }
0xa1: {  	v8 =	vmul.f32 v4, v0;
	v4 =	vld [tilespmem:s7+$0xFFFFFFD0]  }
0xa2: {  	v6 =	vmul.f32 v5, v0  }
0xa3: {  	s8 =	simm.s32 $0x1;
	s9 =	simm.s32 $0x7970;
	v5 =	vmul.f32 v9, v0;
	v7 =	vmul.f32 v7, v0  }
.LBB2_5:
0xa4: {  	p1 =	sne.s32 s8, $0x4F  }
0xa5: {  	v3 =	vmul.f32 v3, v0;
	v9 =	vmul.f32 v1, v0;
	[tilespmem:s7+$0x0] =	vst v8;
	s9 =	sadd.s32 $0x80, s9;
	s10 =	smov.u32 s8;
	s8 =	sadd.s32 $0x1, s8  }
0xa6: {  	v2 =	vmul.f32 v2, v0;
	[tilespmem:s7+$0xFFFFFF90] =	vst v6;
	v0 =	vmul.f32 v4, v0  }
0xa7: {  	s10 =	sadd.s32 s10, s2;
	[tilespmem:s7+$0xFFFFFFE0] =	vst v7  }
0xa8: {  	v4 =	vmov s10;
	[tilespmem:s7+$0xFFFFFFB0] =	vst v5  }
0xa9: {  	v1 =	vld [tilespmem:s9+$0xFFFFFFF0];
	[tilespmem:s7+$0xFFFFFFC0] =	vst v2  }
0xaa: {  	v5 =	vld [tilespmem:s9+$0x0];
	[tilespmem:s7+$0xFFFFFFD0] =	vst v0  }
0xab: {  	v2 =	vld [tilespmem:s9+$0xFFFFFFC0];
	[tilespmem:s7+$0xFFFFFFF0] =	vst v9  }
0xac: {  	v7 =	vld [tilespmem:s9+$0xFFFFFFE0];
	[tilespmem:s7+$0xFFFFFFA0] =	vst v3;
	s7 =	smov.u32 s9  }
0xad: {  	v0 =	vld.idx.msk [tilespmem:v4+s18+$0x0], $0xffff  }
0xae: {  	v6 =	vld [tilespmem:s9+$0xFFFFFF90]  }
0xaf: {  	v9 =	vld [tilespmem:s9+$0xFFFFFFB0]  }
.Ltmp1:
0xb0: {  	v3 =	vld [tilespmem:s9+$0xFFFFFFA0];
	(pc) =	sbr.rel @p1 .LBB2_5-.Ltmp1, $3  }
0xb1: {  	v4 =	vld [tilespmem:s9+$0xFFFFFFD0];
	_ =	sdelay $0x1  }
0xb2: {  	v8 =	vmul.f32 v5, v0;
	v6 =	vmul.f32 v6, v0  }
0xb3: {  	v7 =	vmul.f32 v7, v0;
	v5 =	vmul.f32 v9, v0  }
0xb4: {  	[tilespmem:s7+$0x0] =	vst v8  }
0xb5: {  	[tilespmem:s7+$0xFFFFFF90] =	vst v6  }
0xb6: {  	v2 =	vmul.f32 v2, v0;
	[tilespmem:s7+$0xFFFFFFE0] =	vst v7  }
0xb7: {  	v1 =	vmul.f32 v1, v0;
	[tilespmem:s7+$0xFFFFFFB0] =	vst v5  }
0xb8: {  	v63 =	vmul.f32 v3, v0;
	[tilespmem:s7+$0xFFFFFFC0] =	vst v2  }
0xb9: {  	v4 =	vmul.f32 v4, v0;
	[tilespmem:s7+$0xFFFFFFF0] =	vst v1  }
0xba: {  	[tilespmem:s7+$0xFFFFFFA0] =	vst v63  }
0xbb: {  	[tilespmem:s7+$0xFFFFFFD0] =	vst v4  }
0xbc: {  	v0 =	vld [tilespmem:s5+$0x50];
	_ =	sdelay $0x4  }
0xbd: {  	v0 =	vshrl.u32 v0, $0x10  }
0xbe: {  	[tilespmem:$0x5080] =	vst v0  }
0xbf: {  	v0 =	vld [tilespmem:s5+$0x60];
	_ =	sdelay $0x4  }
0xc0: {  	v0 =	vshrl.u32 v0, $0x10  }
0xc1: {  	[tilespmem:$0x5090] =	vst v0  }
0xc2: {  	v0 =	vld [tilespmem:s5+$0x70];
	_ =	sdelay $0x4  }
0xc3: {  	v0 =	vshrl.u32 v0, $0x10  }
0xc4: {  	[tilespmem:$0x50A0] =	vst v0  }
0xc5: {  	v0 =	vld [tilespmem:s6+$0x80];
	_ =	sdelay $0x4  }
0xc6: {  	v0 =	vshrl.u32 v0, $0x10  }
0xc7: {  	[tilespmem:$0x50B0] =	vst v0  }
0xc8: {  	v0 =	vld [tilespmem:s5+$0x90]  }
0xc9: {  	s4 =	sadd.s32 $0x1, s4  }
0xca: {  	p1 =	sne.s32 s4, $0x3E  }
.Ltmp2:
0xcb: {  	_ = 	snop;
	(pc) =	sbr.rel @p1 .LBB2_2-.Ltmp2, $4  }
0xcc: {  	_ = 	snop  }
0xcd: {  	v0 =	vshrl.u32 v0, $0x10  }
0xce: {  	s0 =	sadd.s32 $0xA0, s0;
	s2 =	sadd.s32 $0xA0, s2;
	[tilespmem:$0x50C0] =	vst v0  }
0xcf: {  	[spmem:s3] =	stream.indirect.scatter.add.f32 [tilespmem:s23], [sflag:$0x4], $0x80, s29, s21, $0xb8;
	[tilespmem:$0x1D980] =	vst v63  }
0xd0: {  	_ =	swait.ge [sflag:s24], $0x2800;
	s0 =	simm.s32 $0x26C0  }
0xd1: {  	[sflag:s24] =	ssyncset.done $0x0;
	v0 =	vmov s0  }
0xd2: {  	s0 =	simm.s32 $0x5140;
	[sflag:s24] =	ssyncadd.s32 $0xFFFFD800  }
0xd3: {  	v4 =	vld [tilespmem:s0+$0x30]  }
0xd4: {  	v7 =	vld [tilespmem:s0+$0x10]  }
0xd5: {  	v5 =	vld [tilespmem:s0+$0xFFFFFFC0]  }
0xd6: {  	v1 =	vld.idx.msk [tilespmem:v0+s18+$0x0], $0xffff  }
0xd7: {  	v9 =	vld [tilespmem:s0+$0xFFFFFFE0]  }
0xd8: {  	v2 =	vld [tilespmem:s0+$0x20]  }
0xd9: {  	v3 =	vld [tilespmem:s0+$0xFFFFFFD0]  }
0xda: {  	v0 =	vld [tilespmem:s0+$0xFFFFFFF0]  }
0xdb: {  	v8 =	vmul.f32 v4, v1;
	v4 =	vld [tilespmem:s0+$0x0]  }
0xdc: {  	v6 =	vmul.f32 v5, v1  }
0xdd: {  	s2 =	simm.s32 $0x26C1;
	s4 =	simm.s32 $0x5140;
	v5 =	vmul.f32 v9, v1;
	v7 =	vmul.f32 v7, v1  }
.LBB2_8:
0xde: {  	p1 =	sne.s32 s2, $0x270F  }
0xdf: {  	v3 =	vmul.f32 v3, v1;
	v2 =	vmul.f32 v2, v1;
	[tilespmem:s0+$0x30] =	vst v8;
	s4 =	sadd.s32 $0x80, s4;
	s5 =	smov.u32 s2;
	s2 =	sadd.s32 $0x1, s2  }
0xe0: {  	[tilespmem:s0+$0xFFFFFFC0] =	vst v6;
	v6 =	vmul.f32 v0, v1;
	v1 =	vmul.f32 v4, v1  }
0xe1: {  	[tilespmem:s0+$0x10] =	vst v7  }
0xe2: {  	v4 =	vmov s5;
	[tilespmem:s0+$0xFFFFFFE0] =	vst v5  }
0xe3: {  	v0 =	vld [tilespmem:s4+$0xFFFFFFF0];
	[tilespmem:s0+$0xFFFFFFF0] =	vst v6  }
0xe4: {  	v5 =	vld [tilespmem:s4+$0x30];
	[tilespmem:s0+$0x0] =	vst v1  }
0xe5: {  	v7 =	vld [tilespmem:s4+$0x10];
	[tilespmem:s0+$0x20] =	vst v2  }
0xe6: {  	v6 =	vld [tilespmem:s4+$0xFFFFFFC0];
	[tilespmem:s0+$0xFFFFFFD0] =	vst v3;
	s0 =	smov.u32 s4  }
0xe7: {  	v1 =	vld.idx.msk [tilespmem:v4+s18+$0x0], $0xffff  }
0xe8: {  	v9 =	vld [tilespmem:s4+$0xFFFFFFE0]  }
0xe9: {  	v2 =	vld [tilespmem:s4+$0x20]  }
.Ltmp3:
0xea: {  	v3 =	vld [tilespmem:s4+$0xFFFFFFD0];
	(pc) =	sbr.rel @p1 .LBB2_8-.Ltmp3, $3  }
0xeb: {  	v4 =	vld [tilespmem:s4+$0x0];
	_ =	sdelay $0x1  }
0xec: {  	v6 =	vmul.f32 v6, v1;
	v8 =	vmul.f32 v5, v1  }
0xed: {  	v7 =	vmul.f32 v7, v1;
	v5 =	vmul.f32 v9, v1  }
0xee: {  	[tilespmem:s0+$0x30] =	vst v8  }
0xef: {  	[tilespmem:s0+$0xFFFFFFC0] =	vst v6  }
0xf0: {  	v0 =	vmul.f32 v0, v1;
	[tilespmem:s0+$0x10] =	vst v7  }
0xf1: {  	v2 =	vmul.f32 v2, v1;
	[tilespmem:s0+$0xFFFFFFE0] =	vst v5  }
0xf2: {  	v57 =	vmul.f32 v3, v1;
	[tilespmem:s0+$0xFFFFFFF0] =	vst v0  }
0xf3: {  	v4 =	vmul.f32 v4, v1;
	[tilespmem:s0+$0x20] =	vst v2  }
0xf4: {  	[tilespmem:s0+$0xFFFFFFD0] =	vst v57  }
0xf5: {  	[tilespmem:s0+$0x0] =	vst v4  }
0xf6: {  	v0 =	vld [tilespmem:$0x26C0]  }
0xf7: {  	v58 =	vld [tilespmem:$0x26D0]  }
0xf8: {  	v2 =	vld [tilespmem:$0x26E0]  }
0xf9: {  	v59 =	vld [tilespmem:$0x26F0]  }
0xfa: {  	v4 =	vld [tilespmem:$0x2700]  }
0xfb: {  	v0 =	vshrl.u32 v0, $0x10  }
0xfc: {  	v60 =	vshrl.u32 v58, $0x10;
	[tilespmem:$0x5000] =	vst v0  }
0xfd: {  	v61 =	vshrl.u32 v2, $0x10;
	[tilespmem:$0x5010] =	vst v60  }
0xfe: {  	v62 =	vshrl.u32 v59, $0x10;
	[tilespmem:$0x5020] =	vst v61  }
0xff: {  	v63 =	vshrl.u32 v4, $0x10;
	[tilespmem:$0x5030] =	vst v62  }
0x100: {  	[tilespmem:$0x5040] =	vst v63  }
0x101: {  	_ =	swait.ge [sflag:s30], $0x2800  }
0x102: {  	[sflag:s30] =	ssyncset.done $0x0  }
0x103: {  	[sflag:s30] =	ssyncadd.s32 $0xFFFFD800  }
0x104: {  	[spmem:s3] =	stream.indirect.scatter.add.f32 [tilespmem:s20], [sflag:$0x5], $0x80, s25, s21, $0xb8;
	[tilespmem:$0x1D980] =	vst v63  }
0x105: {  	_ =	swait.ge [sflag:s17], $0x2800  }
0x106: {  	[sflag:s17] =	ssyncset.done $0x0  }
0x107: {  	[sflag:s17] =	ssyncadd.s32 $0xFFFFD800  }
0x108: {  	[bflag:$0x0] =	sbarrier.arrive $0xFFFF  }
0x109: {  	s0 =	simm.s32 @p0 $0x1FC5;
	s2 =	rddreg [dreg:$0x9]  }
0x10a: {  	[hbm:s2], [sflag:s0] =	dma.local @p0 [spmem:s12], $0x2800  }
0x10b: {  	s0 =	simm.s32 @p0 $0x5  }
0x10c: {  	_ =	swait.ge @p0 [sflag:s0], $0x2800  }
0x10d: {  	s31 =	sadd.s32 $0x1, s31;
	[sflag:s0] =	ssyncset.done @p0 $0x0  }
0x10e: {  	p1 =	sne.s32 s31, s11;
	[sflag:s0] =	ssyncadd.s32 @p0 $0xFFFFD800;
	s0 =	rddreg [dreg:$0x8]  }
0x10f: {  	[hbm:s0], [sflag:s13] =	dma.local @!p0 [spmem:s14], $0x2700  }
.Ltmp4:
0x110: {  	_ = 	snop;
	(pc) =	sbr.rel @p1 .LBB2_1-.Ltmp4, $4  }
0x111: {  	s0 =	simm.s32 @!p0 $0x5  }
0x112: {  	_ =	swait.ge @!p0 [sflag:s0], $0x2700  }
0x113: {  	[sflag:s0] =	ssyncset.done @!p0 $0x0  }
0x114: {  	[sflag:s0] =	ssyncadd.s32 @!p0 $0xFFFFD900  }
0x115: {  	_ =	sfence.sel $0x180000  }
0x116: {  	[bflag:$0x0] =	sbarrier.arrive $0xFFFF  }
0x117: {  	_ =	strace $0x9000004A  }
0x118: {  	s0 =	stileid.u32;
	[bflag:$0x2] =	sbarrier.arrive $0xFFFF  }
0x119: {  	p0 =	sne.s32 s0, $0x0;
	s0 =	rddreg [dreg:$0x3]  }
0x11a: {  	s0 =	sadd.s32 @!p0 $0x100000, s0  }
0x11b: {  	[sflag:s0] =	ssyncadd.tile.s32 @!p0 $0x1;
	_ =	shalt  }
.Lfunc_end2:
_tile_overlayer_lowered:
.L_overlay_start_2:
0x11c: {  	(tag) =	ssettag $0x2  }
0x11d: {  	s0 =	rddreg [dreg:$0x0];
	s2 =	stileid.u32  }
0x11e: {  	s1 =	rddreg [dreg:$0x1];
	p0 =	sne.s32 s2, $0x0  }
0x11f: {  	s3 =	rddreg [dreg:$0x2];
	[bflag:$0x3] =	sbarrier.arrive $0xFFFF;
	s2 =	simm.s32 @!p0 $0x1C05  }
0x120: {  	[timem:s3], [sflag:s2] =	dma.local @!p0 [hbm:s0], s1  }
0x121: {  	s0 =	simm.s32 @!p0 $0x5  }
0x122: {  	_ =	swait.ge @!p0 [sflag:s0], s1  }
0x123: {  	s1 =	ssub.s32 @!p0 $0x0, s1;
	[sflag:s0] =	ssyncset.done @!p0 $0x0  }
0x124: {  	[sflag:s0] =	ssyncadd.s32 @!p0 s1  }
0x125: {  	[bflag:$0x3] =	sbarrier.arrive $0xFFFF  }
0x126: {  	_ =	shalt  }

// kernel: kernel.16.cloned.1.call-start
scs
__scs_entry_jumppad:
0x0: {  	(pc) =	sbr.rel $0x88, $3  }
0x1: {  	(tag) =	ssettag $0x0;
	lr =	simm.s32 $0x1  }
0x2: {  	[smem:$0x3F9C] =	sst lr;
	_ =	strace $0xD0000000  }
0x3: {  	_ = 	snop  }
0x4: {  	_ = 	snop  }
0x5: {  	_ = 	snop  }
0x6: {  	_ = 	snop  }
0x7: {  	_ = 	snop  }
__scs_overlays_trampoline_lowered:
0x8: {  	[smem:$0x3FAB] =	sst s0  }
0x9: {  	[smem:$0x3FAC] =	sst s1  }
0xa: {  	[smem:$0x3FAD] =	sst s2  }
0xb: {  	[smem:$0x3FAE] =	sst s3  }
0xc: {  	[smem:$0x3FAF] =	sst s4  }
0xd: {  	[smem:$0x3FB0] =	sst s5  }
0xe: {  	[smem:$0x3FB1] =	sst s6  }
0xf: {  	[smem:$0x3FB2] =	sst s7  }
0x10: {  	[smem:$0x3FB3] =	sst s8  }
0x11: {  	[smem:$0x3FB4] =	sst s9;
	s0 =	simm.s32 @!p0 $0x0  }
0x12: {  	s1 =	sld [smem:$0x3F9A];
	s0 =	simm.s32 @p0 $0x1  }
0x13: {  	[smem:$0x3FB5] =	sst s0;
	s0 =	simm.s32 @!p1 $0x0  }
0x14: {  	s2 =	sld [smem:$0x3F99];
	s0 =	simm.s32 @p1 $0x1  }
0x15: {  	[smem:$0x3FB6] =	sst s0;
	s0 =	simm.s32 @!p2 $0x0  }
0x16: {  	s3 =	sld [smem:$0x3FDB];
	s0 =	simm.s32 @p2 $0x1  }
0x17: {  	s4 =	simm.s32 $0x1BF5;
	[smem:$0x3FB8] =	sst s0  }
0x18: {  	s0 =	sld [smem:$0x3F9B];
	_ =	swait.ge [sflag:s4], $0x0  }
0x19: {  	s7 =	sld [smem:$0x3F9C]  }
0x1a: {  	s8 =	sadd.s32 $0xFFFFE003, lr  }
0x1b: {  	s9 =	sadd.s32 $0xFFFFFEF7, lr;
	s5 =	simm.s32 $0xFFFFFFFF;
	p2 =	slt.u32 s8, $0xFFFFF086  }
0x1c: {  	p1 =	slt.u32 s9, $0xF7A;
	s5 =	simm.s32 @!p2 $0x0  }
0x1d: {  	s5 =	simm.s32 @p1 $0x1;
	p0 =	seq.s32 s7, s2  }
0x1e: {  	s7 =	smul.u32 @!p0 $0xF7A, s2;
	p2 =	seq.s32 @!p0 s5, $0x0  }
0x1f: {  	s9 =	smul.u32 $0xF7A, s1;
	s8 =	simm.s32 @!p0 $0x1BF5;
	p2 =	por !p2, p0  }
0x20: {  	[sflag:s8] =	ssyncset.s32 @!p0 $0xFFFFF086;
	s6 =	sadd.s32 @!p0 s3, s7;
	s7 =	simm.s32 @!p0 $0x108  }
0x21: {  	s3 =	sadd.s32 s3, s9;
	s6 =	sadd.s32 @!p0 $0x88, s6;
	s7 =	simm.s32 @p2 $0x1082  }
0x22: {  	[simem:s7], [sflag:s8] =	dma.local @!p0 [hbm:s6], $0xF7A  }
0x23: {  	s9 =	sor.u32 $0xD0000000, s2;
	s6 =	simm.s32 $0x108;
	_ =	swait.ge @!p0 [sflag:s8], $0x0  }
0x24: {  	s3 =	sadd.s32 $0x88, s3;
	s6 =	simm.s32 @!p1 $0x1082;
	[sflag:s4] =	ssyncset.s32 $0xFFFFF086  }
0x25: {  	[simem:s6], [sflag:s4] =	dma.local [hbm:s3], $0xF7A  }
0x26: {  	[smem:$0x3F9C] =	sst s1;
	(tag) =	ssettag s2;
	_ =	strace s9  }
0x27: {  	s1 =	sld [smem:$0x3FAC]  }
0x28: {  	s2 =	sld [smem:$0x3FAD]  }
0x29: {  	s4 =	sld [smem:$0x3FAF]  }
0x2a: {  	p0 =	seq.s32 s5, $0x0;
	s5 =	sld [smem:$0x3FB0]  }
0x2b: {  	s6 =	sld [smem:$0x3FB1]  }
0x2c: {  	s7 =	sld [smem:$0x3FB2]  }
0x2d: {  	s3 =	simm.s32 $0x108;
	s8 =	sld [smem:$0x3FB3]  }
0x2e: {  	s3 =	simm.s32 @!p0 $0x1082;
	s9 =	sld [smem:$0x3FB4]  }
0x2f: {  	lr =	sadd.s32 s0, s3;
	s0 =	sld [smem:$0x3FAB]  }
0x30: {  	s3 =	sld [smem:$0x3FAE]  }
0x31: {  	[smem:$0x3FB7] =	sst s10  }
0x32: {  	s10 =	sld [smem:$0x3FB5];
	_ =	sdelay $0x3  }
0x33: {  	p0 =	seq.s32 s10, $0x1;
	s10 =	sld [smem:$0x3FB7];
	_ =	sdelay $0x3  }
0x34: {  	[smem:$0x3FB7] =	sst s10  }
0x35: {  	s10 =	sld [smem:$0x3FB6];
	_ =	sdelay $0x3  }
0x36: {  	p1 =	seq.s32 s10, $0x1;
	s10 =	sld [smem:$0x3FB7];
	_ =	sdelay $0x3  }
0x37: {  	[smem:$0x3FB7] =	sst s10  }
0x38: {  	s10 =	sld [smem:$0x3FB8]  }
0x39: {  	_ = 	snop;
	(pc) =	sbr.ind lr, $3  }
0x3a: {  	_ = 	snop  }
0x3b: {  	_ = 	snop  }
0x3c: {  	p2 =	seq.s32 s10, $0x1;
	s10 =	sld [smem:$0x3FB7]  }
0x3d: {  	_ =	shalt  }
0x3e: {  	_ =	shalt  }
0x3f: {  	_ =	shalt  }
0x40: {  	_ =	shalt  }
0x41: {  	_ =	shalt  }
0x42: {  	_ =	shalt  }
0x43: {  	_ =	shalt  }
0x44: {  	_ =	shalt  }
0x45: {  	_ =	shalt  }
0x46: {  	_ =	shalt  }
0x47: {  	_ =	shalt  }
0x48: {  	_ =	shalt  }
0x49: {  	_ =	shalt  }
0x4a: {  	_ =	shalt  }
0x4b: {  	_ =	shalt  }
0x4c: {  	_ =	shalt  }
0x4d: {  	_ =	shalt  }
0x4e: {  	_ =	shalt  }
0x4f: {  	_ =	shalt  }
0x50: {  	_ =	shalt  }
0x51: {  	_ =	shalt  }
0x52: {  	_ =	shalt  }
0x53: {  	_ =	shalt  }
0x54: {  	_ =	shalt  }
0x55: {  	_ =	shalt  }
0x56: {  	_ =	shalt  }
0x57: {  	_ =	shalt  }
0x58: {  	_ =	shalt  }
0x59: {  	_ =	shalt  }
0x5a: {  	_ =	shalt  }
0x5b: {  	_ =	shalt  }
0x5c: {  	_ =	shalt  }
0x5d: {  	_ =	shalt  }
0x5e: {  	_ =	shalt  }
0x5f: {  	_ =	shalt  }
0x60: {  	_ =	shalt  }
0x61: {  	_ =	shalt  }
0x62: {  	_ =	shalt  }
0x63: {  	_ =	shalt  }
0x64: {  	_ =	shalt  }
0x65: {  	_ =	shalt  }
0x66: {  	_ =	shalt  }
0x67: {  	_ =	shalt  }
0x68: {  	_ =	shalt  }
0x69: {  	_ =	shalt  }
0x6a: {  	_ =	shalt  }
0x6b: {  	_ =	shalt  }
0x6c: {  	_ =	shalt  }
0x6d: {  	_ =	shalt  }
0x6e: {  	_ =	shalt  }
0x6f: {  	_ =	shalt  }
0x70: {  	_ =	shalt  }
0x71: {  	_ =	shalt  }
0x72: {  	_ =	shalt  }
0x73: {  	_ =	shalt  }
0x74: {  	_ =	shalt  }
0x75: {  	_ =	shalt  }
0x76: {  	_ =	shalt  }
0x77: {  	_ =	shalt  }
0x78: {  	_ =	shalt  }
0x79: {  	_ =	shalt  }
0x7a: {  	_ =	shalt  }
0x7b: {  	_ =	shalt  }
0x7c: {  	_ =	shalt  }
0x7d: {  	_ =	shalt  }
0x7e: {  	_ =	shalt  }
0x7f: {  	_ =	shalt  }
0x80: {  	_ =	shalt  }
0x81: {  	_ =	shalt  }
0x82: {  	_ =	shalt  }
0x83: {  	_ =	shalt  }
0x84: {  	_ =	shalt  }
0x85: {  	_ =	shalt  }
0x86: {  	_ =	shalt  }
0x87: {  	_ =	shalt  }
.Lfunc_end0:
.L_simem_size_0:
called_computation.2_lowered:
.L_overlay_start_0:
0x88: {  	s2 =	sld [smem:$0x3FD9]  }
0x89: {  	s3 =	sld [smem:$0x3FFE];
	_ =	sdelay $0x1  }
0x8a: {  	s1 =	srdreg.scid  }
0x8b: {  	s0 =	sand.u32 $0x1, s1  }
0x8c: {  	s17 =	sshll.u32 s0, $0xA;
	s2 =	sadd.s32 s3, s2  }
0x8d: {  	s2 =	sadd.s32 s2, s17  }
0x8e: {  	[smem:$0x3FC3] =	sst s2  }
0x8f: {  	_ = 	snop  }
0x90: {  	s2 =	sld [smem:$0x3FD0];
	(tm) =	ssettm $0x1  }
0x91: {  	s18 =	sld [smem:$0x3FFB];
	_ =	sdelay $0x3  }
0x92: {  	_ =	strace s18  }
0x93: {  	s3 =	sld [smem:$0x3FFC];
	_ =	sdelay $0x3  }
0x94: {  	_ =	strace s3  }
0x95: {  	s3 =	sld [smem:$0x3FFD];
	_ =	sdelay $0x3  }
0x96: {  	_ =	strace s3  }
0x97: {  	_ =	strace $0x8FFFFFFF  }
0x98: {  	s19 =	sld [smem:$0x3FDB];
	_ =	sdelay $0x1  }
0x99: {  	s4 =	simm.s32 $_scs_section_size  }
0x9a: {  	s5 =	simm.s32 $_size__tile_overlayer_lowered;
	s6 =	simm.s32 $_tile_overlayer_lowered  }
0x9b: {  	s22 =	simm.s32 $0x1BFF;
	s21 =	sshll.u32 s6, $0x1;
	s3 =	sadd.s32 s4, s19  }
0x9c: {  	s7 =	simm.s32 $0x0;
	s20 =	sshll.u32 s5, $0x1;
	s5 =	sadd.s32 s21, s3  }
0x9d: {  	[timem:s7], [sflag:s22] =	dma.local [hbm:s5], s20  }
0x9e: {  	_ =	swait.ge [sflag:s22], s20  }
0x9f: {  	s4 =	ssub.s32 $0x0, s20;
	[sflag:s22] =	ssyncset.done $0x0  }
0xa0: {  	[sflag:s22] =	ssyncadd.s32 s4;
	_ =	sdelay $0x1  }
0xa1: {  	s23 =	simm.s32 $0x1B8B  }
0xa2: {  	_ =	swait.ge [sflag:s23], $0x1  }
0xa3: {  	[sflag:s23] =	ssyncset.done $0x0  }
0xa4: {  	s25 =	simm.s32 $0x1B8E;
	s24 =	sld [smem:$0x3FFE];
	[sflag:s23] =	ssyncadd.s32 $0xFFFFFFFF  }
0xa5: {  	s26 =	simm.s32 $execute0_lowered;
	[smem:$0x3FD2] =	sst s25  }
0xa6: {  	s5 =	sshll.u32 s26, $0x1;
	_ =	strace $0x8000004C;
	[dreg:$0x1] =	wrdreg $0xFFFFFFFF  }
0xa7: {  	s28 =	simm.s32 $_size_execute0_lowered;
	s3 =	sadd.s32 s3, s5;
	[dreg:$0x0] =	wrdreg $0x0  }
0xa8: {  	s5 =	sshll.u32 s28, $0x1;
	[dreg:$0x2] =	wrdreg s3  }
0xa9: {  	[dreg:$0x3] =	wrdreg s5  }
0xaa: {  	[dreg:$0x4] =	wrdreg $0xC0  }
0xab: {  	_ =	task [dreg:s7], $0x5FFFF  }
0xac: {  	[dreg:$0x1] =	wrdreg $0xFFFFFFFF  }
0xad: {  	[dreg:$0x0] =	wrdreg $0x60  }
0xae: {  	[dreg:$0x2] =	wrdreg s2  }
0xaf: {  	[dreg:$0x3] =	wrdreg s24  }
0xb0: {  	[dreg:$0x4] =	wrdreg $0xA1000  }
0xb1: {  	[dreg:$0x5] =	wrdreg $0x9  }
0xb2: {  	_ =	task.clear_ibuf [dreg:s7], $0x6FFFF;
	_ =	strace $0x9000004C  }
0xb3: {  	s29 =	simm.s32 $0x9;
	_ =	strace $0x8000004E  }
0xb4: {  	_ =	swait.ge [sflag:s29], $0x1  }
0xb5: {  	[sflag:s29] =	ssyncadd.s32 $0xFFFFFFFF  }
0xb6: {  	_ =	strace $0x9000004E  }
0xb7: {  	_ =	sfence  }
0xb8: {  	s30 =	sld [smem:$0x0];
	_ =	sdelay $0x2  }
0xb9: {  	s31 =	sshll.u32 s1, $0xD;
	s1 =	sshrl.u32 s1, $0x2  }
0xba: {  	s3 =	sand.u32 $0x4000, s31;
	s1 =	sadd.s32 s1, s30  }
0xbb: {  	s0 =	sor.u32 s3, s0;
	s1 =	sshll.u32 s1, $0x11  }
0xbc: {  	s0 =	sor.u32 s1, s0  }
0xbd: {  	s0 =	sadd.s32 $0x8F2B, s0  }
0xbe: {  	[sflag:s0] =	ssyncadd.remote.s32 $0x1  }
0xbf: {  	_ =	sfence.sel $0xFFFF  }
0xc0: {  	[dreg:$0x0] =	wrdreg $0xFFFFFFFF;
	(pc) =	sbr.abs _section_cstart, $3  }
0xc1: {  	[dreg:$0x1] =	wrdreg $0xFFFFFFFF  }
0xc2: {  	_ =	task.clear_ibuf [dreg:s7], $0x2FFFF;
	_ =	strace $0x9FFFFFFF  }
0xc3: {  	(tm) =	ssettm $0x7FFFFFFF  }
tec
execute0_lowered:
.L_overlay_start_1:
0x0: {  	(tag) =	ssettag $0x1  }
0x1: {  	s1 =	rddreg [dreg:$0x0]  }
0x2: {  	s0 =	rddreg [dreg:$0x1]  }
0x3: {  	s2 =	srdreg.scid;
	s10 =	stileid.u32;
	s20 =	simm.s32 $0x0  }
0x4: {  	s15 =	simm.s32 $0x80;
	s16 =	simm.s32 $0x400;
	s17 =	simm.s32 $0x5  }
0x5: {  	s18 =	simm.s32 $0x2780;
	s19 =	simm.s32 $0x4F00;
	s28 =	simm.s32 $0x2  }
0x6: {  	s29 =	simm.s32 $0x5080;
	s30 =	simm.s32 $0x4;
	s31 =	simm.s32 $0x0  }
0x7: {  	s2 =	sand.u32 $0x1, s2;
	s3 =	sshrl.u32 s10, $0x2;
	s21 =	smul.u32 $0x2700, s10  }
0x8: {  	s4 =	sshll.u32 s10, $0x8;
	[smem:$0x7FF] =	sst s20;
	s22 =	smul.u32 $0x4E000, s10  }
0x9: {  	s7 =	sadd.s32 $0x3D000, s0;
	s23 =	smul.u32 $0x13800, s10;
	p0 =	seq.s32 s10, $0xF  }
0xa: {  	s20 =	simm.s32 $0x5100;
	s5 =	smul.u32 $0x13C00, s3;
	s6 =	sshll.u32 s2, $0x7  }
0xb: {  	s4 =	sand.u32 $0x300, s4;
	s3 =	rddreg [dreg:$0x2];
	_ =	strace $0x8000004D  }
0xc: {  	s8 =	ssub.s32 $0x2, s2;
	s2 =	smul.u32 $0x138800, s2;
	s4 =	sor.u32 s6, s4  }
0xd: {  	s9 =	sshrl.u32 s8, $0x1;
	s6 =	sshrl.u32 s22, $0x2;
	s22 =	simm.s32 $0x4F80  }
0xe: {  	s4 =	sor.u32 s5, s4;
	s5 =	sadd.s32 s21, s0;
	s8 =	ssub.s32 s8, s9  }
0xf: {  	s6 =	sadd.s32 s6, s3;
	s25 =	sadd.s32 s23, s2;
	s2 =	sshrl.u32 s2, $0x3  }
0x10: {  	s21 =	simm.s32 $0x50;
	s23 =	simm.s32 $0x7900;
	s4 =	sshrl.u32 s4, $0x3  }
0x11: {  	s5 =	sadd.s32 $0x15E00, s5;
	s2 =	sadd.s32 s7, s2;
	s11 =	smax.u32 s8, $0x1  }
0x12: {  	s14 =	sshrl.u32 @!p0 s6, $0x3;
	s4 =	sadd.s32 s4, s0;
	[dreg:$0x4] =	wrdreg s5  }
0x13: {  	s5 =	sadd.s32 $0x124800, s3;
	s0 =	sadd.s32 $0x3A700, s0;
	s26 =	sadd.s32 $0x24900, s2  }
0x14: {  	[dreg:$0x5] =	wrdreg s0;
	s24 =	sadd.s32 $0xC000, s4;
	s4 =	sadd.s32 $0x2200, s4  }
0x15: {  	s0 =	sshrl.u32 s25, $0x3;
	[dreg:$0x9] =	wrdreg s26;
	s12 =	sshrl.u32 @p0 s5, $0x3  }
0x16: {  	s25 =	simm.s32 $0x5000;
	[dreg:$0x6] =	wrdreg s24;
	s0 =	sadd.s32 s7, s0  }
0x17: {  	s26 =	simm.s32 $0x3;
	[dreg:$0x8] =	wrdreg s0;
	s0 =	sshll.u32 @!p0 s10, $0x6  }
0x18: {  	[dreg:$0x7] =	wrdreg s4;
	s24 =	simm.s32 $0x1;
	s13 =	sor.u32 @!p0 $0x1C05, s0  }
.LBB2_1:
0x19: {  	s0 =	simm.s32 @p0 $0x1FC5;
	s2 =	rddreg [dreg:$0x5]  }
0x1a: {  	[spmem:s12], [sflag:s0] =	dma.local @p0 [hbm:s2], $0x2800  }
0x1b: {  	s0 =	simm.s32 @p0 $0x5  }
0x1c: {  	_ =	swait.ge @p0 [sflag:s0], $0x2800  }
0x1d: {  	[sflag:s0] =	ssyncset.done @p0 $0x0  }
0x1e: {  	[sflag:s0] =	ssyncadd.s32 @p0 $0xFFFFD800;
	s0 =	rddreg [dreg:$0x4]  }
0x1f: {  	[spmem:s14], [sflag:s13] =	dma.local @!p0 [hbm:s0], $0x2700  }
0x20: {  	s0 =	simm.s32 @!p0 $0x5  }
0x21: {  	_ =	swait.ge @!p0 [sflag:s0], $0x2700  }
0x22: {  	[sflag:s0] =	ssyncset.done @!p0 $0x0  }
0x23: {  	s8 =	simm.s32 $0x0;
	s9 =	rddreg [dreg:$0x6];
	[sflag:s0] =	ssyncadd.s32 @!p0 $0xFFFFD900  }
0x24: {  	[tilespmem:s8], [sflag:$0x5] =	stream.strided.gather [hbm4b:s9+s15], $0x2780, s16, s15, $0x38;
	[tilespmem:$0x1D980] =	vst v63  }
0x25: {  	_ =	swait.ge [sflag:s17], $0x2780  }
0x26: {  	[sflag:s17] =	ssyncset.done $0x0  }
0x27: {  	s10 =	rddreg [dreg:$0x7];
	[sflag:s17] =	ssyncadd.s32 $0xFFFFD880  }
0x28: {  	[tilespmem:s18], [sflag:$0x5] =	stream.strided.gather [hbm4b:s10+s15], $0x2780, s16, s15, $0x38;
	[tilespmem:$0x1D980] =	vst v63  }
0x29: {  	_ =	swait.ge [sflag:s17], $0x2780  }
0x2a: {  	[sflag:s17] =	ssyncset.done $0x0  }
0x2b: {  	[sflag:s17] =	ssyncadd.s32 $0xFFFFD880  }
0x2c: {  	[bflag:$0x0] =	sbarrier.arrive $0xFFFF  }
0x2d: {  	v0 =	vld [tilespmem:$0x0]  }
0x2e: {  	v1 =	vld [tilespmem:$0x10]  }
0x2f: {  	v2 =	vld [tilespmem:$0x20]  }
0x30: {  	v3 =	vld [tilespmem:$0x30]  }
0x31: {  	v4 =	vld [tilespmem:$0x40]  }
0x32: {  	v0 =	vand.u32 $0xFFFF, v0  }
0x33: {  	v60 =	vand.u32 $0xFFFF, v1;
	[tilespmem:$0x4F00] =	vst v0  }
0x34: {  	v61 =	vand.u32 $0xFFFF, v2;
	[tilespmem:$0x4F10] =	vst v60  }
0x35: {  	v62 =	vand.u32 $0xFFFF, v3;
	[tilespmem:$0x4F20] =	vst v61  }
0x36: {  	v63 =	vand.u32 $0xFFFF, v4;
	[tilespmem:$0x4F30] =	vst v62  }
0x37: {  	s4 =	simm.s32 $0x0;
	s2 =	simm.s32 $0x50;
	s0 =	simm.s32 $0x0;
	[tilespmem:$0x4F40] =	vst v63  }
0x38: {  	[tilespmem:s20], [sflag:$0x1] =	stream.indirect.gather [hbm4b:s1+s21], $0x80, s19, s21, $0xb8;
	[tilespmem:$0x1D980] =	vst v63  }
.LBB2_2:
0x39: {  	s5 =	smul.u32 $0xA0, s4;
	_ =	sdelay $0x1  }
0x3a: {  	v0 =	vld [tilespmem:s5+$0x50];
	_ =	sdelay $0x4  }
0x3b: {  	v0 =	vand.u32 $0xFFFF, v0  }
0x3c: {  	[tilespmem:$0x4F80] =	vst v0  }
0x3d: {  	v0 =	vld [tilespmem:s5+$0x60];
	_ =	sdelay $0x4  }
0x3e: {  	v0 =	vand.u32 $0xFFFF, v0  }
0x3f: {  	[tilespmem:$0x4F90] =	vst v0  }
0x40: {  	v0 =	vld [tilespmem:s5+$0x70];
	_ =	sdelay $0x4  }
0x41: {  	v0 =	vand.u32 $0xFFFF, v0  }
0x42: {  	s6 =	sand.u32 $0x3FE0, s5;
	[tilespmem:$0x4FA0] =	vst v0  }
0x43: {  	v0 =	vld [tilespmem:s6+$0x80];
	_ =	sdelay $0x4  }
0x44: {  	v0 =	vand.u32 $0xFFFF, v0  }
0x45: {  	[tilespmem:$0x4FB0] =	vst v0  }
0x46: {  	v0 =	vld [tilespmem:s5+$0x90];
	_ =	sdelay $0x4  }
0x47: {  	p1 =	seq.s32 s4, $0x0;
	v0 =	vand.u32 $0xFFFF, v0  }
0x48: {  	s7 =	simm.s32 @!p1 $0x4;
	[tilespmem:$0x4FC0] =	vst v0  }
0x49: {  	_ =	swait.ge @!p1 [sflag:s7], $0x2800  }
0x4a: {  	[sflag:s7] =	ssyncset.done @!p1 $0x0  }
0x4b: {  	[sflag:s7] =	ssyncadd.s32 @!p1 $0xFFFFD800  }
0x4c: {  	[tilespmem:s23], [sflag:$0x2] =	stream.indirect.gather [hbm4b:s1+s21], $0x80, s22, s21, $0xb8;
	[tilespmem:$0x1D980] =	vst v63  }
0x4d: {  	s10 =	sadd.s32 $0x0, s0;
	_ =	swait.ge [sflag:s24], $0x2800  }
0x4e: {  	v0 =	vmov s10;
	[sflag:s24] =	ssyncset.done $0x0  }
0x4f: {  	s7 =	simm.s32 $0x5140;
	[sflag:s24] =	ssyncadd.s32 $0xFFFFD800  }
0x50: {  	v4 =	vld [tilespmem:s7+$0x30]  }
0x51: {  	v7 =	vld [tilespmem:s7+$0x10]  }
0x52: {  	v5 =	vld [tilespmem:s7+$0xFFFFFFC0]  }
0x53: {  	v1 =	vld.idx.msk [tilespmem:v0+s18+$0x0], $0xffff  }
0x54: {  	v9 =	vld [tilespmem:s7+$0xFFFFFFE0]  }
0x55: {  	v0 =	vld [tilespmem:s7+$0xFFFFFFF0]  }
0x56: {  	v2 =	vld [tilespmem:s7+$0x20]  }
0x57: {  	v3 =	vld [tilespmem:s7+$0xFFFFFFD0]  }
0x58: {  	v8 =	vmul.f32 v4, v1;
	v4 =	vld [tilespmem:s7+$0x0]  }
0x59: {  	v6 =	vmul.f32 v5, v1  }
0x5a: {  	s8 =	simm.s32 $0x1;
	s9 =	simm.s32 $0x5140;
	v5 =	vmul.f32 v9, v1;
	v7 =	vmul.f32 v7, v1  }
.LBB2_3:
0x5b: {  	p1 =	sne.s32 s8, $0x4F  }
0x5c: {  	v3 =	vmul.f32 v3, v1;
	v2 =	vmul.f32 v2, v1;
	[tilespmem:s7+$0x30] =	vst v8;
	s9 =	sadd.s32 $0x80, s9;
	s10 =	smov.u32 s8;
	s8 =	sadd.s32 $0x1, s8  }
0x5d: {  	[tilespmem:s7+$0xFFFFFFC0] =	vst v6;
	v6 =	vmul.f32 v0, v1;
	v1 =	vmul.f32 v4, v1  }
0x5e: {  	s10 =	sadd.s32 s10, s0;
	[tilespmem:s7+$0x10] =	vst v7  }
0x5f: {  	v4 =	vmov s10;
	[tilespmem:s7+$0xFFFFFFE0] =	vst v5  }
0x60: {  	v0 =	vld [tilespmem:s9+$0xFFFFFFF0];
	[tilespmem:s7+$0xFFFFFFF0] =	vst v6  }
0x61: {  	v5 =	vld [tilespmem:s9+$0x30];
	[tilespmem:s7+$0x0] =	vst v1  }
0x62: {  	v7 =	vld [tilespmem:s9+$0x10];
	[tilespmem:s7+$0x20] =	vst v2  }
0x63: {  	v6 =	vld [tilespmem:s9+$0xFFFFFFC0];
	[tilespmem:s7+$0xFFFFFFD0] =	vst v3;
	s7 =	smov.u32 s9  }
0x64: {  	v1 =	vld.idx.msk [tilespmem:v4+s18+$0x0], $0xffff  }
0x65: {  	v9 =	vld [tilespmem:s9+$0xFFFFFFE0]  }
0x66: {  	v2 =	vld [tilespmem:s9+$0x20]  }
.Ltmp0:
0x67: {  	v3 =	vld [tilespmem:s9+$0xFFFFFFD0];
	(pc) =	sbr.rel @p1 .LBB2_3-.Ltmp0, $3  }
0x68: {  	v4 =	vld [tilespmem:s9+$0x0];
	_ =	sdelay $0x1  }
0x69: {  	v6 =	vmul.f32 v6, v1;
	v8 =	vmul.f32 v5, v1  }
0x6a: {  	v7 =	vmul.f32 v7, v1;
	v5 =	vmul.f32 v9, v1  }
0x6b: {  	[tilespmem:s7+$0x30] =	vst v8  }
0x6c: {  	[tilespmem:s7+$0xFFFFFFC0] =	vst v6  }
0x6d: {  	v0 =	vmul.f32 v0, v1;
	[tilespmem:s7+$0x10] =	vst v7  }
0x6e: {  	v2 =	vmul.f32 v2, v1;
	[tilespmem:s7+$0xFFFFFFE0] =	vst v5  }
0x6f: {  	v4 =	vmul.f32 v4, v1;
	[tilespmem:s7+$0xFFFFFFF0] =	vst v0  }
0x70: {  	v0 =	vmul.f32 v3, v1;
	[tilespmem:s7+$0x20] =	vst v2  }
0x71: {  	[tilespmem:s7+$0x0] =	vst v4  }
0x72: {  	[tilespmem:s7+$0xFFFFFFD0] =	vst v0  }
0x73: {  	v0 =	vld [tilespmem:s5+$0x0];
	_ =	sdelay $0x4  }
0x74: {  	v0 =	vshrl.u32 v0, $0x10  }
0x75: {  	[tilespmem:$0x5000] =	vst v0  }
0x76: {  	v0 =	vld [tilespmem:s5+$0x10];
	_ =	sdelay $0x4  }
0x77: {  	v0 =	vshrl.u32 v0, $0x10  }
0x78: {  	[tilespmem:$0x5010] =	vst v0  }
0x79: {  	v0 =	vld [tilespmem:s5+$0x20];
	_ =	sdelay $0x4  }
0x7a: {  	v0 =	vshrl.u32 v0, $0x10  }
0x7b: {  	[tilespmem:$0x5020] =	vst v0  }
0x7c: {  	v0 =	vld [tilespmem:s5+$0x30];
	_ =	sdelay $0x4  }
0x7d: {  	v0 =	vshrl.u32 v0, $0x10  }
0x7e: {  	[tilespmem:$0x5030] =	vst v0  }
0x7f: {  	v0 =	vld [tilespmem:s5+$0x40];
	_ =	sdelay $0x4  }
0x80: {  	v0 =	vshrl.u32 v0, $0x10  }
0x81: {  	[tilespmem:$0x5040] =	vst v0  }
0x82: {  	[spmem:s3] =	stream.indirect.scatter.add.f32 [tilespmem:s20], [sflag:$0x3], $0x80, s25, s21, $0xb8;
	[tilespmem:$0x1D980] =	vst v63  }
0x83: {  	v0 =	vld [tilespmem:s5+$0xA0];
	_ =	sdelay $0x4  }
0x84: {  	v0 =	vand.u32 $0xFFFF, v0  }
0x85: {  	[tilespmem:$0x4F00] =	vst v0  }
0x86: {  	v0 =	vld [tilespmem:s5+$0xB0];
	_ =	sdelay $0x4  }
0x87: {  	v0 =	vand.u32 $0xFFFF, v0  }
0x88: {  	[tilespmem:$0x4F10] =	vst v0  }
0x89: {  	v0 =	vld [tilespmem:s5+$0xC0];
	_ =	sdelay $0x4  }
0x8a: {  	v0 =	vand.u32 $0xFFFF, v0  }
0x8b: {  	[tilespmem:$0x4F20] =	vst v0  }
0x8c: {  	v0 =	vld [tilespmem:s5+$0xD0];
	_ =	sdelay $0x4  }
0x8d: {  	v0 =	vand.u32 $0xFFFF, v0  }
0x8e: {  	[tilespmem:$0x4F30] =	vst v0  }
0x8f: {  	v0 =	vld [tilespmem:s5+$0xE0];
	_ =	sdelay $0x4  }
0x90: {  	v0 =	vand.u32 $0xFFFF, v0  }
0x91: {  	[tilespmem:$0x4F40] =	vst v0  }
0x92: {  	_ =	swait.ge [sflag:s26], $0x2800  }
0x93: {  	[sflag:s26] =	ssyncset.done $0x0  }
0x94: {  	s10 =	sadd.s32 $0x0, s2;
	[sflag:s26] =	ssyncadd.s32 $0xFFFFD800  }
0x95: {  	[tilespmem:s20], [sflag:$0x1] =	stream.indirect.gather [hbm4b:s1+s21], $0x80, s19, s21, $0xb8;
	[tilespmem:$0x1D980] =	vst v63  }
0x96: {  	v0 =	vmov s10;
	_ =	swait.ge [sflag:s28], $0x2800  }
0x97: {  	[sflag:s28] =	ssyncset.done $0x0  }
0x98: {  	s7 =	simm.s32 $0x7970;
	[sflag:s28] =	ssyncadd.s32 $0xFFFFD800  }
0x99: {  	v4 =	vld [tilespmem:s7+$0x0]  }
0x9a: {  	v7 =	vld [tilespmem:s7+$0xFFFFFFE0]  }
0x9b: {  	v0 =	vld.idx.msk [tilespmem:v0+s18+$0x0], $0xffff  }
0x9c: {  	v5 =	vld [tilespmem:s7+$0xFFFFFF90]  }
0x9d: {  	v9 =	vld [tilespmem:s7+$0xFFFFFFB0]  }
0x9e: {  	v1 =	vld [tilespmem:s7+$0xFFFFFFF0]  }
0x9f: {  	v2 =	vld [tilespmem:s7+$0xFFFFFFC0]  }
0xa0: {  	v3 =	vld [tilespmem:s7+$0xFFFFFFA0]  }
0xa1: {  	v8 =	vmul.f32 v4, v0;
	v4 =	vld [tilespmem:s7+$0xFFFFFFD0]  }
0xa2: {  	v6 =	vmul.f32 v5, v0  }
0xa3: {  	s8 =	simm.s32 $0x1;
	s9 =	simm.s32 $0x7970;
	v5 =	vmul.f32 v9, v0;
	v7 =	vmul.f32 v7, v0  }
.LBB2_5:
0xa4: {  	p1 =	sne.s32 s8, $0x4F  }
0xa5: {  	v3 =	vmul.f32 v3, v0;
	v9 =	vmul.f32 v1, v0;
	[tilespmem:s7+$0x0] =	vst v8;
	s9 =	sadd.s32 $0x80, s9;
	s10 =	smov.u32 s8;
	s8 =	sadd.s32 $0x1, s8  }
0xa6: {  	v2 =	vmul.f32 v2, v0;
	[tilespmem:s7+$0xFFFFFF90] =	vst v6;
	v0 =	vmul.f32 v4, v0  }
0xa7: {  	s10 =	sadd.s32 s10, s2;
	[tilespmem:s7+$0xFFFFFFE0] =	vst v7  }
0xa8: {  	v4 =	vmov s10;
	[tilespmem:s7+$0xFFFFFFB0] =	vst v5  }
0xa9: {  	v1 =	vld [tilespmem:s9+$0xFFFFFFF0];
	[tilespmem:s7+$0xFFFFFFC0] =	vst v2  }
0xaa: {  	v5 =	vld [tilespmem:s9+$0x0];
	[tilespmem:s7+$0xFFFFFFD0] =	vst v0  }
0xab: {  	v2 =	vld [tilespmem:s9+$0xFFFFFFC0];
	[tilespmem:s7+$0xFFFFFFF0] =	vst v9  }
0xac: {  	v7 =	vld [tilespmem:s9+$0xFFFFFFE0];
	[tilespmem:s7+$0xFFFFFFA0] =	vst v3;
	s7 =	smov.u32 s9  }
0xad: {  	v0 =	vld.idx.msk [tilespmem:v4+s18+$0x0], $0xffff  }
0xae: {  	v6 =	vld [tilespmem:s9+$0xFFFFFF90]  }
0xaf: {  	v9 =	vld [tilespmem:s9+$0xFFFFFFB0]  }
.Ltmp1:
0xb0: {  	v3 =	vld [tilespmem:s9+$0xFFFFFFA0];
	(pc) =	sbr.rel @p1 .LBB2_5-.Ltmp1, $3  }
0xb1: {  	v4 =	vld [tilespmem:s9+$0xFFFFFFD0];
	_ =	sdelay $0x1  }
0xb2: {  	v8 =	vmul.f32 v5, v0;
	v6 =	vmul.f32 v6, v0  }
0xb3: {  	v7 =	vmul.f32 v7, v0;
	v5 =	vmul.f32 v9, v0  }
0xb4: {  	[tilespmem:s7+$0x0] =	vst v8  }
0xb5: {  	[tilespmem:s7+$0xFFFFFF90] =	vst v6  }
0xb6: {  	v2 =	vmul.f32 v2, v0;
	[tilespmem:s7+$0xFFFFFFE0] =	vst v7  }
0xb7: {  	v1 =	vmul.f32 v1, v0;
	[tilespmem:s7+$0xFFFFFFB0] =	vst v5  }
0xb8: {  	v63 =	vmul.f32 v3, v0;
	[tilespmem:s7+$0xFFFFFFC0] =	vst v2  }
0xb9: {  	v4 =	vmul.f32 v4, v0;
	[tilespmem:s7+$0xFFFFFFF0] =	vst v1  }
0xba: {  	[tilespmem:s7+$0xFFFFFFA0] =	vst v63  }
0xbb: {  	[tilespmem:s7+$0xFFFFFFD0] =	vst v4  }
0xbc: {  	v0 =	vld [tilespmem:s5+$0x50];
	_ =	sdelay $0x4  }
0xbd: {  	v0 =	vshrl.u32 v0, $0x10  }
0xbe: {  	[tilespmem:$0x5080] =	vst v0  }
0xbf: {  	v0 =	vld [tilespmem:s5+$0x60];
	_ =	sdelay $0x4  }
0xc0: {  	v0 =	vshrl.u32 v0, $0x10  }
0xc1: {  	[tilespmem:$0x5090] =	vst v0  }
0xc2: {  	v0 =	vld [tilespmem:s5+$0x70];
	_ =	sdelay $0x4  }
0xc3: {  	v0 =	vshrl.u32 v0, $0x10  }
0xc4: {  	[tilespmem:$0x50A0] =	vst v0  }
0xc5: {  	v0 =	vld [tilespmem:s6+$0x80];
	_ =	sdelay $0x4  }
0xc6: {  	v0 =	vshrl.u32 v0, $0x10  }
0xc7: {  	[tilespmem:$0x50B0] =	vst v0  }
0xc8: {  	v0 =	vld [tilespmem:s5+$0x90]  }
0xc9: {  	s4 =	sadd.s32 $0x1, s4  }
0xca: {  	p1 =	sne.s32 s4, $0x3E  }
.Ltmp2:
0xcb: {  	_ = 	snop;
	(pc) =	sbr.rel @p1 .LBB2_2-.Ltmp2, $4  }
0xcc: {  	_ = 	snop  }
0xcd: {  	v0 =	vshrl.u32 v0, $0x10  }
0xce: {  	s0 =	sadd.s32 $0xA0, s0;
	s2 =	sadd.s32 $0xA0, s2;
	[tilespmem:$0x50C0] =	vst v0  }
0xcf: {  	[spmem:s3] =	stream.indirect.scatter.add.f32 [tilespmem:s23], [sflag:$0x4], $0x80, s29, s21, $0xb8;
	[tilespmem:$0x1D980] =	vst v63  }
0xd0: {  	_ =	swait.ge [sflag:s24], $0x2800;
	s0 =	simm.s32 $0x26C0  }
0xd1: {  	[sflag:s24] =	ssyncset.done $0x0;
	v0 =	vmov s0  }
0xd2: {  	s0 =	simm.s32 $0x5140;
	[sflag:s24] =	ssyncadd.s32 $0xFFFFD800  }
0xd3: {  	v4 =	vld [tilespmem:s0+$0x30]  }
0xd4: {  	v7 =	vld [tilespmem:s0+$0x10]  }
0xd5: {  	v5 =	vld [tilespmem:s0+$0xFFFFFFC0]  }
0xd6: {  	v1 =	vld.idx.msk [tilespmem:v0+s18+$0x0], $0xffff  }
0xd7: {  	v9 =	vld [tilespmem:s0+$0xFFFFFFE0]  }
0xd8: {  	v2 =	vld [tilespmem:s0+$0x20]  }
0xd9: {  	v3 =	vld [tilespmem:s0+$0xFFFFFFD0]  }
0xda: {  	v0 =	vld [tilespmem:s0+$0xFFFFFFF0]  }
0xdb: {  	v8 =	vmul.f32 v4, v1;
	v4 =	vld [tilespmem:s0+$0x0]  }
0xdc: {  	v6 =	vmul.f32 v5, v1  }
0xdd: {  	s2 =	simm.s32 $0x26C1;
	s4 =	simm.s32 $0x5140;
	v5 =	vmul.f32 v9, v1;
	v7 =	vmul.f32 v7, v1  }
.LBB2_8:
0xde: {  	p1 =	sne.s32 s2, $0x270F  }
0xdf: {  	v3 =	vmul.f32 v3, v1;
	v2 =	vmul.f32 v2, v1;
	[tilespmem:s0+$0x30] =	vst v8;
	s4 =	sadd.s32 $0x80, s4;
	s5 =	smov.u32 s2;
	s2 =	sadd.s32 $0x1, s2  }
0xe0: {  	[tilespmem:s0+$0xFFFFFFC0] =	vst v6;
	v6 =	vmul.f32 v0, v1;
	v1 =	vmul.f32 v4, v1  }
0xe1: {  	[tilespmem:s0+$0x10] =	vst v7  }
0xe2: {  	v4 =	vmov s5;
	[tilespmem:s0+$0xFFFFFFE0] =	vst v5  }
0xe3: {  	v0 =	vld [tilespmem:s4+$0xFFFFFFF0];
	[tilespmem:s0+$0xFFFFFFF0] =	vst v6  }
0xe4: {  	v5 =	vld [tilespmem:s4+$0x30];
	[tilespmem:s0+$0x0] =	vst v1  }
0xe5: {  	v7 =	vld [tilespmem:s4+$0x10];
	[tilespmem:s0+$0x20] =	vst v2  }
0xe6: {  	v6 =	vld [tilespmem:s4+$0xFFFFFFC0];
	[tilespmem:s0+$0xFFFFFFD0] =	vst v3;
	s0 =	smov.u32 s4  }
0xe7: {  	v1 =	vld.idx.msk [tilespmem:v4+s18+$0x0], $0xffff  }
0xe8: {  	v9 =	vld [tilespmem:s4+$0xFFFFFFE0]  }
0xe9: {  	v2 =	vld [tilespmem:s4+$0x20]  }
.Ltmp3:
0xea: {  	v3 =	vld [tilespmem:s4+$0xFFFFFFD0];
	(pc) =	sbr.rel @p1 .LBB2_8-.Ltmp3, $3  }
0xeb: {  	v4 =	vld [tilespmem:s4+$0x0];
	_ =	sdelay $0x1  }
0xec: {  	v6 =	vmul.f32 v6, v1;
	v8 =	vmul.f32 v5, v1  }
0xed: {  	v7 =	vmul.f32 v7, v1;
	v5 =	vmul.f32 v9, v1  }
0xee: {  	[tilespmem:s0+$0x30] =	vst v8  }
0xef: {  	[tilespmem:s0+$0xFFFFFFC0] =	vst v6  }
0xf0: {  	v0 =	vmul.f32 v0, v1;
	[tilespmem:s0+$0x10] =	vst v7  }
0xf1: {  	v2 =	vmul.f32 v2, v1;
	[tilespmem:s0+$0xFFFFFFE0] =	vst v5  }
0xf2: {  	v57 =	vmul.f32 v3, v1;
	[tilespmem:s0+$0xFFFFFFF0] =	vst v0  }
0xf3: {  	v4 =	vmul.f32 v4, v1;
	[tilespmem:s0+$0x20] =	vst v2  }
0xf4: {  	[tilespmem:s0+$0xFFFFFFD0] =	vst v57  }
0xf5: {  	[tilespmem:s0+$0x0] =	vst v4  }
0xf6: {  	v0 =	vld [tilespmem:$0x26C0]  }
0xf7: {  	v58 =	vld [tilespmem:$0x26D0]  }
0xf8: {  	v2 =	vld [tilespmem:$0x26E0]  }
0xf9: {  	v59 =	vld [tilespmem:$0x26F0]  }
0xfa: {  	v4 =	vld [tilespmem:$0x2700]  }
0xfb: {  	v0 =	vshrl.u32 v0, $0x10  }
0xfc: {  	v60 =	vshrl.u32 v58, $0x10;
	[tilespmem:$0x5000] =	vst v0  }
0xfd: {  	v61 =	vshrl.u32 v2, $0x10;
	[tilespmem:$0x5010] =	vst v60  }
0xfe: {  	v62 =	vshrl.u32 v59, $0x10;
	[tilespmem:$0x5020] =	vst v61  }
0xff: {  	v63 =	vshrl.u32 v4, $0x10;
	[tilespmem:$0x5030] =	vst v62  }
0x100: {  	[tilespmem:$0x5040] =	vst v63  }
0x101: {  	_ =	swait.ge [sflag:s30], $0x2800  }
0x102: {  	[sflag:s30] =	ssyncset.done $0x0  }
0x103: {  	[sflag:s30] =	ssyncadd.s32 $0xFFFFD800  }
0x104: {  	[spmem:s3] =	stream.indirect.scatter.add.f32 [tilespmem:s20], [sflag:$0x5], $0x80, s25, s21, $0xb8;
	[tilespmem:$0x1D980] =	vst v63  }
0x105: {  	_ =	swait.ge [sflag:s17], $0x2800  }
0x106: {  	[sflag:s17] =	ssyncset.done $0x0  }
0x107: {  	[sflag:s17] =	ssyncadd.s32 $0xFFFFD800  }
0x108: {  	[bflag:$0x0] =	sbarrier.arrive $0xFFFF  }
0x109: {  	s0 =	simm.s32 @p0 $0x1FC5;
	s2 =	rddreg [dreg:$0x9]  }
0x10a: {  	[hbm:s2], [sflag:s0] =	dma.local @p0 [spmem:s12], $0x2800  }
0x10b: {  	s0 =	simm.s32 @p0 $0x5  }
0x10c: {  	_ =	swait.ge @p0 [sflag:s0], $0x2800  }
0x10d: {  	s31 =	sadd.s32 $0x1, s31;
	[sflag:s0] =	ssyncset.done @p0 $0x0  }
0x10e: {  	p1 =	sne.s32 s31, s11;
	[sflag:s0] =	ssyncadd.s32 @p0 $0xFFFFD800;
	s0 =	rddreg [dreg:$0x8]  }
0x10f: {  	[hbm:s0], [sflag:s13] =	dma.local @!p0 [spmem:s14], $0x2700  }
.Ltmp4:
0x110: {  	_ = 	snop;
	(pc) =	sbr.rel @p1 .LBB2_1-.Ltmp4, $4  }
0x111: {  	s0 =	simm.s32 @!p0 $0x5  }
0x112: {  	_ =	swait.ge @!p0 [sflag:s0], $0x2700  }
0x113: {  	[sflag:s0] =	ssyncset.done @!p0 $0x0  }
0x114: {  	[sflag:s0] =	ssyncadd.s32 @!p0 $0xFFFFD900  }
0x115: {  	_ =	sfence.sel $0x180000  }
0x116: {  	[bflag:$0x0] =	sbarrier.arrive $0xFFFF  }
0x117: {  	_ =	strace $0x9000004D  }
0x118: {  	s0 =	stileid.u32;
	[bflag:$0x2] =	sbarrier.arrive $0xFFFF  }
0x119: {  	p0 =	sne.s32 s0, $0x0;
	s0 =	rddreg [dreg:$0x3]  }
0x11a: {  	s0 =	sadd.s32 @!p0 $0x100000, s0  }
0x11b: {  	[sflag:s0] =	ssyncadd.tile.s32 @!p0 $0x1;
	_ =	shalt  }
.Lfunc_end2:
_tile_overlayer_lowered:
.L_overlay_start_2:
0x11c: {  	(tag) =	ssettag $0x2  }
0x11d: {  	s0 =	rddreg [dreg:$0x0];
	s2 =	stileid.u32  }
0x11e: {  	s1 =	rddreg [dreg:$0x1];
	p0 =	sne.s32 s2, $0x0  }
0x11f: {  	s3 =	rddreg [dreg:$0x2];
	[bflag:$0x3] =	sbarrier.arrive $0xFFFF;
	s2 =	simm.s32 @!p0 $0x1C05  }
0x120: {  	[timem:s3], [sflag:s2] =	dma.local @!p0 [hbm:s0], s1  }
0x121: {  	s0 =	simm.s32 @!p0 $0x5  }
0x122: {  	_ =	swait.ge @!p0 [sflag:s0], s1  }
0x123: {  	s1 =	ssub.s32 @!p0 $0x0, s1;
	[sflag:s0] =	ssyncset.done @!p0 $0x0  }
0x124: {  	[sflag:s0] =	ssyncadd.s32 @!p0 s1  }
0x125: {  	[bflag:$0x3] =	sbarrier.arrive $0xFFFF  }
0x126: {  	_ =	shalt  }

// kernel: kernel.19.cloned.1.call-start
scs
__scs_entry_jumppad:
0x0: {  	(pc) =	sbr.rel $0x88, $3  }
0x1: {  	(tag) =	ssettag $0x0;
	lr =	simm.s32 $0x1  }
0x2: {  	[smem:$0x3F9C] =	sst lr;
	_ =	strace $0xD0000000  }
0x3: {  	_ = 	snop  }
0x4: {  	_ = 	snop  }
0x5: {  	_ = 	snop  }
0x6: {  	_ = 	snop  }
0x7: {  	_ = 	snop  }
__scs_overlays_trampoline_lowered:
0x8: {  	[smem:$0x3FAB] =	sst s0  }
0x9: {  	[smem:$0x3FAC] =	sst s1  }
0xa: {  	[smem:$0x3FAD] =	sst s2  }
0xb: {  	[smem:$0x3FAE] =	sst s3  }
0xc: {  	[smem:$0x3FAF] =	sst s4  }
0xd: {  	[smem:$0x3FB0] =	sst s5  }
0xe: {  	[smem:$0x3FB1] =	sst s6  }
0xf: {  	[smem:$0x3FB2] =	sst s7  }
0x10: {  	[smem:$0x3FB3] =	sst s8  }
0x11: {  	[smem:$0x3FB4] =	sst s9;
	s0 =	simm.s32 @!p0 $0x0  }
0x12: {  	s1 =	sld [smem:$0x3F9A];
	s0 =	simm.s32 @p0 $0x1  }
0x13: {  	[smem:$0x3FB5] =	sst s0;
	s0 =	simm.s32 @!p1 $0x0  }
0x14: {  	s2 =	sld [smem:$0x3F99];
	s0 =	simm.s32 @p1 $0x1  }
0x15: {  	[smem:$0x3FB6] =	sst s0;
	s0 =	simm.s32 @!p2 $0x0  }
0x16: {  	s3 =	sld [smem:$0x3FDB];
	s0 =	simm.s32 @p2 $0x1  }
0x17: {  	s4 =	simm.s32 $0x1BF5;
	[smem:$0x3FB8] =	sst s0  }
0x18: {  	s0 =	sld [smem:$0x3F9B];
	_ =	swait.ge [sflag:s4], $0x0  }
0x19: {  	s7 =	sld [smem:$0x3F9C]  }
0x1a: {  	s8 =	sadd.s32 $0xFFFFE003, lr  }
0x1b: {  	s9 =	sadd.s32 $0xFFFFFEF7, lr;
	s5 =	simm.s32 $0xFFFFFFFF;
	p2 =	slt.u32 s8, $0xFFFFF086  }
0x1c: {  	p1 =	slt.u32 s9, $0xF7A;
	s5 =	simm.s32 @!p2 $0x0  }
0x1d: {  	s5 =	simm.s32 @p1 $0x1;
	p0 =	seq.s32 s7, s2  }
0x1e: {  	s7 =	smul.u32 @!p0 $0xF7A, s2;
	p2 =	seq.s32 @!p0 s5, $0x0  }
0x1f: {  	s9 =	smul.u32 $0xF7A, s1;
	s8 =	simm.s32 @!p0 $0x1BF5;
	p2 =	por !p2, p0  }
0x20: {  	[sflag:s8] =	ssyncset.s32 @!p0 $0xFFFFF086;
	s6 =	sadd.s32 @!p0 s3, s7;
	s7 =	simm.s32 @!p0 $0x108  }
0x21: {  	s3 =	sadd.s32 s3, s9;
	s6 =	sadd.s32 @!p0 $0x88, s6;
	s7 =	simm.s32 @p2 $0x1082  }
0x22: {  	[simem:s7], [sflag:s8] =	dma.local @!p0 [hbm:s6], $0xF7A  }
0x23: {  	s9 =	sor.u32 $0xD0000000, s2;
	s6 =	simm.s32 $0x108;
	_ =	swait.ge @!p0 [sflag:s8], $0x0  }
0x24: {  	s3 =	sadd.s32 $0x88, s3;
	s6 =	simm.s32 @!p1 $0x1082;
	[sflag:s4] =	ssyncset.s32 $0xFFFFF086  }
0x25: {  	[simem:s6], [sflag:s4] =	dma.local [hbm:s3], $0xF7A  }
0x26: {  	[smem:$0x3F9C] =	sst s1;
	(tag) =	ssettag s2;
	_ =	strace s9  }
0x27: {  	s1 =	sld [smem:$0x3FAC]  }
0x28: {  	s2 =	sld [smem:$0x3FAD]  }
0x29: {  	s4 =	sld [smem:$0x3FAF]  }
0x2a: {  	p0 =	seq.s32 s5, $0x0;
	s5 =	sld [smem:$0x3FB0]  }
0x2b: {  	s6 =	sld [smem:$0x3FB1]  }
0x2c: {  	s7 =	sld [smem:$0x3FB2]  }
0x2d: {  	s3 =	simm.s32 $0x108;
	s8 =	sld [smem:$0x3FB3]  }
0x2e: {  	s3 =	simm.s32 @!p0 $0x1082;
	s9 =	sld [smem:$0x3FB4]  }
0x2f: {  	lr =	sadd.s32 s0, s3;
	s0 =	sld [smem:$0x3FAB]  }
0x30: {  	s3 =	sld [smem:$0x3FAE]  }
0x31: {  	[smem:$0x3FB7] =	sst s10  }
0x32: {  	s10 =	sld [smem:$0x3FB5];
	_ =	sdelay $0x3  }
0x33: {  	p0 =	seq.s32 s10, $0x1;
	s10 =	sld [smem:$0x3FB7];
	_ =	sdelay $0x3  }
0x34: {  	[smem:$0x3FB7] =	sst s10  }
0x35: {  	s10 =	sld [smem:$0x3FB6];
	_ =	sdelay $0x3  }
0x36: {  	p1 =	seq.s32 s10, $0x1;
	s10 =	sld [smem:$0x3FB7];
	_ =	sdelay $0x3  }
0x37: {  	[smem:$0x3FB7] =	sst s10  }
0x38: {  	s10 =	sld [smem:$0x3FB8]  }
0x39: {  	_ = 	snop;
	(pc) =	sbr.ind lr, $3  }
0x3a: {  	_ = 	snop  }
0x3b: {  	_ = 	snop  }
0x3c: {  	p2 =	seq.s32 s10, $0x1;
	s10 =	sld [smem:$0x3FB7]  }
0x3d: {  	_ =	shalt  }
0x3e: {  	_ =	shalt  }
0x3f: {  	_ =	shalt  }
0x40: {  	_ =	shalt  }
0x41: {  	_ =	shalt  }
0x42: {  	_ =	shalt  }
0x43: {  	_ =	shalt  }
0x44: {  	_ =	shalt  }
0x45: {  	_ =	shalt  }
0x46: {  	_ =	shalt  }
0x47: {  	_ =	shalt  }
0x48: {  	_ =	shalt  }
0x49: {  	_ =	shalt  }
0x4a: {  	_ =	shalt  }
0x4b: {  	_ =	shalt  }
0x4c: {  	_ =	shalt  }
0x4d: {  	_ =	shalt  }
0x4e: {  	_ =	shalt  }
0x4f: {  	_ =	shalt  }
0x50: {  	_ =	shalt  }
0x51: {  	_ =	shalt  }
0x52: {  	_ =	shalt  }
0x53: {  	_ =	shalt  }
0x54: {  	_ =	shalt  }
0x55: {  	_ =	shalt  }
0x56: {  	_ =	shalt  }
0x57: {  	_ =	shalt  }
0x58: {  	_ =	shalt  }
0x59: {  	_ =	shalt  }
0x5a: {  	_ =	shalt  }
0x5b: {  	_ =	shalt  }
0x5c: {  	_ =	shalt  }
0x5d: {  	_ =	shalt  }
0x5e: {  	_ =	shalt  }
0x5f: {  	_ =	shalt  }
0x60: {  	_ =	shalt  }
0x61: {  	_ =	shalt  }
0x62: {  	_ =	shalt  }
0x63: {  	_ =	shalt  }
0x64: {  	_ =	shalt  }
0x65: {  	_ =	shalt  }
0x66: {  	_ =	shalt  }
0x67: {  	_ =	shalt  }
0x68: {  	_ =	shalt  }
0x69: {  	_ =	shalt  }
0x6a: {  	_ =	shalt  }
0x6b: {  	_ =	shalt  }
0x6c: {  	_ =	shalt  }
0x6d: {  	_ =	shalt  }
0x6e: {  	_ =	shalt  }
0x6f: {  	_ =	shalt  }
0x70: {  	_ =	shalt  }
0x71: {  	_ =	shalt  }
0x72: {  	_ =	shalt  }
0x73: {  	_ =	shalt  }
0x74: {  	_ =	shalt  }
0x75: {  	_ =	shalt  }
0x76: {  	_ =	shalt  }
0x77: {  	_ =	shalt  }
0x78: {  	_ =	shalt  }
0x79: {  	_ =	shalt  }
0x7a: {  	_ =	shalt  }
0x7b: {  	_ =	shalt  }
0x7c: {  	_ =	shalt  }
0x7d: {  	_ =	shalt  }
0x7e: {  	_ =	shalt  }
0x7f: {  	_ =	shalt  }
0x80: {  	_ =	shalt  }
0x81: {  	_ =	shalt  }
0x82: {  	_ =	shalt  }
0x83: {  	_ =	shalt  }
0x84: {  	_ =	shalt  }
0x85: {  	_ =	shalt  }
0x86: {  	_ =	shalt  }
0x87: {  	_ =	shalt  }
.Lfunc_end0:
.L_simem_size_0:
called_computation.3_lowered:
.L_overlay_start_0:
0x88: {  	s2 =	sld [smem:$0x3FD9]  }
0x89: {  	s3 =	sld [smem:$0x3FFE];
	_ =	sdelay $0x1  }
0x8a: {  	s1 =	srdreg.scid  }
0x8b: {  	s0 =	sand.u32 $0x1, s1  }
0x8c: {  	s17 =	sshll.u32 s0, $0xA;
	s2 =	sadd.s32 s3, s2  }
0x8d: {  	s2 =	sadd.s32 s2, s17  }
0x8e: {  	[smem:$0x3FC3] =	sst s2  }
0x8f: {  	_ = 	snop  }
0x90: {  	s2 =	sld [smem:$0x3FD0];
	(tm) =	ssettm $0x1  }
0x91: {  	s18 =	sld [smem:$0x3FFB];
	_ =	sdelay $0x3  }
0x92: {  	_ =	strace s18  }
0x93: {  	s3 =	sld [smem:$0x3FFC];
	_ =	sdelay $0x3  }
0x94: {  	_ =	strace s3  }
0x95: {  	s3 =	sld [smem:$0x3FFD];
	_ =	sdelay $0x3  }
0x96: {  	_ =	strace s3  }
0x97: {  	_ =	strace $0x8FFFFFFF  }
0x98: {  	s19 =	sld [smem:$0x3FDB];
	_ =	sdelay $0x1  }
0x99: {  	s4 =	simm.s32 $_scs_section_size  }
0x9a: {  	s5 =	simm.s32 $_size__tile_overlayer_lowered;
	s6 =	simm.s32 $_tile_overlayer_lowered  }
0x9b: {  	s22 =	simm.s32 $0x1BFF;
	s21 =	sshll.u32 s6, $0x1;
	s3 =	sadd.s32 s4, s19  }
0x9c: {  	s7 =	simm.s32 $0x0;
	s20 =	sshll.u32 s5, $0x1;
	s5 =	sadd.s32 s21, s3  }
0x9d: {  	[timem:s7], [sflag:s22] =	dma.local [hbm:s5], s20  }
0x9e: {  	_ =	swait.ge [sflag:s22], s20  }
0x9f: {  	s4 =	ssub.s32 $0x0, s20;
	[sflag:s22] =	ssyncset.done $0x0  }
0xa0: {  	[sflag:s22] =	ssyncadd.s32 s4;
	_ =	sdelay $0x1  }
0xa1: {  	s23 =	simm.s32 $0x1B8B  }
0xa2: {  	_ =	swait.ge [sflag:s23], $0x1  }
0xa3: {  	[sflag:s23] =	ssyncset.done $0x0  }
0xa4: {  	s25 =	simm.s32 $0x1B8E;
	s24 =	sld [smem:$0x3FFE];
	[sflag:s23] =	ssyncadd.s32 $0xFFFFFFFF  }
0xa5: {  	s26 =	simm.s32 $execute0_lowered;
	[smem:$0x3FD2] =	sst s25  }
0xa6: {  	s5 =	sshll.u32 s26, $0x1;
	_ =	strace $0x8000004F;
	[dreg:$0x1] =	wrdreg $0xFFFFFFFF  }
0xa7: {  	s28 =	simm.s32 $_size_execute0_lowered;
	s3 =	sadd.s32 s3, s5;
	[dreg:$0x0] =	wrdreg $0x0  }
0xa8: {  	s5 =	sshll.u32 s28, $0x1;
	[dreg:$0x2] =	wrdreg s3  }
0xa9: {  	[dreg:$0x3] =	wrdreg s5  }
0xaa: {  	[dreg:$0x4] =	wrdreg $0xC0  }
0xab: {  	_ =	task [dreg:s7], $0x5FFFF  }
0xac: {  	[dreg:$0x1] =	wrdreg $0xFFFFFFFF  }
0xad: {  	[dreg:$0x0] =	wrdreg $0x60  }
0xae: {  	[dreg:$0x2] =	wrdreg s2  }
0xaf: {  	[dreg:$0x3] =	wrdreg s24  }
0xb0: {  	[dreg:$0x4] =	wrdreg $0xA1000  }
0xb1: {  	[dreg:$0x5] =	wrdreg $0x9  }
0xb2: {  	_ =	task.clear_ibuf [dreg:s7], $0x6FFFF;
	_ =	strace $0x9000004F  }
0xb3: {  	s29 =	simm.s32 $0x9;
	_ =	strace $0x80000051  }
0xb4: {  	_ =	swait.ge [sflag:s29], $0x1  }
0xb5: {  	[sflag:s29] =	ssyncadd.s32 $0xFFFFFFFF  }
0xb6: {  	_ =	strace $0x90000051  }
0xb7: {  	_ =	sfence  }
0xb8: {  	s30 =	sld [smem:$0x0];
	_ =	sdelay $0x2  }
0xb9: {  	s31 =	sshll.u32 s1, $0xD;
	s1 =	sshrl.u32 s1, $0x2  }
0xba: {  	s3 =	sand.u32 $0x4000, s31;
	s1 =	sadd.s32 s1, s30  }
0xbb: {  	s0 =	sor.u32 s3, s0;
	s1 =	sshll.u32 s1, $0x11  }
0xbc: {  	s0 =	sor.u32 s1, s0  }
0xbd: {  	s0 =	sadd.s32 $0x8F2B, s0  }
0xbe: {  	[sflag:s0] =	ssyncadd.remote.s32 $0x1  }
0xbf: {  	_ =	sfence.sel $0xFFFF  }
0xc0: {  	[dreg:$0x0] =	wrdreg $0xFFFFFFFF;
	(pc) =	sbr.abs _section_cstart, $3  }
0xc1: {  	[dreg:$0x1] =	wrdreg $0xFFFFFFFF  }
0xc2: {  	_ =	task.clear_ibuf [dreg:s7], $0x2FFFF;
	_ =	strace $0x9FFFFFFF  }
0xc3: {  	(tm) =	ssettm $0x7FFFFFFF  }
tec
execute0_lowered:
.L_overlay_start_1:
0x0: {  	(tag) =	ssettag $0x1  }
0x1: {  	s1 =	rddreg [dreg:$0x0]  }
0x2: {  	s0 =	rddreg [dreg:$0x1]  }
0x3: {  	s2 =	srdreg.scid;
	s10 =	stileid.u32;
	s20 =	simm.s32 $0x0  }
0x4: {  	s15 =	simm.s32 $0x80;
	s16 =	simm.s32 $0x400;
	s17 =	simm.s32 $0x5  }
0x5: {  	s18 =	simm.s32 $0x2780;
	s19 =	simm.s32 $0x4F00;
	s28 =	simm.s32 $0x2  }
0x6: {  	s29 =	simm.s32 $0x5080;
	s30 =	simm.s32 $0x4;
	s31 =	simm.s32 $0x0  }
0x7: {  	s2 =	sand.u32 $0x1, s2;
	s3 =	sshrl.u32 s10, $0x2;
	s21 =	smul.u32 $0x2700, s10  }
0x8: {  	s4 =	sshll.u32 s10, $0x8;
	[smem:$0x7FF] =	sst s20;
	s22 =	smul.u32 $0x4E000, s10  }
0x9: {  	s7 =	sadd.s32 $0x3D000, s0;
	s23 =	smul.u32 $0x13800, s10;
	p0 =	seq.s32 s10, $0xF  }
0xa: {  	s20 =	simm.s32 $0x5100;
	s5 =	smul.u32 $0x13C00, s3;
	s6 =	sshll.u32 s2, $0x7  }
0xb: {  	s4 =	sand.u32 $0x300, s4;
	s3 =	rddreg [dreg:$0x2];
	_ =	strace $0x80000050  }
0xc: {  	s8 =	ssub.s32 $0x2, s2;
	s2 =	smul.u32 $0x138800, s2;
	s4 =	sor.u32 s6, s4  }
0xd: {  	s9 =	sshrl.u32 s8, $0x1;
	s6 =	sshrl.u32 s22, $0x2;
	s22 =	simm.s32 $0x4F80  }
0xe: {  	s4 =	sor.u32 s5, s4;
	s5 =	sadd.s32 s21, s0;
	s8 =	ssub.s32 s8, s9  }
0xf: {  	s6 =	sadd.s32 s6, s3;
	s25 =	sadd.s32 s23, s2;
	s2 =	sshrl.u32 s2, $0x3  }
0x10: {  	s21 =	simm.s32 $0x50;
	s23 =	simm.s32 $0x7900;
	s4 =	sshrl.u32 s4, $0x3  }
0x11: {  	s5 =	sadd.s32 $0x15E00, s5;
	s2 =	sadd.s32 s7, s2;
	s11 =	smax.u32 s8, $0x1  }
0x12: {  	s14 =	sshrl.u32 @!p0 s6, $0x3;
	s4 =	sadd.s32 s4, s0;
	[dreg:$0x4] =	wrdreg s5  }
0x13: {  	s5 =	sadd.s32 $0x124800, s3;
	s0 =	sadd.s32 $0x3A700, s0;
	s26 =	sadd.s32 $0x24900, s2  }
0x14: {  	[dreg:$0x5] =	wrdreg s0;
	s24 =	sadd.s32 $0xC000, s4;
	s4 =	sadd.s32 $0x2200, s4  }
0x15: {  	s0 =	sshrl.u32 s25, $0x3;
	[dreg:$0x9] =	wrdreg s26;
	s12 =	sshrl.u32 @p0 s5, $0x3  }
0x16: {  	s25 =	simm.s32 $0x5000;
	[dreg:$0x6] =	wrdreg s24;
	s0 =	sadd.s32 s7, s0  }
0x17: {  	s26 =	simm.s32 $0x3;
	[dreg:$0x8] =	wrdreg s0;
	s0 =	sshll.u32 @!p0 s10, $0x6  }
0x18: {  	[dreg:$0x7] =	wrdreg s4;
	s24 =	simm.s32 $0x1;
	s13 =	sor.u32 @!p0 $0x1C05, s0  }
.LBB2_1:
0x19: {  	s0 =	simm.s32 @p0 $0x1FC5;
	s2 =	rddreg [dreg:$0x5]  }
0x1a: {  	[spmem:s12], [sflag:s0] =	dma.local @p0 [hbm:s2], $0x2800  }
0x1b: {  	s0 =	simm.s32 @p0 $0x5  }
0x1c: {  	_ =	swait.ge @p0 [sflag:s0], $0x2800  }
0x1d: {  	[sflag:s0] =	ssyncset.done @p0 $0x0  }
0x1e: {  	[sflag:s0] =	ssyncadd.s32 @p0 $0xFFFFD800;
	s0 =	rddreg [dreg:$0x4]  }
0x1f: {  	[spmem:s14], [sflag:s13] =	dma.local @!p0 [hbm:s0], $0x2700  }
0x20: {  	s0 =	simm.s32 @!p0 $0x5  }
0x21: {  	_ =	swait.ge @!p0 [sflag:s0], $0x2700  }
0x22: {  	[sflag:s0] =	ssyncset.done @!p0 $0x0  }
0x23: {  	s8 =	simm.s32 $0x0;
	s9 =	rddreg [dreg:$0x6];
	[sflag:s0] =	ssyncadd.s32 @!p0 $0xFFFFD900  }
0x24: {  	[tilespmem:s8], [sflag:$0x5] =	stream.strided.gather [hbm4b:s9+s15], $0x2780, s16, s15, $0x38;
	[tilespmem:$0x1D980] =	vst v63  }
0x25: {  	_ =	swait.ge [sflag:s17], $0x2780  }
0x26: {  	[sflag:s17] =	ssyncset.done $0x0  }
0x27: {  	s10 =	rddreg [dreg:$0x7];
	[sflag:s17] =	ssyncadd.s32 $0xFFFFD880  }
0x28: {  	[tilespmem:s18], [sflag:$0x5] =	stream.strided.gather [hbm4b:s10+s15], $0x2780, s16, s15, $0x38;
	[tilespmem:$0x1D980] =	vst v63  }
0x29: {  	_ =	swait.ge [sflag:s17], $0x2780  }
0x2a: {  	[sflag:s17] =	ssyncset.done $0x0  }
0x2b: {  	[sflag:s17] =	ssyncadd.s32 $0xFFFFD880  }
0x2c: {  	[bflag:$0x0] =	sbarrier.arrive $0xFFFF  }
0x2d: {  	v0 =	vld [tilespmem:$0x0]  }
0x2e: {  	v1 =	vld [tilespmem:$0x10]  }
0x2f: {  	v2 =	vld [tilespmem:$0x20]  }
0x30: {  	v3 =	vld [tilespmem:$0x30]  }
0x31: {  	v4 =	vld [tilespmem:$0x40]  }
0x32: {  	v0 =	vand.u32 $0xFFFF, v0  }
0x33: {  	v60 =	vand.u32 $0xFFFF, v1;
	[tilespmem:$0x4F00] =	vst v0  }
0x34: {  	v61 =	vand.u32 $0xFFFF, v2;
	[tilespmem:$0x4F10] =	vst v60  }
0x35: {  	v62 =	vand.u32 $0xFFFF, v3;
	[tilespmem:$0x4F20] =	vst v61  }
0x36: {  	v63 =	vand.u32 $0xFFFF, v4;
	[tilespmem:$0x4F30] =	vst v62  }
0x37: {  	s4 =	simm.s32 $0x0;
	s2 =	simm.s32 $0x50;
	s0 =	simm.s32 $0x0;
	[tilespmem:$0x4F40] =	vst v63  }
0x38: {  	[tilespmem:s20], [sflag:$0x1] =	stream.indirect.gather [hbm4b:s1+s21], $0x80, s19, s21, $0xb8;
	[tilespmem:$0x1D980] =	vst v63  }
.LBB2_2:
0x39: {  	s5 =	smul.u32 $0xA0, s4;
	_ =	sdelay $0x1  }
0x3a: {  	v0 =	vld [tilespmem:s5+$0x50];
	_ =	sdelay $0x4  }
0x3b: {  	v0 =	vand.u32 $0xFFFF, v0  }
0x3c: {  	[tilespmem:$0x4F80] =	vst v0  }
0x3d: {  	v0 =	vld [tilespmem:s5+$0x60];
	_ =	sdelay $0x4  }
0x3e: {  	v0 =	vand.u32 $0xFFFF, v0  }
0x3f: {  	[tilespmem:$0x4F90] =	vst v0  }
0x40: {  	v0 =	vld [tilespmem:s5+$0x70];
	_ =	sdelay $0x4  }
0x41: {  	v0 =	vand.u32 $0xFFFF, v0  }
0x42: {  	s6 =	sand.u32 $0x3FE0, s5;
	[tilespmem:$0x4FA0] =	vst v0  }
0x43: {  	v0 =	vld [tilespmem:s6+$0x80];
	_ =	sdelay $0x4  }
0x44: {  	v0 =	vand.u32 $0xFFFF, v0  }
0x45: {  	[tilespmem:$0x4FB0] =	vst v0  }
0x46: {  	v0 =	vld [tilespmem:s5+$0x90];
	_ =	sdelay $0x4  }
0x47: {  	p1 =	seq.s32 s4, $0x0;
	v0 =	vand.u32 $0xFFFF, v0  }
0x48: {  	s7 =	simm.s32 @!p1 $0x4;
	[tilespmem:$0x4FC0] =	vst v0  }
0x49: {  	_ =	swait.ge @!p1 [sflag:s7], $0x2800  }
0x4a: {  	[sflag:s7] =	ssyncset.done @!p1 $0x0  }
0x4b: {  	[sflag:s7] =	ssyncadd.s32 @!p1 $0xFFFFD800  }
0x4c: {  	[tilespmem:s23], [sflag:$0x2] =	stream.indirect.gather [hbm4b:s1+s21], $0x80, s22, s21, $0xb8;
	[tilespmem:$0x1D980] =	vst v63  }
0x4d: {  	s10 =	sadd.s32 $0x0, s0;
	_ =	swait.ge [sflag:s24], $0x2800  }
0x4e: {  	v0 =	vmov s10;
	[sflag:s24] =	ssyncset.done $0x0  }
0x4f: {  	s7 =	simm.s32 $0x5140;
	[sflag:s24] =	ssyncadd.s32 $0xFFFFD800  }
0x50: {  	v4 =	vld [tilespmem:s7+$0x30]  }
0x51: {  	v7 =	vld [tilespmem:s7+$0x10]  }
0x52: {  	v5 =	vld [tilespmem:s7+$0xFFFFFFC0]  }
0x53: {  	v1 =	vld.idx.msk [tilespmem:v0+s18+$0x0], $0xffff  }
0x54: {  	v9 =	vld [tilespmem:s7+$0xFFFFFFE0]  }
0x55: {  	v0 =	vld [tilespmem:s7+$0xFFFFFFF0]  }
0x56: {  	v2 =	vld [tilespmem:s7+$0x20]  }
0x57: {  	v3 =	vld [tilespmem:s7+$0xFFFFFFD0]  }
0x58: {  	v8 =	vmul.f32 v4, v1;
	v4 =	vld [tilespmem:s7+$0x0]  }
0x59: {  	v6 =	vmul.f32 v5, v1  }
0x5a: {  	s8 =	simm.s32 $0x1;
	s9 =	simm.s32 $0x5140;
	v5 =	vmul.f32 v9, v1;
	v7 =	vmul.f32 v7, v1  }
.LBB2_3:
0x5b: {  	p1 =	sne.s32 s8, $0x4F  }
0x5c: {  	v3 =	vmul.f32 v3, v1;
	v2 =	vmul.f32 v2, v1;
	[tilespmem:s7+$0x30] =	vst v8;
	s9 =	sadd.s32 $0x80, s9;
	s10 =	smov.u32 s8;
	s8 =	sadd.s32 $0x1, s8  }
0x5d: {  	[tilespmem:s7+$0xFFFFFFC0] =	vst v6;
	v6 =	vmul.f32 v0, v1;
	v1 =	vmul.f32 v4, v1  }
0x5e: {  	s10 =	sadd.s32 s10, s0;
	[tilespmem:s7+$0x10] =	vst v7  }
0x5f: {  	v4 =	vmov s10;
	[tilespmem:s7+$0xFFFFFFE0] =	vst v5  }
0x60: {  	v0 =	vld [tilespmem:s9+$0xFFFFFFF0];
	[tilespmem:s7+$0xFFFFFFF0] =	vst v6  }
0x61: {  	v5 =	vld [tilespmem:s9+$0x30];
	[tilespmem:s7+$0x0] =	vst v1  }
0x62: {  	v7 =	vld [tilespmem:s9+$0x10];
	[tilespmem:s7+$0x20] =	vst v2  }
0x63: {  	v6 =	vld [tilespmem:s9+$0xFFFFFFC0];
	[tilespmem:s7+$0xFFFFFFD0] =	vst v3;
	s7 =	smov.u32 s9  }
0x64: {  	v1 =	vld.idx.msk [tilespmem:v4+s18+$0x0], $0xffff  }
0x65: {  	v9 =	vld [tilespmem:s9+$0xFFFFFFE0]  }
0x66: {  	v2 =	vld [tilespmem:s9+$0x20]  }
.Ltmp0:
0x67: {  	v3 =	vld [tilespmem:s9+$0xFFFFFFD0];
	(pc) =	sbr.rel @p1 .LBB2_3-.Ltmp0, $3  }
0x68: {  	v4 =	vld [tilespmem:s9+$0x0];
	_ =	sdelay $0x1  }
0x69: {  	v6 =	vmul.f32 v6, v1;
	v8 =	vmul.f32 v5, v1  }
0x6a: {  	v7 =	vmul.f32 v7, v1;
	v5 =	vmul.f32 v9, v1  }
0x6b: {  	[tilespmem:s7+$0x30] =	vst v8  }
0x6c: {  	[tilespmem:s7+$0xFFFFFFC0] =	vst v6  }
0x6d: {  	v0 =	vmul.f32 v0, v1;
	[tilespmem:s7+$0x10] =	vst v7  }
0x6e: {  	v2 =	vmul.f32 v2, v1;
	[tilespmem:s7+$0xFFFFFFE0] =	vst v5  }
0x6f: {  	v4 =	vmul.f32 v4, v1;
	[tilespmem:s7+$0xFFFFFFF0] =	vst v0  }
0x70: {  	v0 =	vmul.f32 v3, v1;
	[tilespmem:s7+$0x20] =	vst v2  }
0x71: {  	[tilespmem:s7+$0x0] =	vst v4  }
0x72: {  	[tilespmem:s7+$0xFFFFFFD0] =	vst v0  }
0x73: {  	v0 =	vld [tilespmem:s5+$0x0];
	_ =	sdelay $0x4  }
0x74: {  	v0 =	vshrl.u32 v0, $0x10  }
0x75: {  	[tilespmem:$0x5000] =	vst v0  }
0x76: {  	v0 =	vld [tilespmem:s5+$0x10];
	_ =	sdelay $0x4  }
0x77: {  	v0 =	vshrl.u32 v0, $0x10  }
0x78: {  	[tilespmem:$0x5010] =	vst v0  }
0x79: {  	v0 =	vld [tilespmem:s5+$0x20];
	_ =	sdelay $0x4  }
0x7a: {  	v0 =	vshrl.u32 v0, $0x10  }
0x7b: {  	[tilespmem:$0x5020] =	vst v0  }
0x7c: {  	v0 =	vld [tilespmem:s5+$0x30];
	_ =	sdelay $0x4  }
0x7d: {  	v0 =	vshrl.u32 v0, $0x10  }
0x7e: {  	[tilespmem:$0x5030] =	vst v0  }
0x7f: {  	v0 =	vld [tilespmem:s5+$0x40];
	_ =	sdelay $0x4  }
0x80: {  	v0 =	vshrl.u32 v0, $0x10  }
0x81: {  	[tilespmem:$0x5040] =	vst v0  }
0x82: {  	[spmem:s3] =	stream.indirect.scatter.add.f32 [tilespmem:s20], [sflag:$0x3], $0x80, s25, s21, $0xb8;
	[tilespmem:$0x1D980] =	vst v63  }
0x83: {  	v0 =	vld [tilespmem:s5+$0xA0];
	_ =	sdelay $0x4  }
0x84: {  	v0 =	vand.u32 $0xFFFF, v0  }
0x85: {  	[tilespmem:$0x4F00] =	vst v0  }
0x86: {  	v0 =	vld [tilespmem:s5+$0xB0];
	_ =	sdelay $0x4  }
0x87: {  	v0 =	vand.u32 $0xFFFF, v0  }
0x88: {  	[tilespmem:$0x4F10] =	vst v0  }
0x89: {  	v0 =	vld [tilespmem:s5+$0xC0];
	_ =	sdelay $0x4  }
0x8a: {  	v0 =	vand.u32 $0xFFFF, v0  }
0x8b: {  	[tilespmem:$0x4F20] =	vst v0  }
0x8c: {  	v0 =	vld [tilespmem:s5+$0xD0];
	_ =	sdelay $0x4  }
0x8d: {  	v0 =	vand.u32 $0xFFFF, v0  }
0x8e: {  	[tilespmem:$0x4F30] =	vst v0  }
0x8f: {  	v0 =	vld [tilespmem:s5+$0xE0];
	_ =	sdelay $0x4  }
0x90: {  	v0 =	vand.u32 $0xFFFF, v0  }
0x91: {  	[tilespmem:$0x4F40] =	vst v0  }
0x92: {  	_ =	swait.ge [sflag:s26], $0x2800  }
0x93: {  	[sflag:s26] =	ssyncset.done $0x0  }
0x94: {  	s10 =	sadd.s32 $0x0, s2;
	[sflag:s26] =	ssyncadd.s32 $0xFFFFD800  }
0x95: {  	[tilespmem:s20], [sflag:$0x1] =	stream.indirect.gather [hbm4b:s1+s21], $0x80, s19, s21, $0xb8;
	[tilespmem:$0x1D980] =	vst v63  }
0x96: {  	v0 =	vmov s10;
	_ =	swait.ge [sflag:s28], $0x2800  }
0x97: {  	[sflag:s28] =	ssyncset.done $0x0  }
0x98: {  	s7 =	simm.s32 $0x7970;
	[sflag:s28] =	ssyncadd.s32 $0xFFFFD800  }
0x99: {  	v4 =	vld [tilespmem:s7+$0x0]  }
0x9a: {  	v7 =	vld [tilespmem:s7+$0xFFFFFFE0]  }
0x9b: {  	v0 =	vld.idx.msk [tilespmem:v0+s18+$0x0], $0xffff  }
0x9c: {  	v5 =	vld [tilespmem:s7+$0xFFFFFF90]  }
0x9d: {  	v9 =	vld [tilespmem:s7+$0xFFFFFFB0]  }
0x9e: {  	v1 =	vld [tilespmem:s7+$0xFFFFFFF0]  }
0x9f: {  	v2 =	vld [tilespmem:s7+$0xFFFFFFC0]  }
0xa0: {  	v3 =	vld [tilespmem:s7+$0xFFFFFFA0]  }
0xa1: {  	v8 =	vmul.f32 v4, v0;
	v4 =	vld [tilespmem:s7+$0xFFFFFFD0]  }
0xa2: {  	v6 =	vmul.f32 v5, v0  }
0xa3: {  	s8 =	simm.s32 $0x1;
	s9 =	simm.s32 $0x7970;
	v5 =	vmul.f32 v9, v0;
	v7 =	vmul.f32 v7, v0  }
.LBB2_5:
0xa4: {  	p1 =	sne.s32 s8, $0x4F  }
0xa5: {  	v3 =	vmul.f32 v3, v0;
	v9 =	vmul.f32 v1, v0;
	[tilespmem:s7+$0x0] =	vst v8;
	s9 =	sadd.s32 $0x80, s9;
	s10 =	smov.u32 s8;
	s8 =	sadd.s32 $0x1, s8  }
0xa6: {  	v2 =	vmul.f32 v2, v0;
	[tilespmem:s7+$0xFFFFFF90] =	vst v6;
	v0 =	vmul.f32 v4, v0  }
0xa7: {  	s10 =	sadd.s32 s10, s2;
	[tilespmem:s7+$0xFFFFFFE0] =	vst v7  }
0xa8: {  	v4 =	vmov s10;
	[tilespmem:s7+$0xFFFFFFB0] =	vst v5  }
0xa9: {  	v1 =	vld [tilespmem:s9+$0xFFFFFFF0];
	[tilespmem:s7+$0xFFFFFFC0] =	vst v2  }
0xaa: {  	v5 =	vld [tilespmem:s9+$0x0];
	[tilespmem:s7+$0xFFFFFFD0] =	vst v0  }
0xab: {  	v2 =	vld [tilespmem:s9+$0xFFFFFFC0];
	[tilespmem:s7+$0xFFFFFFF0] =	vst v9  }
0xac: {  	v7 =	vld [tilespmem:s9+$0xFFFFFFE0];
	[tilespmem:s7+$0xFFFFFFA0] =	vst v3;
	s7 =	smov.u32 s9  }
0xad: {  	v0 =	vld.idx.msk [tilespmem:v4+s18+$0x0], $0xffff  }
0xae: {  	v6 =	vld [tilespmem:s9+$0xFFFFFF90]  }
0xaf: {  	v9 =	vld [tilespmem:s9+$0xFFFFFFB0]  }
.Ltmp1:
0xb0: {  	v3 =	vld [tilespmem:s9+$0xFFFFFFA0];
	(pc) =	sbr.rel @p1 .LBB2_5-.Ltmp1, $3  }
0xb1: {  	v4 =	vld [tilespmem:s9+$0xFFFFFFD0];
	_ =	sdelay $0x1  }
0xb2: {  	v8 =	vmul.f32 v5, v0;
	v6 =	vmul.f32 v6, v0  }
0xb3: {  	v7 =	vmul.f32 v7, v0;
	v5 =	vmul.f32 v9, v0  }
0xb4: {  	[tilespmem:s7+$0x0] =	vst v8  }
0xb5: {  	[tilespmem:s7+$0xFFFFFF90] =	vst v6  }
0xb6: {  	v2 =	vmul.f32 v2, v0;
	[tilespmem:s7+$0xFFFFFFE0] =	vst v7  }
0xb7: {  	v1 =	vmul.f32 v1, v0;
	[tilespmem:s7+$0xFFFFFFB0] =	vst v5  }
0xb8: {  	v63 =	vmul.f32 v3, v0;
	[tilespmem:s7+$0xFFFFFFC0] =	vst v2  }
0xb9: {  	v4 =	vmul.f32 v4, v0;
	[tilespmem:s7+$0xFFFFFFF0] =	vst v1  }
0xba: {  	[tilespmem:s7+$0xFFFFFFA0] =	vst v63  }
0xbb: {  	[tilespmem:s7+$0xFFFFFFD0] =	vst v4  }
0xbc: {  	v0 =	vld [tilespmem:s5+$0x50];
	_ =	sdelay $0x4  }
0xbd: {  	v0 =	vshrl.u32 v0, $0x10  }
0xbe: {  	[tilespmem:$0x5080] =	vst v0  }
0xbf: {  	v0 =	vld [tilespmem:s5+$0x60];
	_ =	sdelay $0x4  }
0xc0: {  	v0 =	vshrl.u32 v0, $0x10  }
0xc1: {  	[tilespmem:$0x5090] =	vst v0  }
0xc2: {  	v0 =	vld [tilespmem:s5+$0x70];
	_ =	sdelay $0x4  }
0xc3: {  	v0 =	vshrl.u32 v0, $0x10  }
0xc4: {  	[tilespmem:$0x50A0] =	vst v0  }
0xc5: {  	v0 =	vld [tilespmem:s6+$0x80];
	_ =	sdelay $0x4  }
0xc6: {  	v0 =	vshrl.u32 v0, $0x10  }
0xc7: {  	[tilespmem:$0x50B0] =	vst v0  }
0xc8: {  	v0 =	vld [tilespmem:s5+$0x90]  }
0xc9: {  	s4 =	sadd.s32 $0x1, s4  }
0xca: {  	p1 =	sne.s32 s4, $0x3E  }
.Ltmp2:
0xcb: {  	_ = 	snop;
	(pc) =	sbr.rel @p1 .LBB2_2-.Ltmp2, $4  }
0xcc: {  	_ = 	snop  }
0xcd: {  	v0 =	vshrl.u32 v0, $0x10  }
0xce: {  	s0 =	sadd.s32 $0xA0, s0;
	s2 =	sadd.s32 $0xA0, s2;
	[tilespmem:$0x50C0] =	vst v0  }
0xcf: {  	[spmem:s3] =	stream.indirect.scatter.add.f32 [tilespmem:s23], [sflag:$0x4], $0x80, s29, s21, $0xb8;
	[tilespmem:$0x1D980] =	vst v63  }
0xd0: {  	_ =	swait.ge [sflag:s24], $0x2800;
	s0 =	simm.s32 $0x26C0  }
0xd1: {  	[sflag:s24] =	ssyncset.done $0x0;
	v0 =	vmov s0  }
0xd2: {  	s0 =	simm.s32 $0x5140;
	[sflag:s24] =	ssyncadd.s32 $0xFFFFD800  }
0xd3: {  	v4 =	vld [tilespmem:s0+$0x30]  }
0xd4: {  	v7 =	vld [tilespmem:s0+$0x10]  }
0xd5: {  	v5 =	vld [tilespmem:s0+$0xFFFFFFC0]  }
0xd6: {  	v1 =	vld.idx.msk [tilespmem:v0+s18+$0x0], $0xffff  }
0xd7: {  	v9 =	vld [tilespmem:s0+$0xFFFFFFE0]  }
0xd8: {  	v2 =	vld [tilespmem:s0+$0x20]  }
0xd9: {  	v3 =	vld [tilespmem:s0+$0xFFFFFFD0]  }
0xda: {  	v0 =	vld [tilespmem:s0+$0xFFFFFFF0]  }
0xdb: {  	v8 =	vmul.f32 v4, v1;
	v4 =	vld [tilespmem:s0+$0x0]  }
0xdc: {  	v6 =	vmul.f32 v5, v1  }
0xdd: {  	s2 =	simm.s32 $0x26C1;
	s4 =	simm.s32 $0x5140;
	v5 =	vmul.f32 v9, v1;
	v7 =	vmul.f32 v7, v1  }
.LBB2_8:
0xde: {  	p1 =	sne.s32 s2, $0x270F  }
0xdf: {  	v3 =	vmul.f32 v3, v1;
	v2 =	vmul.f32 v2, v1;
	[tilespmem:s0+$0x30] =	vst v8;
	s4 =	sadd.s32 $0x80, s4;
	s5 =	smov.u32 s2;
	s2 =	sadd.s32 $0x1, s2  }
0xe0: {  	[tilespmem:s0+$0xFFFFFFC0] =	vst v6;
	v6 =	vmul.f32 v0, v1;
	v1 =	vmul.f32 v4, v1  }
0xe1: {  	[tilespmem:s0+$0x10] =	vst v7  }
0xe2: {  	v4 =	vmov s5;
	[tilespmem:s0+$0xFFFFFFE0] =	vst v5  }
0xe3: {  	v0 =	vld [tilespmem:s4+$0xFFFFFFF0];
	[tilespmem:s0+$0xFFFFFFF0] =	vst v6  }
0xe4: {  	v5 =	vld [tilespmem:s4+$0x30];
	[tilespmem:s0+$0x0] =	vst v1  }
0xe5: {  	v7 =	vld [tilespmem:s4+$0x10];
	[tilespmem:s0+$0x20] =	vst v2  }
0xe6: {  	v6 =	vld [tilespmem:s4+$0xFFFFFFC0];
	[tilespmem:s0+$0xFFFFFFD0] =	vst v3;
	s0 =	smov.u32 s4  }
0xe7: {  	v1 =	vld.idx.msk [tilespmem:v4+s18+$0x0], $0xffff  }
0xe8: {  	v9 =	vld [tilespmem:s4+$0xFFFFFFE0]  }
0xe9: {  	v2 =	vld [tilespmem:s4+$0x20]  }
.Ltmp3:
0xea: {  	v3 =	vld [tilespmem:s4+$0xFFFFFFD0];
	(pc) =	sbr.rel @p1 .LBB2_8-.Ltmp3, $3  }
0xeb: {  	v4 =	vld [tilespmem:s4+$0x0];
	_ =	sdelay $0x1  }
0xec: {  	v6 =	vmul.f32 v6, v1;
	v8 =	vmul.f32 v5, v1  }
0xed: {  	v7 =	vmul.f32 v7, v1;
	v5 =	vmul.f32 v9, v1  }
0xee: {  	[tilespmem:s0+$0x30] =	vst v8  }
0xef: {  	[tilespmem:s0+$0xFFFFFFC0] =	vst v6  }
0xf0: {  	v0 =	vmul.f32 v0, v1;
	[tilespmem:s0+$0x10] =	vst v7  }
0xf1: {  	v2 =	vmul.f32 v2, v1;
	[tilespmem:s0+$0xFFFFFFE0] =	vst v5  }
0xf2: {  	v57 =	vmul.f32 v3, v1;
	[tilespmem:s0+$0xFFFFFFF0] =	vst v0  }
0xf3: {  	v4 =	vmul.f32 v4, v1;
	[tilespmem:s0+$0x20] =	vst v2  }
0xf4: {  	[tilespmem:s0+$0xFFFFFFD0] =	vst v57  }
0xf5: {  	[tilespmem:s0+$0x0] =	vst v4  }
0xf6: {  	v0 =	vld [tilespmem:$0x26C0]  }
0xf7: {  	v58 =	vld [tilespmem:$0x26D0]  }
0xf8: {  	v2 =	vld [tilespmem:$0x26E0]  }
0xf9: {  	v59 =	vld [tilespmem:$0x26F0]  }
0xfa: {  	v4 =	vld [tilespmem:$0x2700]  }
0xfb: {  	v0 =	vshrl.u32 v0, $0x10  }
0xfc: {  	v60 =	vshrl.u32 v58, $0x10;
	[tilespmem:$0x5000] =	vst v0  }
0xfd: {  	v61 =	vshrl.u32 v2, $0x10;
	[tilespmem:$0x5010] =	vst v60  }
0xfe: {  	v62 =	vshrl.u32 v59, $0x10;
	[tilespmem:$0x5020] =	vst v61  }
0xff: {  	v63 =	vshrl.u32 v4, $0x10;
	[tilespmem:$0x5030] =	vst v62  }
0x100: {  	[tilespmem:$0x5040] =	vst v63  }
0x101: {  	_ =	swait.ge [sflag:s30], $0x2800  }
0x102: {  	[sflag:s30] =	ssyncset.done $0x0  }
0x103: {  	[sflag:s30] =	ssyncadd.s32 $0xFFFFD800  }
0x104: {  	[spmem:s3] =	stream.indirect.scatter.add.f32 [tilespmem:s20], [sflag:$0x5], $0x80, s25, s21, $0xb8;
	[tilespmem:$0x1D980] =	vst v63  }
0x105: {  	_ =	swait.ge [sflag:s17], $0x2800  }
0x106: {  	[sflag:s17] =	ssyncset.done $0x0  }
0x107: {  	[sflag:s17] =	ssyncadd.s32 $0xFFFFD800  }
0x108: {  	[bflag:$0x0] =	sbarrier.arrive $0xFFFF  }
0x109: {  	s0 =	simm.s32 @p0 $0x1FC5;
	s2 =	rddreg [dreg:$0x9]  }
0x10a: {  	[hbm:s2], [sflag:s0] =	dma.local @p0 [spmem:s12], $0x2800  }
0x10b: {  	s0 =	simm.s32 @p0 $0x5  }
0x10c: {  	_ =	swait.ge @p0 [sflag:s0], $0x2800  }
0x10d: {  	s31 =	sadd.s32 $0x1, s31;
	[sflag:s0] =	ssyncset.done @p0 $0x0  }
0x10e: {  	p1 =	sne.s32 s31, s11;
	[sflag:s0] =	ssyncadd.s32 @p0 $0xFFFFD800;
	s0 =	rddreg [dreg:$0x8]  }
0x10f: {  	[hbm:s0], [sflag:s13] =	dma.local @!p0 [spmem:s14], $0x2700  }
.Ltmp4:
0x110: {  	_ = 	snop;
	(pc) =	sbr.rel @p1 .LBB2_1-.Ltmp4, $4  }
0x111: {  	s0 =	simm.s32 @!p0 $0x5  }
0x112: {  	_ =	swait.ge @!p0 [sflag:s0], $0x2700  }
0x113: {  	[sflag:s0] =	ssyncset.done @!p0 $0x0  }
0x114: {  	[sflag:s0] =	ssyncadd.s32 @!p0 $0xFFFFD900  }
0x115: {  	_ =	sfence.sel $0x180000  }
0x116: {  	[bflag:$0x0] =	sbarrier.arrive $0xFFFF  }
0x117: {  	_ =	strace $0x90000050  }
0x118: {  	s0 =	stileid.u32;
	[bflag:$0x2] =	sbarrier.arrive $0xFFFF  }
0x119: {  	p0 =	sne.s32 s0, $0x0;
	s0 =	rddreg [dreg:$0x3]  }
0x11a: {  	s0 =	sadd.s32 @!p0 $0x100000, s0  }
0x11b: {  	[sflag:s0] =	ssyncadd.tile.s32 @!p0 $0x1;
	_ =	shalt  }
.Lfunc_end2:
_tile_overlayer_lowered:
.L_overlay_start_2:
0x11c: {  	(tag) =	ssettag $0x2  }
0x11d: {  	s0 =	rddreg [dreg:$0x0];
	s2 =	stileid.u32  }
0x11e: {  	s1 =	rddreg [dreg:$0x1];
	p0 =	sne.s32 s2, $0x0  }
0x11f: {  	s3 =	rddreg [dreg:$0x2];
	[bflag:$0x3] =	sbarrier.arrive $0xFFFF;
	s2 =	simm.s32 @!p0 $0x1C05  }
0x120: {  	[timem:s3], [sflag:s2] =	dma.local @!p0 [hbm:s0], s1  }
0x121: {  	s0 =	simm.s32 @!p0 $0x5  }
0x122: {  	_ =	swait.ge @!p0 [sflag:s0], s1  }
0x123: {  	s1 =	ssub.s32 @!p0 $0x0, s1;
	[sflag:s0] =	ssyncset.done @!p0 $0x0  }
0x124: {  	[sflag:s0] =	ssyncadd.s32 @!p0 s1  }
0x125: {  	[bflag:$0x3] =	sbarrier.arrive $0xFFFF  }
0x126: {  	_ =	shalt  }

</sc_bundles>
